<compile_context>
chip_gen: v7x
topology: tpu7x:2x2x1
jax: 0.10.2.dev20260603
libtpu: 0.0.44.dev20260713+nightly
codegen_flags: <defaults>
</compile_context>

<pallas_src>
import functools
import jax
import jax.numpy as jnp
from jax import lax
from jax.experimental import pallas as pl
from jax.experimental.pallas import tpu as pltpu
from jax.experimental.pallas import tpu_sc as plsc

N = 50000
E = 800000
HID = 64
B = 16

NC = 2
NS = 16
LANES = 16

W = 128
EROWS = 6272
E_PAD = EROWS * W
N_PAD = 50176

R1 = 4
R2 = 4
NB1 = EROWS // NC // NS // R1
NB2 = EROWS // NS // R2
NPT = N_PAD // NS

BLK = 3136
GRID = N_PAD // BLK

_mesh = plsc.VectorSubcoreMesh(core_axis_name="c", subcore_axis_name="s")


def _relu(v):
    return jnp.maximum(v, 0.0)


def _bc(scalar, dtype=jnp.float32):
    return jnp.broadcast_to(jnp.asarray(scalar, dtype), (LANES,))


@functools.partial(
    pl.kernel,
    out_type=jax.ShapeDtypeStruct((NC, N_PAD, 8), jnp.float32),
    mesh=_mesh,
    compiler_params=pltpu.CompilerParams(
        needs_layout_passes=False, use_tc_tiling_on_sc=False),
    scratch_types=[
        pltpu.VMEM((R1, W), jnp.int32),
        pltpu.VMEM((R1 * W,), jnp.float32),
        pltpu.VMEM((W, 8), jnp.float32),
        pltpu.VMEM((128,), jnp.float32),
        pltpu.VMEM_SHARED((N_PAD, 8), jnp.float32),
    ],
)
def _k1(rowr, eap, wb, zeros8, out, rowv, eav, staging, wbv, acc):
    c = lax.axis_index("c")
    s = lax.axis_index("s")
    wid = c * NS + s
    iota = lax.iota(jnp.int32, LANES)
    ones = jnp.ones((LANES,), jnp.float32)
    zerov = jnp.zeros((LANES,), jnp.float32)

    pltpu.sync_copy(zeros8, acc.at[pl.ds(s * NPT, NPT)])

    pltpu.sync_copy(wb, wbv)
    wvec = wbv[pl.ds(0, LANES)]

    def _splat(i):
        oh = (iota == jnp.full((LANES,), i, jnp.int32)).astype(jnp.float32)
        return _bc(jnp.sum(wvec * oh))

    w3 = [_splat(h) for h in range(3)]
    b3 = [_splat(3 + h) for h in range(3)]

    for k in range(W // LANES):
        ir0 = iota + k * LANES
        for f in range(4, 8):
            plsc.store_scatter(staging, [ir0, jnp.full((LANES,), f, jnp.int32)], zerov)

    plsc.subcore_barrier()

    tile_row0 = wid * (R1 * NB1)
    tile_edge0 = tile_row0 * W

    def big(g, _):
        r0 = tile_row0 + g * R1
        pltpu.sync_copy(rowr.at[pl.ds(r0, R1)], rowv)
        pltpu.sync_copy(eap.at[pl.ds(tile_edge0 + g * (R1 * W), R1 * W)], eav)

        def perrow(j, _):
            def pergrp(k, _):
                eg = eav[pl.ds(j * W + k * LANES, LANES)]
                ir = iota + _bc(k * LANES, jnp.int32)
                plsc.store_scatter(staging, [ir, jnp.full((LANES,), 0, jnp.int32)], ones)
                for h in range(3):
                    ee = jnp.maximum(eg * w3[h] + b3[h], zerov)
                    plsc.store_scatter(
                        staging, [ir, jnp.full((LANES,), 1 + h, jnp.int32)], ee)
                return 0

            lax.fori_loop(0, W // LANES, pergrp, 0)
            pltpu.sync_copy(staging, acc.at[rowv.at[j]], add=True)
            return 0

        lax.fori_loop(0, R1, perrow, 0)
        return 0

    lax.fori_loop(0, NB1, big, 0)
    plsc.subcore_barrier()
    pltpu.sync_copy(acc.at[pl.ds(s * NPT, NPT)], out.at[c, pl.ds(s * NPT, NPT)])


@functools.partial(
    pl.kernel,
    out_type=jax.ShapeDtypeStruct((NC, N_PAD, 32), jnp.float32),
    mesh=_mesh,
    compiler_params=pltpu.CompilerParams(
        needs_layout_passes=False, use_tc_tiling_on_sc=False),
    scratch_types=[
        pltpu.VMEM((R2, W), jnp.int32),
        pltpu.VMEM((R2, W), jnp.int32),
        pltpu.VMEM((R2 * W,), jnp.float32),
        pltpu.VMEM((R2 * W, 32), jnp.float32),
        pltpu.VMEM_SHARED((N_PAD, 32), jnp.float32),
        pltpu.SemaphoreType.DMA,
    ],
)
def _k2(colr, rowr, eap, ubig, zeros32, out, colv, rowv, eav, gath, acc, sem):
    c = lax.axis_index("c")
    s = lax.axis_index("s")
    iota = lax.iota(jnp.int32, LANES)

    pltpu.sync_copy(zeros32, acc.at[pl.ds(s * NPT, NPT)])
    plsc.subcore_barrier()

    tile_row0 = s * (R2 * NB2)
    tile_edge0 = tile_row0 * W
    offv = _bc(c, jnp.int32) * jnp.full((LANES,), N_PAD, jnp.int32)

    def big(g, _):
        r0 = tile_row0 + g * R2
        pltpu.sync_copy(colr.at[pl.ds(r0, R2)], colv)
        pltpu.sync_copy(rowr.at[pl.ds(r0, R2)], rowv)
        pltpu.sync_copy(eap.at[pl.ds(tile_edge0 + g * (R2 * W), R2 * W)], eav)

        def addoff(gi, _):
            j = gi // (W // LANES)
            k = gi % (W // LANES)
            sl = pl.ds(k * LANES, LANES)
            colv[j, sl] = colv[j, sl] + offv
            return 0

        lax.fori_loop(0, R2 * (W // LANES), addoff, 0)

        cps = [
            pltpu.async_copy(ubig.at[colv.at[j]], gath.at[pl.ds(j * W, W)], sem)
            for j in range(R2)
        ]
        for cp in cps:
            cp.wait()

        def scale(gi, _):
            ev = eav[pl.ds(gi * LANES, LANES)]
            ir = iota + _bc(gi * LANES, jnp.int32)
            for col in range(32):
                ic = jnp.full((LANES,), col, jnp.int32)
                v = plsc.load_gather(gath, [ir, ic])
                plsc.store_scatter(gath, [ir, ic], v * ev)
            return 0

        lax.fori_loop(0, (R2 * W) // LANES, scale, 0)

        for j in range(R2):
            pltpu.sync_copy(gath.at[pl.ds(j * W, W)], acc.at[rowv.at[j]], add=True)
        return 0

    lax.fori_loop(0, NB2, big, 0)
    plsc.subcore_barrier()
    pltpu.sync_copy(acc.at[pl.ds(s * NPT, NPT)], out.at[c, pl.ds(s * NPT, NPT)])


def _row_spec(width):
    return pl.BlockSpec((BLK, width), lambda i: (i, 0))


def _full_spec(shape):
    return pl.BlockSpec(shape, lambda i: tuple(0 for _ in shape))


def _ka_body(pa, pb, x2, cA, ulo, uhi, aux):
    cnt = pa[:, 0:1] + pb[:, 0:1]
    dinv = 1.0 / jnp.maximum(cnt, 1.0)
    em0 = (pa[:, 1:2] + pb[:, 1:2]) * dinv
    em1 = (pa[:, 2:3] + pb[:, 2:3]) * dinv
    em2 = (pa[:, 3:4] + pb[:, 3:4]) * dinv
    x = x2[...]
    u = _relu(x * cA[0:1, :] + em0 * cA[1:2, :] + cA[2:3, :])
    ulo[...] = u[:, :32]
    uhi[...] = u[:, 32:]
    aux[...] = jnp.concatenate(
        [dinv, em1, em2, x, cnt, jnp.zeros((BLK, 3), jnp.float32)], axis=1)


def _ka(pa, pb, x2, cA):
    return pl.pallas_call(
        _ka_body,
        grid=(GRID,),
        in_specs=[_row_spec(8), _row_spec(8), _row_spec(1), _full_spec((3, HID))],
        out_specs=[_row_spec(32), _row_spec(32), _row_spec(8)],
        out_shape=[
            jax.ShapeDtypeStruct((N_PAD, 32), jnp.float32),
            jax.ShapeDtypeStruct((N_PAD, 32), jnp.float32),
            jax.ShapeDtypeStruct((N_PAD, 8), jnp.float32),
        ],
    )(pa, pb, x2, cA)


def _u_step(slo, shi, aux, w1t, cB, em_col):
    dinv = aux[:, 0:1]
    em = aux[:, em_col:em_col + 1]
    x = aux[:, 3:4]
    ua = jnp.concatenate([slo[...], shi[...]], axis=1) * dinv
    second = jnp.dot(ua, w1t[...], preferred_element_type=jnp.float32)
    return _relu(x * cB[0:1, :] + second + em * cB[1:2, :] + cB[2:3, :])


def _kb_body(slo, shi, aux, w1t, cB, ulo, uhi):
    u = _u_step(slo, shi, aux[...], w1t, cB, 1)
    ulo[...] = u[:, :32]
    uhi[...] = u[:, 32:]


def _kb(slo, shi, aux, w1t, cB):
    return pl.pallas_call(
        _kb_body,
        grid=(GRID,),
        in_specs=[_row_spec(32), _row_spec(32), _row_spec(8),
                  _full_spec((HID, HID)), _full_spec((3, HID))],
        out_specs=[_row_spec(32), _row_spec(32)],
        out_shape=[
            jax.ShapeDtypeStruct((N_PAD, 32), jnp.float32),
            jax.ShapeDtypeStruct((N_PAD, 32), jnp.float32),
        ],
    )(slo, shi, aux, w1t, cB)


def _kc_body(slo, shi, aux, batchp, w1t, cB, u2, s0, s1, den):
    auxv = aux[...]
    u = _u_step(slo, shi, auxv, w1t, cB, 2)
    u2[...] = u
    x = auxv[:, 3:4]
    bi = batchp[...]
    oh = (bi == lax.broadcasted_iota(jnp.int32, (1, B), 1)).astype(jnp.float32)
    dn = (((0,), (0,)), ((), ()))
    p0 = lax.dot_general(oh, u * (1.0 - x), dn, preferred_element_type=jnp.float32)
    p1 = lax.dot_general(oh, u * x, dn, preferred_element_type=jnp.float32)
    d0 = lax.dot_general(oh, 1.0 - x, dn, preferred_element_type=jnp.float32)
    d1 = lax.dot_general(oh, x, dn, preferred_element_type=jnp.float32)
    dd = jnp.concatenate([d0, d1, jnp.zeros((B, 6), jnp.float32)], axis=1)

    @pl.when(pl.program_id(0) == 0)
    def _init():
        s0[...] = jnp.zeros_like(s0)
        s1[...] = jnp.zeros_like(s1)
        den[...] = jnp.zeros_like(den)

    s0[...] += p0
    s1[...] += p1
    den[...] += dd


def _kc(slo, shi, aux, batchp, w1t, cB):
    return pl.pallas_call(
        _kc_body,
        grid=(GRID,),
        in_specs=[_row_spec(32), _row_spec(32), _row_spec(8), _row_spec(1),
                  _full_spec((HID, HID)), _full_spec((3, HID))],
        out_specs=[_row_spec(HID), _full_spec((B, HID)), _full_spec((B, HID)),
                   _full_spec((B, 8))],
        out_shape=[
            jax.ShapeDtypeStruct((N_PAD, HID), jnp.float32),
            jax.ShapeDtypeStruct((B, HID), jnp.float32),
            jax.ShapeDtypeStruct((B, HID), jnp.float32),
            jax.ShapeDtypeStruct((B, 8), jnp.float32),
        ],
    )(slo, shi, aux, batchp, w1t, cB)


def _kd_body(u2, aux, batchp, s0, s1, den, watu, watt, cD, q):
    hc0 = s0[...] / den[:, 0:1]
    hc1 = s1[...] / den[:, 1:2]
    bi = batchp[...]
    oh = (bi == lax.broadcasted_iota(jnp.int32, (1, B), 1)).astype(jnp.float32)
    hc0b = jnp.dot(oh, hc0, preferred_element_type=jnp.float32)
    hc1b = jnp.dot(oh, hc1, preferred_element_type=jnp.float32)
    x = aux[:, 3:4]
    u = u2[...]
    tce = x * hc0b + (1.0 - x) * hc1b
    att = (jnp.dot(u, watu[...], preferred_element_type=jnp.float32)
           + jnp.dot(tce, watt[...], preferred_element_type=jnp.float32)
           + cD[0:1, :])
    w0 = jnp.sum(att * hc0b, axis=1, keepdims=True)
    w1 = jnp.sum(att * hc1b, axis=1, keepdims=True)
    m = jnp.maximum(w0, w1)
    e0 = jnp.exp(w0 - m)
    e1 = jnp.exp(w1 - m)
    z = e0 + e1
    hs = (e0 / z) * hc0b + (e1 / z) * hc1b
    q[...] = (jnp.sum(hs * cD[1:2, :], axis=1, keepdims=True)
              + jnp.sum(u * cD[2:3, :], axis=1, keepdims=True)
              + jnp.sum(tce * cD[3:4, :], axis=1, keepdims=True)
              + cD[4:5, 0:1])


def _kd(u2, aux, batchp, s0, s1, den, watu, watt, cD):
    return pl.pallas_call(
        _kd_body,
        grid=(GRID,),
        in_specs=[_row_spec(HID), _row_spec(8), _row_spec(1),
                  _full_spec((B, HID)), _full_spec((B, HID)), _full_spec((B, 8)),
                  _full_spec((HID, HID)), _full_spec((HID, HID)),
                  _full_spec((5, HID))],
        out_specs=[_row_spec(1)],
        out_shape=[jax.ShapeDtypeStruct((N_PAD, 1), jnp.float32)],
    )(u2, aux, batchp, s0, s1, den, watu, watt, cD)[0]


@jax.jit
def kernel(x, edge_attr, params, edge_index, batch):
    layers = params["layers"]
    f32 = jnp.float32

    row = edge_index[0].astype(jnp.int32)
    col = edge_index[1].astype(jnp.int32)
    rowp = jnp.pad(row, (0, E_PAD - E), constant_values=N).reshape(EROWS, W)
    colp = jnp.pad(col, (0, E_PAD - E), constant_values=0).reshape(EROWS, W)
    eap = jnp.pad(edge_attr.astype(f32), (0, E_PAD - E))
    x2 = jnp.pad(x.astype(f32), ((0, N_PAD - N), (0, 0)))
    batchp = jnp.pad(batch.astype(jnp.int32), (0, N_PAD - N),
                     constant_values=B).reshape(N_PAD, 1)

    wb = jnp.zeros((128,), f32)
    wb = wb.at[0:3].set(jnp.stack([layers[h]["l3"]["W"][0, 0] for h in range(3)]))
    wb = wb.at[3:6].set(jnp.stack([layers[h]["l3"]["b"][0] for h in range(3)]))
    zeros8 = jnp.zeros((NPT, 8), f32)
    zeros32 = jnp.zeros((NPT, 32), f32)

    def cpack(lp):
        return jnp.stack([lp["l0"]["W"][:, 0], lp["l2"]["W"][:, 0],
                          lp["l0"]["b"] + lp["l1"]["b"] + lp["l2"]["b"]])

    p8 = _k1(rowp, eap, wb, zeros8)
    aux_in = _ka(p8[0], p8[1], x2, cpack(layers[0]))
    u0lo, u0hi, aux = aux_in

    ubig0 = jnp.concatenate([u0lo, u0hi], axis=0)
    s1o = _k2(colp, rowp, eap, ubig0, zeros32)
    u1lo, u1hi = _kb(s1o[0], s1o[1], aux, layers[1]["l1"]["W"].T, cpack(layers[1]))

    ubig1 = jnp.concatenate([u1lo, u1hi], axis=0)
    s2o = _k2(colp, rowp, eap, ubig1, zeros32)
    u2, s0, s1, den = _kc(s2o[0], s2o[1], aux, batchp,
                          layers[2]["l1"]["W"].T, cpack(layers[2]))

    Wa = params["attention"]["W"]
    Wl = params["last"]["W"][0]
    vs = params["space"]["W"].T @ Wl[:HID]
    va = params["action"]["W"].T @ Wl[HID:]
    cq = (params["space"]["b"] @ Wl[:HID] + params["action"]["b"] @ Wl[HID:]
          + params["last"]["b"][0])
    cD = jnp.stack([params["attention"]["b"], vs, va[:HID], va[HID:],
                    jnp.full((HID,), cq, f32)])
    q = _kd(u2, aux, batchp, s0, s1, den, Wa[:, :HID].T, Wa[:, HID:].T, cD)
    return q[:N]

# --- scband reference (transcript-rebuilt; emitter-appended) ---
"""Pipeline reference for scband-lsdqn-12867722019089 (READ-ONLY COPY).

The authoritative reference and input builder live on the scoring server;
editing this copy changes nothing except your own understanding.
"""

import jax, jax.numpy as jnp
import numpy as np

N = 50000
E = 800000
HID = 64
IN = 1
HOP = 3
B = 16


def _lin(key, o, i):
    k1, k2 = jax.random.split(key)
    return {"W": jax.random.normal(k1, (o, i), jnp.float32) * 0.05,
            "b": jax.random.normal(k2, (o,), jnp.float32) * 0.05}


def _apply(l, x):
    return x @ l["W"].T + l["b"]


def _seg_mean(v, idx, n):
    s = jax.ops.segment_sum(v, idx, num_segments=n)
    c = jax.ops.segment_sum(jnp.ones((v.shape[0],), v.dtype), idx, num_segments=n)
    return s / jnp.clip(c, 1.0)[:, None]


def setup_inputs(seed: int = 0) -> dict:
    key = jax.random.key(seed)
    ks = jax.random.split(key, 16)
    x = jax.random.uniform(ks[0], (N, IN), jnp.float32)
    edge_index = jax.random.randint(ks[1], (2, E), 0, N)
    edge_attr = jax.random.normal(ks[2], (E,), jnp.float32)
    batch = jnp.sort(jax.random.randint(ks[3], (N,), 0, B))
    layers = []
    for h in range(HOP):
        kk = jax.random.split(ks[4 + h], 4)
        layers.append({"l0": _lin(kk[0], HID, IN),
                       "l1": _lin(kk[1], HID, HID),
                       "l2": _lin(kk[2], HID, IN),
                       "l3": _lin(kk[3], IN, 1)})
    params = {"layers": layers,
              "attention": _lin(ks[8], HID, 2 * HID),
              "space": _lin(ks[9], HID, HID),
              "action": _lin(ks[10], HID, 2 * HID),
              "last": _lin(ks[11], 1, 2 * HID)}
    return {"x": x, "edge_attr": edge_attr, "params": params,
            "edge_index": edge_index, "batch": batch}


def _forward(x, edge_attr, params, row, col, batch):
    n = x.shape[0]
    ea = edge_attr.reshape(-1, 1)
    u = jnp.zeros((n, HID), jnp.float32)
    for lp in params["layers"]:
        first = _apply(lp["l0"], x)
        u_agg = _seg_mean(ea * u[col], row, n)
        second = _apply(lp["l1"], u_agg)
        ee = jax.nn.relu(_apply(lp["l3"], ea))
        ee = _seg_mean(ee, row, n)
        third = _apply(lp["l2"], ee)
        u = jax.nn.relu(first + second + third)
    h_c_0 = _seg_mean(u * (1.0 - x), batch, B) / _seg_mean(1.0 - x, batch, B)
    h_c_1 = _seg_mean(u * x, batch, B) / _seg_mean(x, batch, B)
    tce = x * h_c_0[batch] + (1.0 - x) * h_c_1[batch]
    h_a = jnp.concatenate([u, tce], axis=-1)
    att = _apply(params["attention"], h_a)
    w0 = jnp.sum(att * h_c_0[batch], axis=1, keepdims=True)
    w1 = jnp.sum(att * h_c_1[batch], axis=1, keepdims=True)
    w = jax.nn.softmax(jnp.concatenate([w0, w1], axis=-1), axis=-1)
    h_s = w[:, 0][:, None] * h_c_0[batch] + w[:, 1][:, None] * h_c_1[batch]
    q = _apply(params["last"],
               jnp.concatenate([_apply(params["space"], h_s),
                                _apply(params["action"], h_a)], axis=-1))
    return q


def reference(x, edge_attr, params, edge_index, batch):
    row, col = edge_index[0], edge_index[1]
    return _forward(x, edge_attr, params, row, col, batch)

if __name__ == "__main__":
    import jax
    _d = setup_inputs()
    print(jax.jit(kernel)(*tuple(_d.values())))

</pallas_src>

<mosaic_0001>
#map = affine_map<(d0, d1) -> (0, 0)>
#map1 = affine_map<(d0, d1) -> (0)>
#map2 = affine_map<(d0, d1) -> (0, 0, 0)>
module attributes {stable_mosaic.version = 14 : i64} {
  func.func @_k1(%arg0: i32, %arg1: i32, %arg2: memref<6272x128xi32, #tpu.memory_space<hbm>>, %arg3: memref<802816xf32, #tpu.memory_space<hbm>>, %arg4: memref<128xf32, #tpu.memory_space<hbm>>, %arg5: memref<3136x8xf32, #tpu.memory_space<hbm>>, %arg6: memref<2x50176x8xf32, #tpu.memory_space<hbm>>, %arg7: memref<4x128xi32, #tpu.memory_space<vmem>>, %arg8: memref<512xf32, #tpu.memory_space<vmem>>, %arg9: memref<128x8xf32, #tpu.memory_space<vmem>>, %arg10: memref<128xf32, #tpu.memory_space<vmem>>, %arg11: memref<50176x8xf32, #tpu.memory_space<vmem_shared>>) attributes {dimension_semantics = [#tpu.dimension_semantics<core_parallel>, #tpu.dimension_semantics<subcore_parallel>], iteration_bounds = array<i64: 2, 16>, scalar_prefetch = 0 : i64, scratch_operands = 5 : i64, tpu.core_type = #tpu.core_type<sc_vector_subcore>, window_params = [{transform_indices = #map}, {transform_indices = #map1}, {transform_indices = #map1}, {transform_indices = #map}, {transform_indices = #map2}]} {
    %mul3A = arith.constant 16 : i32
    %mul3A_0 = arith.muli %arg0, %mul3A : i32
    %add3A = arith.addi %mul3A_0, %arg1 : i32
    %iota3A = tpu.iota {dimensions = array<i32: 0>} : vector<16xi32>
    %broadcast_in_dim3A = arith.constant 1.000000e+00 : f32
    %broadcast_in_dim3A_1 = vector.broadcast %broadcast_in_dim3A : f32 to vector<16xf32>
    %broadcast_in_dim3A_2 = arith.constant 0.000000e+00 : f32
    %broadcast_in_dim3A_3 = vector.broadcast %broadcast_in_dim3A_2 : f32 to vector<16xf32>
    %mul3A_4 = arith.constant 3136 : i32
    %mul3A_5 = arith.muli %arg1, %mul3A_4 : i32
    "tpu.region"() ({
      %run_scoped3A = tpu.sem_alloc : memref<!tpu.dma_semaphore, #tpu.memory_space<semaphore_mem>>
      %dma_start3A = arith.constant 0 : i32
      %dma_start3A_173 = tpu.memref_slice %arg11[%mul3A_5, %dma_start3A] : memref<50176x8xf32, #tpu.memory_space<vmem_shared>> -> memref<3136x8xf32, #tpu.memory_space<vmem_shared>>
      tpu.enqueue_dma source(%arg5 : memref<3136x8xf32, #tpu.memory_space<hbm>>) target(%dma_start3A_173 : memref<3136x8xf32, #tpu.memory_space<vmem_shared>>) target_semaphore(%run_scoped3A : memref<!tpu.dma_semaphore, #tpu.memory_space<semaphore_mem>>)
      %dma_wait3A = arith.constant 0 : i32
      %dma_wait3A_174 = tpu.memref_slice %arg11[%mul3A_5, %dma_wait3A] : memref<50176x8xf32, #tpu.memory_space<vmem_shared>> -> memref<3136x8xf32, #tpu.memory_space<vmem_shared>>
      tpu.wait_dma2 semaphore(%run_scoped3A : memref<!tpu.dma_semaphore, #tpu.memory_space<semaphore_mem>>) src(%arg5 : memref<3136x8xf32, #tpu.memory_space<hbm>>) dst(%dma_wait3A_174 : memref<3136x8xf32, #tpu.memory_space<vmem_shared>>)
      tpu.yield
    }) : () -> ()
    "tpu.region"() ({
      %run_scoped3A = tpu.sem_alloc : memref<!tpu.dma_semaphore, #tpu.memory_space<semaphore_mem>>
      tpu.enqueue_dma source(%arg4 : memref<128xf32, #tpu.memory_space<hbm>>) target(%arg10 : memref<128xf32, #tpu.memory_space<vmem>>) target_semaphore(%run_scoped3A : memref<!tpu.dma_semaphore, #tpu.memory_space<semaphore_mem>>)
      tpu.wait_dma2 semaphore(%run_scoped3A : memref<!tpu.dma_semaphore, #tpu.memory_space<semaphore_mem>>) src(%arg4 : memref<128xf32, #tpu.memory_space<hbm>>) dst(%arg10 : memref<128xf32, #tpu.memory_space<vmem>>)
      tpu.yield
    }) : () -> ()
    %get3A = arith.constant 0 : index
    %get3A_6 = tpu.vector_load %arg10[%get3A] {strides = array<i32>} : memref<128xf32, #tpu.memory_space<vmem>>, vector<16xf32>,
    %broadcast_in_dim3A_7 = arith.constant 0 : i32
    %broadcast_in_dim3A_8 = vector.broadcast %broadcast_in_dim3A_7 : i32 to vector<16xi32>
    %eq3A = arith.cmpi eq, %iota3A, %broadcast_in_dim3A_8 : vector<16xi32>
    %convert_element_type3A = arith.extui %eq3A : vector<16xi1> to vector<16xi32>
    %convert_element_type3A_9 = arith.sitofp %convert_element_type3A : vector<16xi32> to vector<16xf32>
    %mul3A_10 = arith.mulf %get3A_6, %convert_element_type3A_9 : vector<16xf32>
    %reduce_sum3A = arith.constant true
    %reduce_sum3A_11 = vector.broadcast %reduce_sum3A : i1 to vector<16xi1>
    %reduce_sum3A_12 = tpu.scan <sum>, %mul3A_10 masked %reduce_sum3A_11 : vector<16xf32>, vector<16xi1> -> vector<16xf32>
    %reduce_sum3A_13 = vector.extract %reduce_sum3A_12[15] : f32 from vector<16xf32>
    %broadcast_in_dim3A_14 = vector.broadcast %reduce_sum3A_13 : f32 to vector<16xf32>
    %broadcast_in_dim3A_15 = arith.constant 1 : i32
    %broadcast_in_dim3A_16 = vector.broadcast %broadcast_in_dim3A_15 : i32 to vector<16xi32>
    %eq3A_17 = arith.cmpi eq, %iota3A, %broadcast_in_dim3A_16 : vector<16xi32>
    %convert_element_type3A_18 = arith.extui %eq3A_17 : vector<16xi1> to vector<16xi32>
    %convert_element_type3A_19 = arith.sitofp %convert_element_type3A_18 : vector<16xi32> to vector<16xf32>
    %mul3A_20 = arith.mulf %get3A_6, %convert_element_type3A_19 : vector<16xf32>
    %reduce_sum3A_21 = arith.constant true
    %reduce_sum3A_22 = vector.broadcast %reduce_sum3A_21 : i1 to vector<16xi1>
    %reduce_sum3A_23 = tpu.scan <sum>, %mul3A_20 masked %reduce_sum3A_22 : vector<16xf32>, vector<16xi1> -> vector<16xf32>
    %reduce_sum3A_24 = vector.extract %reduce_sum3A_23[15] : f32 from vector<16xf32>
    %broadcast_in_dim3A_25 = vector.broadcast %reduce_sum3A_24 : f32 to vector<16xf32>
    %broadcast_in_dim3A_26 = arith.constant 2 : i32
    %broadcast_in_dim3A_27 = vector.broadcast %broadcast_in_dim3A_26 : i32 to vector<16xi32>
    %eq3A_28 = arith.cmpi eq, %iota3A, %broadcast_in_dim3A_27 : vector<16xi32>
    %convert_element_type3A_29 = arith.extui %eq3A_28 : vector<16xi1> to vector<16xi32>
    %convert_element_type3A_30 = arith.sitofp %convert_element_type3A_29 : vector<16xi32> to vector<16xf32>
    %mul3A_31 = arith.mulf %get3A_6, %convert_element_type3A_30 : vector<16xf32>
    %reduce_sum3A_32 = arith.constant true
    %reduce_sum3A_33 = vector.broadcast %reduce_sum3A_32 : i1 to vector<16xi1>
    %reduce_sum3A_34 = tpu.scan <sum>, %mul3A_31 masked %reduce_sum3A_33 : vector<16xf32>, vector<16xi1> -> vector<16xf32>
    %reduce_sum3A_35 = vector.extract %reduce_sum3A_34[15] : f32 from vector<16xf32>
    %broadcast_in_dim3A_36 = vector.broadcast %reduce_sum3A_35 : f32 to vector<16xf32>
    %broadcast_in_dim3A_37 = arith.constant 3 : i32
    %broadcast_in_dim3A_38 = vector.broadcast %broadcast_in_dim3A_37 : i32 to vector<16xi32>
    %eq3A_39 = arith.cmpi eq, %iota3A, %broadcast_in_dim3A_38 : vector<16xi32>
    %convert_element_type3A_40 = arith.extui %eq3A_39 : vector<16xi1> to vector<16xi32>
    %convert_element_type3A_41 = arith.sitofp %convert_element_type3A_40 : vector<16xi32> to vector<16xf32>
    %mul3A_42 = arith.mulf %get3A_6, %convert_element_type3A_41 : vector<16xf32>
    %reduce_sum3A_43 = arith.constant true
    %reduce_sum3A_44 = vector.broadcast %reduce_sum3A_43 : i1 to vector<16xi1>
    %reduce_sum3A_45 = tpu.scan <sum>, %mul3A_42 masked %reduce_sum3A_44 : vector<16xf32>, vector<16xi1> -> vector<16xf32>
    %reduce_sum3A_46 = vector.extract %reduce_sum3A_45[15] : f32 from vector<16xf32>
    %broadcast_in_dim3A_47 = vector.broadcast %reduce_sum3A_46 : f32 to vector<16xf32>
    %broadcast_in_dim3A_48 = arith.constant 4 : i32
    %broadcast_in_dim3A_49 = vector.broadcast %broadcast_in_dim3A_48 : i32 to vector<16xi32>
    %eq3A_50 = arith.cmpi eq, %iota3A, %broadcast_in_dim3A_49 : vector<16xi32>
    %convert_element_type3A_51 = arith.extui %eq3A_50 : vector<16xi1> to vector<16xi32>
    %convert_element_type3A_52 = arith.sitofp %convert_element_type3A_51 : vector<16xi32> to vector<16xf32>
    %mul3A_53 = arith.mulf %get3A_6, %convert_element_type3A_52 : vector<16xf32>
    %reduce_sum3A_54 = arith.constant true
    %reduce_sum3A_55 = vector.broadcast %reduce_sum3A_54 : i1 to vector<16xi1>
    %reduce_sum3A_56 = tpu.scan <sum>, %mul3A_53 masked %reduce_sum3A_55 : vector<16xf32>, vector<16xi1> -> vector<16xf32>
    %reduce_sum3A_57 = vector.extract %reduce_sum3A_56[15] : f32 from vector<16xf32>
    %broadcast_in_dim3A_58 = vector.broadcast %reduce_sum3A_57 : f32 to vector<16xf32>
    %broadcast_in_dim3A_59 = arith.constant 5 : i32
    %broadcast_in_dim3A_60 = vector.broadcast %broadcast_in_dim3A_59 : i32 to vector<16xi32>
    %eq3A_61 = arith.cmpi eq, %iota3A, %broadcast_in_dim3A_60 : vector<16xi32>
    %convert_element_type3A_62 = arith.extui %eq3A_61 : vector<16xi1> to vector<16xi32>
    %convert_element_type3A_63 = arith.sitofp %convert_element_type3A_62 : vector<16xi32> to vector<16xf32>
    %mul3A_64 = arith.mulf %get3A_6, %convert_element_type3A_63 : vector<16xf32>
    %reduce_sum3A_65 = arith.constant true
    %reduce_sum3A_66 = vector.broadcast %reduce_sum3A_65 : i1 to vector<16xi1>
    %reduce_sum3A_67 = tpu.scan <sum>, %mul3A_64 masked %reduce_sum3A_66 : vector<16xf32>, vector<16xi1> -> vector<16xf32>
    %reduce_sum3A_68 = vector.extract %reduce_sum3A_67[15] : f32 from vector<16xf32>
    %broadcast_in_dim3A_69 = vector.broadcast %reduce_sum3A_68 : f32 to vector<16xf32>
    %add3A_70 = arith.constant 0 : i32
    %add3A_71 = vector.broadcast %add3A_70 : i32 to vector<16xi32>
    %add3A_72 = arith.addi %iota3A, %add3A_71 : vector<16xi32>
    %broadcast_in_dim3A_73 = arith.constant 4 : i32
    %broadcast_in_dim3A_74 = vector.broadcast %broadcast_in_dim3A_73 : i32 to vector<16xi32>
    tpu.vector_store_idx %arg9[%add3A_72, %broadcast_in_dim3A_74], %broadcast_in_dim3A_3 : memref<128x8xf32, #tpu.memory_space<vmem>>[vector<16xi32>, vector<16xi32>], vector<16xf32>,
    %broadcast_in_dim3A_75 = arith.constant 5 : i32
    %broadcast_in_dim3A_76 = vector.broadcast %broadcast_in_dim3A_75 : i32 to vector<16xi32>
    tpu.vector_store_idx %arg9[%add3A_72, %broadcast_in_dim3A_76], %broadcast_in_dim3A_3 : memref<128x8xf32, #tpu.memory_space<vmem>>[vector<16xi32>, vector<16xi32>], vector<16xf32>,
    %broadcast_in_dim3A_77 = arith.constant 6 : i32
    %broadcast_in_dim3A_78 = vector.broadcast %broadcast_in_dim3A_77 : i32 to vector<16xi32>
    tpu.vector_store_idx %arg9[%add3A_72, %broadcast_in_dim3A_78], %broadcast_in_dim3A_3 : memref<128x8xf32, #tpu.memory_space<vmem>>[vector<16xi32>, vector<16xi32>], vector<16xf32>,
    %broadcast_in_dim3A_79 = arith.constant 7 : i32
    %broadcast_in_dim3A_80 = vector.broadcast %broadcast_in_dim3A_79 : i32 to vector<16xi32>
    tpu.vector_store_idx %arg9[%add3A_72, %broadcast_in_dim3A_80], %broadcast_in_dim3A_3 : memref<128x8xf32, #tpu.memory_space<vmem>>[vector<16xi32>, vector<16xi32>], vector<16xf32>,
    %add3A_81 = arith.constant 16 : i32
    %add3A_82 = vector.broadcast %add3A_81 : i32 to vector<16xi32>
    %add3A_83 = arith.addi %iota3A, %add3A_82 : vector<16xi32>
    %broadcast_in_dim3A_84 = arith.constant 4 : i32
    %broadcast_in_dim3A_85 = vector.broadcast %broadcast_in_dim3A_84 : i32 to vector<16xi32>
    tpu.vector_store_idx %arg9[%add3A_83, %broadcast_in_dim3A_85], %broadcast_in_dim3A_3 : memref<128x8xf32, #tpu.memory_space<vmem>>[vector<16xi32>, vector<16xi32>], vector<16xf32>,
    %broadcast_in_dim3A_86 = arith.constant 5 : i32
    %broadcast_in_dim3A_87 = vector.broadcast %broadcast_in_dim3A_86 : i32 to vector<16xi32>
    tpu.vector_store_idx %arg9[%add3A_83, %broadcast_in_dim3A_87], %broadcast_in_dim3A_3 : memref<128x8xf32, #tpu.memory_space<vmem>>[vector<16xi32>, vector<16xi32>], vector<16xf32>,
    %broadcast_in_dim3A_88 = arith.constant 6 : i32
    %broadcast_in_dim3A_89 = vector.broadcast %broadcast_in_dim3A_88 : i32 to vector<16xi32>
    tpu.vector_store_idx %arg9[%add3A_83, %broadcast_in_dim3A_89], %broadcast_in_dim3A_3 : memref<128x8xf32, #tpu.memory_space<vmem>>[vector<16xi32>, vector<16xi32>], vector<16xf32>,
    %broadcast_in_dim3A_90 = arith.constant 7 : i32
    %broadcast_in_dim3A_91 = vector.broadcast %broadcast_in_dim3A_90 : i32 to vector<16xi32>
    tpu.vector_store_idx %arg9[%add3A_83, %broadcast_in_dim3A_91], %broadcast_in_dim3A_3 : memref<128x8xf32, #tpu.memory_space<vmem>>[vector<16xi32>, vector<16xi32>], vector<16xf32>,
    %add3A_92 = arith.constant 32 : i32
    %add3A_93 = vector.broadcast %add3A_92 : i32 to vector<16xi32>
    %add3A_94 = arith.addi %iota3A, %add3A_93 : vector<16xi32>
    %broadcast_in_dim3A_95 = arith.constant 4 : i32
    %broadcast_in_dim3A_96 = vector.broadcast %broadcast_in_dim3A_95 : i32 to vector<16xi32>
    tpu.vector_store_idx %arg9[%add3A_94, %broadcast_in_dim3A_96], %broadcast_in_dim3A_3 : memref<128x8xf32, #tpu.memory_space<vmem>>[vector<16xi32>, vector<16xi32>], vector<16xf32>,
    %broadcast_in_dim3A_97 = arith.constant 5 : i32
    %broadcast_in_dim3A_98 = vector.broadcast %broadcast_in_dim3A_97 : i32 to vector<16xi32>
    tpu.vector_store_idx %arg9[%add3A_94, %broadcast_in_dim3A_98], %broadcast_in_dim3A_3 : memref<128x8xf32, #tpu.memory_space<vmem>>[vector<16xi32>, vector<16xi32>], vector<16xf32>,
    %broadcast_in_dim3A_99 = arith.constant 6 : i32
    %broadcast_in_dim3A_100 = vector.broadcast %broadcast_in_dim3A_99 : i32 to vector<16xi32>
    tpu.vector_store_idx %arg9[%add3A_94, %broadcast_in_dim3A_100], %broadcast_in_dim3A_3 : memref<128x8xf32, #tpu.memory_space<vmem>>[vector<16xi32>, vector<16xi32>], vector<16xf32>,
    %broadcast_in_dim3A_101 = arith.constant 7 : i32
    %broadcast_in_dim3A_102 = vector.broadcast %broadcast_in_dim3A_101 : i32 to vector<16xi32>
    tpu.vector_store_idx %arg9[%add3A_94, %broadcast_in_dim3A_102], %broadcast_in_dim3A_3 : memref<128x8xf32, #tpu.memory_space<vmem>>[vector<16xi32>, vector<16xi32>], vector<16xf32>,
    %add3A_103 = arith.constant 48 : i32
    %add3A_104 = vector.broadcast %add3A_103 : i32 to vector<16xi32>
    %add3A_105 = arith.addi %iota3A, %add3A_104 : vector<16xi32>
    %broadcast_in_dim3A_106 = arith.constant 4 : i32
    %broadcast_in_dim3A_107 = vector.broadcast %broadcast_in_dim3A_106 : i32 to vector<16xi32>
    tpu.vector_store_idx %arg9[%add3A_105, %broadcast_in_dim3A_107], %broadcast_in_dim3A_3 : memref<128x8xf32, #tpu.memory_space<vmem>>[vector<16xi32>, vector<16xi32>], vector<16xf32>,
    %broadcast_in_dim3A_108 = arith.constant 5 : i32
    %broadcast_in_dim3A_109 = vector.broadcast %broadcast_in_dim3A_108 : i32 to vector<16xi32>
    tpu.vector_store_idx %arg9[%add3A_105, %broadcast_in_dim3A_109], %broadcast_in_dim3A_3 : memref<128x8xf32, #tpu.memory_space<vmem>>[vector<16xi32>, vector<16xi32>], vector<16xf32>,
    %broadcast_in_dim3A_110 = arith.constant 6 : i32
    %broadcast_in_dim3A_111 = vector.broadcast %broadcast_in_dim3A_110 : i32 to vector<16xi32>
    tpu.vector_store_idx %arg9[%add3A_105, %broadcast_in_dim3A_111], %broadcast_in_dim3A_3 : memref<128x8xf32, #tpu.memory_space<vmem>>[vector<16xi32>, vector<16xi32>], vector<16xf32>,
    %broadcast_in_dim3A_112 = arith.constant 7 : i32
    %broadcast_in_dim3A_113 = vector.broadcast %broadcast_in_dim3A_112 : i32 to vector<16xi32>
    tpu.vector_store_idx %arg9[%add3A_105, %broadcast_in_dim3A_113], %broadcast_in_dim3A_3 : memref<128x8xf32, #tpu.memory_space<vmem>>[vector<16xi32>, vector<16xi32>], vector<16xf32>,
    %add3A_114 = arith.constant 64 : i32
    %add3A_115 = vector.broadcast %add3A_114 : i32 to vector<16xi32>
    %add3A_116 = arith.addi %iota3A, %add3A_115 : vector<16xi32>
    %broadcast_in_dim3A_117 = arith.constant 4 : i32
    %broadcast_in_dim3A_118 = vector.broadcast %broadcast_in_dim3A_117 : i32 to vector<16xi32>
    tpu.vector_store_idx %arg9[%add3A_116, %broadcast_in_dim3A_118], %broadcast_in_dim3A_3 : memref<128x8xf32, #tpu.memory_space<vmem>>[vector<16xi32>, vector<16xi32>], vector<16xf32>,
    %broadcast_in_dim3A_119 = arith.constant 5 : i32
    %broadcast_in_dim3A_120 = vector.broadcast %broadcast_in_dim3A_119 : i32 to vector<16xi32>
    tpu.vector_store_idx %arg9[%add3A_116, %broadcast_in_dim3A_120], %broadcast_in_dim3A_3 : memref<128x8xf32, #tpu.memory_space<vmem>>[vector<16xi32>, vector<16xi32>], vector<16xf32>,
    %broadcast_in_dim3A_121 = arith.constant 6 : i32
    %broadcast_in_dim3A_122 = vector.broadcast %broadcast_in_dim3A_121 : i32 to vector<16xi32>
    tpu.vector_store_idx %arg9[%add3A_116, %broadcast_in_dim3A_122], %broadcast_in_dim3A_3 : memref<128x8xf32, #tpu.memory_space<vmem>>[vector<16xi32>, vector<16xi32>], vector<16xf32>,
    %broadcast_in_dim3A_123 = arith.constant 7 : i32
    %broadcast_in_dim3A_124 = vector.broadcast %broadcast_in_dim3A_123 : i32 to vector<16xi32>
    tpu.vector_store_idx %arg9[%add3A_116, %broadcast_in_dim3A_124], %broadcast_in_dim3A_3 : memref<128x8xf32, #tpu.memory_space<vmem>>[vector<16xi32>, vector<16xi32>], vector<16xf32>,
    %add3A_125 = arith.constant 80 : i32
    %add3A_126 = vector.broadcast %add3A_125 : i32 to vector<16xi32>
    %add3A_127 = arith.addi %iota3A, %add3A_126 : vector<16xi32>
    %broadcast_in_dim3A_128 = arith.constant 4 : i32
    %broadcast_in_dim3A_129 = vector.broadcast %broadcast_in_dim3A_128 : i32 to vector<16xi32>
    tpu.vector_store_idx %arg9[%add3A_127, %broadcast_in_dim3A_129], %broadcast_in_dim3A_3 : memref<128x8xf32, #tpu.memory_space<vmem>>[vector<16xi32>, vector<16xi32>], vector<16xf32>,
    %broadcast_in_dim3A_130 = arith.constant 5 : i32
    %broadcast_in_dim3A_131 = vector.broadcast %broadcast_in_dim3A_130 : i32 to vector<16xi32>
    tpu.vector_store_idx %arg9[%add3A_127, %broadcast_in_dim3A_131], %broadcast_in_dim3A_3 : memref<128x8xf32, #tpu.memory_space<vmem>>[vector<16xi32>, vector<16xi32>], vector<16xf32>,
    %broadcast_in_dim3A_132 = arith.constant 6 : i32
    %broadcast_in_dim3A_133 = vector.broadcast %broadcast_in_dim3A_132 : i32 to vector<16xi32>
    tpu.vector_store_idx %arg9[%add3A_127, %broadcast_in_dim3A_133], %broadcast_in_dim3A_3 : memref<128x8xf32, #tpu.memory_space<vmem>>[vector<16xi32>, vector<16xi32>], vector<16xf32>,
    %broadcast_in_dim3A_134 = arith.constant 7 : i32
    %broadcast_in_dim3A_135 = vector.broadcast %broadcast_in_dim3A_134 : i32 to vector<16xi32>
    tpu.vector_store_idx %arg9[%add3A_127, %broadcast_in_dim3A_135], %broadcast_in_dim3A_3 : memref<128x8xf32, #tpu.memory_space<vmem>>[vector<16xi32>, vector<16xi32>], vector<16xf32>,
    %add3A_136 = arith.constant 96 : i32
    %add3A_137 = vector.broadcast %add3A_136 : i32 to vector<16xi32>
    %add3A_138 = arith.addi %iota3A, %add3A_137 : vector<16xi32>
    %broadcast_in_dim3A_139 = arith.constant 4 : i32
    %broadcast_in_dim3A_140 = vector.broadcast %broadcast_in_dim3A_139 : i32 to vector<16xi32>
    tpu.vector_store_idx %arg9[%add3A_138, %broadcast_in_dim3A_140], %broadcast_in_dim3A_3 : memref<128x8xf32, #tpu.memory_space<vmem>>[vector<16xi32>, vector<16xi32>], vector<16xf32>,
    %broadcast_in_dim3A_141 = arith.constant 5 : i32
    %broadcast_in_dim3A_142 = vector.broadcast %broadcast_in_dim3A_141 : i32 to vector<16xi32>
    tpu.vector_store_idx %arg9[%add3A_138, %broadcast_in_dim3A_142], %broadcast_in_dim3A_3 : memref<128x8xf32, #tpu.memory_space<vmem>>[vector<16xi32>, vector<16xi32>], vector<16xf32>,
    %broadcast_in_dim3A_143 = arith.constant 6 : i32
    %broadcast_in_dim3A_144 = vector.broadcast %broadcast_in_dim3A_143 : i32 to vector<16xi32>
    tpu.vector_store_idx %arg9[%add3A_138, %broadcast_in_dim3A_144], %broadcast_in_dim3A_3 : memref<128x8xf32, #tpu.memory_space<vmem>>[vector<16xi32>, vector<16xi32>], vector<16xf32>,
    %broadcast_in_dim3A_145 = arith.constant 7 : i32
    %broadcast_in_dim3A_146 = vector.broadcast %broadcast_in_dim3A_145 : i32 to vector<16xi32>
    tpu.vector_store_idx %arg9[%add3A_138, %broadcast_in_dim3A_146], %broadcast_in_dim3A_3 : memref<128x8xf32, #tpu.memory_space<vmem>>[vector<16xi32>, vector<16xi32>], vector<16xf32>,
    %add3A_147 = arith.constant 112 : i32
    %add3A_148 = vector.broadcast %add3A_147 : i32 to vector<16xi32>
    %add3A_149 = arith.addi %iota3A, %add3A_148 : vector<16xi32>
    %broadcast_in_dim3A_150 = arith.constant 4 : i32
    %broadcast_in_dim3A_151 = vector.broadcast %broadcast_in_dim3A_150 : i32 to vector<16xi32>
    tpu.vector_store_idx %arg9[%add3A_149, %broadcast_in_dim3A_151], %broadcast_in_dim3A_3 : memref<128x8xf32, #tpu.memory_space<vmem>>[vector<16xi32>, vector<16xi32>], vector<16xf32>,
    %broadcast_in_dim3A_152 = arith.constant 5 : i32
    %broadcast_in_dim3A_153 = vector.broadcast %broadcast_in_dim3A_152 : i32 to vector<16xi32>
    tpu.vector_store_idx %arg9[%add3A_149, %broadcast_in_dim3A_153], %broadcast_in_dim3A_3 : memref<128x8xf32, #tpu.memory_space<vmem>>[vector<16xi32>, vector<16xi32>], vector<16xf32>,
    %broadcast_in_dim3A_154 = arith.constant 6 : i32
    %broadcast_in_dim3A_155 = vector.broadcast %broadcast_in_dim3A_154 : i32 to vector<16xi32>
    tpu.vector_store_idx %arg9[%add3A_149, %broadcast_in_dim3A_155], %broadcast_in_dim3A_3 : memref<128x8xf32, #tpu.memory_space<vmem>>[vector<16xi32>, vector<16xi32>], vector<16xf32>,
    %broadcast_in_dim3A_156 = arith.constant 7 : i32
    %broadcast_in_dim3A_157 = vector.broadcast %broadcast_in_dim3A_156 : i32 to vector<16xi32>
    tpu.vector_store_idx %arg9[%add3A_149, %broadcast_in_dim3A_157], %broadcast_in_dim3A_3 : memref<128x8xf32, #tpu.memory_space<vmem>>[vector<16xi32>, vector<16xi32>], vector<16xf32>,
    %barrier3A = arith.constant 0 : index
    tpu.barrier barrier_id(%barrier3A)
    %mul3A_158 = arith.constant 196 : i32
    %mul3A_159 = arith.muli %add3A, %mul3A_158 : i32
    %mul3A_160 = arith.constant 128 : i32
    %mul3A_161 = arith.muli %mul3A_159, %mul3A_160 : i32
    %scan3A = arith.constant 0 : i32
    %scan3A_162 = arith.constant 0 : i32
    %scan3A_163 = arith.constant 49 : i32
    %scan3A_164 = arith.addi %scan3A_162, %scan3A_163 : i32
    %scan3A_165 = arith.constant 1 : i32
    %scan3A_166 = scf.for %scan3A_173 = %scan3A_162 to %scan3A_164 step %scan3A_165 iter_args(%scan3A_174 = %scan3A) -> (i32)  : i32 {
      %mul3A_175 = arith.constant 4 : i32
      %mul3A_176 = arith.muli %scan3A_173, %mul3A_175 : i32
      %add3A_177 = arith.addi %mul3A_159, %mul3A_176 : i32
      "tpu.region"() ({
        %run_scoped3A = tpu.sem_alloc : memref<!tpu.dma_semaphore, #tpu.memory_space<semaphore_mem>>
        %dma_start3A = arith.constant 0 : i32
        %dma_start3A_189 = tpu.memref_slice %arg2[%add3A_177, %dma_start3A] : memref<6272x128xi32, #tpu.memory_space<hbm>> -> memref<4x128xi32, #tpu.memory_space<hbm>>
        %dma_start3A_190 = arith.constant 0 : i32
        %dma_start3A_191 = tpu.memref_slice %arg2[%add3A_177, %dma_start3A_190] : memref<6272x128xi32, #tpu.memory_space<hbm>> -> memref<4x128xi32, #tpu.memory_space<hbm>>
        tpu.enqueue_dma source(%dma_start3A_191 : memref<4x128xi32, #tpu.memory_space<hbm>>) target(%arg7 : memref<4x128xi32, #tpu.memory_space<vmem>>) target_semaphore(%run_scoped3A : memref<!tpu.dma_semaphore, #tpu.memory_space<semaphore_mem>>)
        %dma_wait3A = arith.constant 0 : i32
        %dma_wait3A_192 = tpu.memref_slice %arg2[%add3A_177, %dma_wait3A] : memref<6272x128xi32, #tpu.memory_space<hbm>> -> memref<4x128xi32, #tpu.memory_space<hbm>>
        %dma_wait3A_193 = arith.constant 0 : i32
        %dma_wait3A_194 = tpu.memref_slice %arg2[%add3A_177, %dma_wait3A_193] : memref<6272x128xi32, #tpu.memory_space<hbm>> -> memref<4x128xi32, #tpu.memory_space<hbm>>
        tpu.wait_dma2 semaphore(%run_scoped3A : memref<!tpu.dma_semaphore, #tpu.memory_space<semaphore_mem>>) src(%dma_wait3A_194 : memref<4x128xi32, #tpu.memory_space<hbm>>) dst(%arg7 : memref<4x128xi32, #tpu.memory_space<vmem>>)
        tpu.yield
      }) : () -> ()
      %mul3A_178 = arith.constant 512 : i32
      %mul3A_179 = arith.muli %scan3A_173, %mul3A_178 : i32
      %add3A_180 = arith.addi %mul3A_161, %mul3A_179 : i32
      "tpu.region"() ({
        %run_scoped3A = tpu.sem_alloc : memref<!tpu.dma_semaphore, #tpu.memory_space<semaphore_mem>>
        %dma_start3A = tpu.memref_slice %arg3[%add3A_180] : memref<802816xf32, #tpu.memory_space<hbm>> -> memref<512xf32, #tpu.memory_space<hbm>>
        %dma_start3A_189 = tpu.memref_slice %arg3[%add3A_180] : memref<802816xf32, #tpu.memory_space<hbm>> -> memref<512xf32, #tpu.memory_space<hbm>>
        tpu.enqueue_dma source(%dma_start3A_189 : memref<512xf32, #tpu.memory_space<hbm>>) target(%arg8 : memref<512xf32, #tpu.memory_space<vmem>>) target_semaphore(%run_scoped3A : memref<!tpu.dma_semaphore, #tpu.memory_space<semaphore_mem>>)
        %dma_wait3A = tpu.memref_slice %arg3[%add3A_180] : memref<802816xf32, #tpu.memory_space<hbm>> -> memref<512xf32, #tpu.memory_space<hbm>>
        %dma_wait3A_190 = tpu.memref_slice %arg3[%add3A_180] : memref<802816xf32, #tpu.memory_space<hbm>> -> memref<512xf32, #tpu.memory_space<hbm>>
        tpu.wait_dma2 semaphore(%run_scoped3A : memref<!tpu.dma_semaphore, #tpu.memory_space<semaphore_mem>>) src(%dma_wait3A_190 : memref<512xf32, #tpu.memory_space<hbm>>) dst(%arg8 : memref<512xf32, #tpu.memory_space<vmem>>)
        tpu.yield
      }) : () -> ()
      %scan3A_181 = arith.constant 0 : i32
      %scan3A_182 = arith.constant 0 : i32
      %scan3A_183 = arith.constant 4 : i32
      %scan3A_184 = arith.addi %scan3A_182, %scan3A_183 : i32
      %scan3A_185 = arith.constant 1 : i32
      %scan3A_186 = scf.for %scan3A_189 = %scan3A_182 to %scan3A_184 step %scan3A_185 iter_args(%scan3A_190 = %scan3A_181) -> (i32)  : i32 {
        %scan3A_191 = arith.constant 0 : i32
        %scan3A_192 = arith.constant 0 : i32
        %scan3A_193 = arith.constant 8 : i32
        %scan3A_194 = arith.addi %scan3A_192, %scan3A_193 : i32
        %scan3A_195 = arith.constant 1 : i32
        %scan3A_196 = scf.for %scan3A_199 = %scan3A_192 to %scan3A_194 step %scan3A_195 iter_args(%scan3A_200 = %scan3A_191) -> (i32)  : i32 {
          %mul3A_201 = arith.constant 128 : i32
          %mul3A_202 = arith.muli %scan3A_189, %mul3A_201 : i32
          %mul3A_203 = arith.constant 16 : i32
          %mul3A_204 = arith.muli %scan3A_199, %mul3A_203 : i32
          %add3A_205 = arith.addi %mul3A_202, %mul3A_204 : i32
          %get3A_206 = arith.index_cast %add3A_205 : i32 to index
          %get3A_207 = tpu.vector_load %arg8[%get3A_206] {strides = array<i32>} : memref<512xf32, #tpu.memory_space<vmem>>, vector<16xf32>,
          %mul3A_208 = arith.constant 16 : i32
          %mul3A_209 = arith.muli %scan3A_199, %mul3A_208 : i32
          %broadcast_in_dim3A_210 = vector.broadcast %mul3A_209 : i32 to vector<16xi32>
          %add3A_211 = arith.addi %iota3A, %broadcast_in_dim3A_210 : vector<16xi32>
          %broadcast_in_dim3A_212 = arith.constant 0 : i32
          %broadcast_in_dim3A_213 = vector.broadcast %broadcast_in_dim3A_212 : i32 to vector<16xi32>
          tpu.vector_store_idx %arg9[%add3A_211, %broadcast_in_dim3A_213], %broadcast_in_dim3A_1 : memref<128x8xf32, #tpu.memory_space<vmem>>[vector<16xi32>, vector<16xi32>], vector<16xf32>,
          %mul3A_214 = arith.mulf %get3A_207, %broadcast_in_dim3A_14 : vector<16xf32>
          %add3A_215 = arith.addf %mul3A_214, %broadcast_in_dim3A_47 : vector<16xf32>
          %max3A = arith.maximumf %add3A_215, %broadcast_in_dim3A_3 : vector<16xf32>
          %broadcast_in_dim3A_216 = arith.constant 1 : i32
          %broadcast_in_dim3A_217 = vector.broadcast %broadcast_in_dim3A_216 : i32 to vector<16xi32>
          tpu.vector_store_idx %arg9[%add3A_211, %broadcast_in_dim3A_217], %max3A : memref<128x8xf32, #tpu.memory_space<vmem>>[vector<16xi32>, vector<16xi32>], vector<16xf32>,
          %mul3A_218 = arith.mulf %get3A_207, %broadcast_in_dim3A_25 : vector<16xf32>
          %add3A_219 = arith.addf %mul3A_218, %broadcast_in_dim3A_58 : vector<16xf32>
          %max3A_220 = arith.maximumf %add3A_219, %broadcast_in_dim3A_3 : vector<16xf32>
          %broadcast_in_dim3A_221 = arith.constant 2 : i32
          %broadcast_in_dim3A_222 = vector.broadcast %broadcast_in_dim3A_221 : i32 to vector<16xi32>
          tpu.vector_store_idx %arg9[%add3A_211, %broadcast_in_dim3A_222], %max3A_220 : memref<128x8xf32, #tpu.memory_space<vmem>>[vector<16xi32>, vector<16xi32>], vector<16xf32>,
          %mul3A_223 = arith.mulf %get3A_207, %broadcast_in_dim3A_36 : vector<16xf32>
          %add3A_224 = arith.addf %mul3A_223, %broadcast_in_dim3A_69 : vector<16xf32>
          %max3A_225 = arith.maximumf %add3A_224, %broadcast_in_dim3A_3 : vector<16xf32>
          %broadcast_in_dim3A_226 = arith.constant 3 : i32
          %broadcast_in_dim3A_227 = vector.broadcast %broadcast_in_dim3A_226 : i32 to vector<16xi32>
          tpu.vector_store_idx %arg9[%add3A_211, %broadcast_in_dim3A_227], %max3A_225 : memref<128x8xf32, #tpu.memory_space<vmem>>[vector<16xi32>, vector<16xi32>], vector<16xf32>,
          %scan3A_228 = arith.constant 0 : i32
          scf.yield %scan3A_228 : i32
        }
        %scan3A_197 = arith.constant 8 : i32
        "tpu.region"() ({
          %run_scoped3A = tpu.sem_alloc : memref<!tpu.dma_semaphore, #tpu.memory_space<semaphore_mem>>
          %dma_start3A = arith.constant 0 : i32
          %dma_start3A_199 = tpu.memref_slice %arg7[%scan3A_189, %dma_start3A] : memref<4x128xi32, #tpu.memory_space<vmem>> -> memref<1x128xi32, #tpu.memory_space<vmem>>
          %dma_start3A_200 = tpu.memref_squeeze %dma_start3A_199 : memref<1x128xi32, #tpu.memory_space<vmem>> -> memref<128xi32, #tpu.memory_space<vmem>>
          %dma_start3A_201 = arith.constant 0 : i32
          %dma_start3A_202 = arith.constant 0 : i32
          %dma_start3A_203 = tpu.memref_slice %arg11[%dma_start3A_201, %dma_start3A_202] : memref<50176x8xf32, #tpu.memory_space<vmem_shared>> -> memref<50176x8xf32, #tpu.memory_space<vmem_shared>>
          tpu.enqueue_indirect_dma source(%arg9 : memref<128x8xf32, #tpu.memory_space<vmem>>) target(%dma_start3A_203 : memref<50176x8xf32, #tpu.memory_space<vmem_shared>>) offsets(%dma_start3A_200 : memref<128xi32, #tpu.memory_space<vmem>>) semaphore(%run_scoped3A : memref<!tpu.dma_semaphore, #tpu.memory_space<semaphore_mem>>) {add = true}
          %dma_wait3A = arith.constant 0 : i32
          %dma_wait3A_204 = tpu.memref_slice %arg7[%scan3A_189, %dma_wait3A] : memref<4x128xi32, #tpu.memory_space<vmem>> -> memref<1x128xi32, #tpu.memory_space<vmem>>
          %dma_wait3A_205 = tpu.memref_squeeze %dma_wait3A_204 : memref<1x128xi32, #tpu.memory_space<vmem>> -> memref<128xi32, #tpu.memory_space<vmem>>
          %dma_wait3A_206 = arith.constant 0 : i32
          %dma_wait3A_207 = arith.constant 0 : i32
          %dma_wait3A_208 = tpu.memref_slice %arg11[%dma_wait3A_206, %dma_wait3A_207] : memref<50176x8xf32, #tpu.memory_space<vmem_shared>> -> memref<50176x8xf32, #tpu.memory_space<vmem_shared>>
          tpu.wait_indirect_dma semaphore(%run_scoped3A : memref<!tpu.dma_semaphore, #tpu.memory_space<semaphore_mem>>) src(%arg9 : memref<128x8xf32, #tpu.memory_space<vmem>>) dst(%dma_wait3A_208 : memref<50176x8xf32, #tpu.memory_space<vmem_shared>>)
          tpu.yield
        }) : () -> ()
        %scan3A_198 = arith.constant 0 : i32
        scf.yield %scan3A_198 : i32
      }
      %scan3A_187 = arith.constant 4 : i32
      %scan3A_188 = arith.constant 0 : i32
      scf.yield %scan3A_188 : i32
    }
    %scan3A_167 = arith.constant 49 : i32
    %barrier3A_168 = arith.constant 0 : index
    tpu.barrier barrier_id(%barrier3A_168)
    %mul3A_169 = arith.constant 3136 : i32
    %mul3A_170 = arith.muli %arg1, %mul3A_169 : i32
    %mul3A_171 = arith.constant 3136 : i32
    %mul3A_172 = arith.muli %arg1, %mul3A_171 : i32
    "tpu.region"() ({
      %run_scoped3A = tpu.sem_alloc : memref<!tpu.dma_semaphore, #tpu.memory_space<semaphore_mem>>
      %dma_start3A = arith.constant 0 : i32
      %dma_start3A_173 = tpu.memref_slice %arg6[%arg0, %mul3A_172, %dma_start3A] : memref<2x50176x8xf32, #tpu.memory_space<hbm>> -> memref<1x3136x8xf32, #tpu.memory_space<hbm>>
      %dma_start3A_174 = tpu.memref_squeeze %dma_start3A_173 : memref<1x3136x8xf32, #tpu.memory_space<hbm>> -> memref<3136x8xf32, #tpu.memory_space<hbm>>
      %dma_start3A_175 = arith.constant 0 : i32
      %dma_start3A_176 = tpu.memref_slice %arg11[%mul3A_170, %dma_start3A_175] : memref<50176x8xf32, #tpu.memory_space<vmem_shared>> -> memref<3136x8xf32, #tpu.memory_space<vmem_shared>>
      tpu.enqueue_dma source(%dma_start3A_176 : memref<3136x8xf32, #tpu.memory_space<vmem_shared>>) target(%dma_start3A_174 : memref<3136x8xf32, #tpu.memory_space<hbm>>) target_semaphore(%run_scoped3A : memref<!tpu.dma_semaphore, #tpu.memory_space<semaphore_mem>>)
      %dma_wait3A = arith.constant 0 : i32
      %dma_wait3A_177 = tpu.memref_slice %arg6[%arg0, %mul3A_172, %dma_wait3A] : memref<2x50176x8xf32, #tpu.memory_space<hbm>> -> memref<1x3136x8xf32, #tpu.memory_space<hbm>>
      %dma_wait3A_178 = tpu.memref_squeeze %dma_wait3A_177 : memref<1x3136x8xf32, #tpu.memory_space<hbm>> -> memref<3136x8xf32, #tpu.memory_space<hbm>>
      %dma_wait3A_179 = arith.constant 0 : i32
      %dma_wait3A_180 = tpu.memref_slice %arg11[%mul3A_170, %dma_wait3A_179] : memref<50176x8xf32, #tpu.memory_space<vmem_shared>> -> memref<3136x8xf32, #tpu.memory_space<vmem_shared>>
      tpu.wait_dma2 semaphore(%run_scoped3A : memref<!tpu.dma_semaphore, #tpu.memory_space<semaphore_mem>>) src(%dma_wait3A_180 : memref<3136x8xf32, #tpu.memory_space<vmem_shared>>) dst(%dma_wait3A_178 : memref<3136x8xf32, #tpu.memory_space<hbm>>)
      tpu.yield
    }) : () -> ()
    return
  }
}

#map = affine_map<(d0, d1) -> (0, 0)>
#map1 = affine_map<(d0, d1) -> (0)>
#map2 = affine_map<(d0, d1) -> (0, 0, 0)>
module attributes {stable_mosaic.version = 14 : i64} {
  func.func @_k2(%arg0: i32, %arg1: i32, %arg2: memref<6272x128xi32, #tpu.memory_space<hbm>>, %arg3: memref<6272x128xi32, #tpu.memory_space<hbm>>, %arg4: memref<802816xf32, #tpu.memory_space<hbm>>, %arg5: memref<100352x32xf32, #tpu.memory_space<hbm>>, %arg6: memref<3136x32xf32, #tpu.memory_space<hbm>>, %arg7: memref<2x50176x32xf32, #tpu.memory_space<hbm>>, %arg8: memref<4x128xi32, #tpu.memory_space<vmem>>, %arg9: memref<4x128xi32, #tpu.memory_space<vmem>>, %arg10: memref<512xf32, #tpu.memory_space<vmem>>, %arg11: memref<512x32xf32, #tpu.memory_space<vmem>>, %arg12: memref<50176x32xf32, #tpu.memory_space<vmem_shared>>, %arg13: memref<!tpu.dma_semaphore, #tpu.memory_space<semaphore_mem>>) attributes {dimension_semantics = [#tpu.dimension_semantics<core_parallel>, #tpu.dimension_semantics<subcore_parallel>], iteration_bounds = array<i64: 2, 16>, scalar_prefetch = 0 : i64, scratch_operands = 6 : i64, tpu.core_type = #tpu.core_type<sc_vector_subcore>, window_params = [{transform_indices = #map}, {transform_indices = #map}, {transform_indices = #map1}, {transform_indices = #map}, {transform_indices = #map}, {transform_indices = #map2}]} {
    %iota3A = tpu.iota {dimensions = array<i32: 0>} : vector<16xi32>
    %mul3A = arith.constant 3136 : i32
    %mul3A_0 = arith.muli %arg1, %mul3A : i32
    "tpu.region"() ({
      %run_scoped3A = tpu.sem_alloc : memref<!tpu.dma_semaphore, #tpu.memory_space<semaphore_mem>>
      %dma_start3A = arith.constant 0 : i32
      %dma_start3A_19 = tpu.memref_slice %arg12[%mul3A_0, %dma_start3A] : memref<50176x32xf32, #tpu.memory_space<vmem_shared>> -> memref<3136x32xf32, #tpu.memory_space<vmem_shared>>
      tpu.enqueue_dma source(%arg6 : memref<3136x32xf32, #tpu.memory_space<hbm>>) target(%dma_start3A_19 : memref<3136x32xf32, #tpu.memory_space<vmem_shared>>) target_semaphore(%run_scoped3A : memref<!tpu.dma_semaphore, #tpu.memory_space<semaphore_mem>>)
      %dma_wait3A = arith.constant 0 : i32
      %dma_wait3A_20 = tpu.memref_slice %arg12[%mul3A_0, %dma_wait3A] : memref<50176x32xf32, #tpu.memory_space<vmem_shared>> -> memref<3136x32xf32, #tpu.memory_space<vmem_shared>>
      tpu.wait_dma2 semaphore(%run_scoped3A : memref<!tpu.dma_semaphore, #tpu.memory_space<semaphore_mem>>) src(%arg6 : memref<3136x32xf32, #tpu.memory_space<hbm>>) dst(%dma_wait3A_20 : memref<3136x32xf32, #tpu.memory_space<vmem_shared>>)
      tpu.yield
    }) : () -> ()
    %barrier3A = arith.constant 0 : index
    tpu.barrier barrier_id(%barrier3A)
    %mul3A_1 = arith.constant 392 : i32
    %mul3A_2 = arith.muli %arg1, %mul3A_1 : i32
    %mul3A_3 = arith.constant 128 : i32
    %mul3A_4 = arith.muli %mul3A_2, %mul3A_3 : i32
    %broadcast_in_dim3A = vector.broadcast %arg0 : i32 to vector<16xi32>
    %broadcast_in_dim3A_5 = arith.constant 50176 : i32
    %broadcast_in_dim3A_6 = vector.broadcast %broadcast_in_dim3A_5 : i32 to vector<16xi32>
    %mul3A_7 = arith.muli %broadcast_in_dim3A, %broadcast_in_dim3A_6 : vector<16xi32>
    %scan3A = arith.constant 0 : i32
    %scan3A_8 = arith.constant 0 : i32
    %scan3A_9 = arith.constant 98 : i32
    %scan3A_10 = arith.addi %scan3A_8, %scan3A_9 : i32
    %scan3A_11 = arith.constant 1 : i32
    %scan3A_12 = scf.for %scan3A_19 = %scan3A_8 to %scan3A_10 step %scan3A_11 iter_args(%scan3A_20 = %scan3A) -> (i32)  : i32 {
      %mul3A_21 = arith.constant 4 : i32
      %mul3A_22 = arith.muli %scan3A_19, %mul3A_21 : i32
      %add3A = arith.addi %mul3A_2, %mul3A_22 : i32
      "tpu.region"() ({
        %run_scoped3A_122 = tpu.sem_alloc : memref<!tpu.dma_semaphore, #tpu.memory_space<semaphore_mem>>
        %dma_start3A_123 = arith.constant 0 : i32
        %dma_start3A_124 = tpu.memref_slice %arg2[%add3A, %dma_start3A_123] : memref<6272x128xi32, #tpu.memory_space<hbm>> -> memref<4x128xi32, #tpu.memory_space<hbm>>
        %dma_start3A_125 = arith.constant 0 : i32
        %dma_start3A_126 = tpu.memref_slice %arg2[%add3A, %dma_start3A_125] : memref<6272x128xi32, #tpu.memory_space<hbm>> -> memref<4x128xi32, #tpu.memory_space<hbm>>
        tpu.enqueue_dma source(%dma_start3A_126 : memref<4x128xi32, #tpu.memory_space<hbm>>) target(%arg8 : memref<4x128xi32, #tpu.memory_space<vmem>>) target_semaphore(%run_scoped3A_122 : memref<!tpu.dma_semaphore, #tpu.memory_space<semaphore_mem>>)
        %dma_wait3A_127 = arith.constant 0 : i32
        %dma_wait3A_128 = tpu.memref_slice %arg2[%add3A, %dma_wait3A_127] : memref<6272x128xi32, #tpu.memory_space<hbm>> -> memref<4x128xi32, #tpu.memory_space<hbm>>
        %dma_wait3A_129 = arith.constant 0 : i32
        %dma_wait3A_130 = tpu.memref_slice %arg2[%add3A, %dma_wait3A_129] : memref<6272x128xi32, #tpu.memory_space<hbm>> -> memref<4x128xi32, #tpu.memory_space<hbm>>
        tpu.wait_dma2 semaphore(%run_scoped3A_122 : memref<!tpu.dma_semaphore, #tpu.memory_space<semaphore_mem>>) src(%dma_wait3A_130 : memref<4x128xi32, #tpu.memory_space<hbm>>) dst(%arg8 : memref<4x128xi32, #tpu.memory_space<vmem>>)
        tpu.yield
      }) : () -> ()
      "tpu.region"() ({
        %run_scoped3A_122 = tpu.sem_alloc : memref<!tpu.dma_semaphore, #tpu.memory_space<semaphore_mem>>
        %dma_start3A_123 = arith.constant 0 : i32
        %dma_start3A_124 = tpu.memref_slice %arg3[%add3A, %dma_start3A_123] : memref<6272x128xi32, #tpu.memory_space<hbm>> -> memref<4x128xi32, #tpu.memory_space<hbm>>
        %dma_start3A_125 = arith.constant 0 : i32
        %dma_start3A_126 = tpu.memref_slice %arg3[%add3A, %dma_start3A_125] : memref<6272x128xi32, #tpu.memory_space<hbm>> -> memref<4x128xi32, #tpu.memory_space<hbm>>
        tpu.enqueue_dma source(%dma_start3A_126 : memref<4x128xi32, #tpu.memory_space<hbm>>) target(%arg9 : memref<4x128xi32, #tpu.memory_space<vmem>>) target_semaphore(%run_scoped3A_122 : memref<!tpu.dma_semaphore, #tpu.memory_space<semaphore_mem>>)
        %dma_wait3A_127 = arith.constant 0 : i32
        %dma_wait3A_128 = tpu.memref_slice %arg3[%add3A, %dma_wait3A_127] : memref<6272x128xi32, #tpu.memory_space<hbm>> -> memref<4x128xi32, #tpu.memory_space<hbm>>
        %dma_wait3A_129 = arith.constant 0 : i32
        %dma_wait3A_130 = tpu.memref_slice %arg3[%add3A, %dma_wait3A_129] : memref<6272x128xi32, #tpu.memory_space<hbm>> -> memref<4x128xi32, #tpu.memory_space<hbm>>
        tpu.wait_dma2 semaphore(%run_scoped3A_122 : memref<!tpu.dma_semaphore, #tpu.memory_space<semaphore_mem>>) src(%dma_wait3A_130 : memref<4x128xi32, #tpu.memory_space<hbm>>) dst(%arg9 : memref<4x128xi32, #tpu.memory_space<vmem>>)
        tpu.yield
      }) : () -> ()
      %mul3A_23 = arith.constant 512 : i32
      %mul3A_24 = arith.muli %scan3A_19, %mul3A_23 : i32
      %add3A_25 = arith.addi %mul3A_4, %mul3A_24 : i32
      "tpu.region"() ({
        %run_scoped3A_122 = tpu.sem_alloc : memref<!tpu.dma_semaphore, #tpu.memory_space<semaphore_mem>>
        %dma_start3A_123 = tpu.memref_slice %arg4[%add3A_25] : memref<802816xf32, #tpu.memory_space<hbm>> -> memref<512xf32, #tpu.memory_space<hbm>>
        %dma_start3A_124 = tpu.memref_slice %arg4[%add3A_25] : memref<802816xf32, #tpu.memory_space<hbm>> -> memref<512xf32, #tpu.memory_space<hbm>>
        tpu.enqueue_dma source(%dma_start3A_124 : memref<512xf32, #tpu.memory_space<hbm>>) target(%arg10 : memref<512xf32, #tpu.memory_space<vmem>>) target_semaphore(%run_scoped3A_122 : memref<!tpu.dma_semaphore, #tpu.memory_space<semaphore_mem>>)
        %dma_wait3A_125 = tpu.memref_slice %arg4[%add3A_25] : memref<802816xf32, #tpu.memory_space<hbm>> -> memref<512xf32, #tpu.memory_space<hbm>>
        %dma_wait3A_126 = tpu.memref_slice %arg4[%add3A_25] : memref<802816xf32, #tpu.memory_space<hbm>> -> memref<512xf32, #tpu.memory_space<hbm>>
        tpu.wait_dma2 semaphore(%run_scoped3A_122 : memref<!tpu.dma_semaphore, #tpu.memory_space<semaphore_mem>>) src(%dma_wait3A_126 : memref<512xf32, #tpu.memory_space<hbm>>) dst(%arg10 : memref<512xf32, #tpu.memory_space<vmem>>)
        tpu.yield
      }) : () -> ()
      %scan3A_26 = arith.constant 0 : i32
      %scan3A_27 = arith.constant 0 : i32
      %scan3A_28 = arith.constant 32 : i32
      %scan3A_29 = arith.addi %scan3A_27, %scan3A_28 : i32
      %scan3A_30 = arith.constant 1 : i32
      %scan3A_31 = scf.for %scan3A_122 = %scan3A_27 to %scan3A_29 step %scan3A_30 iter_args(%scan3A_123 = %scan3A_26) -> (i32)  : i32 {
        %jit3A = arith.constant 8 : i32
        %div3A = arith.divsi %scan3A_122, %jit3A : i32
        %sign3A = arith.constant 0 : i32
        %sign3A_124 = arith.cmpi sgt, %scan3A_122, %sign3A : i32
        %sign3A_125 = arith.extui %sign3A_124 : i1 to i32
        %sign3A_126 = arith.constant 0 : i32
        %sign3A_127 = arith.cmpi slt, %scan3A_122, %sign3A_126 : i32
        %sign3A_128 = arith.extui %sign3A_127 : i1 to i32
        %sign3A_129 = arith.subi %sign3A_125, %sign3A_128 : i32
        %sign3A_130 = arith.constant 0 : i32
        %sign3A_131 = arith.cmpi sgt, %jit3A, %sign3A_130 : i32
        %sign3A_132 = arith.extui %sign3A_131 : i1 to i32
        %sign3A_133 = arith.constant 0 : i32
        %sign3A_134 = arith.cmpi slt, %jit3A, %sign3A_133 : i32
        %sign3A_135 = arith.extui %sign3A_134 : i1 to i32
        %sign3A_136 = arith.subi %sign3A_132, %sign3A_135 : i32
        %ne3A = arith.cmpi ne, %sign3A_129, %sign3A_136 : i32
        %rem3A = arith.remsi %scan3A_122, %jit3A : i32
        %ne3A_137 = arith.constant 0 : i32
        %ne3A_138 = arith.cmpi ne, %rem3A, %ne3A_137 : i32
        %and3A = arith.andi %ne3A, %ne3A_138 : i1
        %sub3A = arith.constant 1 : i32
        %sub3A_139 = arith.subi %div3A, %sub3A : i32
        %select_n3A = arith.select %and3A, %sub3A_139, %div3A : i32
        %jit3A_140 = arith.constant 8 : i32
        %eq3A = arith.constant 0 : i32
        %eq3A_141 = arith.cmpi eq, %jit3A_140, %eq3A : i32
        %jit3A_142 = arith.constant 1 : i32
        %select_n3A_143 = arith.select %eq3A_141, %jit3A_142, %jit3A_140 : i32
        %rem3A_144 = arith.remsi %scan3A_122, %select_n3A_143 : i32
        %ne3A_145 = arith.constant 0 : i32
        %ne3A_146 = arith.cmpi ne, %rem3A_144, %ne3A_145 : i32
        %lt3A = arith.constant 0 : i32
        %lt3A_147 = arith.cmpi slt, %rem3A_144, %lt3A : i32
        %lt3A_148 = arith.constant 0 : i32
        %lt3A_149 = arith.cmpi slt, %select_n3A_143, %lt3A_148 : i32
        %ne3A_150 = arith.xori %lt3A_147, %lt3A_149 : i1
        %and3A_151 = arith.andi %ne3A_150, %ne3A_146 : i1
        %add3A_152 = arith.addi %rem3A_144, %select_n3A_143 : i32
        %select_n3A_153 = arith.select %and3A_151, %add3A_152, %rem3A_144 : i32
        %mul3A_154 = arith.constant 16 : i32
        %mul3A_155 = arith.muli %select_n3A_153, %mul3A_154 : i32
        %get3A = arith.index_cast %select_n3A : i32 to index
        %get3A_156 = arith.index_cast %mul3A_155 : i32 to index
        %get3A_157 = tpu.vector_load %arg8[%get3A, %get3A_156] {strides = array<i32>} : memref<4x128xi32, #tpu.memory_space<vmem>>, vector<16xi32>,
        %add3A_158 = arith.addi %get3A_157, %mul3A_7 : vector<16xi32>
        %swap3A = arith.index_cast %select_n3A : i32 to index
        %swap3A_159 = arith.index_cast %mul3A_155 : i32 to index
        %swap3A_160 = tpu.vector_load %arg8[%swap3A, %swap3A_159] {strides = array<i32>} : memref<4x128xi32, #tpu.memory_space<vmem>>, vector<16xi32>,
        tpu.vector_store %arg8[%swap3A, %swap3A_159], %add3A_158 {strides = array<i32>} : memref<4x128xi32, #tpu.memory_space<vmem>>, vector<16xi32>,
        %scan3A_161 = arith.constant 0 : i32
        scf.yield %scan3A_161 : i32
      }
      %scan3A_32 = arith.constant 32 : i32
      %dma_start3A = arith.constant 0 : i32
      %dma_start3A_33 = arith.constant 0 : i32
      %dma_start3A_34 = arith.constant 0 : i32
      %dma_start3A_35 = tpu.memref_slice %arg11[%dma_start3A_33, %dma_start3A_34] : memref<512x32xf32, #tpu.memory_space<vmem>> -> memref<128x32xf32, #tpu.memory_space<vmem>>
      %dma_start3A_36 = arith.constant 0 : i32
      %dma_start3A_37 = tpu.memref_slice %arg8[%dma_start3A, %dma_start3A_36] : memref<4x128xi32, #tpu.memory_space<vmem>> -> memref<1x128xi32, #tpu.memory_space<vmem>>
      %dma_start3A_38 = tpu.memref_squeeze %dma_start3A_37 : memref<1x128xi32, #tpu.memory_space<vmem>> -> memref<128xi32, #tpu.memory_space<vmem>>
      %dma_start3A_39 = arith.constant 0 : i32
      %dma_start3A_40 = arith.constant 0 : i32
      %dma_start3A_41 = tpu.memref_slice %arg5[%dma_start3A_39, %dma_start3A_40] : memref<100352x32xf32, #tpu.memory_space<hbm>> -> memref<100352x32xf32, #tpu.memory_space<hbm>>
      tpu.enqueue_indirect_dma source(%dma_start3A_41 : memref<100352x32xf32, #tpu.memory_space<hbm>>) target(%dma_start3A_35 : memref<128x32xf32, #tpu.memory_space<vmem>>) offsets(%dma_start3A_38 : memref<128xi32, #tpu.memory_space<vmem>>) semaphore(%arg13 : memref<!tpu.dma_semaphore, #tpu.memory_space<semaphore_mem>>)
      %dma_start3A_42 = arith.constant 1 : i32
      %dma_start3A_43 = arith.constant 128 : i32
      %dma_start3A_44 = arith.constant 0 : i32
      %dma_start3A_45 = tpu.memref_slice %arg11[%dma_start3A_43, %dma_start3A_44] : memref<512x32xf32, #tpu.memory_space<vmem>> -> memref<128x32xf32, #tpu.memory_space<vmem>>
      %dma_start3A_46 = arith.constant 0 : i32
      %dma_start3A_47 = tpu.memref_slice %arg8[%dma_start3A_42, %dma_start3A_46] : memref<4x128xi32, #tpu.memory_space<vmem>> -> memref<1x128xi32, #tpu.memory_space<vmem>>
      %dma_start3A_48 = tpu.memref_squeeze %dma_start3A_47 : memref<1x128xi32, #tpu.memory_space<vmem>> -> memref<128xi32, #tpu.memory_space<vmem>>
      %dma_start3A_49 = arith.constant 0 : i32
      %dma_start3A_50 = arith.constant 0 : i32
      %dma_start3A_51 = tpu.memref_slice %arg5[%dma_start3A_49, %dma_start3A_50] : memref<100352x32xf32, #tpu.memory_space<hbm>> -> memref<100352x32xf32, #tpu.memory_space<hbm>>
      tpu.enqueue_indirect_dma source(%dma_start3A_51 : memref<100352x32xf32, #tpu.memory_space<hbm>>) target(%dma_start3A_45 : memref<128x32xf32, #tpu.memory_space<vmem>>) offsets(%dma_start3A_48 : memref<128xi32, #tpu.memory_space<vmem>>) semaphore(%arg13 : memref<!tpu.dma_semaphore, #tpu.memory_space<semaphore_mem>>)
      %dma_start3A_52 = arith.constant 2 : i32
      %dma_start3A_53 = arith.constant 256 : i32
      %dma_start3A_54 = arith.constant 0 : i32
      %dma_start3A_55 = tpu.memref_slice %arg11[%dma_start3A_53, %dma_start3A_54] : memref<512x32xf32, #tpu.memory_space<vmem>> -> memref<128x32xf32, #tpu.memory_space<vmem>>
      %dma_start3A_56 = arith.constant 0 : i32
      %dma_start3A_57 = tpu.memref_slice %arg8[%dma_start3A_52, %dma_start3A_56] : memref<4x128xi32, #tpu.memory_space<vmem>> -> memref<1x128xi32, #tpu.memory_space<vmem>>
      %dma_start3A_58 = tpu.memref_squeeze %dma_start3A_57 : memref<1x128xi32, #tpu.memory_space<vmem>> -> memref<128xi32, #tpu.memory_space<vmem>>
      %dma_start3A_59 = arith.constant 0 : i32
      %dma_start3A_60 = arith.constant 0 : i32
      %dma_start3A_61 = tpu.memref_slice %arg5[%dma_start3A_59, %dma_start3A_60] : memref<100352x32xf32, #tpu.memory_space<hbm>> -> memref<100352x32xf32, #tpu.memory_space<hbm>>
      tpu.enqueue_indirect_dma source(%dma_start3A_61 : memref<100352x32xf32, #tpu.memory_space<hbm>>) target(%dma_start3A_55 : memref<128x32xf32, #tpu.memory_space<vmem>>) offsets(%dma_start3A_58 : memref<128xi32, #tpu.memory_space<vmem>>) semaphore(%arg13 : memref<!tpu.dma_semaphore, #tpu.memory_space<semaphore_mem>>)
      %dma_start3A_62 = arith.constant 3 : i32
      %dma_start3A_63 = arith.constant 384 : i32
      %dma_start3A_64 = arith.constant 0 : i32
      %dma_start3A_65 = tpu.memref_slice %arg11[%dma_start3A_63, %dma_start3A_64] : memref<512x32xf32, #tpu.memory_space<vmem>> -> memref<128x32xf32, #tpu.memory_space<vmem>>
      %dma_start3A_66 = arith.constant 0 : i32
      %dma_start3A_67 = tpu.memref_slice %arg8[%dma_start3A_62, %dma_start3A_66] : memref<4x128xi32, #tpu.memory_space<vmem>> -> memref<1x128xi32, #tpu.memory_space<vmem>>
      %dma_start3A_68 = tpu.memref_squeeze %dma_start3A_67 : memref<1x128xi32, #tpu.memory_space<vmem>> -> memref<128xi32, #tpu.memory_space<vmem>>
      %dma_start3A_69 = arith.constant 0 : i32
      %dma_start3A_70 = arith.constant 0 : i32
      %dma_start3A_71 = tpu.memref_slice %arg5[%dma_start3A_69, %dma_start3A_70] : memref<100352x32xf32, #tpu.memory_space<hbm>> -> memref<100352x32xf32, #tpu.memory_space<hbm>>
      tpu.enqueue_indirect_dma source(%dma_start3A_71 : memref<100352x32xf32, #tpu.memory_space<hbm>>) target(%dma_start3A_65 : memref<128x32xf32, #tpu.memory_space<vmem>>) offsets(%dma_start3A_68 : memref<128xi32, #tpu.memory_space<vmem>>) semaphore(%arg13 : memref<!tpu.dma_semaphore, #tpu.memory_space<semaphore_mem>>)
      %dma_wait3A = arith.constant 0 : i32
      %dma_wait3A_72 = arith.constant 0 : i32
      %dma_wait3A_73 = arith.constant 0 : i32
      %dma_wait3A_74 = tpu.memref_slice %arg11[%dma_wait3A_72, %dma_wait3A_73] : memref<512x32xf32, #tpu.memory_space<vmem>> -> memref<128x32xf32, #tpu.memory_space<vmem>>
      %dma_wait3A_75 = arith.constant 0 : i32
      %dma_wait3A_76 = tpu.memref_slice %arg8[%dma_wait3A, %dma_wait3A_75] : memref<4x128xi32, #tpu.memory_space<vmem>> -> memref<1x128xi32, #tpu.memory_space<vmem>>
      %dma_wait3A_77 = tpu.memref_squeeze %dma_wait3A_76 : memref<1x128xi32, #tpu.memory_space<vmem>> -> memref<128xi32, #tpu.memory_space<vmem>>
      %dma_wait3A_78 = arith.constant 0 : i32
      %dma_wait3A_79 = arith.constant 0 : i32
      %dma_wait3A_80 = tpu.memref_slice %arg5[%dma_wait3A_78, %dma_wait3A_79] : memref<100352x32xf32, #tpu.memory_space<hbm>> -> memref<100352x32xf32, #tpu.memory_space<hbm>>
      tpu.wait_indirect_dma semaphore(%arg13 : memref<!tpu.dma_semaphore, #tpu.memory_space<semaphore_mem>>) src(%dma_wait3A_80 : memref<100352x32xf32, #tpu.memory_space<hbm>>) dst(%dma_wait3A_74 : memref<128x32xf32, #tpu.memory_space<vmem>>)
      %dma_wait3A_81 = arith.constant 1 : i32
      %dma_wait3A_82 = arith.constant 128 : i32
      %dma_wait3A_83 = arith.constant 0 : i32
      %dma_wait3A_84 = tpu.memref_slice %arg11[%dma_wait3A_82, %dma_wait3A_83] : memref<512x32xf32, #tpu.memory_space<vmem>> -> memref<128x32xf32, #tpu.memory_space<vmem>>
      %dma_wait3A_85 = arith.constant 0 : i32
      %dma_wait3A_86 = tpu.memref_slice %arg8[%dma_wait3A_81, %dma_wait3A_85] : memref<4x128xi32, #tpu.memory_space<vmem>> -> memref<1x128xi32, #tpu.memory_space<vmem>>
      %dma_wait3A_87 = tpu.memref_squeeze %dma_wait3A_86 : memref<1x128xi32, #tpu.memory_space<vmem>> -> memref<128xi32, #tpu.memory_space<vmem>>
      %dma_wait3A_88 = arith.constant 0 : i32
      %dma_wait3A_89 = arith.constant 0 : i32
      %dma_wait3A_90 = tpu.memref_slice %arg5[%dma_wait3A_88, %dma_wait3A_89] : memref<100352x32xf32, #tpu.memory_space<hbm>> -> memref<100352x32xf32, #tpu.memory_space<hbm>>
      tpu.wait_indirect_dma semaphore(%arg13 : memref<!tpu.dma_semaphore, #tpu.memory_space<semaphore_mem>>) src(%dma_wait3A_90 : memref<100352x32xf32, #tpu.memory_space<hbm>>) dst(%dma_wait3A_84 : memref<128x32xf32, #tpu.memory_space<vmem>>)
      %dma_wait3A_91 = arith.constant 2 : i32
      %dma_wait3A_92 = arith.constant 256 : i32
      %dma_wait3A_93 = arith.constant 0 : i32
      %dma_wait3A_94 = tpu.memref_slice %arg11[%dma_wait3A_92, %dma_wait3A_93] : memref<512x32xf32, #tpu.memory_space<vmem>> -> memref<128x32xf32, #tpu.memory_space<vmem>>
      %dma_wait3A_95 = arith.constant 0 : i32
      %dma_wait3A_96 = tpu.memref_slice %arg8[%dma_wait3A_91, %dma_wait3A_95] : memref<4x128xi32, #tpu.memory_space<vmem>> -> memref<1x128xi32, #tpu.memory_space<vmem>>
      %dma_wait3A_97 = tpu.memref_squeeze %dma_wait3A_96 : memref<1x128xi32, #tpu.memory_space<vmem>> -> memref<128xi32, #tpu.memory_space<vmem>>
      %dma_wait3A_98 = arith.constant 0 : i32
      %dma_wait3A_99 = arith.constant 0 : i32
      %dma_wait3A_100 = tpu.memref_slice %arg5[%dma_wait3A_98, %dma_wait3A_99] : memref<100352x32xf32, #tpu.memory_space<hbm>> -> memref<100352x32xf32, #tpu.memory_space<hbm>>
      tpu.wait_indirect_dma semaphore(%arg13 : memref<!tpu.dma_semaphore, #tpu.memory_space<semaphore_mem>>) src(%dma_wait3A_100 : memref<100352x32xf32, #tpu.memory_space<hbm>>) dst(%dma_wait3A_94 : memref<128x32xf32, #tpu.memory_space<vmem>>)
      %dma_wait3A_101 = arith.constant 3 : i32
      %dma_wait3A_102 = arith.constant 384 : i32
      %dma_wait3A_103 = arith.constant 0 : i32
      %dma_wait3A_104 = tpu.memref_slice %arg11[%dma_wait3A_102, %dma_wait3A_103] : memref<512x32xf32, #tpu.memory_space<vmem>> -> memref<128x32xf32, #tpu.memory_space<vmem>>
      %dma_wait3A_105 = arith.constant 0 : i32
      %dma_wait3A_106 = tpu.memref_slice %arg8[%dma_wait3A_101, %dma_wait3A_105] : memref<4x128xi32, #tpu.memory_space<vmem>> -> memref<1x128xi32, #tpu.memory_space<vmem>>
      %dma_wait3A_107 = tpu.memref_squeeze %dma_wait3A_106 : memref<1x128xi32, #tpu.memory_space<vmem>> -> memref<128xi32, #tpu.memory_space<vmem>>
      %dma_wait3A_108 = arith.constant 0 : i32
      %dma_wait3A_109 = arith.constant 0 : i32
      %dma_wait3A_110 = tpu.memref_slice %arg5[%dma_wait3A_108, %dma_wait3A_109] : memref<100352x32xf32, #tpu.memory_space<hbm>> -> memref<100352x32xf32, #tpu.memory_space<hbm>>
      tpu.wait_indirect_dma semaphore(%arg13 : memref<!tpu.dma_semaphore, #tpu.memory_space<semaphore_mem>>) src(%dma_wait3A_110 : memref<100352x32xf32, #tpu.memory_space<hbm>>) dst(%dma_wait3A_104 : memref<128x32xf32, #tpu.memory_space<vmem>>)
      %scan3A_111 = arith.constant 0 : i32
      %scan3A_112 = arith.constant 0 : i32
      %scan3A_113 = arith.constant 32 : i32
      %scan3A_114 = arith.addi %scan3A_112, %scan3A_113 : i32
      %scan3A_115 = arith.constant 1 : i32
      %scan3A_116 = scf.for %scan3A_122 = %scan3A_112 to %scan3A_114 step %scan3A_115 iter_args(%scan3A_123 = %scan3A_111) -> (i32)  : i32 {
        %mul3A_124 = arith.constant 16 : i32
        %mul3A_125 = arith.muli %scan3A_122, %mul3A_124 : i32
        %get3A = arith.index_cast %mul3A_125 : i32 to index
        %get3A_126 = tpu.vector_load %arg10[%get3A] {strides = array<i32>} : memref<512xf32, #tpu.memory_space<vmem>>, vector<16xf32>,
        %mul3A_127 = arith.constant 16 : i32
        %mul3A_128 = arith.muli %scan3A_122, %mul3A_127 : i32
        %broadcast_in_dim3A_129 = vector.broadcast %mul3A_128 : i32 to vector<16xi32>
        %add3A_130 = arith.addi %iota3A, %broadcast_in_dim3A_129 : vector<16xi32>
        %broadcast_in_dim3A_131 = arith.constant 0 : i32
        %broadcast_in_dim3A_132 = vector.broadcast %broadcast_in_dim3A_131 : i32 to vector<16xi32>
        %gather3A = tpu.vector_load_idx %arg11[%add3A_130, %broadcast_in_dim3A_132] : memref<512x32xf32, #tpu.memory_space<vmem>>[vector<16xi32>, vector<16xi32>], vector<16xf32>,
        %mul3A_133 = arith.mulf %gather3A, %get3A_126 : vector<16xf32>
        tpu.vector_store_idx %arg11[%add3A_130, %broadcast_in_dim3A_132], %mul3A_133 : memref<512x32xf32, #tpu.memory_space<vmem>>[vector<16xi32>, vector<16xi32>], vector<16xf32>,
        %broadcast_in_dim3A_134 = arith.constant 1 : i32
        %broadcast_in_dim3A_135 = vector.broadcast %broadcast_in_dim3A_134 : i32 to vector<16xi32>
        %gather3A_136 = tpu.vector_load_idx %arg11[%add3A_130, %broadcast_in_dim3A_135] : memref<512x32xf32, #tpu.memory_space<vmem>>[vector<16xi32>, vector<16xi32>], vector<16xf32>,
        %mul3A_137 = arith.mulf %gather3A_136, %get3A_126 : vector<16xf32>
        tpu.vector_store_idx %arg11[%add3A_130, %broadcast_in_dim3A_135], %mul3A_137 : memref<512x32xf32, #tpu.memory_space<vmem>>[vector<16xi32>, vector<16xi32>], vector<16xf32>,
        %broadcast_in_dim3A_138 = arith.constant 2 : i32
        %broadcast_in_dim3A_139 = vector.broadcast %broadcast_in_dim3A_138 : i32 to vector<16xi32>
        %gather3A_140 = tpu.vector_load_idx %arg11[%add3A_130, %broadcast_in_dim3A_139] : memref<512x32xf32, #tpu.memory_space<vmem>>[vector<16xi32>, vector<16xi32>], vector<16xf32>,
        %mul3A_141 = arith.mulf %gather3A_140, %get3A_126 : vector<16xf32>
        tpu.vector_store_idx %arg11[%add3A_130, %broadcast_in_dim3A_139], %mul3A_141 : memref<512x32xf32, #tpu.memory_space<vmem>>[vector<16xi32>, vector<16xi32>], vector<16xf32>,
        %broadcast_in_dim3A_142 = arith.constant 3 : i32
        %broadcast_in_dim3A_143 = vector.broadcast %broadcast_in_dim3A_142 : i32 to vector<16xi32>
        %gather3A_144 = tpu.vector_load_idx %arg11[%add3A_130, %broadcast_in_dim3A_143] : memref<512x32xf32, #tpu.memory_space<vmem>>[vector<16xi32>, vector<16xi32>], vector<16xf32>,
        %mul3A_145 = arith.mulf %gather3A_144, %get3A_126 : vector<16xf32>
        tpu.vector_store_idx %arg11[%add3A_130, %broadcast_in_dim3A_143], %mul3A_145 : memref<512x32xf32, #tpu.memory_space<vmem>>[vector<16xi32>, vector<16xi32>], vector<16xf32>,
        %broadcast_in_dim3A_146 = arith.constant 4 : i32
        %broadcast_in_dim3A_147 = vector.broadcast %broadcast_in_dim3A_146 : i32 to vector<16xi32>
        %gather3A_148 = tpu.vector_load_idx %arg11[%add3A_130, %broadcast_in_dim3A_147] : memref<512x32xf32, #tpu.memory_space<vmem>>[vector<16xi32>, vector<16xi32>], vector<16xf32>,
        %mul3A_149 = arith.mulf %gather3A_148, %get3A_126 : vector<16xf32>
        tpu.vector_store_idx %arg11[%add3A_130, %broadcast_in_dim3A_147], %mul3A_149 : memref<512x32xf32, #tpu.memory_space<vmem>>[vector<16xi32>, vector<16xi32>], vector<16xf32>,
        %broadcast_in_dim3A_150 = arith.constant 5 : i32
        %broadcast_in_dim3A_151 = vector.broadcast %broadcast_in_dim3A_150 : i32 to vector<16xi32>
        %gather3A_152 = tpu.vector_load_idx %arg11[%add3A_130, %broadcast_in_dim3A_151] : memref<512x32xf32, #tpu.memory_space<vmem>>[vector<16xi32>, vector<16xi32>], vector<16xf32>,
        %mul3A_153 = arith.mulf %gather3A_152, %get3A_126 : vector<16xf32>
        tpu.vector_store_idx %arg11[%add3A_130, %broadcast_in_dim3A_151], %mul3A_153 : memref<512x32xf32, #tpu.memory_space<vmem>>[vector<16xi32>, vector<16xi32>], vector<16xf32>,
        %broadcast_in_dim3A_154 = arith.constant 6 : i32
        %broadcast_in_dim3A_155 = vector.broadcast %broadcast_in_dim3A_154 : i32 to vector<16xi32>
        %gather3A_156 = tpu.vector_load_idx %arg11[%add3A_130, %broadcast_in_dim3A_155] : memref<512x32xf32, #tpu.memory_space<vmem>>[vector<16xi32>, vector<16xi32>], vector<16xf32>,
        %mul3A_157 = arith.mulf %gather3A_156, %get3A_126 : vector<16xf32>
        tpu.vector_store_idx %arg11[%add3A_130, %broadcast_in_dim3A_155], %mul3A_157 : memref<512x32xf32, #tpu.memory_space<vmem>>[vector<16xi32>, vector<16xi32>], vector<16xf32>,
        %broadcast_in_dim3A_158 = arith.constant 7 : i32
        %broadcast_in_dim3A_159 = vector.broadcast %broadcast_in_dim3A_158 : i32 to vector<16xi32>
        %gather3A_160 = tpu.vector_load_idx %arg11[%add3A_130, %broadcast_in_dim3A_159] : memref<512x32xf32, #tpu.memory_space<vmem>>[vector<16xi32>, vector<16xi32>], vector<16xf32>,
        %mul3A_161 = arith.mulf %gather3A_160, %get3A_126 : vector<16xf32>
        tpu.vector_store_idx %arg11[%add3A_130, %broadcast_in_dim3A_159], %mul3A_161 : memref<512x32xf32, #tpu.memory_space<vmem>>[vector<16xi32>, vector<16xi32>], vector<16xf32>,
        %broadcast_in_dim3A_162 = arith.constant 8 : i32
        %broadcast_in_dim3A_163 = vector.broadcast %broadcast_in_dim3A_162 : i32 to vector<16xi32>
        %gather3A_164 = tpu.vector_load_idx %arg11[%add3A_130, %broadcast_in_dim3A_163] : memref<512x32xf32, #tpu.memory_space<vmem>>[vector<16xi32>, vector<16xi32>], vector<16xf32>,
        %mul3A_165 = arith.mulf %gather3A_164, %get3A_126 : vector<16xf32>
        tpu.vector_store_idx %arg11[%add3A_130, %broadcast_in_dim3A_163], %mul3A_165 : memref<512x32xf32, #tpu.memory_space<vmem>>[vector<16xi32>, vector<16xi32>], vector<16xf32>,
        %broadcast_in_dim3A_166 = arith.constant 9 : i32
        %broadcast_in_dim3A_167 = vector.broadcast %broadcast_in_dim3A_166 : i32 to vector<16xi32>
        %gather3A_168 = tpu.vector_load_idx %arg11[%add3A_130, %broadcast_in_dim3A_167] : memref<512x32xf32, #tpu.memory_space<vmem>>[vector<16xi32>, vector<16xi32>], vector<16xf32>,
        %mul3A_169 = arith.mulf %gather3A_168, %get3A_126 : vector<16xf32>
        tpu.vector_store_idx %arg11[%add3A_130, %broadcast_in_dim3A_167], %mul3A_169 : memref<512x32xf32, #tpu.memory_space<vmem>>[vector<16xi32>, vector<16xi32>], vector<16xf32>,
        %broadcast_in_dim3A_170 = arith.constant 10 : i32
        %broadcast_in_dim3A_171 = vector.broadcast %broadcast_in_dim3A_170 : i32 to vector<16xi32>
        %gather3A_172 = tpu.vector_load_idx %arg11[%add3A_130, %broadcast_in_dim3A_171] : memref<512x32xf32, #tpu.memory_space<vmem>>[vector<16xi32>, vector<16xi32>], vector<16xf32>,
        %mul3A_173 = arith.mulf %gather3A_172, %get3A_126 : vector<16xf32>
        tpu.vector_store_idx %arg11[%add3A_130, %broadcast_in_dim3A_171], %mul3A_173 : memref<512x32xf32, #tpu.memory_space<vmem>>[vector<16xi32>, vector<16xi32>], vector<16xf32>,
        %broadcast_in_dim3A_174 = arith.constant 11 : i32
        %broadcast_in_dim3A_175 = vector.broadcast %broadcast_in_dim3A_174 : i32 to vector<16xi32>
        %gather3A_176 = tpu.vector_load_idx %arg11[%add3A_130, %broadcast_in_dim3A_175] : memref<512x32xf32, #tpu.memory_space<vmem>>[vector<16xi32>, vector<16xi32>], vector<16xf32>,
        %mul3A_177 = arith.mulf %gather3A_176, %get3A_126 : vector<16xf32>
        tpu.vector_store_idx %arg11[%add3A_130, %broadcast_in_dim3A_175], %mul3A_177 : memref<512x32xf32, #tpu.memory_space<vmem>>[vector<16xi32>, vector<16xi32>], vector<16xf32>,
        %broadcast_in_dim3A_178 = arith.constant 12 : i32
        %broadcast_in_dim3A_179 = vector.broadcast %broadcast_in_dim3A_178 : i32 to vector<16xi32>
        %gather3A_180 = tpu.vector_load_idx %arg11[%add3A_130, %broadcast_in_dim3A_179] : memref<512x32xf32, #tpu.memory_space<vmem>>[vector<16xi32>, vector<16xi32>], vector<16xf32>,
        %mul3A_181 = arith.mulf %gather3A_180, %get3A_126 : vector<16xf32>
        tpu.vector_store_idx %arg11[%add3A_130, %broadcast_in_dim3A_179], %mul3A_181 : memref<512x32xf32, #tpu.memory_space<vmem>>[vector<16xi32>, vector<16xi32>], vector<16xf32>,
        %broadcast_in_dim3A_182 = arith.constant 13 : i32
        %broadcast_in_dim3A_183 = vector.broadcast %broadcast_in_dim3A_182 : i32 to vector<16xi32>
        %gather3A_184 = tpu.vector_load_idx %arg11[%add3A_130, %broadcast_in_dim3A_183] : memref<512x32xf32, #tpu.memory_space<vmem>>[vector<16xi32>, vector<16xi32>], vector<16xf32>,
        %mul3A_185 = arith.mulf %gather3A_184, %get3A_126 : vector<16xf32>
        tpu.vector_store_idx %arg11[%add3A_130, %broadcast_in_dim3A_183], %mul3A_185 : memref<512x32xf32, #tpu.memory_space<vmem>>[vector<16xi32>, vector<16xi32>], vector<16xf32>,
        %broadcast_in_dim3A_186 = arith.constant 14 : i32
        %broadcast_in_dim3A_187 = vector.broadcast %broadcast_in_dim3A_186 : i32 to vector<16xi32>
        %gather3A_188 = tpu.vector_load_idx %arg11[%add3A_130, %broadcast_in_dim3A_187] : memref<512x32xf32, #tpu.memory_space<vmem>>[vector<16xi32>, vector<16xi32>], vector<16xf32>,
        %mul3A_189 = arith.mulf %gather3A_188, %get3A_126 : vector<16xf32>
        tpu.vector_store_idx %arg11[%add3A_130, %broadcast_in_dim3A_187], %mul3A_189 : memref<512x32xf32, #tpu.memory_space<vmem>>[vector<16xi32>, vector<16xi32>], vector<16xf32>,
        %broadcast_in_dim3A_190 = arith.constant 15 : i32
        %broadcast_in_dim3A_191 = vector.broadcast %broadcast_in_dim3A_190 : i32 to vector<16xi32>
        %gather3A_192 = tpu.vector_load_idx %arg11[%add3A_130, %broadcast_in_dim3A_191] : memref<512x32xf32, #tpu.memory_space<vmem>>[vector<16xi32>, vector<16xi32>], vector<16xf32>,
        %mul3A_193 = arith.mulf %gather3A_192, %get3A_126 : vector<16xf32>
        tpu.vector_store_idx %arg11[%add3A_130, %broadcast_in_dim3A_191], %mul3A_193 : memref<512x32xf32, #tpu.memory_space<vmem>>[vector<16xi32>, vector<16xi32>], vector<16xf32>,
        %broadcast_in_dim3A_194 = arith.constant 16 : i32
        %broadcast_in_dim3A_195 = vector.broadcast %broadcast_in_dim3A_194 : i32 to vector<16xi32>
        %gather3A_196 = tpu.vector_load_idx %arg11[%add3A_130, %broadcast_in_dim3A_195] : memref<512x32xf32, #tpu.memory_space<vmem>>[vector<16xi32>, vector<16xi32>], vector<16xf32>,
        %mul3A_197 = arith.mulf %gather3A_196, %get3A_126 : vector<16xf32>
        tpu.vector_store_idx %arg11[%add3A_130, %broadcast_in_dim3A_195], %mul3A_197 : memref<512x32xf32, #tpu.memory_space<vmem>>[vector<16xi32>, vector<16xi32>], vector<16xf32>,
        %broadcast_in_dim3A_198 = arith.constant 17 : i32
        %broadcast_in_dim3A_199 = vector.broadcast %broadcast_in_dim3A_198 : i32 to vector<16xi32>
        %gather3A_200 = tpu.vector_load_idx %arg11[%add3A_130, %broadcast_in_dim3A_199] : memref<512x32xf32, #tpu.memory_space<vmem>>[vector<16xi32>, vector<16xi32>], vector<16xf32>,
        %mul3A_201 = arith.mulf %gather3A_200, %get3A_126 : vector<16xf32>
        tpu.vector_store_idx %arg11[%add3A_130, %broadcast_in_dim3A_199], %mul3A_201 : memref<512x32xf32, #tpu.memory_space<vmem>>[vector<16xi32>, vector<16xi32>], vector<16xf32>,
        %broadcast_in_dim3A_202 = arith.constant 18 : i32
        %broadcast_in_dim3A_203 = vector.broadcast %broadcast_in_dim3A_202 : i32 to vector<16xi32>
        %gather3A_204 = tpu.vector_load_idx %arg11[%add3A_130, %broadcast_in_dim3A_203] : memref<512x32xf32, #tpu.memory_space<vmem>>[vector<16xi32>, vector<16xi32>], vector<16xf32>,
        %mul3A_205 = arith.mulf %gather3A_204, %get3A_126 : vector<16xf32>
        tpu.vector_store_idx %arg11[%add3A_130, %broadcast_in_dim3A_203], %mul3A_205 : memref<512x32xf32, #tpu.memory_space<vmem>>[vector<16xi32>, vector<16xi32>], vector<16xf32>,
        %broadcast_in_dim3A_206 = arith.constant 19 : i32
        %broadcast_in_dim3A_207 = vector.broadcast %broadcast_in_dim3A_206 : i32 to vector<16xi32>
        %gather3A_208 = tpu.vector_load_idx %arg11[%add3A_130, %broadcast_in_dim3A_207] : memref<512x32xf32, #tpu.memory_space<vmem>>[vector<16xi32>, vector<16xi32>], vector<16xf32>,
        %mul3A_209 = arith.mulf %gather3A_208, %get3A_126 : vector<16xf32>
        tpu.vector_store_idx %arg11[%add3A_130, %broadcast_in_dim3A_207], %mul3A_209 : memref<512x32xf32, #tpu.memory_space<vmem>>[vector<16xi32>, vector<16xi32>], vector<16xf32>,
        %broadcast_in_dim3A_210 = arith.constant 20 : i32
        %broadcast_in_dim3A_211 = vector.broadcast %broadcast_in_dim3A_210 : i32 to vector<16xi32>
        %gather3A_212 = tpu.vector_load_idx %arg11[%add3A_130, %broadcast_in_dim3A_211] : memref<512x32xf32, #tpu.memory_space<vmem>>[vector<16xi32>, vector<16xi32>], vector<16xf32>,
        %mul3A_213 = arith.mulf %gather3A_212, %get3A_126 : vector<16xf32>
        tpu.vector_store_idx %arg11[%add3A_130, %broadcast_in_dim3A_211], %mul3A_213 : memref<512x32xf32, #tpu.memory_space<vmem>>[vector<16xi32>, vector<16xi32>], vector<16xf32>,
        %broadcast_in_dim3A_214 = arith.constant 21 : i32
        %broadcast_in_dim3A_215 = vector.broadcast %broadcast_in_dim3A_214 : i32 to vector<16xi32>
        %gather3A_216 = tpu.vector_load_idx %arg11[%add3A_130, %broadcast_in_dim3A_215] : memref<512x32xf32, #tpu.memory_space<vmem>>[vector<16xi32>, vector<16xi32>], vector<16xf32>,
        %mul3A_217 = arith.mulf %gather3A_216, %get3A_126 : vector<16xf32>
        tpu.vector_store_idx %arg11[%add3A_130, %broadcast_in_dim3A_215], %mul3A_217 : memref<512x32xf32, #tpu.memory_space<vmem>>[vector<16xi32>, vector<16xi32>], vector<16xf32>,
        %broadcast_in_dim3A_218 = arith.constant 22 : i32
        %broadcast_in_dim3A_219 = vector.broadcast %broadcast_in_dim3A_218 : i32 to vector<16xi32>
        %gather3A_220 = tpu.vector_load_idx %arg11[%add3A_130, %broadcast_in_dim3A_219] : memref<512x32xf32, #tpu.memory_space<vmem>>[vector<16xi32>, vector<16xi32>], vector<16xf32>,
        %mul3A_221 = arith.mulf %gather3A_220, %get3A_126 : vector<16xf32>
        tpu.vector_store_idx %arg11[%add3A_130, %broadcast_in_dim3A_219], %mul3A_221 : memref<512x32xf32, #tpu.memory_space<vmem>>[vector<16xi32>, vector<16xi32>], vector<16xf32>,
        %broadcast_in_dim3A_222 = arith.constant 23 : i32
        %broadcast_in_dim3A_223 = vector.broadcast %broadcast_in_dim3A_222 : i32 to vector<16xi32>
        %gather3A_224 = tpu.vector_load_idx %arg11[%add3A_130, %broadcast_in_dim3A_223] : memref<512x32xf32, #tpu.memory_space<vmem>>[vector<16xi32>, vector<16xi32>], vector<16xf32>,
        %mul3A_225 = arith.mulf %gather3A_224, %get3A_126 : vector<16xf32>
        tpu.vector_store_idx %arg11[%add3A_130, %broadcast_in_dim3A_223], %mul3A_225 : memref<512x32xf32, #tpu.memory_space<vmem>>[vector<16xi32>, vector<16xi32>], vector<16xf32>,
        %broadcast_in_dim3A_226 = arith.constant 24 : i32
        %broadcast_in_dim3A_227 = vector.broadcast %broadcast_in_dim3A_226 : i32 to vector<16xi32>
        %gather3A_228 = tpu.vector_load_idx %arg11[%add3A_130, %broadcast_in_dim3A_227] : memref<512x32xf32, #tpu.memory_space<vmem>>[vector<16xi32>, vector<16xi32>], vector<16xf32>,
        %mul3A_229 = arith.mulf %gather3A_228, %get3A_126 : vector<16xf32>
        tpu.vector_store_idx %arg11[%add3A_130, %broadcast_in_dim3A_227], %mul3A_229 : memref<512x32xf32, #tpu.memory_space<vmem>>[vector<16xi32>, vector<16xi32>], vector<16xf32>,
        %broadcast_in_dim3A_230 = arith.constant 25 : i32
        %broadcast_in_dim3A_231 = vector.broadcast %broadcast_in_dim3A_230 : i32 to vector<16xi32>
        %gather3A_232 = tpu.vector_load_idx %arg11[%add3A_130, %broadcast_in_dim3A_231] : memref<512x32xf32, #tpu.memory_space<vmem>>[vector<16xi32>, vector<16xi32>], vector<16xf32>,
        %mul3A_233 = arith.mulf %gather3A_232, %get3A_126 : vector<16xf32>
        tpu.vector_store_idx %arg11[%add3A_130, %broadcast_in_dim3A_231], %mul3A_233 : memref<512x32xf32, #tpu.memory_space<vmem>>[vector<16xi32>, vector<16xi32>], vector<16xf32>,
        %broadcast_in_dim3A_234 = arith.constant 26 : i32
        %broadcast_in_dim3A_235 = vector.broadcast %broadcast_in_dim3A_234 : i32 to vector<16xi32>
        %gather3A_236 = tpu.vector_load_idx %arg11[%add3A_130, %broadcast_in_dim3A_235] : memref<512x32xf32, #tpu.memory_space<vmem>>[vector<16xi32>, vector<16xi32>], vector<16xf32>,
        %mul3A_237 = arith.mulf %gather3A_236, %get3A_126 : vector<16xf32>
        tpu.vector_store_idx %arg11[%add3A_130, %broadcast_in_dim3A_235], %mul3A_237 : memref<512x32xf32, #tpu.memory_space<vmem>>[vector<16xi32>, vector<16xi32>], vector<16xf32>,
        %broadcast_in_dim3A_238 = arith.constant 27 : i32
        %broadcast_in_dim3A_239 = vector.broadcast %broadcast_in_dim3A_238 : i32 to vector<16xi32>
        %gather3A_240 = tpu.vector_load_idx %arg11[%add3A_130, %broadcast_in_dim3A_239] : memref<512x32xf32, #tpu.memory_space<vmem>>[vector<16xi32>, vector<16xi32>], vector<16xf32>,
        %mul3A_241 = arith.mulf %gather3A_240, %get3A_126 : vector<16xf32>
        tpu.vector_store_idx %arg11[%add3A_130, %broadcast_in_dim3A_239], %mul3A_241 : memref<512x32xf32, #tpu.memory_space<vmem>>[vector<16xi32>, vector<16xi32>], vector<16xf32>,
        %broadcast_in_dim3A_242 = arith.constant 28 : i32
        %broadcast_in_dim3A_243 = vector.broadcast %broadcast_in_dim3A_242 : i32 to vector<16xi32>
        %gather3A_244 = tpu.vector_load_idx %arg11[%add3A_130, %broadcast_in_dim3A_243] : memref<512x32xf32, #tpu.memory_space<vmem>>[vector<16xi32>, vector<16xi32>], vector<16xf32>,
        %mul3A_245 = arith.mulf %gather3A_244, %get3A_126 : vector<16xf32>
        tpu.vector_store_idx %arg11[%add3A_130, %broadcast_in_dim3A_243], %mul3A_245 : memref<512x32xf32, #tpu.memory_space<vmem>>[vector<16xi32>, vector<16xi32>], vector<16xf32>,
        %broadcast_in_dim3A_246 = arith.constant 29 : i32
        %broadcast_in_dim3A_247 = vector.broadcast %broadcast_in_dim3A_246 : i32 to vector<16xi32>
        %gather3A_248 = tpu.vector_load_idx %arg11[%add3A_130, %broadcast_in_dim3A_247] : memref<512x32xf32, #tpu.memory_space<vmem>>[vector<16xi32>, vector<16xi32>], vector<16xf32>,
        %mul3A_249 = arith.mulf %gather3A_248, %get3A_126 : vector<16xf32>
        tpu.vector_store_idx %arg11[%add3A_130, %broadcast_in_dim3A_247], %mul3A_249 : memref<512x32xf32, #tpu.memory_space<vmem>>[vector<16xi32>, vector<16xi32>], vector<16xf32>,
        %broadcast_in_dim3A_250 = arith.constant 30 : i32
        %broadcast_in_dim3A_251 = vector.broadcast %broadcast_in_dim3A_250 : i32 to vector<16xi32>
        %gather3A_252 = tpu.vector_load_idx %arg11[%add3A_130, %broadcast_in_dim3A_251] : memref<512x32xf32, #tpu.memory_space<vmem>>[vector<16xi32>, vector<16xi32>], vector<16xf32>,
        %mul3A_253 = arith.mulf %gather3A_252, %get3A_126 : vector<16xf32>
        tpu.vector_store_idx %arg11[%add3A_130, %broadcast_in_dim3A_251], %mul3A_253 : memref<512x32xf32, #tpu.memory_space<vmem>>[vector<16xi32>, vector<16xi32>], vector<16xf32>,
        %broadcast_in_dim3A_254 = arith.constant 31 : i32
        %broadcast_in_dim3A_255 = vector.broadcast %broadcast_in_dim3A_254 : i32 to vector<16xi32>
        %gather3A_256 = tpu.vector_load_idx %arg11[%add3A_130, %broadcast_in_dim3A_255] : memref<512x32xf32, #tpu.memory_space<vmem>>[vector<16xi32>, vector<16xi32>], vector<16xf32>,
        %mul3A_257 = arith.mulf %gather3A_256, %get3A_126 : vector<16xf32>
        tpu.vector_store_idx %arg11[%add3A_130, %broadcast_in_dim3A_255], %mul3A_257 : memref<512x32xf32, #tpu.memory_space<vmem>>[vector<16xi32>, vector<16xi32>], vector<16xf32>,
        %scan3A_258 = arith.constant 0 : i32
        scf.yield %scan3A_258 : i32
      }
      %scan3A_117 = arith.constant 32 : i32
      %run_scoped3A = arith.constant 0 : i32
      "tpu.region"() ({
        %run_scoped3A_122 = tpu.sem_alloc : memref<!tpu.dma_semaphore, #tpu.memory_space<semaphore_mem>>
        %dma_start3A_123 = arith.constant 0 : i32
        %dma_start3A_124 = arith.constant 0 : i32
        %dma_start3A_125 = tpu.memref_slice %arg11[%dma_start3A_123, %dma_start3A_124] : memref<512x32xf32, #tpu.memory_space<vmem>> -> memref<128x32xf32, #tpu.memory_space<vmem>>
        %dma_start3A_126 = arith.constant 0 : i32
        %dma_start3A_127 = tpu.memref_slice %arg9[%run_scoped3A, %dma_start3A_126] : memref<4x128xi32, #tpu.memory_space<vmem>> -> memref<1x128xi32, #tpu.memory_space<vmem>>
        %dma_start3A_128 = tpu.memref_squeeze %dma_start3A_127 : memref<1x128xi32, #tpu.memory_space<vmem>> -> memref<128xi32, #tpu.memory_space<vmem>>
        %dma_start3A_129 = arith.constant 0 : i32
        %dma_start3A_130 = arith.constant 0 : i32
        %dma_start3A_131 = tpu.memref_slice %arg12[%dma_start3A_129, %dma_start3A_130] : memref<50176x32xf32, #tpu.memory_space<vmem_shared>> -> memref<50176x32xf32, #tpu.memory_space<vmem_shared>>
        tpu.enqueue_indirect_dma source(%dma_start3A_125 : memref<128x32xf32, #tpu.memory_space<vmem>>) target(%dma_start3A_131 : memref<50176x32xf32, #tpu.memory_space<vmem_shared>>) offsets(%dma_start3A_128 : memref<128xi32, #tpu.memory_space<vmem>>) semaphore(%run_scoped3A_122 : memref<!tpu.dma_semaphore, #tpu.memory_space<semaphore_mem>>) {add = true}
        %dma_wait3A_132 = arith.constant 0 : i32
        %dma_wait3A_133 = arith.constant 0 : i32
        %dma_wait3A_134 = tpu.memref_slice %arg11[%dma_wait3A_132, %dma_wait3A_133] : memref<512x32xf32, #tpu.memory_space<vmem>> -> memref<128x32xf32, #tpu.memory_space<vmem>>
        %dma_wait3A_135 = arith.constant 0 : i32
        %dma_wait3A_136 = tpu.memref_slice %arg9[%run_scoped3A, %dma_wait3A_135] : memref<4x128xi32, #tpu.memory_space<vmem>> -> memref<1x128xi32, #tpu.memory_space<vmem>>
        %dma_wait3A_137 = tpu.memref_squeeze %dma_wait3A_136 : memref<1x128xi32, #tpu.memory_space<vmem>> -> memref<128xi32, #tpu.memory_space<vmem>>
        %dma_wait3A_138 = arith.constant 0 : i32
        %dma_wait3A_139 = arith.constant 0 : i32
        %dma_wait3A_140 = tpu.memref_slice %arg12[%dma_wait3A_138, %dma_wait3A_139] : memref<50176x32xf32, #tpu.memory_space<vmem_shared>> -> memref<50176x32xf32, #tpu.memory_space<vmem_shared>>
        tpu.wait_indirect_dma semaphore(%run_scoped3A_122 : memref<!tpu.dma_semaphore, #tpu.memory_space<semaphore_mem>>) src(%dma_wait3A_134 : memref<128x32xf32, #tpu.memory_space<vmem>>) dst(%dma_wait3A_140 : memref<50176x32xf32, #tpu.memory_space<vmem_shared>>)
        tpu.yield
      }) : () -> ()
      %run_scoped3A_118 = arith.constant 1 : i32
      "tpu.region"() ({
        %run_scoped3A_122 = tpu.sem_alloc : memref<!tpu.dma_semaphore, #tpu.memory_space<semaphore_mem>>
        %dma_start3A_123 = arith.constant 128 : i32
        %dma_start3A_124 = arith.constant 0 : i32
        %dma_start3A_125 = tpu.memref_slice %arg11[%dma_start3A_123, %dma_start3A_124] : memref<512x32xf32, #tpu.memory_space<vmem>> -> memref<128x32xf32, #tpu.memory_space<vmem>>
        %dma_start3A_126 = arith.constant 0 : i32
        %dma_start3A_127 = tpu.memref_slice %arg9[%run_scoped3A_118, %dma_start3A_126] : memref<4x128xi32, #tpu.memory_space<vmem>> -> memref<1x128xi32, #tpu.memory_space<vmem>>
        %dma_start3A_128 = tpu.memref_squeeze %dma_start3A_127 : memref<1x128xi32, #tpu.memory_space<vmem>> -> memref<128xi32, #tpu.memory_space<vmem>>
        %dma_start3A_129 = arith.constant 0 : i32
        %dma_start3A_130 = arith.constant 0 : i32
        %dma_start3A_131 = tpu.memref_slice %arg12[%dma_start3A_129, %dma_start3A_130] : memref<50176x32xf32, #tpu.memory_space<vmem_shared>> -> memref<50176x32xf32, #tpu.memory_space<vmem_shared>>
        tpu.enqueue_indirect_dma source(%dma_start3A_125 : memref<128x32xf32, #tpu.memory_space<vmem>>) target(%dma_start3A_131 : memref<50176x32xf32, #tpu.memory_space<vmem_shared>>) offsets(%dma_start3A_128 : memref<128xi32, #tpu.memory_space<vmem>>) semaphore(%run_scoped3A_122 : memref<!tpu.dma_semaphore, #tpu.memory_space<semaphore_mem>>) {add = true}
        %dma_wait3A_132 = arith.constant 128 : i32
        %dma_wait3A_133 = arith.constant 0 : i32
        %dma_wait3A_134 = tpu.memref_slice %arg11[%dma_wait3A_132, %dma_wait3A_133] : memref<512x32xf32, #tpu.memory_space<vmem>> -> memref<128x32xf32, #tpu.memory_space<vmem>>
        %dma_wait3A_135 = arith.constant 0 : i32
        %dma_wait3A_136 = tpu.memref_slice %arg9[%run_scoped3A_118, %dma_wait3A_135] : memref<4x128xi32, #tpu.memory_space<vmem>> -> memref<1x128xi32, #tpu.memory_space<vmem>>
        %dma_wait3A_137 = tpu.memref_squeeze %dma_wait3A_136 : memref<1x128xi32, #tpu.memory_space<vmem>> -> memref<128xi32, #tpu.memory_space<vmem>>
        %dma_wait3A_138 = arith.constant 0 : i32
        %dma_wait3A_139 = arith.constant 0 : i32
        %dma_wait3A_140 = tpu.memref_slice %arg12[%dma_wait3A_138, %dma_wait3A_139] : memref<50176x32xf32, #tpu.memory_space<vmem_shared>> -> memref<50176x32xf32, #tpu.memory_space<vmem_shared>>
        tpu.wait_indirect_dma semaphore(%run_scoped3A_122 : memref<!tpu.dma_semaphore, #tpu.memory_space<semaphore_mem>>) src(%dma_wait3A_134 : memref<128x32xf32, #tpu.memory_space<vmem>>) dst(%dma_wait3A_140 : memref<50176x32xf32, #tpu.memory_space<vmem_shared>>)
        tpu.yield
      }) : () -> ()
      %run_scoped3A_119 = arith.constant 2 : i32
      "tpu.region"() ({
        %run_scoped3A_122 = tpu.sem_alloc : memref<!tpu.dma_semaphore, #tpu.memory_space<semaphore_mem>>
        %dma_start3A_123 = arith.constant 256 : i32
        %dma_start3A_124 = arith.constant 0 : i32
        %dma_start3A_125 = tpu.memref_slice %arg11[%dma_start3A_123, %dma_start3A_124] : memref<512x32xf32, #tpu.memory_space<vmem>> -> memref<128x32xf32, #tpu.memory_space<vmem>>
        %dma_start3A_126 = arith.constant 0 : i32
        %dma_start3A_127 = tpu.memref_slice %arg9[%run_scoped3A_119, %dma_start3A_126] : memref<4x128xi32, #tpu.memory_space<vmem>> -> memref<1x128xi32, #tpu.memory_space<vmem>>
        %dma_start3A_128 = tpu.memref_squeeze %dma_start3A_127 : memref<1x128xi32, #tpu.memory_space<vmem>> -> memref<128xi32, #tpu.memory_space<vmem>>
        %dma_start3A_129 = arith.constant 0 : i32
        %dma_start3A_130 = arith.constant 0 : i32
        %dma_start3A_131 = tpu.memref_slice %arg12[%dma_start3A_129, %dma_start3A_130] : memref<50176x32xf32, #tpu.memory_space<vmem_shared>> -> memref<50176x32xf32, #tpu.memory_space<vmem_shared>>
        tpu.enqueue_indirect_dma source(%dma_start3A_125 : memref<128x32xf32, #tpu.memory_space<vmem>>) target(%dma_start3A_131 : memref<50176x32xf32, #tpu.memory_space<vmem_shared>>) offsets(%dma_start3A_128 : memref<128xi32, #tpu.memory_space<vmem>>) semaphore(%run_scoped3A_122 : memref<!tpu.dma_semaphore, #tpu.memory_space<semaphore_mem>>) {add = true}
        %dma_wait3A_132 = arith.constant 256 : i32
        %dma_wait3A_133 = arith.constant 0 : i32
        %dma_wait3A_134 = tpu.memref_slice %arg11[%dma_wait3A_132, %dma_wait3A_133] : memref<512x32xf32, #tpu.memory_space<vmem>> -> memref<128x32xf32, #tpu.memory_space<vmem>>
        %dma_wait3A_135 = arith.constant 0 : i32
        %dma_wait3A_136 = tpu.memref_slice %arg9[%run_scoped3A_119, %dma_wait3A_135] : memref<4x128xi32, #tpu.memory_space<vmem>> -> memref<1x128xi32, #tpu.memory_space<vmem>>
        %dma_wait3A_137 = tpu.memref_squeeze %dma_wait3A_136 : memref<1x128xi32, #tpu.memory_space<vmem>> -> memref<128xi32, #tpu.memory_space<vmem>>
        %dma_wait3A_138 = arith.constant 0 : i32
        %dma_wait3A_139 = arith.constant 0 : i32
        %dma_wait3A_140 = tpu.memref_slice %arg12[%dma_wait3A_138, %dma_wait3A_139] : memref<50176x32xf32, #tpu.memory_space<vmem_shared>> -> memref<50176x32xf32, #tpu.memory_space<vmem_shared>>
        tpu.wait_indirect_dma semaphore(%run_scoped3A_122 : memref<!tpu.dma_semaphore, #tpu.memory_space<semaphore_mem>>) src(%dma_wait3A_134 : memref<128x32xf32, #tpu.memory_space<vmem>>) dst(%dma_wait3A_140 : memref<50176x32xf32, #tpu.memory_space<vmem_shared>>)
        tpu.yield
      }) : () -> ()
      %run_scoped3A_120 = arith.constant 3 : i32
      "tpu.region"() ({
        %run_scoped3A_122 = tpu.sem_alloc : memref<!tpu.dma_semaphore, #tpu.memory_space<semaphore_mem>>
        %dma_start3A_123 = arith.constant 384 : i32
        %dma_start3A_124 = arith.constant 0 : i32
        %dma_start3A_125 = tpu.memref_slice %arg11[%dma_start3A_123, %dma_start3A_124] : memref<512x32xf32, #tpu.memory_space<vmem>> -> memref<128x32xf32, #tpu.memory_space<vmem>>
        %dma_start3A_126 = arith.constant 0 : i32
        %dma_start3A_127 = tpu.memref_slice %arg9[%run_scoped3A_120, %dma_start3A_126] : memref<4x128xi32, #tpu.memory_space<vmem>> -> memref<1x128xi32, #tpu.memory_space<vmem>>
        %dma_start3A_128 = tpu.memref_squeeze %dma_start3A_127 : memref<1x128xi32, #tpu.memory_space<vmem>> -> memref<128xi32, #tpu.memory_space<vmem>>
        %dma_start3A_129 = arith.constant 0 : i32
        %dma_start3A_130 = arith.constant 0 : i32
        %dma_start3A_131 = tpu.memref_slice %arg12[%dma_start3A_129, %dma_start3A_130] : memref<50176x32xf32, #tpu.memory_space<vmem_shared>> -> memref<50176x32xf32, #tpu.memory_space<vmem_shared>>
        tpu.enqueue_indirect_dma source(%dma_start3A_125 : memref<128x32xf32, #tpu.memory_space<vmem>>) target(%dma_start3A_131 : memref<50176x32xf32, #tpu.memory_space<vmem_shared>>) offsets(%dma_start3A_128 : memref<128xi32, #tpu.memory_space<vmem>>) semaphore(%run_scoped3A_122 : memref<!tpu.dma_semaphore, #tpu.memory_space<semaphore_mem>>) {add = true}
        %dma_wait3A_132 = arith.constant 384 : i32
        %dma_wait3A_133 = arith.constant 0 : i32
        %dma_wait3A_134 = tpu.memref_slice %arg11[%dma_wait3A_132, %dma_wait3A_133] : memref<512x32xf32, #tpu.memory_space<vmem>> -> memref<128x32xf32, #tpu.memory_space<vmem>>
        %dma_wait3A_135 = arith.constant 0 : i32
        %dma_wait3A_136 = tpu.memref_slice %arg9[%run_scoped3A_120, %dma_wait3A_135] : memref<4x128xi32, #tpu.memory_space<vmem>> -> memref<1x128xi32, #tpu.memory_space<vmem>>
        %dma_wait3A_137 = tpu.memref_squeeze %dma_wait3A_136 : memref<1x128xi32, #tpu.memory_space<vmem>> -> memref<128xi32, #tpu.memory_space<vmem>>
        %dma_wait3A_138 = arith.constant 0 : i32
        %dma_wait3A_139 = arith.constant 0 : i32
        %dma_wait3A_140 = tpu.memref_slice %arg12[%dma_wait3A_138, %dma_wait3A_139] : memref<50176x32xf32, #tpu.memory_space<vmem_shared>> -> memref<50176x32xf32, #tpu.memory_space<vmem_shared>>
        tpu.wait_indirect_dma semaphore(%run_scoped3A_122 : memref<!tpu.dma_semaphore, #tpu.memory_space<semaphore_mem>>) src(%dma_wait3A_134 : memref<128x32xf32, #tpu.memory_space<vmem>>) dst(%dma_wait3A_140 : memref<50176x32xf32, #tpu.memory_space<vmem_shared>>)
        tpu.yield
      }) : () -> ()
      %scan3A_121 = arith.constant 0 : i32
      scf.yield %scan3A_121 : i32
    }
    %scan3A_13 = arith.constant 98 : i32
    %barrier3A_14 = arith.constant 0 : index
    tpu.barrier barrier_id(%barrier3A_14)
    %mul3A_15 = arith.constant 3136 : i32
    %mul3A_16 = arith.muli %arg1, %mul3A_15 : i32
    %mul3A_17 = arith.constant 3136 : i32
    %mul3A_18 = arith.muli %arg1, %mul3A_17 : i32
    "tpu.region"() ({
      %run_scoped3A = tpu.sem_alloc : memref<!tpu.dma_semaphore, #tpu.memory_space<semaphore_mem>>
      %dma_start3A = arith.constant 0 : i32
      %dma_start3A_19 = tpu.memref_slice %arg7[%arg0, %mul3A_18, %dma_start3A] : memref<2x50176x32xf32, #tpu.memory_space<hbm>> -> memref<1x3136x32xf32, #tpu.memory_space<hbm>>
      %dma_start3A_20 = tpu.memref_squeeze %dma_start3A_19 : memref<1x3136x32xf32, #tpu.memory_space<hbm>> -> memref<3136x32xf32, #tpu.memory_space<hbm>>
      %dma_start3A_21 = arith.constant 0 : i32
      %dma_start3A_22 = tpu.memref_slice %arg12[%mul3A_16, %dma_start3A_21] : memref<50176x32xf32, #tpu.memory_space<vmem_shared>> -> memref<3136x32xf32, #tpu.memory_space<vmem_shared>>
      tpu.enqueue_dma source(%dma_start3A_22 : memref<3136x32xf32, #tpu.memory_space<vmem_shared>>) target(%dma_start3A_20 : memref<3136x32xf32, #tpu.memory_space<hbm>>) target_semaphore(%run_scoped3A : memref<!tpu.dma_semaphore, #tpu.memory_space<semaphore_mem>>)
      %dma_wait3A = arith.constant 0 : i32
      %dma_wait3A_23 = tpu.memref_slice %arg7[%arg0, %mul3A_18, %dma_wait3A] : memref<2x50176x32xf32, #tpu.memory_space<hbm>> -> memref<1x3136x32xf32, #tpu.memory_space<hbm>>
      %dma_wait3A_24 = tpu.memref_squeeze %dma_wait3A_23 : memref<1x3136x32xf32, #tpu.memory_space<hbm>> -> memref<3136x32xf32, #tpu.memory_space<hbm>>
      %dma_wait3A_25 = arith.constant 0 : i32
      %dma_wait3A_26 = tpu.memref_slice %arg12[%mul3A_16, %dma_wait3A_25] : memref<50176x32xf32, #tpu.memory_space<vmem_shared>> -> memref<3136x32xf32, #tpu.memory_space<vmem_shared>>
      tpu.wait_dma2 semaphore(%run_scoped3A : memref<!tpu.dma_semaphore, #tpu.memory_space<semaphore_mem>>) src(%dma_wait3A_26 : memref<3136x32xf32, #tpu.memory_space<vmem_shared>>) dst(%dma_wait3A_24 : memref<3136x32xf32, #tpu.memory_space<hbm>>)
      tpu.yield
    }) : () -> ()
    return
  }
}

#map = affine_map<(d0, d1) -> (0, 0)>
#map1 = affine_map<(d0, d1) -> (0)>
#map2 = affine_map<(d0, d1) -> (0, 0, 0)>
module attributes {stable_mosaic.version = 14 : i64} {
  func.func @_k2(%arg0: i32, %arg1: i32, %arg2: memref<6272x128xi32, #tpu.memory_space<hbm>>, %arg3: memref<6272x128xi32, #tpu.memory_space<hbm>>, %arg4: memref<802816xf32, #tpu.memory_space<hbm>>, %arg5: memref<100352x32xf32, #tpu.memory_space<hbm>>, %arg6: memref<3136x32xf32, #tpu.memory_space<hbm>>, %arg7: memref<2x50176x32xf32, #tpu.memory_space<hbm>>, %arg8: memref<4x128xi32, #tpu.memory_space<vmem>>, %arg9: memref<4x128xi32, #tpu.memory_space<vmem>>, %arg10: memref<512xf32, #tpu.memory_space<vmem>>, %arg11: memref<512x32xf32, #tpu.memory_space<vmem>>, %arg12: memref<50176x32xf32, #tpu.memory_space<vmem_shared>>, %arg13: memref<!tpu.dma_semaphore, #tpu.memory_space<semaphore_mem>>) attributes {dimension_semantics = [#tpu.dimension_semantics<core_parallel>, #tpu.dimension_semantics<subcore_parallel>], iteration_bounds = array<i64: 2, 16>, scalar_prefetch = 0 : i64, scratch_operands = 6 : i64, tpu.core_type = #tpu.core_type<sc_vector_subcore>, window_params = [{transform_indices = #map}, {transform_indices = #map}, {transform_indices = #map1}, {transform_indices = #map}, {transform_indices = #map}, {transform_indices = #map2}]} {
    %iota3A = tpu.iota {dimensions = array<i32: 0>} : vector<16xi32>
    %mul3A = arith.constant 3136 : i32
    %mul3A_0 = arith.muli %arg1, %mul3A : i32
    "tpu.region"() ({
      %run_scoped3A = tpu.sem_alloc : memref<!tpu.dma_semaphore, #tpu.memory_space<semaphore_mem>>
      %dma_start3A = arith.constant 0 : i32
      %dma_start3A_19 = tpu.memref_slice %arg12[%mul3A_0, %dma_start3A] : memref<50176x32xf32, #tpu.memory_space<vmem_shared>> -> memref<3136x32xf32, #tpu.memory_space<vmem_shared>>
      tpu.enqueue_dma source(%arg6 : memref<3136x32xf32, #tpu.memory_space<hbm>>) target(%dma_start3A_19 : memref<3136x32xf32, #tpu.memory_space<vmem_shared>>) target_semaphore(%run_scoped3A : memref<!tpu.dma_semaphore, #tpu.memory_space<semaphore_mem>>)
      %dma_wait3A = arith.constant 0 : i32
      %dma_wait3A_20 = tpu.memref_slice %arg12[%mul3A_0, %dma_wait3A] : memref<50176x32xf32, #tpu.memory_space<vmem_shared>> -> memref<3136x32xf32, #tpu.memory_space<vmem_shared>>
      tpu.wait_dma2 semaphore(%run_scoped3A : memref<!tpu.dma_semaphore, #tpu.memory_space<semaphore_mem>>) src(%arg6 : memref<3136x32xf32, #tpu.memory_space<hbm>>) dst(%dma_wait3A_20 : memref<3136x32xf32, #tpu.memory_space<vmem_shared>>)
      tpu.yield
    }) : () -> ()
    %barrier3A = arith.constant 0 : index
    tpu.barrier barrier_id(%barrier3A)
    %mul3A_1 = arith.constant 392 : i32
    %mul3A_2 = arith.muli %arg1, %mul3A_1 : i32
    %mul3A_3 = arith.constant 128 : i32
    %mul3A_4 = arith.muli %mul3A_2, %mul3A_3 : i32
    %broadcast_in_dim3A = vector.broadcast %arg0 : i32 to vector<16xi32>
    %broadcast_in_dim3A_5 = arith.constant 50176 : i32
    %broadcast_in_dim3A_6 = vector.broadcast %broadcast_in_dim3A_5 : i32 to vector<16xi32>
    %mul3A_7 = arith.muli %broadcast_in_dim3A, %broadcast_in_dim3A_6 : vector<16xi32>
    %scan3A = arith.constant 0 : i32
    %scan3A_8 = arith.constant 0 : i32
    %scan3A_9 = arith.constant 98 : i32
    %scan3A_10 = arith.addi %scan3A_8, %scan3A_9 : i32
    %scan3A_11 = arith.constant 1 : i32
    %scan3A_12 = scf.for %scan3A_19 = %scan3A_8 to %scan3A_10 step %scan3A_11 iter_args(%scan3A_20 = %scan3A) -> (i32)  : i32 {
      %mul3A_21 = arith.constant 4 : i32
      %mul3A_22 = arith.muli %scan3A_19, %mul3A_21 : i32
      %add3A = arith.addi %mul3A_2, %mul3A_22 : i32
      "tpu.region"() ({
        %run_scoped3A_122 = tpu.sem_alloc : memref<!tpu.dma_semaphore, #tpu.memory_space<semaphore_mem>>
        %dma_start3A_123 = arith.constant 0 : i32
        %dma_start3A_124 = tpu.memref_slice %arg2[%add3A, %dma_start3A_123] : memref<6272x128xi32, #tpu.memory_space<hbm>> -> memref<4x128xi32, #tpu.memory_space<hbm>>
        %dma_start3A_125 = arith.constant 0 : i32
        %dma_start3A_126 = tpu.memref_slice %arg2[%add3A, %dma_start3A_125] : memref<6272x128xi32, #tpu.memory_space<hbm>> -> memref<4x128xi32, #tpu.memory_space<hbm>>
        tpu.enqueue_dma source(%dma_start3A_126 : memref<4x128xi32, #tpu.memory_space<hbm>>) target(%arg8 : memref<4x128xi32, #tpu.memory_space<vmem>>) target_semaphore(%run_scoped3A_122 : memref<!tpu.dma_semaphore, #tpu.memory_space<semaphore_mem>>)
        %dma_wait3A_127 = arith.constant 0 : i32
        %dma_wait3A_128 = tpu.memref_slice %arg2[%add3A, %dma_wait3A_127] : memref<6272x128xi32, #tpu.memory_space<hbm>> -> memref<4x128xi32, #tpu.memory_space<hbm>>
        %dma_wait3A_129 = arith.constant 0 : i32
        %dma_wait3A_130 = tpu.memref_slice %arg2[%add3A, %dma_wait3A_129] : memref<6272x128xi32, #tpu.memory_space<hbm>> -> memref<4x128xi32, #tpu.memory_space<hbm>>
        tpu.wait_dma2 semaphore(%run_scoped3A_122 : memref<!tpu.dma_semaphore, #tpu.memory_space<semaphore_mem>>) src(%dma_wait3A_130 : memref<4x128xi32, #tpu.memory_space<hbm>>) dst(%arg8 : memref<4x128xi32, #tpu.memory_space<vmem>>)
        tpu.yield
      }) : () -> ()
      "tpu.region"() ({
        %run_scoped3A_122 = tpu.sem_alloc : memref<!tpu.dma_semaphore, #tpu.memory_space<semaphore_mem>>
        %dma_start3A_123 = arith.constant 0 : i32
        %dma_start3A_124 = tpu.memref_slice %arg3[%add3A, %dma_start3A_123] : memref<6272x128xi32, #tpu.memory_space<hbm>> -> memref<4x128xi32, #tpu.memory_space<hbm>>
        %dma_start3A_125 = arith.constant 0 : i32
        %dma_start3A_126 = tpu.memref_slice %arg3[%add3A, %dma_start3A_125] : memref<6272x128xi32, #tpu.memory_space<hbm>> -> memref<4x128xi32, #tpu.memory_space<hbm>>
        tpu.enqueue_dma source(%dma_start3A_126 : memref<4x128xi32, #tpu.memory_space<hbm>>) target(%arg9 : memref<4x128xi32, #tpu.memory_space<vmem>>) target_semaphore(%run_scoped3A_122 : memref<!tpu.dma_semaphore, #tpu.memory_space<semaphore_mem>>)
        %dma_wait3A_127 = arith.constant 0 : i32
        %dma_wait3A_128 = tpu.memref_slice %arg3[%add3A, %dma_wait3A_127] : memref<6272x128xi32, #tpu.memory_space<hbm>> -> memref<4x128xi32, #tpu.memory_space<hbm>>
        %dma_wait3A_129 = arith.constant 0 : i32
        %dma_wait3A_130 = tpu.memref_slice %arg3[%add3A, %dma_wait3A_129] : memref<6272x128xi32, #tpu.memory_space<hbm>> -> memref<4x128xi32, #tpu.memory_space<hbm>>
        tpu.wait_dma2 semaphore(%run_scoped3A_122 : memref<!tpu.dma_semaphore, #tpu.memory_space<semaphore_mem>>) src(%dma_wait3A_130 : memref<4x128xi32, #tpu.memory_space<hbm>>) dst(%arg9 : memref<4x128xi32, #tpu.memory_space<vmem>>)
        tpu.yield
      }) : () -> ()
      %mul3A_23 = arith.constant 512 : i32
      %mul3A_24 = arith.muli %scan3A_19, %mul3A_23 : i32
      %add3A_25 = arith.addi %mul3A_4, %mul3A_24 : i32
      "tpu.region"() ({
        %run_scoped3A_122 = tpu.sem_alloc : memref<!tpu.dma_semaphore, #tpu.memory_space<semaphore_mem>>
        %dma_start3A_123 = tpu.memref_slice %arg4[%add3A_25] : memref<802816xf32, #tpu.memory_space<hbm>> -> memref<512xf32, #tpu.memory_space<hbm>>
        %dma_start3A_124 = tpu.memref_slice %arg4[%add3A_25] : memref<802816xf32, #tpu.memory_space<hbm>> -> memref<512xf32, #tpu.memory_space<hbm>>
        tpu.enqueue_dma source(%dma_start3A_124 : memref<512xf32, #tpu.memory_space<hbm>>) target(%arg10 : memref<512xf32, #tpu.memory_space<vmem>>) target_semaphore(%run_scoped3A_122 : memref<!tpu.dma_semaphore, #tpu.memory_space<semaphore_mem>>)
        %dma_wait3A_125 = tpu.memref_slice %arg4[%add3A_25] : memref<802816xf32, #tpu.memory_space<hbm>> -> memref<512xf32, #tpu.memory_space<hbm>>
        %dma_wait3A_126 = tpu.memref_slice %arg4[%add3A_25] : memref<802816xf32, #tpu.memory_space<hbm>> -> memref<512xf32, #tpu.memory_space<hbm>>
        tpu.wait_dma2 semaphore(%run_scoped3A_122 : memref<!tpu.dma_semaphore, #tpu.memory_space<semaphore_mem>>) src(%dma_wait3A_126 : memref<512xf32, #tpu.memory_space<hbm>>) dst(%arg10 : memref<512xf32, #tpu.memory_space<vmem>>)
        tpu.yield
      }) : () -> ()
      %scan3A_26 = arith.constant 0 : i32
      %scan3A_27 = arith.constant 0 : i32
      %scan3A_28 = arith.constant 32 : i32
      %scan3A_29 = arith.addi %scan3A_27, %scan3A_28 : i32
      %scan3A_30 = arith.constant 1 : i32
      %scan3A_31 = scf.for %scan3A_122 = %scan3A_27 to %scan3A_29 step %scan3A_30 iter_args(%scan3A_123 = %scan3A_26) -> (i32)  : i32 {
        %jit3A = arith.constant 8 : i32
        %div3A = arith.divsi %scan3A_122, %jit3A : i32
        %sign3A = arith.constant 0 : i32
        %sign3A_124 = arith.cmpi sgt, %scan3A_122, %sign3A : i32
        %sign3A_125 = arith.extui %sign3A_124 : i1 to i32
        %sign3A_126 = arith.constant 0 : i32
        %sign3A_127 = arith.cmpi slt, %scan3A_122, %sign3A_126 : i32
        %sign3A_128 = arith.extui %sign3A_127 : i1 to i32
        %sign3A_129 = arith.subi %sign3A_125, %sign3A_128 : i32
        %sign3A_130 = arith.constant 0 : i32
        %sign3A_131 = arith.cmpi sgt, %jit3A, %sign3A_130 : i32
        %sign3A_132 = arith.extui %sign3A_131 : i1 to i32
        %sign3A_133 = arith.constant 0 : i32
        %sign3A_134 = arith.cmpi slt, %jit3A, %sign3A_133 : i32
        %sign3A_135 = arith.extui %sign3A_134 : i1 to i32
        %sign3A_136 = arith.subi %sign3A_132, %sign3A_135 : i32
        %ne3A = arith.cmpi ne, %sign3A_129, %sign3A_136 : i32
        %rem3A = arith.remsi %scan3A_122, %jit3A : i32
        %ne3A_137 = arith.constant 0 : i32
        %ne3A_138 = arith.cmpi ne, %rem3A, %ne3A_137 : i32
        %and3A = arith.andi %ne3A, %ne3A_138 : i1
        %sub3A = arith.constant 1 : i32
        %sub3A_139 = arith.subi %div3A, %sub3A : i32
        %select_n3A = arith.select %and3A, %sub3A_139, %div3A : i32
        %jit3A_140 = arith.constant 8 : i32
        %eq3A = arith.constant 0 : i32
        %eq3A_141 = arith.cmpi eq, %jit3A_140, %eq3A : i32
        %jit3A_142 = arith.constant 1 : i32
        %select_n3A_143 = arith.select %eq3A_141, %jit3A_142, %jit3A_140 : i32
        %rem3A_144 = arith.remsi %scan3A_122, %select_n3A_143 : i32
        %ne3A_145 = arith.constant 0 : i32
        %ne3A_146 = arith.cmpi ne, %rem3A_144, %ne3A_145 : i32
        %lt3A = arith.constant 0 : i32
        %lt3A_147 = arith.cmpi slt, %rem3A_144, %lt3A : i32
        %lt3A_148 = arith.constant 0 : i32
        %lt3A_149 = arith.cmpi slt, %select_n3A_143, %lt3A_148 : i32
        %ne3A_150 = arith.xori %lt3A_147, %lt3A_149 : i1
        %and3A_151 = arith.andi %ne3A_150, %ne3A_146 : i1
        %add3A_152 = arith.addi %rem3A_144, %select_n3A_143 : i32
        %select_n3A_153 = arith.select %and3A_151, %add3A_152, %rem3A_144 : i32
        %mul3A_154 = arith.constant 16 : i32
        %mul3A_155 = arith.muli %select_n3A_153, %mul3A_154 : i32
        %get3A = arith.index_cast %select_n3A : i32 to index
        %get3A_156 = arith.index_cast %mul3A_155 : i32 to index
        %get3A_157 = tpu.vector_load %arg8[%get3A, %get3A_156] {strides = array<i32>} : memref<4x128xi32, #tpu.memory_space<vmem>>, vector<16xi32>,
        %add3A_158 = arith.addi %get3A_157, %mul3A_7 : vector<16xi32>
        %swap3A = arith.index_cast %select_n3A : i32 to index
        %swap3A_159 = arith.index_cast %mul3A_155 : i32 to index
        %swap3A_160 = tpu.vector_load %arg8[%swap3A, %swap3A_159] {strides = array<i32>} : memref<4x128xi32, #tpu.memory_space<vmem>>, vector<16xi32>,
        tpu.vector_store %arg8[%swap3A, %swap3A_159], %add3A_158 {strides = array<i32>} : memref<4x128xi32, #tpu.memory_space<vmem>>, vector<16xi32>,
        %scan3A_161 = arith.constant 0 : i32
        scf.yield %scan3A_161 : i32
      }
      %scan3A_32 = arith.constant 32 : i32
      %dma_start3A = arith.constant 0 : i32
      %dma_start3A_33 = arith.constant 0 : i32
      %dma_start3A_34 = arith.constant 0 : i32
      %dma_start3A_35 = tpu.memref_slice %arg11[%dma_start3A_33, %dma_start3A_34] : memref<512x32xf32, #tpu.memory_space<vmem>> -> memref<128x32xf32, #tpu.memory_space<vmem>>
      %dma_start3A_36 = arith.constant 0 : i32
      %dma_start3A_37 = tpu.memref_slice %arg8[%dma_start3A, %dma_start3A_36] : memref<4x128xi32, #tpu.memory_space<vmem>> -> memref<1x128xi32, #tpu.memory_space<vmem>>
      %dma_start3A_38 = tpu.memref_squeeze %dma_start3A_37 : memref<1x128xi32, #tpu.memory_space<vmem>> -> memref<128xi32, #tpu.memory_space<vmem>>
      %dma_start3A_39 = arith.constant 0 : i32
      %dma_start3A_40 = arith.constant 0 : i32
      %dma_start3A_41 = tpu.memref_slice %arg5[%dma_start3A_39, %dma_start3A_40] : memref<100352x32xf32, #tpu.memory_space<hbm>> -> memref<100352x32xf32, #tpu.memory_space<hbm>>
      tpu.enqueue_indirect_dma source(%dma_start3A_41 : memref<100352x32xf32, #tpu.memory_space<hbm>>) target(%dma_start3A_35 : memref<128x32xf32, #tpu.memory_space<vmem>>) offsets(%dma_start3A_38 : memref<128xi32, #tpu.memory_space<vmem>>) semaphore(%arg13 : memref<!tpu.dma_semaphore, #tpu.memory_space<semaphore_mem>>)
      %dma_start3A_42 = arith.constant 1 : i32
      %dma_start3A_43 = arith.constant 128 : i32
      %dma_start3A_44 = arith.constant 0 : i32
      %dma_start3A_45 = tpu.memref_slice %arg11[%dma_start3A_43, %dma_start3A_44] : memref<512x32xf32, #tpu.memory_space<vmem>> -> memref<128x32xf32, #tpu.memory_space<vmem>>
      %dma_start3A_46 = arith.constant 0 : i32
      %dma_start3A_47 = tpu.memref_slice %arg8[%dma_start3A_42, %dma_start3A_46] : memref<4x128xi32, #tpu.memory_space<vmem>> -> memref<1x128xi32, #tpu.memory_space<vmem>>
      %dma_start3A_48 = tpu.memref_squeeze %dma_start3A_47 : memref<1x128xi32, #tpu.memory_space<vmem>> -> memref<128xi32, #tpu.memory_space<vmem>>
      %dma_start3A_49 = arith.constant 0 : i32
      %dma_start3A_50 = arith.constant 0 : i32
      %dma_start3A_51 = tpu.memref_slice %arg5[%dma_start3A_49, %dma_start3A_50] : memref<100352x32xf32, #tpu.memory_space<hbm>> -> memref<100352x32xf32, #tpu.memory_space<hbm>>
      tpu.enqueue_indirect_dma source(%dma_start3A_51 : memref<100352x32xf32, #tpu.memory_space<hbm>>) target(%dma_start3A_45 : memref<128x32xf32, #tpu.memory_space<vmem>>) offsets(%dma_start3A_48 : memref<128xi32, #tpu.memory_space<vmem>>) semaphore(%arg13 : memref<!tpu.dma_semaphore, #tpu.memory_space<semaphore_mem>>)
      %dma_start3A_52 = arith.constant 2 : i32
      %dma_start3A_53 = arith.constant 256 : i32
      %dma_start3A_54 = arith.constant 0 : i32
      %dma_start3A_55 = tpu.memref_slice %arg11[%dma_start3A_53, %dma_start3A_54] : memref<512x32xf32, #tpu.memory_space<vmem>> -> memref<128x32xf32, #tpu.memory_space<vmem>>
      %dma_start3A_56 = arith.constant 0 : i32
      %dma_start3A_57 = tpu.memref_slice %arg8[%dma_start3A_52, %dma_start3A_56] : memref<4x128xi32, #tpu.memory_space<vmem>> -> memref<1x128xi32, #tpu.memory_space<vmem>>
      %dma_start3A_58 = tpu.memref_squeeze %dma_start3A_57 : memref<1x128xi32, #tpu.memory_space<vmem>> -> memref<128xi32, #tpu.memory_space<vmem>>
      %dma_start3A_59 = arith.constant 0 : i32
      %dma_start3A_60 = arith.constant 0 : i32
      %dma_start3A_61 = tpu.memref_slice %arg5[%dma_start3A_59, %dma_start3A_60] : memref<100352x32xf32, #tpu.memory_space<hbm>> -> memref<100352x32xf32, #tpu.memory_space<hbm>>
      tpu.enqueue_indirect_dma source(%dma_start3A_61 : memref<100352x32xf32, #tpu.memory_space<hbm>>) target(%dma_start3A_55 : memref<128x32xf32, #tpu.memory_space<vmem>>) offsets(%dma_start3A_58 : memref<128xi32, #tpu.memory_space<vmem>>) semaphore(%arg13 : memref<!tpu.dma_semaphore, #tpu.memory_space<semaphore_mem>>)
      %dma_start3A_62 = arith.constant 3 : i32
      %dma_start3A_63 = arith.constant 384 : i32
      %dma_start3A_64 = arith.constant 0 : i32
      %dma_start3A_65 = tpu.memref_slice %arg11[%dma_start3A_63, %dma_start3A_64] : memref<512x32xf32, #tpu.memory_space<vmem>> -> memref<128x32xf32, #tpu.memory_space<vmem>>
      %dma_start3A_66 = arith.constant 0 : i32
      %dma_start3A_67 = tpu.memref_slice %arg8[%dma_start3A_62, %dma_start3A_66] : memref<4x128xi32, #tpu.memory_space<vmem>> -> memref<1x128xi32, #tpu.memory_space<vmem>>
      %dma_start3A_68 = tpu.memref_squeeze %dma_start3A_67 : memref<1x128xi32, #tpu.memory_space<vmem>> -> memref<128xi32, #tpu.memory_space<vmem>>
      %dma_start3A_69 = arith.constant 0 : i32
      %dma_start3A_70 = arith.constant 0 : i32
      %dma_start3A_71 = tpu.memref_slice %arg5[%dma_start3A_69, %dma_start3A_70] : memref<100352x32xf32, #tpu.memory_space<hbm>> -> memref<100352x32xf32, #tpu.memory_space<hbm>>
      tpu.enqueue_indirect_dma source(%dma_start3A_71 : memref<100352x32xf32, #tpu.memory_space<hbm>>) target(%dma_start3A_65 : memref<128x32xf32, #tpu.memory_space<vmem>>) offsets(%dma_start3A_68 : memref<128xi32, #tpu.memory_space<vmem>>) semaphore(%arg13 : memref<!tpu.dma_semaphore, #tpu.memory_space<semaphore_mem>>)
      %dma_wait3A = arith.constant 0 : i32
      %dma_wait3A_72 = arith.constant 0 : i32
      %dma_wait3A_73 = arith.constant 0 : i32
      %dma_wait3A_74 = tpu.memref_slice %arg11[%dma_wait3A_72, %dma_wait3A_73] : memref<512x32xf32, #tpu.memory_space<vmem>> -> memref<128x32xf32, #tpu.memory_space<vmem>>
      %dma_wait3A_75 = arith.constant 0 : i32
      %dma_wait3A_76 = tpu.memref_slice %arg8[%dma_wait3A, %dma_wait3A_75] : memref<4x128xi32, #tpu.memory_space<vmem>> -> memref<1x128xi32, #tpu.memory_space<vmem>>
      %dma_wait3A_77 = tpu.memref_squeeze %dma_wait3A_76 : memref<1x128xi32, #tpu.memory_space<vmem>> -> memref<128xi32, #tpu.memory_space<vmem>>
      %dma_wait3A_78 = arith.constant 0 : i32
      %dma_wait3A_79 = arith.constant 0 : i32
      %dma_wait3A_80 = tpu.memref_slice %arg5[%dma_wait3A_78, %dma_wait3A_79] : memref<100352x32xf32, #tpu.memory_space<hbm>> -> memref<100352x32xf32, #tpu.memory_space<hbm>>
      tpu.wait_indirect_dma semaphore(%arg13 : memref<!tpu.dma_semaphore, #tpu.memory_space<semaphore_mem>>) src(%dma_wait3A_80 : memref<100352x32xf32, #tpu.memory_space<hbm>>) dst(%dma_wait3A_74 : memref<128x32xf32, #tpu.memory_space<vmem>>)
      %dma_wait3A_81 = arith.constant 1 : i32
      %dma_wait3A_82 = arith.constant 128 : i32
      %dma_wait3A_83 = arith.constant 0 : i32
      %dma_wait3A_84 = tpu.memref_slice %arg11[%dma_wait3A_82, %dma_wait3A_83] : memref<512x32xf32, #tpu.memory_space<vmem>> -> memref<128x32xf32, #tpu.memory_space<vmem>>
      %dma_wait3A_85 = arith.constant 0 : i32
      %dma_wait3A_86 = tpu.memref_slice %arg8[%dma_wait3A_81, %dma_wait3A_85] : memref<4x128xi32, #tpu.memory_space<vmem>> -> memref<1x128xi32, #tpu.memory_space<vmem>>
      %dma_wait3A_87 = tpu.memref_squeeze %dma_wait3A_86 : memref<1x128xi32, #tpu.memory_space<vmem>> -> memref<128xi32, #tpu.memory_space<vmem>>
      %dma_wait3A_88 = arith.constant 0 : i32
      %dma_wait3A_89 = arith.constant 0 : i32
      %dma_wait3A_90 = tpu.memref_slice %arg5[%dma_wait3A_88, %dma_wait3A_89] : memref<100352x32xf32, #tpu.memory_space<hbm>> -> memref<100352x32xf32, #tpu.memory_space<hbm>>
      tpu.wait_indirect_dma semaphore(%arg13 : memref<!tpu.dma_semaphore, #tpu.memory_space<semaphore_mem>>) src(%dma_wait3A_90 : memref<100352x32xf32, #tpu.memory_space<hbm>>) dst(%dma_wait3A_84 : memref<128x32xf32, #tpu.memory_space<vmem>>)
      %dma_wait3A_91 = arith.constant 2 : i32
      %dma_wait3A_92 = arith.constant 256 : i32
      %dma_wait3A_93 = arith.constant 0 : i32
      %dma_wait3A_94 = tpu.memref_slice %arg11[%dma_wait3A_92, %dma_wait3A_93] : memref<512x32xf32, #tpu.memory_space<vmem>> -> memref<128x32xf32, #tpu.memory_space<vmem>>
      %dma_wait3A_95 = arith.constant 0 : i32
      %dma_wait3A_96 = tpu.memref_slice %arg8[%dma_wait3A_91, %dma_wait3A_95] : memref<4x128xi32, #tpu.memory_space<vmem>> -> memref<1x128xi32, #tpu.memory_space<vmem>>
      %dma_wait3A_97 = tpu.memref_squeeze %dma_wait3A_96 : memref<1x128xi32, #tpu.memory_space<vmem>> -> memref<128xi32, #tpu.memory_space<vmem>>
      %dma_wait3A_98 = arith.constant 0 : i32
      %dma_wait3A_99 = arith.constant 0 : i32
      %dma_wait3A_100 = tpu.memref_slice %arg5[%dma_wait3A_98, %dma_wait3A_99] : memref<100352x32xf32, #tpu.memory_space<hbm>> -> memref<100352x32xf32, #tpu.memory_space<hbm>>
      tpu.wait_indirect_dma semaphore(%arg13 : memref<!tpu.dma_semaphore, #tpu.memory_space<semaphore_mem>>) src(%dma_wait3A_100 : memref<100352x32xf32, #tpu.memory_space<hbm>>) dst(%dma_wait3A_94 : memref<128x32xf32, #tpu.memory_space<vmem>>)
      %dma_wait3A_101 = arith.constant 3 : i32
      %dma_wait3A_102 = arith.constant 384 : i32
      %dma_wait3A_103 = arith.constant 0 : i32
      %dma_wait3A_104 = tpu.memref_slice %arg11[%dma_wait3A_102, %dma_wait3A_103] : memref<512x32xf32, #tpu.memory_space<vmem>> -> memref<128x32xf32, #tpu.memory_space<vmem>>
      %dma_wait3A_105 = arith.constant 0 : i32
      %dma_wait3A_106 = tpu.memref_slice %arg8[%dma_wait3A_101, %dma_wait3A_105] : memref<4x128xi32, #tpu.memory_space<vmem>> -> memref<1x128xi32, #tpu.memory_space<vmem>>
      %dma_wait3A_107 = tpu.memref_squeeze %dma_wait3A_106 : memref<1x128xi32, #tpu.memory_space<vmem>> -> memref<128xi32, #tpu.memory_space<vmem>>
      %dma_wait3A_108 = arith.constant 0 : i32
      %dma_wait3A_109 = arith.constant 0 : i32
      %dma_wait3A_110 = tpu.memref_slice %arg5[%dma_wait3A_108, %dma_wait3A_109] : memref<100352x32xf32, #tpu.memory_space<hbm>> -> memref<100352x32xf32, #tpu.memory_space<hbm>>
      tpu.wait_indirect_dma semaphore(%arg13 : memref<!tpu.dma_semaphore, #tpu.memory_space<semaphore_mem>>) src(%dma_wait3A_110 : memref<100352x32xf32, #tpu.memory_space<hbm>>) dst(%dma_wait3A_104 : memref<128x32xf32, #tpu.memory_space<vmem>>)
      %scan3A_111 = arith.constant 0 : i32
      %scan3A_112 = arith.constant 0 : i32
      %scan3A_113 = arith.constant 32 : i32
      %scan3A_114 = arith.addi %scan3A_112, %scan3A_113 : i32
      %scan3A_115 = arith.constant 1 : i32
      %scan3A_116 = scf.for %scan3A_122 = %scan3A_112 to %scan3A_114 step %scan3A_115 iter_args(%scan3A_123 = %scan3A_111) -> (i32)  : i32 {
        %mul3A_124 = arith.constant 16 : i32
        %mul3A_125 = arith.muli %scan3A_122, %mul3A_124 : i32
        %get3A = arith.index_cast %mul3A_125 : i32 to index
        %get3A_126 = tpu.vector_load %arg10[%get3A] {strides = array<i32>} : memref<512xf32, #tpu.memory_space<vmem>>, vector<16xf32>,
        %mul3A_127 = arith.constant 16 : i32
        %mul3A_128 = arith.muli %scan3A_122, %mul3A_127 : i32
        %broadcast_in_dim3A_129 = vector.broadcast %mul3A_128 : i32 to vector<16xi32>
        %add3A_130 = arith.addi %iota3A, %broadcast_in_dim3A_129 : vector<16xi32>
        %broadcast_in_dim3A_131 = arith.constant 0 : i32
        %broadcast_in_dim3A_132 = vector.broadcast %broadcast_in_dim3A_131 : i32 to vector<16xi32>
        %gather3A = tpu.vector_load_idx %arg11[%add3A_130, %broadcast_in_dim3A_132] : memref<512x32xf32, #tpu.memory_space<vmem>>[vector<16xi32>, vector<16xi32>], vector<16xf32>,
        %mul3A_133 = arith.mulf %gather3A, %get3A_126 : vector<16xf32>
        tpu.vector_store_idx %arg11[%add3A_130, %broadcast_in_dim3A_132], %mul3A_133 : memref<512x32xf32, #tpu.memory_space<vmem>>[vector<16xi32>, vector<16xi32>], vector<16xf32>,
        %broadcast_in_dim3A_134 = arith.constant 1 : i32
        %broadcast_in_dim3A_135 = vector.broadcast %broadcast_in_dim3A_134 : i32 to vector<16xi32>
        %gather3A_136 = tpu.vector_load_idx %arg11[%add3A_130, %broadcast_in_dim3A_135] : memref<512x32xf32, #tpu.memory_space<vmem>>[vector<16xi32>, vector<16xi32>], vector<16xf32>,
        %mul3A_137 = arith.mulf %gather3A_136, %get3A_126 : vector<16xf32>
        tpu.vector_store_idx %arg11[%add3A_130, %broadcast_in_dim3A_135], %mul3A_137 : memref<512x32xf32, #tpu.memory_space<vmem>>[vector<16xi32>, vector<16xi32>], vector<16xf32>,
        %broadcast_in_dim3A_138 = arith.constant 2 : i32
        %broadcast_in_dim3A_139 = vector.broadcast %broadcast_in_dim3A_138 : i32 to vector<16xi32>
        %gather3A_140 = tpu.vector_load_idx %arg11[%add3A_130, %broadcast_in_dim3A_139] : memref<512x32xf32, #tpu.memory_space<vmem>>[vector<16xi32>, vector<16xi32>], vector<16xf32>,
        %mul3A_141 = arith.mulf %gather3A_140, %get3A_126 : vector<16xf32>
        tpu.vector_store_idx %arg11[%add3A_130, %broadcast_in_dim3A_139], %mul3A_141 : memref<512x32xf32, #tpu.memory_space<vmem>>[vector<16xi32>, vector<16xi32>], vector<16xf32>,
        %broadcast_in_dim3A_142 = arith.constant 3 : i32
        %broadcast_in_dim3A_143 = vector.broadcast %broadcast_in_dim3A_142 : i32 to vector<16xi32>
        %gather3A_144 = tpu.vector_load_idx %arg11[%add3A_130, %broadcast_in_dim3A_143] : memref<512x32xf32, #tpu.memory_space<vmem>>[vector<16xi32>, vector<16xi32>], vector<16xf32>,
        %mul3A_145 = arith.mulf %gather3A_144, %get3A_126 : vector<16xf32>
        tpu.vector_store_idx %arg11[%add3A_130, %broadcast_in_dim3A_143], %mul3A_145 : memref<512x32xf32, #tpu.memory_space<vmem>>[vector<16xi32>, vector<16xi32>], vector<16xf32>,
        %broadcast_in_dim3A_146 = arith.constant 4 : i32
        %broadcast_in_dim3A_147 = vector.broadcast %broadcast_in_dim3A_146 : i32 to vector<16xi32>
        %gather3A_148 = tpu.vector_load_idx %arg11[%add3A_130, %broadcast_in_dim3A_147] : memref<512x32xf32, #tpu.memory_space<vmem>>[vector<16xi32>, vector<16xi32>], vector<16xf32>,
        %mul3A_149 = arith.mulf %gather3A_148, %get3A_126 : vector<16xf32>
        tpu.vector_store_idx %arg11[%add3A_130, %broadcast_in_dim3A_147], %mul3A_149 : memref<512x32xf32, #tpu.memory_space<vmem>>[vector<16xi32>, vector<16xi32>], vector<16xf32>,
        %broadcast_in_dim3A_150 = arith.constant 5 : i32
        %broadcast_in_dim3A_151 = vector.broadcast %broadcast_in_dim3A_150 : i32 to vector<16xi32>
        %gather3A_152 = tpu.vector_load_idx %arg11[%add3A_130, %broadcast_in_dim3A_151] : memref<512x32xf32, #tpu.memory_space<vmem>>[vector<16xi32>, vector<16xi32>], vector<16xf32>,
        %mul3A_153 = arith.mulf %gather3A_152, %get3A_126 : vector<16xf32>
        tpu.vector_store_idx %arg11[%add3A_130, %broadcast_in_dim3A_151], %mul3A_153 : memref<512x32xf32, #tpu.memory_space<vmem>>[vector<16xi32>, vector<16xi32>], vector<16xf32>,
        %broadcast_in_dim3A_154 = arith.constant 6 : i32
        %broadcast_in_dim3A_155 = vector.broadcast %broadcast_in_dim3A_154 : i32 to vector<16xi32>
        %gather3A_156 = tpu.vector_load_idx %arg11[%add3A_130, %broadcast_in_dim3A_155] : memref<512x32xf32, #tpu.memory_space<vmem>>[vector<16xi32>, vector<16xi32>], vector<16xf32>,
        %mul3A_157 = arith.mulf %gather3A_156, %get3A_126 : vector<16xf32>
        tpu.vector_store_idx %arg11[%add3A_130, %broadcast_in_dim3A_155], %mul3A_157 : memref<512x32xf32, #tpu.memory_space<vmem>>[vector<16xi32>, vector<16xi32>], vector<16xf32>,
        %broadcast_in_dim3A_158 = arith.constant 7 : i32
        %broadcast_in_dim3A_159 = vector.broadcast %broadcast_in_dim3A_158 : i32 to vector<16xi32>
        %gather3A_160 = tpu.vector_load_idx %arg11[%add3A_130, %broadcast_in_dim3A_159] : memref<512x32xf32, #tpu.memory_space<vmem>>[vector<16xi32>, vector<16xi32>], vector<16xf32>,
        %mul3A_161 = arith.mulf %gather3A_160, %get3A_126 : vector<16xf32>
        tpu.vector_store_idx %arg11[%add3A_130, %broadcast_in_dim3A_159], %mul3A_161 : memref<512x32xf32, #tpu.memory_space<vmem>>[vector<16xi32>, vector<16xi32>], vector<16xf32>,
        %broadcast_in_dim3A_162 = arith.constant 8 : i32
        %broadcast_in_dim3A_163 = vector.broadcast %broadcast_in_dim3A_162 : i32 to vector<16xi32>
        %gather3A_164 = tpu.vector_load_idx %arg11[%add3A_130, %broadcast_in_dim3A_163] : memref<512x32xf32, #tpu.memory_space<vmem>>[vector<16xi32>, vector<16xi32>], vector<16xf32>,
        %mul3A_165 = arith.mulf %gather3A_164, %get3A_126 : vector<16xf32>
        tpu.vector_store_idx %arg11[%add3A_130, %broadcast_in_dim3A_163], %mul3A_165 : memref<512x32xf32, #tpu.memory_space<vmem>>[vector<16xi32>, vector<16xi32>], vector<16xf32>,
        %broadcast_in_dim3A_166 = arith.constant 9 : i32
        %broadcast_in_dim3A_167 = vector.broadcast %broadcast_in_dim3A_166 : i32 to vector<16xi32>
        %gather3A_168 = tpu.vector_load_idx %arg11[%add3A_130, %broadcast_in_dim3A_167] : memref<512x32xf32, #tpu.memory_space<vmem>>[vector<16xi32>, vector<16xi32>], vector<16xf32>,
        %mul3A_169 = arith.mulf %gather3A_168, %get3A_126 : vector<16xf32>
        tpu.vector_store_idx %arg11[%add3A_130, %broadcast_in_dim3A_167], %mul3A_169 : memref<512x32xf32, #tpu.memory_space<vmem>>[vector<16xi32>, vector<16xi32>], vector<16xf32>,
        %broadcast_in_dim3A_170 = arith.constant 10 : i32
        %broadcast_in_dim3A_171 = vector.broadcast %broadcast_in_dim3A_170 : i32 to vector<16xi32>
        %gather3A_172 = tpu.vector_load_idx %arg11[%add3A_130, %broadcast_in_dim3A_171] : memref<512x32xf32, #tpu.memory_space<vmem>>[vector<16xi32>, vector<16xi32>], vector<16xf32>,
        %mul3A_173 = arith.mulf %gather3A_172, %get3A_126 : vector<16xf32>
        tpu.vector_store_idx %arg11[%add3A_130, %broadcast_in_dim3A_171], %mul3A_173 : memref<512x32xf32, #tpu.memory_space<vmem>>[vector<16xi32>, vector<16xi32>], vector<16xf32>,
        %broadcast_in_dim3A_174 = arith.constant 11 : i32
        %broadcast_in_dim3A_175 = vector.broadcast %broadcast_in_dim3A_174 : i32 to vector<16xi32>
        %gather3A_176 = tpu.vector_load_idx %arg11[%add3A_130, %broadcast_in_dim3A_175] : memref<512x32xf32, #tpu.memory_space<vmem>>[vector<16xi32>, vector<16xi32>], vector<16xf32>,
        %mul3A_177 = arith.mulf %gather3A_176, %get3A_126 : vector<16xf32>
        tpu.vector_store_idx %arg11[%add3A_130, %broadcast_in_dim3A_175], %mul3A_177 : memref<512x32xf32, #tpu.memory_space<vmem>>[vector<16xi32>, vector<16xi32>], vector<16xf32>,
        %broadcast_in_dim3A_178 = arith.constant 12 : i32
        %broadcast_in_dim3A_179 = vector.broadcast %broadcast_in_dim3A_178 : i32 to vector<16xi32>
        %gather3A_180 = tpu.vector_load_idx %arg11[%add3A_130, %broadcast_in_dim3A_179] : memref<512x32xf32, #tpu.memory_space<vmem>>[vector<16xi32>, vector<16xi32>], vector<16xf32>,
        %mul3A_181 = arith.mulf %gather3A_180, %get3A_126 : vector<16xf32>
        tpu.vector_store_idx %arg11[%add3A_130, %broadcast_in_dim3A_179], %mul3A_181 : memref<512x32xf32, #tpu.memory_space<vmem>>[vector<16xi32>, vector<16xi32>], vector<16xf32>,
        %broadcast_in_dim3A_182 = arith.constant 13 : i32
        %broadcast_in_dim3A_183 = vector.broadcast %broadcast_in_dim3A_182 : i32 to vector<16xi32>
        %gather3A_184 = tpu.vector_load_idx %arg11[%add3A_130, %broadcast_in_dim3A_183] : memref<512x32xf32, #tpu.memory_space<vmem>>[vector<16xi32>, vector<16xi32>], vector<16xf32>,
        %mul3A_185 = arith.mulf %gather3A_184, %get3A_126 : vector<16xf32>
        tpu.vector_store_idx %arg11[%add3A_130, %broadcast_in_dim3A_183], %mul3A_185 : memref<512x32xf32, #tpu.memory_space<vmem>>[vector<16xi32>, vector<16xi32>], vector<16xf32>,
        %broadcast_in_dim3A_186 = arith.constant 14 : i32
        %broadcast_in_dim3A_187 = vector.broadcast %broadcast_in_dim3A_186 : i32 to vector<16xi32>
        %gather3A_188 = tpu.vector_load_idx %arg11[%add3A_130, %broadcast_in_dim3A_187] : memref<512x32xf32, #tpu.memory_space<vmem>>[vector<16xi32>, vector<16xi32>], vector<16xf32>,
        %mul3A_189 = arith.mulf %gather3A_188, %get3A_126 : vector<16xf32>
        tpu.vector_store_idx %arg11[%add3A_130, %broadcast_in_dim3A_187], %mul3A_189 : memref<512x32xf32, #tpu.memory_space<vmem>>[vector<16xi32>, vector<16xi32>], vector<16xf32>,
        %broadcast_in_dim3A_190 = arith.constant 15 : i32
        %broadcast_in_dim3A_191 = vector.broadcast %broadcast_in_dim3A_190 : i32 to vector<16xi32>
        %gather3A_192 = tpu.vector_load_idx %arg11[%add3A_130, %broadcast_in_dim3A_191] : memref<512x32xf32, #tpu.memory_space<vmem>>[vector<16xi32>, vector<16xi32>], vector<16xf32>,
        %mul3A_193 = arith.mulf %gather3A_192, %get3A_126 : vector<16xf32>
        tpu.vector_store_idx %arg11[%add3A_130, %broadcast_in_dim3A_191], %mul3A_193 : memref<512x32xf32, #tpu.memory_space<vmem>>[vector<16xi32>, vector<16xi32>], vector<16xf32>,
        %broadcast_in_dim3A_194 = arith.constant 16 : i32
        %broadcast_in_dim3A_195 = vector.broadcast %broadcast_in_dim3A_194 : i32 to vector<16xi32>
        %gather3A_196 = tpu.vector_load_idx %arg11[%add3A_130, %broadcast_in_dim3A_195] : memref<512x32xf32, #tpu.memory_space<vmem>>[vector<16xi32>, vector<16xi32>], vector<16xf32>,
        %mul3A_197 = arith.mulf %gather3A_196, %get3A_126 : vector<16xf32>
        tpu.vector_store_idx %arg11[%add3A_130, %broadcast_in_dim3A_195], %mul3A_197 : memref<512x32xf32, #tpu.memory_space<vmem>>[vector<16xi32>, vector<16xi32>], vector<16xf32>,
        %broadcast_in_dim3A_198 = arith.constant 17 : i32
        %broadcast_in_dim3A_199 = vector.broadcast %broadcast_in_dim3A_198 : i32 to vector<16xi32>
        %gather3A_200 = tpu.vector_load_idx %arg11[%add3A_130, %broadcast_in_dim3A_199] : memref<512x32xf32, #tpu.memory_space<vmem>>[vector<16xi32>, vector<16xi32>], vector<16xf32>,
        %mul3A_201 = arith.mulf %gather3A_200, %get3A_126 : vector<16xf32>
        tpu.vector_store_idx %arg11[%add3A_130, %broadcast_in_dim3A_199], %mul3A_201 : memref<512x32xf32, #tpu.memory_space<vmem>>[vector<16xi32>, vector<16xi32>], vector<16xf32>,
        %broadcast_in_dim3A_202 = arith.constant 18 : i32
        %broadcast_in_dim3A_203 = vector.broadcast %broadcast_in_dim3A_202 : i32 to vector<16xi32>
        %gather3A_204 = tpu.vector_load_idx %arg11[%add3A_130, %broadcast_in_dim3A_203] : memref<512x32xf32, #tpu.memory_space<vmem>>[vector<16xi32>, vector<16xi32>], vector<16xf32>,
        %mul3A_205 = arith.mulf %gather3A_204, %get3A_126 : vector<16xf32>
        tpu.vector_store_idx %arg11[%add3A_130, %broadcast_in_dim3A_203], %mul3A_205 : memref<512x32xf32, #tpu.memory_space<vmem>>[vector<16xi32>, vector<16xi32>], vector<16xf32>,
        %broadcast_in_dim3A_206 = arith.constant 19 : i32
        %broadcast_in_dim3A_207 = vector.broadcast %broadcast_in_dim3A_206 : i32 to vector<16xi32>
        %gather3A_208 = tpu.vector_load_idx %arg11[%add3A_130, %broadcast_in_dim3A_207] : memref<512x32xf32, #tpu.memory_space<vmem>>[vector<16xi32>, vector<16xi32>], vector<16xf32>,
        %mul3A_209 = arith.mulf %gather3A_208, %get3A_126 : vector<16xf32>
        tpu.vector_store_idx %arg11[%add3A_130, %broadcast_in_dim3A_207], %mul3A_209 : memref<512x32xf32, #tpu.memory_space<vmem>>[vector<16xi32>, vector<16xi32>], vector<16xf32>,
        %broadcast_in_dim3A_210 = arith.constant 20 : i32
        %broadcast_in_dim3A_211 = vector.broadcast %broadcast_in_dim3A_210 : i32 to vector<16xi32>
        %gather3A_212 = tpu.vector_load_idx %arg11[%add3A_130, %broadcast_in_dim3A_211] : memref<512x32xf32, #tpu.memory_space<vmem>>[vector<16xi32>, vector<16xi32>], vector<16xf32>,
        %mul3A_213 = arith.mulf %gather3A_212, %get3A_126 : vector<16xf32>
        tpu.vector_store_idx %arg11[%add3A_130, %broadcast_in_dim3A_211], %mul3A_213 : memref<512x32xf32, #tpu.memory_space<vmem>>[vector<16xi32>, vector<16xi32>], vector<16xf32>,
        %broadcast_in_dim3A_214 = arith.constant 21 : i32
        %broadcast_in_dim3A_215 = vector.broadcast %broadcast_in_dim3A_214 : i32 to vector<16xi32>
        %gather3A_216 = tpu.vector_load_idx %arg11[%add3A_130, %broadcast_in_dim3A_215] : memref<512x32xf32, #tpu.memory_space<vmem>>[vector<16xi32>, vector<16xi32>], vector<16xf32>,
        %mul3A_217 = arith.mulf %gather3A_216, %get3A_126 : vector<16xf32>
        tpu.vector_store_idx %arg11[%add3A_130, %broadcast_in_dim3A_215], %mul3A_217 : memref<512x32xf32, #tpu.memory_space<vmem>>[vector<16xi32>, vector<16xi32>], vector<16xf32>,
        %broadcast_in_dim3A_218 = arith.constant 22 : i32
        %broadcast_in_dim3A_219 = vector.broadcast %broadcast_in_dim3A_218 : i32 to vector<16xi32>
        %gather3A_220 = tpu.vector_load_idx %arg11[%add3A_130, %broadcast_in_dim3A_219] : memref<512x32xf32, #tpu.memory_space<vmem>>[vector<16xi32>, vector<16xi32>], vector<16xf32>,
        %mul3A_221 = arith.mulf %gather3A_220, %get3A_126 : vector<16xf32>
        tpu.vector_store_idx %arg11[%add3A_130, %broadcast_in_dim3A_219], %mul3A_221 : memref<512x32xf32, #tpu.memory_space<vmem>>[vector<16xi32>, vector<16xi32>], vector<16xf32>,
        %broadcast_in_dim3A_222 = arith.constant 23 : i32
        %broadcast_in_dim3A_223 = vector.broadcast %broadcast_in_dim3A_222 : i32 to vector<16xi32>
        %gather3A_224 = tpu.vector_load_idx %arg11[%add3A_130, %broadcast_in_dim3A_223] : memref<512x32xf32, #tpu.memory_space<vmem>>[vector<16xi32>, vector<16xi32>], vector<16xf32>,
        %mul3A_225 = arith.mulf %gather3A_224, %get3A_126 : vector<16xf32>
        tpu.vector_store_idx %arg11[%add3A_130, %broadcast_in_dim3A_223], %mul3A_225 : memref<512x32xf32, #tpu.memory_space<vmem>>[vector<16xi32>, vector<16xi32>], vector<16xf32>,
        %broadcast_in_dim3A_226 = arith.constant 24 : i32
        %broadcast_in_dim3A_227 = vector.broadcast %broadcast_in_dim3A_226 : i32 to vector<16xi32>
        %gather3A_228 = tpu.vector_load_idx %arg11[%add3A_130, %broadcast_in_dim3A_227] : memref<512x32xf32, #tpu.memory_space<vmem>>[vector<16xi32>, vector<16xi32>], vector<16xf32>,
        %mul3A_229 = arith.mulf %gather3A_228, %get3A_126 : vector<16xf32>
        tpu.vector_store_idx %arg11[%add3A_130, %broadcast_in_dim3A_227], %mul3A_229 : memref<512x32xf32, #tpu.memory_space<vmem>>[vector<16xi32>, vector<16xi32>], vector<16xf32>,
        %broadcast_in_dim3A_230 = arith.constant 25 : i32
        %broadcast_in_dim3A_231 = vector.broadcast %broadcast_in_dim3A_230 : i32 to vector<16xi32>
        %gather3A_232 = tpu.vector_load_idx %arg11[%add3A_130, %broadcast_in_dim3A_231] : memref<512x32xf32, #tpu.memory_space<vmem>>[vector<16xi32>, vector<16xi32>], vector<16xf32>,
        %mul3A_233 = arith.mulf %gather3A_232, %get3A_126 : vector<16xf32>
        tpu.vector_store_idx %arg11[%add3A_130, %broadcast_in_dim3A_231], %mul3A_233 : memref<512x32xf32, #tpu.memory_space<vmem>>[vector<16xi32>, vector<16xi32>], vector<16xf32>,
        %broadcast_in_dim3A_234 = arith.constant 26 : i32
        %broadcast_in_dim3A_235 = vector.broadcast %broadcast_in_dim3A_234 : i32 to vector<16xi32>
        %gather3A_236 = tpu.vector_load_idx %arg11[%add3A_130, %broadcast_in_dim3A_235] : memref<512x32xf32, #tpu.memory_space<vmem>>[vector<16xi32>, vector<16xi32>], vector<16xf32>,
        %mul3A_237 = arith.mulf %gather3A_236, %get3A_126 : vector<16xf32>
        tpu.vector_store_idx %arg11[%add3A_130, %broadcast_in_dim3A_235], %mul3A_237 : memref<512x32xf32, #tpu.memory_space<vmem>>[vector<16xi32>, vector<16xi32>], vector<16xf32>,
        %broadcast_in_dim3A_238 = arith.constant 27 : i32
        %broadcast_in_dim3A_239 = vector.broadcast %broadcast_in_dim3A_238 : i32 to vector<16xi32>
        %gather3A_240 = tpu.vector_load_idx %arg11[%add3A_130, %broadcast_in_dim3A_239] : memref<512x32xf32, #tpu.memory_space<vmem>>[vector<16xi32>, vector<16xi32>], vector<16xf32>,
        %mul3A_241 = arith.mulf %gather3A_240, %get3A_126 : vector<16xf32>
        tpu.vector_store_idx %arg11[%add3A_130, %broadcast_in_dim3A_239], %mul3A_241 : memref<512x32xf32, #tpu.memory_space<vmem>>[vector<16xi32>, vector<16xi32>], vector<16xf32>,
        %broadcast_in_dim3A_242 = arith.constant 28 : i32
        %broadcast_in_dim3A_243 = vector.broadcast %broadcast_in_dim3A_242 : i32 to vector<16xi32>
        %gather3A_244 = tpu.vector_load_idx %arg11[%add3A_130, %broadcast_in_dim3A_243] : memref<512x32xf32, #tpu.memory_space<vmem>>[vector<16xi32>, vector<16xi32>], vector<16xf32>,
        %mul3A_245 = arith.mulf %gather3A_244, %get3A_126 : vector<16xf32>
        tpu.vector_store_idx %arg11[%add3A_130, %broadcast_in_dim3A_243], %mul3A_245 : memref<512x32xf32, #tpu.memory_space<vmem>>[vector<16xi32>, vector<16xi32>], vector<16xf32>,
        %broadcast_in_dim3A_246 = arith.constant 29 : i32
        %broadcast_in_dim3A_247 = vector.broadcast %broadcast_in_dim3A_246 : i32 to vector<16xi32>
        %gather3A_248 = tpu.vector_load_idx %arg11[%add3A_130, %broadcast_in_dim3A_247] : memref<512x32xf32, #tpu.memory_space<vmem>>[vector<16xi32>, vector<16xi32>], vector<16xf32>,
        %mul3A_249 = arith.mulf %gather3A_248, %get3A_126 : vector<16xf32>
        tpu.vector_store_idx %arg11[%add3A_130, %broadcast_in_dim3A_247], %mul3A_249 : memref<512x32xf32, #tpu.memory_space<vmem>>[vector<16xi32>, vector<16xi32>], vector<16xf32>,
        %broadcast_in_dim3A_250 = arith.constant 30 : i32
        %broadcast_in_dim3A_251 = vector.broadcast %broadcast_in_dim3A_250 : i32 to vector<16xi32>
        %gather3A_252 = tpu.vector_load_idx %arg11[%add3A_130, %broadcast_in_dim3A_251] : memref<512x32xf32, #tpu.memory_space<vmem>>[vector<16xi32>, vector<16xi32>], vector<16xf32>,
        %mul3A_253 = arith.mulf %gather3A_252, %get3A_126 : vector<16xf32>
        tpu.vector_store_idx %arg11[%add3A_130, %broadcast_in_dim3A_251], %mul3A_253 : memref<512x32xf32, #tpu.memory_space<vmem>>[vector<16xi32>, vector<16xi32>], vector<16xf32>,
        %broadcast_in_dim3A_254 = arith.constant 31 : i32
        %broadcast_in_dim3A_255 = vector.broadcast %broadcast_in_dim3A_254 : i32 to vector<16xi32>
        %gather3A_256 = tpu.vector_load_idx %arg11[%add3A_130, %broadcast_in_dim3A_255] : memref<512x32xf32, #tpu.memory_space<vmem>>[vector<16xi32>, vector<16xi32>], vector<16xf32>,
        %mul3A_257 = arith.mulf %gather3A_256, %get3A_126 : vector<16xf32>
        tpu.vector_store_idx %arg11[%add3A_130, %broadcast_in_dim3A_255], %mul3A_257 : memref<512x32xf32, #tpu.memory_space<vmem>>[vector<16xi32>, vector<16xi32>], vector<16xf32>,
        %scan3A_258 = arith.constant 0 : i32
        scf.yield %scan3A_258 : i32
      }
      %scan3A_117 = arith.constant 32 : i32
      %run_scoped3A = arith.constant 0 : i32
      "tpu.region"() ({
        %run_scoped3A_122 = tpu.sem_alloc : memref<!tpu.dma_semaphore, #tpu.memory_space<semaphore_mem>>
        %dma_start3A_123 = arith.constant 0 : i32
        %dma_start3A_124 = arith.constant 0 : i32
        %dma_start3A_125 = tpu.memref_slice %arg11[%dma_start3A_123, %dma_start3A_124] : memref<512x32xf32, #tpu.memory_space<vmem>> -> memref<128x32xf32, #tpu.memory_space<vmem>>
        %dma_start3A_126 = arith.constant 0 : i32
        %dma_start3A_127 = tpu.memref_slice %arg9[%run_scoped3A, %dma_start3A_126] : memref<4x128xi32, #tpu.memory_space<vmem>> -> memref<1x128xi32, #tpu.memory_space<vmem>>
        %dma_start3A_128 = tpu.memref_squeeze %dma_start3A_127 : memref<1x128xi32, #tpu.memory_space<vmem>> -> memref<128xi32, #tpu.memory_space<vmem>>
        %dma_start3A_129 = arith.constant 0 : i32
        %dma_start3A_130 = arith.constant 0 : i32
        %dma_start3A_131 = tpu.memref_slice %arg12[%dma_start3A_129, %dma_start3A_130] : memref<50176x32xf32, #tpu.memory_space<vmem_shared>> -> memref<50176x32xf32, #tpu.memory_space<vmem_shared>>
        tpu.enqueue_indirect_dma source(%dma_start3A_125 : memref<128x32xf32, #tpu.memory_space<vmem>>) target(%dma_start3A_131 : memref<50176x32xf32, #tpu.memory_space<vmem_shared>>) offsets(%dma_start3A_128 : memref<128xi32, #tpu.memory_space<vmem>>) semaphore(%run_scoped3A_122 : memref<!tpu.dma_semaphore, #tpu.memory_space<semaphore_mem>>) {add = true}
        %dma_wait3A_132 = arith.constant 0 : i32
        %dma_wait3A_133 = arith.constant 0 : i32
        %dma_wait3A_134 = tpu.memref_slice %arg11[%dma_wait3A_132, %dma_wait3A_133] : memref<512x32xf32, #tpu.memory_space<vmem>> -> memref<128x32xf32, #tpu.memory_space<vmem>>
        %dma_wait3A_135 = arith.constant 0 : i32
        %dma_wait3A_136 = tpu.memref_slice %arg9[%run_scoped3A, %dma_wait3A_135] : memref<4x128xi32, #tpu.memory_space<vmem>> -> memref<1x128xi32, #tpu.memory_space<vmem>>
        %dma_wait3A_137 = tpu.memref_squeeze %dma_wait3A_136 : memref<1x128xi32, #tpu.memory_space<vmem>> -> memref<128xi32, #tpu.memory_space<vmem>>
        %dma_wait3A_138 = arith.constant 0 : i32
        %dma_wait3A_139 = arith.constant 0 : i32
        %dma_wait3A_140 = tpu.memref_slice %arg12[%dma_wait3A_138, %dma_wait3A_139] : memref<50176x32xf32, #tpu.memory_space<vmem_shared>> -> memref<50176x32xf32, #tpu.memory_space<vmem_shared>>
        tpu.wait_indirect_dma semaphore(%run_scoped3A_122 : memref<!tpu.dma_semaphore, #tpu.memory_space<semaphore_mem>>) src(%dma_wait3A_134 : memref<128x32xf32, #tpu.memory_space<vmem>>) dst(%dma_wait3A_140 : memref<50176x32xf32, #tpu.memory_space<vmem_shared>>)
        tpu.yield
      }) : () -> ()
      %run_scoped3A_118 = arith.constant 1 : i32
      "tpu.region"() ({
        %run_scoped3A_122 = tpu.sem_alloc : memref<!tpu.dma_semaphore, #tpu.memory_space<semaphore_mem>>
        %dma_start3A_123 = arith.constant 128 : i32
        %dma_start3A_124 = arith.constant 0 : i32
        %dma_start3A_125 = tpu.memref_slice %arg11[%dma_start3A_123, %dma_start3A_124] : memref<512x32xf32, #tpu.memory_space<vmem>> -> memref<128x32xf32, #tpu.memory_space<vmem>>
        %dma_start3A_126 = arith.constant 0 : i32
        %dma_start3A_127 = tpu.memref_slice %arg9[%run_scoped3A_118, %dma_start3A_126] : memref<4x128xi32, #tpu.memory_space<vmem>> -> memref<1x128xi32, #tpu.memory_space<vmem>>
        %dma_start3A_128 = tpu.memref_squeeze %dma_start3A_127 : memref<1x128xi32, #tpu.memory_space<vmem>> -> memref<128xi32, #tpu.memory_space<vmem>>
        %dma_start3A_129 = arith.constant 0 : i32
        %dma_start3A_130 = arith.constant 0 : i32
        %dma_start3A_131 = tpu.memref_slice %arg12[%dma_start3A_129, %dma_start3A_130] : memref<50176x32xf32, #tpu.memory_space<vmem_shared>> -> memref<50176x32xf32, #tpu.memory_space<vmem_shared>>
        tpu.enqueue_indirect_dma source(%dma_start3A_125 : memref<128x32xf32, #tpu.memory_space<vmem>>) target(%dma_start3A_131 : memref<50176x32xf32, #tpu.memory_space<vmem_shared>>) offsets(%dma_start3A_128 : memref<128xi32, #tpu.memory_space<vmem>>) semaphore(%run_scoped3A_122 : memref<!tpu.dma_semaphore, #tpu.memory_space<semaphore_mem>>) {add = true}
        %dma_wait3A_132 = arith.constant 128 : i32
        %dma_wait3A_133 = arith.constant 0 : i32
        %dma_wait3A_134 = tpu.memref_slice %arg11[%dma_wait3A_132, %dma_wait3A_133] : memref<512x32xf32, #tpu.memory_space<vmem>> -> memref<128x32xf32, #tpu.memory_space<vmem>>
        %dma_wait3A_135 = arith.constant 0 : i32
        %dma_wait3A_136 = tpu.memref_slice %arg9[%run_scoped3A_118, %dma_wait3A_135] : memref<4x128xi32, #tpu.memory_space<vmem>> -> memref<1x128xi32, #tpu.memory_space<vmem>>
        %dma_wait3A_137 = tpu.memref_squeeze %dma_wait3A_136 : memref<1x128xi32, #tpu.memory_space<vmem>> -> memref<128xi32, #tpu.memory_space<vmem>>
        %dma_wait3A_138 = arith.constant 0 : i32
        %dma_wait3A_139 = arith.constant 0 : i32
        %dma_wait3A_140 = tpu.memref_slice %arg12[%dma_wait3A_138, %dma_wait3A_139] : memref<50176x32xf32, #tpu.memory_space<vmem_shared>> -> memref<50176x32xf32, #tpu.memory_space<vmem_shared>>
        tpu.wait_indirect_dma semaphore(%run_scoped3A_122 : memref<!tpu.dma_semaphore, #tpu.memory_space<semaphore_mem>>) src(%dma_wait3A_134 : memref<128x32xf32, #tpu.memory_space<vmem>>) dst(%dma_wait3A_140 : memref<50176x32xf32, #tpu.memory_space<vmem_shared>>)
        tpu.yield
      }) : () -> ()
      %run_scoped3A_119 = arith.constant 2 : i32
      "tpu.region"() ({
        %run_scoped3A_122 = tpu.sem_alloc : memref<!tpu.dma_semaphore, #tpu.memory_space<semaphore_mem>>
        %dma_start3A_123 = arith.constant 256 : i32
        %dma_start3A_124 = arith.constant 0 : i32
        %dma_start3A_125 = tpu.memref_slice %arg11[%dma_start3A_123, %dma_start3A_124] : memref<512x32xf32, #tpu.memory_space<vmem>> -> memref<128x32xf32, #tpu.memory_space<vmem>>
        %dma_start3A_126 = arith.constant 0 : i32
        %dma_start3A_127 = tpu.memref_slice %arg9[%run_scoped3A_119, %dma_start3A_126] : memref<4x128xi32, #tpu.memory_space<vmem>> -> memref<1x128xi32, #tpu.memory_space<vmem>>
        %dma_start3A_128 = tpu.memref_squeeze %dma_start3A_127 : memref<1x128xi32, #tpu.memory_space<vmem>> -> memref<128xi32, #tpu.memory_space<vmem>>
        %dma_start3A_129 = arith.constant 0 : i32
        %dma_start3A_130 = arith.constant 0 : i32
        %dma_start3A_131 = tpu.memref_slice %arg12[%dma_start3A_129, %dma_start3A_130] : memref<50176x32xf32, #tpu.memory_space<vmem_shared>> -> memref<50176x32xf32, #tpu.memory_space<vmem_shared>>
        tpu.enqueue_indirect_dma source(%dma_start3A_125 : memref<128x32xf32, #tpu.memory_space<vmem>>) target(%dma_start3A_131 : memref<50176x32xf32, #tpu.memory_space<vmem_shared>>) offsets(%dma_start3A_128 : memref<128xi32, #tpu.memory_space<vmem>>) semaphore(%run_scoped3A_122 : memref<!tpu.dma_semaphore, #tpu.memory_space<semaphore_mem>>) {add = true}
        %dma_wait3A_132 = arith.constant 256 : i32
        %dma_wait3A_133 = arith.constant 0 : i32
        %dma_wait3A_134 = tpu.memref_slice %arg11[%dma_wait3A_132, %dma_wait3A_133] : memref<512x32xf32, #tpu.memory_space<vmem>> -> memref<128x32xf32, #tpu.memory_space<vmem>>
        %dma_wait3A_135 = arith.constant 0 : i32
        %dma_wait3A_136 = tpu.memref_slice %arg9[%run_scoped3A_119, %dma_wait3A_135] : memref<4x128xi32, #tpu.memory_space<vmem>> -> memref<1x128xi32, #tpu.memory_space<vmem>>
        %dma_wait3A_137 = tpu.memref_squeeze %dma_wait3A_136 : memref<1x128xi32, #tpu.memory_space<vmem>> -> memref<128xi32, #tpu.memory_space<vmem>>
        %dma_wait3A_138 = arith.constant 0 : i32
        %dma_wait3A_139 = arith.constant 0 : i32
        %dma_wait3A_140 = tpu.memref_slice %arg12[%dma_wait3A_138, %dma_wait3A_139] : memref<50176x32xf32, #tpu.memory_space<vmem_shared>> -> memref<50176x32xf32, #tpu.memory_space<vmem_shared>>
        tpu.wait_indirect_dma semaphore(%run_scoped3A_122 : memref<!tpu.dma_semaphore, #tpu.memory_space<semaphore_mem>>) src(%dma_wait3A_134 : memref<128x32xf32, #tpu.memory_space<vmem>>) dst(%dma_wait3A_140 : memref<50176x32xf32, #tpu.memory_space<vmem_shared>>)
        tpu.yield
      }) : () -> ()
      %run_scoped3A_120 = arith.constant 3 : i32
      "tpu.region"() ({
        %run_scoped3A_122 = tpu.sem_alloc : memref<!tpu.dma_semaphore, #tpu.memory_space<semaphore_mem>>
        %dma_start3A_123 = arith.constant 384 : i32
        %dma_start3A_124 = arith.constant 0 : i32
        %dma_start3A_125 = tpu.memref_slice %arg11[%dma_start3A_123, %dma_start3A_124] : memref<512x32xf32, #tpu.memory_space<vmem>> -> memref<128x32xf32, #tpu.memory_space<vmem>>
        %dma_start3A_126 = arith.constant 0 : i32
        %dma_start3A_127 = tpu.memref_slice %arg9[%run_scoped3A_120, %dma_start3A_126] : memref<4x128xi32, #tpu.memory_space<vmem>> -> memref<1x128xi32, #tpu.memory_space<vmem>>
        %dma_start3A_128 = tpu.memref_squeeze %dma_start3A_127 : memref<1x128xi32, #tpu.memory_space<vmem>> -> memref<128xi32, #tpu.memory_space<vmem>>
        %dma_start3A_129 = arith.constant 0 : i32
        %dma_start3A_130 = arith.constant 0 : i32
        %dma_start3A_131 = tpu.memref_slice %arg12[%dma_start3A_129, %dma_start3A_130] : memref<50176x32xf32, #tpu.memory_space<vmem_shared>> -> memref<50176x32xf32, #tpu.memory_space<vmem_shared>>
        tpu.enqueue_indirect_dma source(%dma_start3A_125 : memref<128x32xf32, #tpu.memory_space<vmem>>) target(%dma_start3A_131 : memref<50176x32xf32, #tpu.memory_space<vmem_shared>>) offsets(%dma_start3A_128 : memref<128xi32, #tpu.memory_space<vmem>>) semaphore(%run_scoped3A_122 : memref<!tpu.dma_semaphore, #tpu.memory_space<semaphore_mem>>) {add = true}
        %dma_wait3A_132 = arith.constant 384 : i32
        %dma_wait3A_133 = arith.constant 0 : i32
        %dma_wait3A_134 = tpu.memref_slice %arg11[%dma_wait3A_132, %dma_wait3A_133] : memref<512x32xf32, #tpu.memory_space<vmem>> -> memref<128x32xf32, #tpu.memory_space<vmem>>
        %dma_wait3A_135 = arith.constant 0 : i32
        %dma_wait3A_136 = tpu.memref_slice %arg9[%run_scoped3A_120, %dma_wait3A_135] : memref<4x128xi32, #tpu.memory_space<vmem>> -> memref<1x128xi32, #tpu.memory_space<vmem>>
        %dma_wait3A_137 = tpu.memref_squeeze %dma_wait3A_136 : memref<1x128xi32, #tpu.memory_space<vmem>> -> memref<128xi32, #tpu.memory_space<vmem>>
        %dma_wait3A_138 = arith.constant 0 : i32
        %dma_wait3A_139 = arith.constant 0 : i32
        %dma_wait3A_140 = tpu.memref_slice %arg12[%dma_wait3A_138, %dma_wait3A_139] : memref<50176x32xf32, #tpu.memory_space<vmem_shared>> -> memref<50176x32xf32, #tpu.memory_space<vmem_shared>>
        tpu.wait_indirect_dma semaphore(%run_scoped3A_122 : memref<!tpu.dma_semaphore, #tpu.memory_space<semaphore_mem>>) src(%dma_wait3A_134 : memref<128x32xf32, #tpu.memory_space<vmem>>) dst(%dma_wait3A_140 : memref<50176x32xf32, #tpu.memory_space<vmem_shared>>)
        tpu.yield
      }) : () -> ()
      %scan3A_121 = arith.constant 0 : i32
      scf.yield %scan3A_121 : i32
    }
    %scan3A_13 = arith.constant 98 : i32
    %barrier3A_14 = arith.constant 0 : index
    tpu.barrier barrier_id(%barrier3A_14)
    %mul3A_15 = arith.constant 3136 : i32
    %mul3A_16 = arith.muli %arg1, %mul3A_15 : i32
    %mul3A_17 = arith.constant 3136 : i32
    %mul3A_18 = arith.muli %arg1, %mul3A_17 : i32
    "tpu.region"() ({
      %run_scoped3A = tpu.sem_alloc : memref<!tpu.dma_semaphore, #tpu.memory_space<semaphore_mem>>
      %dma_start3A = arith.constant 0 : i32
      %dma_start3A_19 = tpu.memref_slice %arg7[%arg0, %mul3A_18, %dma_start3A] : memref<2x50176x32xf32, #tpu.memory_space<hbm>> -> memref<1x3136x32xf32, #tpu.memory_space<hbm>>
      %dma_start3A_20 = tpu.memref_squeeze %dma_start3A_19 : memref<1x3136x32xf32, #tpu.memory_space<hbm>> -> memref<3136x32xf32, #tpu.memory_space<hbm>>
      %dma_start3A_21 = arith.constant 0 : i32
      %dma_start3A_22 = tpu.memref_slice %arg12[%mul3A_16, %dma_start3A_21] : memref<50176x32xf32, #tpu.memory_space<vmem_shared>> -> memref<3136x32xf32, #tpu.memory_space<vmem_shared>>
      tpu.enqueue_dma source(%dma_start3A_22 : memref<3136x32xf32, #tpu.memory_space<vmem_shared>>) target(%dma_start3A_20 : memref<3136x32xf32, #tpu.memory_space<hbm>>) target_semaphore(%run_scoped3A : memref<!tpu.dma_semaphore, #tpu.memory_space<semaphore_mem>>)
      %dma_wait3A = arith.constant 0 : i32
      %dma_wait3A_23 = tpu.memref_slice %arg7[%arg0, %mul3A_18, %dma_wait3A] : memref<2x50176x32xf32, #tpu.memory_space<hbm>> -> memref<1x3136x32xf32, #tpu.memory_space<hbm>>
      %dma_wait3A_24 = tpu.memref_squeeze %dma_wait3A_23 : memref<1x3136x32xf32, #tpu.memory_space<hbm>> -> memref<3136x32xf32, #tpu.memory_space<hbm>>
      %dma_wait3A_25 = arith.constant 0 : i32
      %dma_wait3A_26 = tpu.memref_slice %arg12[%mul3A_16, %dma_wait3A_25] : memref<50176x32xf32, #tpu.memory_space<vmem_shared>> -> memref<3136x32xf32, #tpu.memory_space<vmem_shared>>
      tpu.wait_dma2 semaphore(%run_scoped3A : memref<!tpu.dma_semaphore, #tpu.memory_space<semaphore_mem>>) src(%dma_wait3A_26 : memref<3136x32xf32, #tpu.memory_space<vmem_shared>>) dst(%dma_wait3A_24 : memref<3136x32xf32, #tpu.memory_space<hbm>>)
      tpu.yield
    }) : () -> ()
    return
  }
}

module attributes {stable_mosaic.version = 14 : i64} {
  func.func @_ka_body(%arg0: i32, %arg1: memref<3136x8xf32, #tpu.memory_space<vmem>>, %arg2: memref<3136x8xf32, #tpu.memory_space<vmem>>, %arg3: memref<3136x1xf32, #tpu.memory_space<vmem>>, %arg4: memref<3x64xf32, #tpu.memory_space<vmem>>, %arg5: memref<3136x32xf32, #tpu.memory_space<vmem>>, %arg6: memref<3136x32xf32, #tpu.memory_space<vmem>>, %arg7: memref<3136x8xf32, #tpu.memory_space<vmem>>) attributes {dimension_semantics = [#tpu.dimension_semantics<arbitrary>], iteration_bounds = array<i64: 16>, scalar_prefetch = 0 : i64, scratch_operands = 0 : i64, tpu.core_type = #tpu.core_type<tc>, window_params = [{transform_indices = @transform_0, window_bounds = array<i64: 3136, 8>}, {transform_indices = @transform_1, window_bounds = array<i64: 3136, 8>}, {transform_indices = @transform_2, window_bounds = array<i64: 3136, 1>}, {pipeline_mode = #tpu.pipeline_mode<synchronous>, transform_indices = @transform_3, window_bounds = array<i64: 3, 64>}, {transform_indices = @transform_4, window_bounds = array<i64: 3136, 32>}, {transform_indices = @transform_5, window_bounds = array<i64: 3136, 32>}, {transform_indices = @transform_6, window_bounds = array<i64: 3136, 8>}]} {
    %get3A = arith.constant 0 : index
    %get3A_0 = arith.constant 0 : index
    %get3A_1 = vector.load %arg1[%get3A, %get3A_0] : memref<3136x8xf32, #tpu.memory_space<vmem>>, vector<3136x1xf32>
    %get3A_2 = arith.constant 0 : index
    %get3A_3 = arith.constant 0 : index
    %get3A_4 = vector.load %arg2[%get3A_2, %get3A_3] : memref<3136x8xf32, #tpu.memory_space<vmem>>, vector<3136x1xf32>
    %add3A = arith.addf %get3A_1, %get3A_4 : vector<3136x1xf32>
    %max3A = arith.constant 1.000000e+00 : f32
    %max3A_5 = vector.broadcast %max3A : f32 to vector<3136x1xf32>
    %max3A_6 = arith.maximumf %add3A, %max3A_5 : vector<3136x1xf32>
    %div3A = arith.constant 1.000000e+00 : f32
    %div3A_7 = vector.broadcast %div3A : f32 to vector<3136x1xf32>
    %div3A_8 = arith.divf %div3A_7, %max3A_6 : vector<3136x1xf32>
    %get3A_9 = arith.constant 0 : index
    %get3A_10 = arith.constant 1 : index
    %get3A_11 = vector.load %arg1[%get3A_9, %get3A_10] : memref<3136x8xf32, #tpu.memory_space<vmem>>, vector<3136x1xf32>
    %get3A_12 = arith.constant 0 : index
    %get3A_13 = arith.constant 1 : index
    %get3A_14 = vector.load %arg2[%get3A_12, %get3A_13] : memref<3136x8xf32, #tpu.memory_space<vmem>>, vector<3136x1xf32>
    %add3A_15 = arith.addf %get3A_11, %get3A_14 : vector<3136x1xf32>
    %mul3A = arith.mulf %add3A_15, %div3A_8 : vector<3136x1xf32>
    %get3A_16 = arith.constant 0 : index
    %get3A_17 = arith.constant 2 : index
    %get3A_18 = vector.load %arg1[%get3A_16, %get3A_17] : memref<3136x8xf32, #tpu.memory_space<vmem>>, vector<3136x1xf32>
    %get3A_19 = arith.constant 0 : index
    %get3A_20 = arith.constant 2 : index
    %get3A_21 = vector.load %arg2[%get3A_19, %get3A_20] : memref<3136x8xf32, #tpu.memory_space<vmem>>, vector<3136x1xf32>
    %add3A_22 = arith.addf %get3A_18, %get3A_21 : vector<3136x1xf32>
    %mul3A_23 = arith.mulf %add3A_22, %div3A_8 : vector<3136x1xf32>
    %get3A_24 = arith.constant 0 : index
    %get3A_25 = arith.constant 3 : index
    %get3A_26 = vector.load %arg1[%get3A_24, %get3A_25] : memref<3136x8xf32, #tpu.memory_space<vmem>>, vector<3136x1xf32>
    %get3A_27 = arith.constant 0 : index
    %get3A_28 = arith.constant 3 : index
    %get3A_29 = vector.load %arg2[%get3A_27, %get3A_28] : memref<3136x8xf32, #tpu.memory_space<vmem>>, vector<3136x1xf32>
    %add3A_30 = arith.addf %get3A_26, %get3A_29 : vector<3136x1xf32>
    %mul3A_31 = arith.mulf %add3A_30, %div3A_8 : vector<3136x1xf32>
    %get3A_32 = arith.constant 0 : index
    %get3A_33 = arith.constant 0 : index
    %get3A_34 = vector.load %arg3[%get3A_32, %get3A_33] : memref<3136x1xf32, #tpu.memory_space<vmem>>, vector<3136x1xf32>
    %get3A_35 = arith.constant 0 : index
    %get3A_36 = arith.constant 0 : index
    %get3A_37 = vector.load %arg4[%get3A_35, %get3A_36] : memref<3x64xf32, #tpu.memory_space<vmem>>, vector<1x64xf32>
    %mul3A_38 = vector.broadcast %get3A_34 : vector<3136x1xf32> to vector<3136x64xf32>
    %mul3A_39 = vector.broadcast %get3A_37 : vector<1x64xf32> to vector<3136x64xf32>
    %mul3A_40 = arith.mulf %mul3A_38, %mul3A_39 : vector<3136x64xf32>
    %get3A_41 = arith.constant 1 : index
    %get3A_42 = arith.constant 0 : index
    %get3A_43 = vector.load %arg4[%get3A_41, %get3A_42] : memref<3x64xf32, #tpu.memory_space<vmem>>, vector<1x64xf32>
    %mul3A_44 = vector.broadcast %mul3A : vector<3136x1xf32> to vector<3136x64xf32>
    %mul3A_45 = vector.broadcast %get3A_43 : vector<1x64xf32> to vector<3136x64xf32>
    %mul3A_46 = arith.mulf %mul3A_44, %mul3A_45 : vector<3136x64xf32>
    %add3A_47 = arith.addf %mul3A_40, %mul3A_46 : vector<3136x64xf32>
    %get3A_48 = arith.constant 2 : index
    %get3A_49 = arith.constant 0 : index
    %get3A_50 = vector.load %arg4[%get3A_48, %get3A_49] : memref<3x64xf32, #tpu.memory_space<vmem>>, vector<1x64xf32>
    %add3A_51 = vector.broadcast %get3A_50 : vector<1x64xf32> to vector<3136x64xf32>
    %add3A_52 = arith.addf %add3A_47, %add3A_51 : vector<3136x64xf32>
    %max3A_53 = arith.constant 0.000000e+00 : f32
    %max3A_54 = vector.broadcast %max3A_53 : f32 to vector<3136x64xf32>
    %max3A_55 = arith.maximumf %add3A_52, %max3A_54 : vector<3136x64xf32>
    %slice3A = vector.extract_strided_slice %max3A_55 {offsets = [0, 0], sizes = [3136, 32], strides = [1, 1]} : vector<3136x64xf32> to vector<3136x32xf32>
    %swap3A = arith.constant 0 : index
    %swap3A_56 = arith.constant 0 : index
    %swap3A_57 = vector.load %arg5[%swap3A, %swap3A_56] : memref<3136x32xf32, #tpu.memory_space<vmem>>, vector<3136x32xf32>
    tpu.vector_store %arg5[%swap3A, %swap3A_56], %slice3A {strides = array<i32>} : memref<3136x32xf32, #tpu.memory_space<vmem>>, vector<3136x32xf32>,
    %slice3A_58 = vector.extract_strided_slice %max3A_55 {offsets = [0, 32], sizes = [3136, 32], strides = [1, 1]} : vector<3136x64xf32> to vector<3136x32xf32>
    %swap3A_59 = arith.constant 0 : index
    %swap3A_60 = arith.constant 0 : index
    %swap3A_61 = vector.load %arg6[%swap3A_59, %swap3A_60] : memref<3136x32xf32, #tpu.memory_space<vmem>>, vector<3136x32xf32>
    tpu.vector_store %arg6[%swap3A_59, %swap3A_60], %slice3A_58 {strides = array<i32>} : memref<3136x32xf32, #tpu.memory_space<vmem>>, vector<3136x32xf32>,
    %broadcast_in_dim3A = arith.constant 0.000000e+00 : f32
    %broadcast_in_dim3A_62 = vector.broadcast %broadcast_in_dim3A : f32 to vector<3136x3xf32>
    %concatenate3A = tpu.concatenate %div3A_8, %mul3A_23, %mul3A_31, %get3A_34, %add3A, %broadcast_in_dim3A_62 in 1 : vector<3136x1xf32>, vector<3136x1xf32>, vector<3136x1xf32>, vector<3136x1xf32>, vector<3136x1xf32>, vector<3136x3xf32> -> vector<3136x8xf32>
    %swap3A_63 = arith.constant 0 : index
    %swap3A_64 = arith.constant 0 : index
    %swap3A_65 = vector.load %arg7[%swap3A_63, %swap3A_64] : memref<3136x8xf32, #tpu.memory_space<vmem>>, vector<3136x8xf32>
    tpu.vector_store %arg7[%swap3A_63, %swap3A_64], %concatenate3A {strides = array<i32>} : memref<3136x8xf32, #tpu.memory_space<vmem>>, vector<3136x8xf32>,
    return
  }
  func.func @transform_0(%arg0: i32) -> (i32, i32) {
    %c0_i32 = arith.constant 0 : i32
    %c0_i32_0 = arith.constant 0 : i32
    return %arg0, %c0_i32 : i32, i32
  }
  func.func @transform_1(%arg0: i32) -> (i32, i32) {
    %c0_i32 = arith.constant 0 : i32
    %c0_i32_0 = arith.constant 0 : i32
    return %arg0, %c0_i32 : i32, i32
  }
  func.func @transform_2(%arg0: i32) -> (i32, i32) {
    %c0_i32 = arith.constant 0 : i32
    %c0_i32_0 = arith.constant 0 : i32
    return %arg0, %c0_i32 : i32, i32
  }
  func.func @transform_3(%arg0: i32) -> (i32, i32) {
    %c0_i32 = arith.constant 0 : i32
    %c0_i32_0 = arith.constant 0 : i32
    %c0_i32_1 = arith.constant 0 : i32
    return %c0_i32, %c0_i32_0 : i32, i32
  }
  func.func @transform_4(%arg0: i32) -> (i32, i32) {
    %c0_i32 = arith.constant 0 : i32
    %c0_i32_0 = arith.constant 0 : i32
    return %arg0, %c0_i32 : i32, i32
  }
  func.func @transform_5(%arg0: i32) -> (i32, i32) {
    %c0_i32 = arith.constant 0 : i32
    %c0_i32_0 = arith.constant 0 : i32
    return %arg0, %c0_i32 : i32, i32
  }
  func.func @transform_6(%arg0: i32) -> (i32, i32) {
    %c0_i32 = arith.constant 0 : i32
    %c0_i32_0 = arith.constant 0 : i32
    return %arg0, %c0_i32 : i32, i32
  }
}

module attributes {stable_mosaic.version = 14 : i64} {
  func.func @_kb_body(%arg0: i32, %arg1: memref<3136x32xf32, #tpu.memory_space<vmem>>, %arg2: memref<3136x32xf32, #tpu.memory_space<vmem>>, %arg3: memref<3136x8xf32, #tpu.memory_space<vmem>>, %arg4: memref<64x64xf32, #tpu.memory_space<vmem>>, %arg5: memref<3x64xf32, #tpu.memory_space<vmem>>, %arg6: memref<3136x32xf32, #tpu.memory_space<vmem>>, %arg7: memref<3136x32xf32, #tpu.memory_space<vmem>>) attributes {dimension_semantics = [#tpu.dimension_semantics<arbitrary>], iteration_bounds = array<i64: 16>, scalar_prefetch = 0 : i64, scratch_operands = 0 : i64, tpu.core_type = #tpu.core_type<tc>, window_params = [{transform_indices = @transform_0, window_bounds = array<i64: 3136, 32>}, {transform_indices = @transform_1, window_bounds = array<i64: 3136, 32>}, {transform_indices = @transform_2, window_bounds = array<i64: 3136, 8>}, {pipeline_mode = #tpu.pipeline_mode<synchronous>, transform_indices = @transform_3, window_bounds = array<i64: 64, 64>}, {pipeline_mode = #tpu.pipeline_mode<synchronous>, transform_indices = @transform_4, window_bounds = array<i64: 3, 64>}, {transform_indices = @transform_5, window_bounds = array<i64: 3136, 32>}, {transform_indices = @transform_6, window_bounds = array<i64: 3136, 32>}]} {
    %get3A = arith.constant 0 : index
    %get3A_0 = arith.constant 0 : index
    %get3A_1 = vector.load %arg3[%get3A, %get3A_0] : memref<3136x8xf32, #tpu.memory_space<vmem>>, vector<3136x8xf32>
    %slice3A = vector.extract_strided_slice %get3A_1 {offsets = [0, 0], sizes = [3136, 1], strides = [1, 1]} : vector<3136x8xf32> to vector<3136x1xf32>
    %slice3A_2 = vector.extract_strided_slice %get3A_1 {offsets = [0, 1], sizes = [3136, 1], strides = [1, 1]} : vector<3136x8xf32> to vector<3136x1xf32>
    %slice3A_3 = vector.extract_strided_slice %get3A_1 {offsets = [0, 3], sizes = [3136, 1], strides = [1, 1]} : vector<3136x8xf32> to vector<3136x1xf32>
    %get3A_4 = arith.constant 0 : index
    %get3A_5 = arith.constant 0 : index
    %get3A_6 = vector.load %arg1[%get3A_4, %get3A_5] : memref<3136x32xf32, #tpu.memory_space<vmem>>, vector<3136x32xf32>
    %get3A_7 = arith.constant 0 : index
    %get3A_8 = arith.constant 0 : index
    %get3A_9 = vector.load %arg2[%get3A_7, %get3A_8] : memref<3136x32xf32, #tpu.memory_space<vmem>>, vector<3136x32xf32>
    %concatenate3A = tpu.concatenate %get3A_6, %get3A_9 in 1 : vector<3136x32xf32>, vector<3136x32xf32> -> vector<3136x64xf32>
    %mul3A = vector.broadcast %slice3A : vector<3136x1xf32> to vector<3136x64xf32>
    %mul3A_10 = arith.mulf %concatenate3A, %mul3A : vector<3136x64xf32>
    %get3A_11 = arith.constant 0 : index
    %get3A_12 = arith.constant 0 : index
    %get3A_13 = vector.load %arg4[%get3A_11, %get3A_12] : memref<64x64xf32, #tpu.memory_space<vmem>>, vector<64x64xf32>
    %dot_general3A = arith.constant dense<0.000000e+00> : vector<3136x64xf32>
    %dot_general3A_14 = tpu.matmul %mul3A_10, %get3A_13, %dot_general3A {dimension_numbers = #tpu.dot_dimension_numbers<[1], [0], [0], [1], [0, 0, 1, 1], [], []>, transpose_lhs_hint = false} : vector<3136x64xf32>, vector<64x64xf32>, vector<3136x64xf32> -> vector<3136x64xf32>
    %get3A_15 = arith.constant 0 : index
    %get3A_16 = arith.constant 0 : index
    %get3A_17 = vector.load %arg5[%get3A_15, %get3A_16] : memref<3x64xf32, #tpu.memory_space<vmem>>, vector<1x64xf32>
    %mul3A_18 = vector.broadcast %slice3A_3 : vector<3136x1xf32> to vector<3136x64xf32>
    %mul3A_19 = vector.broadcast %get3A_17 : vector<1x64xf32> to vector<3136x64xf32>
    %mul3A_20 = arith.mulf %mul3A_18, %mul3A_19 : vector<3136x64xf32>
    %add3A = arith.addf %mul3A_20, %dot_general3A_14 : vector<3136x64xf32>
    %get3A_21 = arith.constant 1 : index
    %get3A_22 = arith.constant 0 : index
    %get3A_23 = vector.load %arg5[%get3A_21, %get3A_22] : memref<3x64xf32, #tpu.memory_space<vmem>>, vector<1x64xf32>
    %mul3A_24 = vector.broadcast %slice3A_2 : vector<3136x1xf32> to vector<3136x64xf32>
    %mul3A_25 = vector.broadcast %get3A_23 : vector<1x64xf32> to vector<3136x64xf32>
    %mul3A_26 = arith.mulf %mul3A_24, %mul3A_25 : vector<3136x64xf32>
    %add3A_27 = arith.addf %add3A, %mul3A_26 : vector<3136x64xf32>
    %get3A_28 = arith.constant 2 : index
    %get3A_29 = arith.constant 0 : index
    %get3A_30 = vector.load %arg5[%get3A_28, %get3A_29] : memref<3x64xf32, #tpu.memory_space<vmem>>, vector<1x64xf32>
    %add3A_31 = vector.broadcast %get3A_30 : vector<1x64xf32> to vector<3136x64xf32>
    %add3A_32 = arith.addf %add3A_27, %add3A_31 : vector<3136x64xf32>
    %max3A = arith.constant 0.000000e+00 : f32
    %max3A_33 = vector.broadcast %max3A : f32 to vector<3136x64xf32>
    %max3A_34 = arith.maximumf %add3A_32, %max3A_33 : vector<3136x64xf32>
    %slice3A_35 = vector.extract_strided_slice %max3A_34 {offsets = [0, 0], sizes = [3136, 32], strides = [1, 1]} : vector<3136x64xf32> to vector<3136x32xf32>
    %swap3A = arith.constant 0 : index
    %swap3A_36 = arith.constant 0 : index
    %swap3A_37 = vector.load %arg6[%swap3A, %swap3A_36] : memref<3136x32xf32, #tpu.memory_space<vmem>>, vector<3136x32xf32>
    tpu.vector_store %arg6[%swap3A, %swap3A_36], %slice3A_35 {strides = array<i32>} : memref<3136x32xf32, #tpu.memory_space<vmem>>, vector<3136x32xf32>,
    %slice3A_38 = vector.extract_strided_slice %max3A_34 {offsets = [0, 32], sizes = [3136, 32], strides = [1, 1]} : vector<3136x64xf32> to vector<3136x32xf32>
    %swap3A_39 = arith.constant 0 : index
    %swap3A_40 = arith.constant 0 : index
    %swap3A_41 = vector.load %arg7[%swap3A_39, %swap3A_40] : memref<3136x32xf32, #tpu.memory_space<vmem>>, vector<3136x32xf32>
    tpu.vector_store %arg7[%swap3A_39, %swap3A_40], %slice3A_38 {strides = array<i32>} : memref<3136x32xf32, #tpu.memory_space<vmem>>, vector<3136x32xf32>,
    return
  }
  func.func @transform_0(%arg0: i32) -> (i32, i32) {
    %c0_i32 = arith.constant 0 : i32
    %c0_i32_0 = arith.constant 0 : i32
    return %arg0, %c0_i32 : i32, i32
  }
  func.func @transform_1(%arg0: i32) -> (i32, i32) {
    %c0_i32 = arith.constant 0 : i32
    %c0_i32_0 = arith.constant 0 : i32
    return %arg0, %c0_i32 : i32, i32
  }
  func.func @transform_2(%arg0: i32) -> (i32, i32) {
    %c0_i32 = arith.constant 0 : i32
    %c0_i32_0 = arith.constant 0 : i32
    return %arg0, %c0_i32 : i32, i32
  }
  func.func @transform_3(%arg0: i32) -> (i32, i32) {
    %c0_i32 = arith.constant 0 : i32
    %c0_i32_0 = arith.constant 0 : i32
    %c0_i32_1 = arith.constant 0 : i32
    return %c0_i32, %c0_i32_0 : i32, i32
  }
  func.func @transform_4(%arg0: i32) -> (i32, i32) {
    %c0_i32 = arith.constant 0 : i32
    %c0_i32_0 = arith.constant 0 : i32
    %c0_i32_1 = arith.constant 0 : i32
    return %c0_i32, %c0_i32_0 : i32, i32
  }
  func.func @transform_5(%arg0: i32) -> (i32, i32) {
    %c0_i32 = arith.constant 0 : i32
    %c0_i32_0 = arith.constant 0 : i32
    return %arg0, %c0_i32 : i32, i32
  }
  func.func @transform_6(%arg0: i32) -> (i32, i32) {
    %c0_i32 = arith.constant 0 : i32
    %c0_i32_0 = arith.constant 0 : i32
    return %arg0, %c0_i32 : i32, i32
  }
}

module attributes {stable_mosaic.version = 14 : i64} {
  func.func @_kc_body(%arg0: i32, %arg1: memref<3136x32xf32, #tpu.memory_space<vmem>>, %arg2: memref<3136x32xf32, #tpu.memory_space<vmem>>, %arg3: memref<3136x8xf32, #tpu.memory_space<vmem>>, %arg4: memref<3136x1xi32, #tpu.memory_space<vmem>>, %arg5: memref<64x64xf32, #tpu.memory_space<vmem>>, %arg6: memref<3x64xf32, #tpu.memory_space<vmem>>, %arg7: memref<3136x64xf32, #tpu.memory_space<vmem>>, %arg8: memref<16x64xf32, #tpu.memory_space<vmem>>, %arg9: memref<16x64xf32, #tpu.memory_space<vmem>>, %arg10: memref<16x8xf32, #tpu.memory_space<vmem>>) attributes {dimension_semantics = [#tpu.dimension_semantics<arbitrary>], iteration_bounds = array<i64: 16>, scalar_prefetch = 0 : i64, scratch_operands = 0 : i64, tpu.core_type = #tpu.core_type<tc>, window_params = [{transform_indices = @transform_0, window_bounds = array<i64: 3136, 32>}, {transform_indices = @transform_1, window_bounds = array<i64: 3136, 32>}, {transform_indices = @transform_2, window_bounds = array<i64: 3136, 8>}, {transform_indices = @transform_3, window_bounds = array<i64: 3136, 1>}, {pipeline_mode = #tpu.pipeline_mode<synchronous>, transform_indices = @transform_4, window_bounds = array<i64: 64, 64>}, {pipeline_mode = #tpu.pipeline_mode<synchronous>, transform_indices = @transform_5, window_bounds = array<i64: 3, 64>}, {transform_indices = @transform_6, window_bounds = array<i64: 3136, 64>}, {pipeline_mode = #tpu.pipeline_mode<synchronous>, transform_indices = @transform_7, window_bounds = array<i64: 16, 64>}, {pipeline_mode = #tpu.pipeline_mode<synchronous>, transform_indices = @transform_8, window_bounds = array<i64: 16, 64>}, {pipeline_mode = #tpu.pipeline_mode<synchronous>, transform_indices = @transform_9, window_bounds = array<i64: 16, 8>}]} {
    %get3A = arith.constant 0 : index
    %get3A_0 = arith.constant 0 : index
    %get3A_1 = vector.load %arg3[%get3A, %get3A_0] : memref<3136x8xf32, #tpu.memory_space<vmem>>, vector<3136x8xf32>
    %slice3A = vector.extract_strided_slice %get3A_1 {offsets = [0, 0], sizes = [3136, 1], strides = [1, 1]} : vector<3136x8xf32> to vector<3136x1xf32>
    %slice3A_2 = vector.extract_strided_slice %get3A_1 {offsets = [0, 2], sizes = [3136, 1], strides = [1, 1]} : vector<3136x8xf32> to vector<3136x1xf32>
    %slice3A_3 = vector.extract_strided_slice %get3A_1 {offsets = [0, 3], sizes = [3136, 1], strides = [1, 1]} : vector<3136x8xf32> to vector<3136x1xf32>
    %get3A_4 = arith.constant 0 : index
    %get3A_5 = arith.constant 0 : index
    %get3A_6 = vector.load %arg1[%get3A_4, %get3A_5] : memref<3136x32xf32, #tpu.memory_space<vmem>>, vector<3136x32xf32>
    %get3A_7 = arith.constant 0 : index
    %get3A_8 = arith.constant 0 : index
    %get3A_9 = vector.load %arg2[%get3A_7, %get3A_8] : memref<3136x32xf32, #tpu.memory_space<vmem>>, vector<3136x32xf32>
    %concatenate3A = tpu.concatenate %get3A_6, %get3A_9 in 1 : vector<3136x32xf32>, vector<3136x32xf32> -> vector<3136x64xf32>
    %mul3A = vector.broadcast %slice3A : vector<3136x1xf32> to vector<3136x64xf32>
    %mul3A_10 = arith.mulf %concatenate3A, %mul3A : vector<3136x64xf32>
    %get3A_11 = arith.constant 0 : index
    %get3A_12 = arith.constant 0 : index
    %get3A_13 = vector.load %arg5[%get3A_11, %get3A_12] : memref<64x64xf32, #tpu.memory_space<vmem>>, vector<64x64xf32>
    %dot_general3A = arith.constant dense<0.000000e+00> : vector<3136x64xf32>
    %dot_general3A_14 = tpu.matmul %mul3A_10, %get3A_13, %dot_general3A {dimension_numbers = #tpu.dot_dimension_numbers<[1], [0], [0], [1], [0, 0, 1, 1], [], []>, transpose_lhs_hint = false} : vector<3136x64xf32>, vector<64x64xf32>, vector<3136x64xf32> -> vector<3136x64xf32>
    %get3A_15 = arith.constant 0 : index
    %get3A_16 = arith.constant 0 : index
    %get3A_17 = vector.load %arg6[%get3A_15, %get3A_16] : memref<3x64xf32, #tpu.memory_space<vmem>>, vector<1x64xf32>
    %mul3A_18 = vector.broadcast %slice3A_3 : vector<3136x1xf32> to vector<3136x64xf32>
    %mul3A_19 = vector.broadcast %get3A_17 : vector<1x64xf32> to vector<3136x64xf32>
    %mul3A_20 = arith.mulf %mul3A_18, %mul3A_19 : vector<3136x64xf32>
    %add3A = arith.addf %mul3A_20, %dot_general3A_14 : vector<3136x64xf32>
    %get3A_21 = arith.constant 1 : index
    %get3A_22 = arith.constant 0 : index
    %get3A_23 = vector.load %arg6[%get3A_21, %get3A_22] : memref<3x64xf32, #tpu.memory_space<vmem>>, vector<1x64xf32>
    %mul3A_24 = vector.broadcast %slice3A_2 : vector<3136x1xf32> to vector<3136x64xf32>
    %mul3A_25 = vector.broadcast %get3A_23 : vector<1x64xf32> to vector<3136x64xf32>
    %mul3A_26 = arith.mulf %mul3A_24, %mul3A_25 : vector<3136x64xf32>
    %add3A_27 = arith.addf %add3A, %mul3A_26 : vector<3136x64xf32>
    %get3A_28 = arith.constant 2 : index
    %get3A_29 = arith.constant 0 : index
    %get3A_30 = vector.load %arg6[%get3A_28, %get3A_29] : memref<3x64xf32, #tpu.memory_space<vmem>>, vector<1x64xf32>
    %add3A_31 = vector.broadcast %get3A_30 : vector<1x64xf32> to vector<3136x64xf32>
    %add3A_32 = arith.addf %add3A_27, %add3A_31 : vector<3136x64xf32>
    %max3A = arith.constant 0.000000e+00 : f32
    %max3A_33 = vector.broadcast %max3A : f32 to vector<3136x64xf32>
    %max3A_34 = arith.maximumf %add3A_32, %max3A_33 : vector<3136x64xf32>
    %swap3A = arith.constant 0 : index
    %swap3A_35 = arith.constant 0 : index
    %swap3A_36 = vector.load %arg7[%swap3A, %swap3A_35] : memref<3136x64xf32, #tpu.memory_space<vmem>>, vector<3136x64xf32>
    tpu.vector_store %arg7[%swap3A, %swap3A_35], %max3A_34 {strides = array<i32>} : memref<3136x64xf32, #tpu.memory_space<vmem>>, vector<3136x64xf32>,
    %slice3A_37 = vector.extract_strided_slice %get3A_1 {offsets = [0, 3], sizes = [3136, 1], strides = [1, 1]} : vector<3136x8xf32> to vector<3136x1xf32>
    %get3A_38 = arith.constant 0 : index
    %get3A_39 = arith.constant 0 : index
    %get3A_40 = vector.load %arg4[%get3A_38, %get3A_39] : memref<3136x1xi32, #tpu.memory_space<vmem>>, vector<3136x1xi32>
    %iota3A = tpu.iota {dimensions = array<i32: 1>} : vector<1x16xi32>
    %eq3A = vector.broadcast %get3A_40 : vector<3136x1xi32> to vector<3136x16xi32>
    %eq3A_41 = vector.broadcast %iota3A : vector<1x16xi32> to vector<3136x16xi32>
    %eq3A_42 = arith.cmpi eq, %eq3A, %eq3A_41 : vector<3136x16xi32>
    %convert_element_type3A = arith.extui %eq3A_42 : vector<3136x16xi1> to vector<3136x16xi32>
    %convert_element_type3A_43 = arith.sitofp %convert_element_type3A : vector<3136x16xi32> to vector<3136x16xf32>
    %sub3A = arith.constant 1.000000e+00 : f32
    %sub3A_44 = vector.broadcast %sub3A : f32 to vector<3136x1xf32>
    %sub3A_45 = arith.subf %sub3A_44, %slice3A_37 : vector<3136x1xf32>
    %mul3A_46 = vector.broadcast %sub3A_45 : vector<3136x1xf32> to vector<3136x64xf32>
    %mul3A_47 = arith.mulf %max3A_34, %mul3A_46 : vector<3136x64xf32>
    %dot_general3A_48 = arith.constant dense<0.000000e+00> : vector<16x64xf32>
    %dot_general3A_49 = tpu.matmul %convert_element_type3A_43, %mul3A_47, %dot_general3A_48 {dimension_numbers = #tpu.dot_dimension_numbers<[0], [0], [1], [1], [0, 1, 1, 1], [], []>, transpose_lhs_hint = false} : vector<3136x16xf32>, vector<3136x64xf32>, vector<16x64xf32> -> vector<16x64xf32>
    %mul3A_50 = vector.broadcast %slice3A_37 : vector<3136x1xf32> to vector<3136x64xf32>
    %mul3A_51 = arith.mulf %max3A_34, %mul3A_50 : vector<3136x64xf32>
    %dot_general3A_52 = arith.constant dense<0.000000e+00> : vector<16x64xf32>
    %dot_general3A_53 = tpu.matmul %convert_element_type3A_43, %mul3A_51, %dot_general3A_52 {dimension_numbers = #tpu.dot_dimension_numbers<[0], [0], [1], [1], [0, 1, 1, 1], [], []>, transpose_lhs_hint = false} : vector<3136x16xf32>, vector<3136x64xf32>, vector<16x64xf32> -> vector<16x64xf32>
    %sub3A_54 = arith.constant 1.000000e+00 : f32
    %sub3A_55 = vector.broadcast %sub3A_54 : f32 to vector<3136x1xf32>
    %sub3A_56 = arith.subf %sub3A_55, %slice3A_37 : vector<3136x1xf32>
    %dot_general3A_57 = arith.constant dense<0.000000e+00> : vector<16x1xf32>
    %dot_general3A_58 = tpu.matmul %convert_element_type3A_43, %sub3A_56, %dot_general3A_57 {dimension_numbers = #tpu.dot_dimension_numbers<[0], [0], [1], [1], [0, 1, 1, 1], [], []>, transpose_lhs_hint = false} : vector<3136x16xf32>, vector<3136x1xf32>, vector<16x1xf32> -> vector<16x1xf32>
    %dot_general3A_59 = arith.constant dense<0.000000e+00> : vector<16x1xf32>
    %dot_general3A_60 = tpu.matmul %convert_element_type3A_43, %slice3A_37, %dot_general3A_59 {dimension_numbers = #tpu.dot_dimension_numbers<[0], [0], [1], [1], [0, 1, 1, 1], [], []>, transpose_lhs_hint = false} : vector<3136x16xf32>, vector<3136x1xf32>, vector<16x1xf32> -> vector<16x1xf32>
    %broadcast_in_dim3A = arith.constant 0.000000e+00 : f32
    %broadcast_in_dim3A_61 = vector.broadcast %broadcast_in_dim3A : f32 to vector<16x6xf32>
    %concatenate3A_62 = tpu.concatenate %dot_general3A_58, %dot_general3A_60, %broadcast_in_dim3A_61 in 1 : vector<16x1xf32>, vector<16x1xf32>, vector<16x6xf32> -> vector<16x8xf32>
    %eq3A_63 = arith.constant 0 : i32
    %eq3A_64 = arith.cmpi eq, %arg0, %eq3A_63 : i32
    %convert_element_type3A_65 = arith.extui %eq3A_64 : i1 to i32
    %cond3A = arith.constant 0 : i32
    %cond3A_66 = arith.cmpi ne, %convert_element_type3A_65, %cond3A : i32
    scf.if %cond3A_66 {
      %broadcast_in_dim3A_88 = arith.constant 0.000000e+00 : f32
      %broadcast_in_dim3A_89 = vector.broadcast %broadcast_in_dim3A_88 : f32 to vector<16x64xf32>
      %swap3A_90 = arith.constant 0 : index
      %swap3A_91 = arith.constant 0 : index
      %swap3A_92 = vector.load %arg8[%swap3A_90, %swap3A_91] : memref<16x64xf32, #tpu.memory_space<vmem>>, vector<16x64xf32>
      tpu.vector_store %arg8[%swap3A_90, %swap3A_91], %broadcast_in_dim3A_89 {strides = array<i32>} : memref<16x64xf32, #tpu.memory_space<vmem>>, vector<16x64xf32>,
      %broadcast_in_dim3A_93 = arith.constant 0.000000e+00 : f32
      %broadcast_in_dim3A_94 = vector.broadcast %broadcast_in_dim3A_93 : f32 to vector<16x64xf32>
      %swap3A_95 = arith.constant 0 : index
      %swap3A_96 = arith.constant 0 : index
      %swap3A_97 = vector.load %arg9[%swap3A_95, %swap3A_96] : memref<16x64xf32, #tpu.memory_space<vmem>>, vector<16x64xf32>
      tpu.vector_store %arg9[%swap3A_95, %swap3A_96], %broadcast_in_dim3A_94 {strides = array<i32>} : memref<16x64xf32, #tpu.memory_space<vmem>>, vector<16x64xf32>,
      %broadcast_in_dim3A_98 = arith.constant 0.000000e+00 : f32
      %broadcast_in_dim3A_99 = vector.broadcast %broadcast_in_dim3A_98 : f32 to vector<16x8xf32>
      %swap3A_100 = arith.constant 0 : index
      %swap3A_101 = arith.constant 0 : index
      %swap3A_102 = vector.load %arg10[%swap3A_100, %swap3A_101] : memref<16x8xf32, #tpu.memory_space<vmem>>, vector<16x8xf32>
      tpu.vector_store %arg10[%swap3A_100, %swap3A_101], %broadcast_in_dim3A_99 {strides = array<i32>} : memref<16x8xf32, #tpu.memory_space<vmem>>, vector<16x8xf32>,
    } else {
    }
    %get3A_67 = arith.constant 0 : index
    %get3A_68 = arith.constant 0 : index
    %get3A_69 = vector.load %arg8[%get3A_67, %get3A_68] : memref<16x64xf32, #tpu.memory_space<vmem>>, vector<16x64xf32>
    %add3A_70 = arith.addf %get3A_69, %dot_general3A_49 : vector<16x64xf32>
    %swap3A_71 = arith.constant 0 : index
    %swap3A_72 = arith.constant 0 : index
    %swap3A_73 = vector.load %arg8[%swap3A_71, %swap3A_72] : memref<16x64xf32, #tpu.memory_space<vmem>>, vector<16x64xf32>
    tpu.vector_store %arg8[%swap3A_71, %swap3A_72], %add3A_70 {strides = array<i32>} : memref<16x64xf32, #tpu.memory_space<vmem>>, vector<16x64xf32>,
    %get3A_74 = arith.constant 0 : index
    %get3A_75 = arith.constant 0 : index
    %get3A_76 = vector.load %arg9[%get3A_74, %get3A_75] : memref<16x64xf32, #tpu.memory_space<vmem>>, vector<16x64xf32>
    %add3A_77 = arith.addf %get3A_76, %dot_general3A_53 : vector<16x64xf32>
    %swap3A_78 = arith.constant 0 : index
    %swap3A_79 = arith.constant 0 : index
    %swap3A_80 = vector.load %arg9[%swap3A_78, %swap3A_79] : memref<16x64xf32, #tpu.memory_space<vmem>>, vector<16x64xf32>
    tpu.vector_store %arg9[%swap3A_78, %swap3A_79], %add3A_77 {strides = array<i32>} : memref<16x64xf32, #tpu.memory_space<vmem>>, vector<16x64xf32>,
    %get3A_81 = arith.constant 0 : index
    %get3A_82 = arith.constant 0 : index
    %get3A_83 = vector.load %arg10[%get3A_81, %get3A_82] : memref<16x8xf32, #tpu.memory_space<vmem>>, vector<16x8xf32>
    %add3A_84 = arith.addf %get3A_83, %concatenate3A_62 : vector<16x8xf32>
    %swap3A_85 = arith.constant 0 : index
    %swap3A_86 = arith.constant 0 : index
    %swap3A_87 = vector.load %arg10[%swap3A_85, %swap3A_86] : memref<16x8xf32, #tpu.memory_space<vmem>>, vector<16x8xf32>
    tpu.vector_store %arg10[%swap3A_85, %swap3A_86], %add3A_84 {strides = array<i32>} : memref<16x8xf32, #tpu.memory_space<vmem>>, vector<16x8xf32>,
    return
  }
  func.func @transform_0(%arg0: i32) -> (i32, i32) {
    %c0_i32 = arith.constant 0 : i32
    %c0_i32_0 = arith.constant 0 : i32
    return %arg0, %c0_i32 : i32, i32
  }
  func.func @transform_1(%arg0: i32) -> (i32, i32) {
    %c0_i32 = arith.constant 0 : i32
    %c0_i32_0 = arith.constant 0 : i32
    return %arg0, %c0_i32 : i32, i32
  }
  func.func @transform_2(%arg0: i32) -> (i32, i32) {
    %c0_i32 = arith.constant 0 : i32
    %c0_i32_0 = arith.constant 0 : i32
    return %arg0, %c0_i32 : i32, i32
  }
  func.func @transform_3(%arg0: i32) -> (i32, i32) {
    %c0_i32 = arith.constant 0 : i32
    %c0_i32_0 = arith.constant 0 : i32
    return %arg0, %c0_i32 : i32, i32
  }
  func.func @transform_4(%arg0: i32) -> (i32, i32) {
    %c0_i32 = arith.constant 0 : i32
    %c0_i32_0 = arith.constant 0 : i32
    %c0_i32_1 = arith.constant 0 : i32
    return %c0_i32, %c0_i32_0 : i32, i32
  }
  func.func @transform_5(%arg0: i32) -> (i32, i32) {
    %c0_i32 = arith.constant 0 : i32
    %c0_i32_0 = arith.constant 0 : i32
    %c0_i32_1 = arith.constant 0 : i32
    return %c0_i32, %c0_i32_0 : i32, i32
  }
  func.func @transform_6(%arg0: i32) -> (i32, i32) {
    %c0_i32 = arith.constant 0 : i32
    %c0_i32_0 = arith.constant 0 : i32
    return %arg0, %c0_i32 : i32, i32
  }
  func.func @transform_7(%arg0: i32) -> (i32, i32) {
    %c0_i32 = arith.constant 0 : i32
    %c0_i32_0 = arith.constant 0 : i32
    %c0_i32_1 = arith.constant 0 : i32
    return %c0_i32, %c0_i32_0 : i32, i32
  }
  func.func @transform_8(%arg0: i32) -> (i32, i32) {
    %c0_i32 = arith.constant 0 : i32
    %c0_i32_0 = arith.constant 0 : i32
    %c0_i32_1 = arith.constant 0 : i32
    return %c0_i32, %c0_i32_0 : i32, i32
  }
  func.func @transform_9(%arg0: i32) -> (i32, i32) {
    %c0_i32 = arith.constant 0 : i32
    %c0_i32_0 = arith.constant 0 : i32
    %c0_i32_1 = arith.constant 0 : i32
    return %c0_i32, %c0_i32_0 : i32, i32
  }
}

module attributes {stable_mosaic.version = 14 : i64} {
  func.func @_kd_body(%arg0: i32, %arg1: memref<3136x64xf32, #tpu.memory_space<vmem>>, %arg2: memref<3136x8xf32, #tpu.memory_space<vmem>>, %arg3: memref<3136x1xi32, #tpu.memory_space<vmem>>, %arg4: memref<16x64xf32, #tpu.memory_space<vmem>>, %arg5: memref<16x64xf32, #tpu.memory_space<vmem>>, %arg6: memref<16x8xf32, #tpu.memory_space<vmem>>, %arg7: memref<64x64xf32, #tpu.memory_space<vmem>>, %arg8: memref<64x64xf32, #tpu.memory_space<vmem>>, %arg9: memref<5x64xf32, #tpu.memory_space<vmem>>, %arg10: memref<3136x1xf32, #tpu.memory_space<vmem>>) attributes {dimension_semantics = [#tpu.dimension_semantics<arbitrary>], iteration_bounds = array<i64: 16>, scalar_prefetch = 0 : i64, scratch_operands = 0 : i64, tpu.core_type = #tpu.core_type<tc>, window_params = [{transform_indices = @transform_0, window_bounds = array<i64: 3136, 64>}, {transform_indices = @transform_1, window_bounds = array<i64: 3136, 8>}, {transform_indices = @transform_2, window_bounds = array<i64: 3136, 1>}, {pipeline_mode = #tpu.pipeline_mode<synchronous>, transform_indices = @transform_3, window_bounds = array<i64: 16, 64>}, {pipeline_mode = #tpu.pipeline_mode<synchronous>, transform_indices = @transform_4, window_bounds = array<i64: 16, 64>}, {pipeline_mode = #tpu.pipeline_mode<synchronous>, transform_indices = @transform_5, window_bounds = array<i64: 16, 8>}, {pipeline_mode = #tpu.pipeline_mode<synchronous>, transform_indices = @transform_6, window_bounds = array<i64: 64, 64>}, {pipeline_mode = #tpu.pipeline_mode<synchronous>, transform_indices = @transform_7, window_bounds = array<i64: 64, 64>}, {pipeline_mode = #tpu.pipeline_mode<synchronous>, transform_indices = @transform_8, window_bounds = array<i64: 5, 64>}, {transform_indices = @transform_9, window_bounds = array<i64: 3136, 1>}]} {
    %get3A = arith.constant 0 : index
    %get3A_0 = arith.constant 0 : index
    %get3A_1 = vector.load %arg4[%get3A, %get3A_0] : memref<16x64xf32, #tpu.memory_space<vmem>>, vector<16x64xf32>
    %get3A_2 = arith.constant 0 : index
    %get3A_3 = arith.constant 0 : index
    %get3A_4 = vector.load %arg6[%get3A_2, %get3A_3] : memref<16x8xf32, #tpu.memory_space<vmem>>, vector<16x1xf32>
    %div3A = vector.broadcast %get3A_4 : vector<16x1xf32> to vector<16x64xf32>
    %div3A_5 = arith.divf %get3A_1, %div3A : vector<16x64xf32>
    %get3A_6 = arith.constant 0 : index
    %get3A_7 = arith.constant 0 : index
    %get3A_8 = vector.load %arg5[%get3A_6, %get3A_7] : memref<16x64xf32, #tpu.memory_space<vmem>>, vector<16x64xf32>
    %get3A_9 = arith.constant 0 : index
    %get3A_10 = arith.constant 1 : index
    %get3A_11 = vector.load %arg6[%get3A_9, %get3A_10] : memref<16x8xf32, #tpu.memory_space<vmem>>, vector<16x1xf32>
    %div3A_12 = vector.broadcast %get3A_11 : vector<16x1xf32> to vector<16x64xf32>
    %div3A_13 = arith.divf %get3A_8, %div3A_12 : vector<16x64xf32>
    %get3A_14 = arith.constant 0 : index
    %get3A_15 = arith.constant 0 : index
    %get3A_16 = vector.load %arg3[%get3A_14, %get3A_15] : memref<3136x1xi32, #tpu.memory_space<vmem>>, vector<3136x1xi32>
    %iota3A = tpu.iota {dimensions = array<i32: 1>} : vector<1x16xi32>
    %eq3A = vector.broadcast %get3A_16 : vector<3136x1xi32> to vector<3136x16xi32>
    %eq3A_17 = vector.broadcast %iota3A : vector<1x16xi32> to vector<3136x16xi32>
    %eq3A_18 = arith.cmpi eq, %eq3A, %eq3A_17 : vector<3136x16xi32>
    %convert_element_type3A = arith.extui %eq3A_18 : vector<3136x16xi1> to vector<3136x16xi32>
    %convert_element_type3A_19 = arith.sitofp %convert_element_type3A : vector<3136x16xi32> to vector<3136x16xf32>
    %dot_general3A = arith.constant dense<0.000000e+00> : vector<3136x64xf32>
    %dot_general3A_20 = tpu.matmul %convert_element_type3A_19, %div3A_5, %dot_general3A {dimension_numbers = #tpu.dot_dimension_numbers<[1], [0], [0], [1], [0, 0, 1, 1], [], []>, transpose_lhs_hint = false} : vector<3136x16xf32>, vector<16x64xf32>, vector<3136x64xf32> -> vector<3136x64xf32>
    %dot_general3A_21 = arith.constant dense<0.000000e+00> : vector<3136x64xf32>
    %dot_general3A_22 = tpu.matmul %convert_element_type3A_19, %div3A_13, %dot_general3A_21 {dimension_numbers = #tpu.dot_dimension_numbers<[1], [0], [0], [1], [0, 0, 1, 1], [], []>, transpose_lhs_hint = false} : vector<3136x16xf32>, vector<16x64xf32>, vector<3136x64xf32> -> vector<3136x64xf32>
    %get3A_23 = arith.constant 0 : index
    %get3A_24 = arith.constant 3 : index
    %get3A_25 = vector.load %arg2[%get3A_23, %get3A_24] : memref<3136x8xf32, #tpu.memory_space<vmem>>, vector<3136x1xf32>
    %get3A_26 = arith.constant 0 : index
    %get3A_27 = arith.constant 0 : index
    %get3A_28 = vector.load %arg1[%get3A_26, %get3A_27] : memref<3136x64xf32, #tpu.memory_space<vmem>>, vector<3136x64xf32>
    %mul3A = vector.broadcast %get3A_25 : vector<3136x1xf32> to vector<3136x64xf32>
    %mul3A_29 = arith.mulf %mul3A, %dot_general3A_20 : vector<3136x64xf32>
    %sub3A = arith.constant 1.000000e+00 : f32
    %sub3A_30 = vector.broadcast %sub3A : f32 to vector<3136x1xf32>
    %sub3A_31 = arith.subf %sub3A_30, %get3A_25 : vector<3136x1xf32>
    %mul3A_32 = vector.broadcast %sub3A_31 : vector<3136x1xf32> to vector<3136x64xf32>
    %mul3A_33 = arith.mulf %mul3A_32, %dot_general3A_22 : vector<3136x64xf32>
    %add3A = arith.addf %mul3A_29, %mul3A_33 : vector<3136x64xf32>
    %get3A_34 = arith.constant 0 : index
    %get3A_35 = arith.constant 0 : index
    %get3A_36 = vector.load %arg7[%get3A_34, %get3A_35] : memref<64x64xf32, #tpu.memory_space<vmem>>, vector<64x64xf32>
    %dot_general3A_37 = arith.constant dense<0.000000e+00> : vector<3136x64xf32>
    %dot_general3A_38 = tpu.matmul %get3A_28, %get3A_36, %dot_general3A_37 {dimension_numbers = #tpu.dot_dimension_numbers<[1], [0], [0], [1], [0, 0, 1, 1], [], []>, transpose_lhs_hint = false} : vector<3136x64xf32>, vector<64x64xf32>, vector<3136x64xf32> -> vector<3136x64xf32>
    %get3A_39 = arith.constant 0 : index
    %get3A_40 = arith.constant 0 : index
    %get3A_41 = vector.load %arg8[%get3A_39, %get3A_40] : memref<64x64xf32, #tpu.memory_space<vmem>>, vector<64x64xf32>
    %dot_general3A_42 = arith.constant dense<0.000000e+00> : vector<3136x64xf32>
    %dot_general3A_43 = tpu.matmul %add3A, %get3A_41, %dot_general3A_42 {dimension_numbers = #tpu.dot_dimension_numbers<[1], [0], [0], [1], [0, 0, 1, 1], [], []>, transpose_lhs_hint = false} : vector<3136x64xf32>, vector<64x64xf32>, vector<3136x64xf32> -> vector<3136x64xf32>
    %add3A_44 = arith.addf %dot_general3A_38, %dot_general3A_43 : vector<3136x64xf32>
    %get3A_45 = arith.constant 0 : index
    %get3A_46 = arith.constant 0 : index
    %get3A_47 = vector.load %arg9[%get3A_45, %get3A_46] : memref<5x64xf32, #tpu.memory_space<vmem>>, vector<1x64xf32>
    %add3A_48 = vector.broadcast %get3A_47 : vector<1x64xf32> to vector<3136x64xf32>
    %add3A_49 = arith.addf %add3A_44, %add3A_48 : vector<3136x64xf32>
    %mul3A_50 = arith.mulf %add3A_49, %dot_general3A_20 : vector<3136x64xf32>
    %reduce_sum3A = arith.constant dense<0.000000e+00> : vector<3136xf32>
    %reduce_sum3A_51 = vector.multi_reduction <add>, %mul3A_50, %reduce_sum3A [1] : vector<3136x64xf32> to vector<3136xf32>
    %broadcast_in_dim3A = vector.shape_cast %reduce_sum3A_51 : vector<3136xf32> to vector<3136x1xf32>
    %mul3A_52 = arith.mulf %add3A_49, %dot_general3A_22 : vector<3136x64xf32>
    %reduce_sum3A_53 = arith.constant dense<0.000000e+00> : vector<3136xf32>
    %reduce_sum3A_54 = vector.multi_reduction <add>, %mul3A_52, %reduce_sum3A_53 [1] : vector<3136x64xf32> to vector<3136xf32>
    %broadcast_in_dim3A_55 = vector.shape_cast %reduce_sum3A_54 : vector<3136xf32> to vector<3136x1xf32>
    %max3A = arith.maximumf %broadcast_in_dim3A, %broadcast_in_dim3A_55 : vector<3136x1xf32>
    %sub3A_56 = arith.subf %broadcast_in_dim3A, %max3A : vector<3136x1xf32>
    %exp3A = math.exp %sub3A_56 : vector<3136x1xf32>
    %sub3A_57 = arith.subf %broadcast_in_dim3A_55, %max3A : vector<3136x1xf32>
    %exp3A_58 = math.exp %sub3A_57 : vector<3136x1xf32>
    %add3A_59 = arith.addf %exp3A, %exp3A_58 : vector<3136x1xf32>
    %div3A_60 = arith.divf %exp3A, %add3A_59 : vector<3136x1xf32>
    %mul3A_61 = vector.broadcast %div3A_60 : vector<3136x1xf32> to vector<3136x64xf32>
    %mul3A_62 = arith.mulf %mul3A_61, %dot_general3A_20 : vector<3136x64xf32>
    %div3A_63 = arith.divf %exp3A_58, %add3A_59 : vector<3136x1xf32>
    %mul3A_64 = vector.broadcast %div3A_63 : vector<3136x1xf32> to vector<3136x64xf32>
    %mul3A_65 = arith.mulf %mul3A_64, %dot_general3A_22 : vector<3136x64xf32>
    %add3A_66 = arith.addf %mul3A_62, %mul3A_65 : vector<3136x64xf32>
    %get3A_67 = arith.constant 1 : index
    %get3A_68 = arith.constant 0 : index
    %get3A_69 = vector.load %arg9[%get3A_67, %get3A_68] : memref<5x64xf32, #tpu.memory_space<vmem>>, vector<1x64xf32>
    %mul3A_70 = vector.broadcast %get3A_69 : vector<1x64xf32> to vector<3136x64xf32>
    %mul3A_71 = arith.mulf %add3A_66, %mul3A_70 : vector<3136x64xf32>
    %reduce_sum3A_72 = arith.constant dense<0.000000e+00> : vector<3136xf32>
    %reduce_sum3A_73 = vector.multi_reduction <add>, %mul3A_71, %reduce_sum3A_72 [1] : vector<3136x64xf32> to vector<3136xf32>
    %broadcast_in_dim3A_74 = vector.shape_cast %reduce_sum3A_73 : vector<3136xf32> to vector<3136x1xf32>
    %get3A_75 = arith.constant 2 : index
    %get3A_76 = arith.constant 0 : index
    %get3A_77 = vector.load %arg9[%get3A_75, %get3A_76] : memref<5x64xf32, #tpu.memory_space<vmem>>, vector<1x64xf32>
    %mul3A_78 = vector.broadcast %get3A_77 : vector<1x64xf32> to vector<3136x64xf32>
    %mul3A_79 = arith.mulf %get3A_28, %mul3A_78 : vector<3136x64xf32>
    %reduce_sum3A_80 = arith.constant dense<0.000000e+00> : vector<3136xf32>
    %reduce_sum3A_81 = vector.multi_reduction <add>, %mul3A_79, %reduce_sum3A_80 [1] : vector<3136x64xf32> to vector<3136xf32>
    %broadcast_in_dim3A_82 = vector.shape_cast %reduce_sum3A_81 : vector<3136xf32> to vector<3136x1xf32>
    %add3A_83 = arith.addf %broadcast_in_dim3A_74, %broadcast_in_dim3A_82 : vector<3136x1xf32>
    %get3A_84 = arith.constant 3 : index
    %get3A_85 = arith.constant 0 : index
    %get3A_86 = vector.load %arg9[%get3A_84, %get3A_85] : memref<5x64xf32, #tpu.memory_space<vmem>>, vector<1x64xf32>
    %mul3A_87 = vector.broadcast %get3A_86 : vector<1x64xf32> to vector<3136x64xf32>
    %mul3A_88 = arith.mulf %add3A, %mul3A_87 : vector<3136x64xf32>
    %reduce_sum3A_89 = arith.constant dense<0.000000e+00> : vector<3136xf32>
    %reduce_sum3A_90 = vector.multi_reduction <add>, %mul3A_88, %reduce_sum3A_89 [1] : vector<3136x64xf32> to vector<3136xf32>
    %broadcast_in_dim3A_91 = vector.shape_cast %reduce_sum3A_90 : vector<3136xf32> to vector<3136x1xf32>
    %add3A_92 = arith.addf %add3A_83, %broadcast_in_dim3A_91 : vector<3136x1xf32>
    %get3A_93 = arith.constant 4 : index
    %get3A_94 = arith.constant 0 : index
    %get3A_95 = vector.load %arg9[%get3A_93, %get3A_94] : memref<5x64xf32, #tpu.memory_space<vmem>>, vector<1x1xf32>
    %add3A_96 = vector.broadcast %get3A_95 : vector<1x1xf32> to vector<3136x1xf32>
    %add3A_97 = arith.addf %add3A_92, %add3A_96 : vector<3136x1xf32>
    %swap3A = arith.constant 0 : index
    %swap3A_98 = arith.constant 0 : index
    %swap3A_99 = vector.load %arg10[%swap3A, %swap3A_98] : memref<3136x1xf32, #tpu.memory_space<vmem>>, vector<3136x1xf32>
    tpu.vector_store %arg10[%swap3A, %swap3A_98], %add3A_97 {strides = array<i32>} : memref<3136x1xf32, #tpu.memory_space<vmem>>, vector<3136x1xf32>,
    return
  }
  func.func @transform_0(%arg0: i32) -> (i32, i32) {
    %c0_i32 = arith.constant 0 : i32
    %c0_i32_0 = arith.constant 0 : i32
    return %arg0, %c0_i32 : i32, i32
  }
  func.func @transform_1(%arg0: i32) -> (i32, i32) {
    %c0_i32 = arith.constant 0 : i32
    %c0_i32_0 = arith.constant 0 : i32
    return %arg0, %c0_i32 : i32, i32
  }
  func.func @transform_2(%arg0: i32) -> (i32, i32) {
    %c0_i32 = arith.constant 0 : i32
    %c0_i32_0 = arith.constant 0 : i32
    return %arg0, %c0_i32 : i32, i32
  }
  func.func @transform_3(%arg0: i32) -> (i32, i32) {
    %c0_i32 = arith.constant 0 : i32
    %c0_i32_0 = arith.constant 0 : i32
    %c0_i32_1 = arith.constant 0 : i32
    return %c0_i32, %c0_i32_0 : i32, i32
  }
  func.func @transform_4(%arg0: i32) -> (i32, i32) {
    %c0_i32 = arith.constant 0 : i32
    %c0_i32_0 = arith.constant 0 : i32
    %c0_i32_1 = arith.constant 0 : i32
    return %c0_i32, %c0_i32_0 : i32, i32
  }
  func.func @transform_5(%arg0: i32) -> (i32, i32) {
    %c0_i32 = arith.constant 0 : i32
    %c0_i32_0 = arith.constant 0 : i32
    %c0_i32_1 = arith.constant 0 : i32
    return %c0_i32, %c0_i32_0 : i32, i32
  }
  func.func @transform_6(%arg0: i32) -> (i32, i32) {
    %c0_i32 = arith.constant 0 : i32
    %c0_i32_0 = arith.constant 0 : i32
    %c0_i32_1 = arith.constant 0 : i32
    return %c0_i32, %c0_i32_0 : i32, i32
  }
  func.func @transform_7(%arg0: i32) -> (i32, i32) {
    %c0_i32 = arith.constant 0 : i32
    %c0_i32_0 = arith.constant 0 : i32
    %c0_i32_1 = arith.constant 0 : i32
    return %c0_i32, %c0_i32_0 : i32, i32
  }
  func.func @transform_8(%arg0: i32) -> (i32, i32) {
    %c0_i32 = arith.constant 0 : i32
    %c0_i32_0 = arith.constant 0 : i32
    %c0_i32_1 = arith.constant 0 : i32
    return %c0_i32, %c0_i32_0 : i32, i32
  }
  func.func @transform_9(%arg0: i32) -> (i32, i32) {
    %c0_i32 = arith.constant 0 : i32
    %c0_i32_0 = arith.constant 0 : i32
    return %arg0, %c0_i32 : i32, i32
  }
}

</mosaic_0001>

<sc_bundles>
// kernel: kernel.12.cloned.1.call-start
scs
__scs_entry_jumppad:
0x0: {  	(pc) =	sbr.rel $0x88, $3  }
0x1: {  	(tag) =	ssettag $0x0;
	lr =	simm.s32 $0x1  }
0x2: {  	[smem:$0x3F7E] =	sst lr;
	_ =	strace $0xD0000000  }
0x3: {  	_ = 	snop  }
0x4: {  	_ = 	snop  }
0x5: {  	_ = 	snop  }
0x6: {  	_ = 	snop  }
0x7: {  	_ = 	snop  }
__scs_overlays_trampoline_lowered:
0x8: {  	[smem:$0x3F8D] =	sst s0  }
0x9: {  	[smem:$0x3F8E] =	sst s1  }
0xa: {  	[smem:$0x3F8F] =	sst s2  }
0xb: {  	[smem:$0x3F90] =	sst s3  }
0xc: {  	[smem:$0x3F91] =	sst s4  }
0xd: {  	[smem:$0x3F92] =	sst s5  }
0xe: {  	[smem:$0x3F93] =	sst s6  }
0xf: {  	[smem:$0x3F94] =	sst s7  }
0x10: {  	[smem:$0x3F95] =	sst s8  }
0x11: {  	[smem:$0x3F96] =	sst s9;
	s0 =	simm.s32 @!p0 $0x0  }
0x12: {  	s1 =	sld [smem:$0x3F7C];
	s0 =	simm.s32 @p0 $0x1  }
0x13: {  	[smem:$0x3F97] =	sst s0;
	s0 =	simm.s32 @!p1 $0x0  }
0x14: {  	s2 =	sld [smem:$0x3F7B];
	s0 =	simm.s32 @p1 $0x1  }
0x15: {  	[smem:$0x3F98] =	sst s0;
	s0 =	simm.s32 @!p2 $0x0  }
0x16: {  	s3 =	sld [smem:$0x3FDB];
	s0 =	simm.s32 @p2 $0x1  }
0x17: {  	s4 =	simm.s32 $0x1BF5;
	[smem:$0x3F9A] =	sst s0  }
0x18: {  	s0 =	sld [smem:$0x3F7D];
	_ =	swait.ge [sflag:s4], $0x0  }
0x19: {  	s7 =	sld [smem:$0x3F7E]  }
0x1a: {  	s8 =	sadd.s32 $0xFFFFE003, lr  }
0x1b: {  	s9 =	sadd.s32 $0xFFFFFEF7, lr;
	s5 =	simm.s32 $0xFFFFFFFF;
	p2 =	slt.u32 s8, $0xFFFFF086  }
0x1c: {  	p1 =	slt.u32 s9, $0xF7A;
	s5 =	simm.s32 @!p2 $0x0  }
0x1d: {  	s5 =	simm.s32 @p1 $0x1;
	p0 =	seq.s32 s7, s2  }
0x1e: {  	s7 =	smul.u32 @!p0 $0xF7A, s2;
	p2 =	seq.s32 @!p0 s5, $0x0  }
0x1f: {  	s9 =	smul.u32 $0xF7A, s1;
	s8 =	simm.s32 @!p0 $0x1BF5;
	p2 =	por !p2, p0  }
0x20: {  	[sflag:s8] =	ssyncset.s32 @!p0 $0xFFFFF086;
	s6 =	sadd.s32 @!p0 s3, s7;
	s7 =	simm.s32 @!p0 $0x108  }
0x21: {  	s3 =	sadd.s32 s3, s9;
	s6 =	sadd.s32 @!p0 $0x88, s6;
	s7 =	simm.s32 @p2 $0x1082  }
0x22: {  	[simem:s7], [sflag:s8] =	dma.local @!p0 [hbm:s6], $0xF7A  }
0x23: {  	s9 =	sor.u32 $0xD0000000, s2;
	s6 =	simm.s32 $0x108;
	_ =	swait.ge @!p0 [sflag:s8], $0x0  }
0x24: {  	s3 =	sadd.s32 $0x88, s3;
	s6 =	simm.s32 @!p1 $0x1082;
	[sflag:s4] =	ssyncset.s32 $0xFFFFF086  }
0x25: {  	[simem:s6], [sflag:s4] =	dma.local [hbm:s3], $0xF7A  }
0x26: {  	[smem:$0x3F7E] =	sst s1;
	(tag) =	ssettag s2;
	_ =	strace s9  }
0x27: {  	s1 =	sld [smem:$0x3F8E]  }
0x28: {  	s2 =	sld [smem:$0x3F8F]  }
0x29: {  	s4 =	sld [smem:$0x3F91]  }
0x2a: {  	p0 =	seq.s32 s5, $0x0;
	s5 =	sld [smem:$0x3F92]  }
0x2b: {  	s6 =	sld [smem:$0x3F93]  }
0x2c: {  	s7 =	sld [smem:$0x3F94]  }
0x2d: {  	s3 =	simm.s32 $0x108;
	s8 =	sld [smem:$0x3F95]  }
0x2e: {  	s3 =	simm.s32 @!p0 $0x1082;
	s9 =	sld [smem:$0x3F96]  }
0x2f: {  	lr =	sadd.s32 s0, s3;
	s0 =	sld [smem:$0x3F8D]  }
0x30: {  	s3 =	sld [smem:$0x3F90]  }
0x31: {  	[smem:$0x3F99] =	sst s10  }
0x32: {  	s10 =	sld [smem:$0x3F97];
	_ =	sdelay $0x3  }
0x33: {  	p0 =	seq.s32 s10, $0x1;
	s10 =	sld [smem:$0x3F99];
	_ =	sdelay $0x3  }
0x34: {  	[smem:$0x3F99] =	sst s10  }
0x35: {  	s10 =	sld [smem:$0x3F98];
	_ =	sdelay $0x3  }
0x36: {  	p1 =	seq.s32 s10, $0x1;
	s10 =	sld [smem:$0x3F99];
	_ =	sdelay $0x3  }
0x37: {  	[smem:$0x3F99] =	sst s10  }
0x38: {  	s10 =	sld [smem:$0x3F9A]  }
0x39: {  	_ = 	snop;
	(pc) =	sbr.ind lr, $3  }
0x3a: {  	_ = 	snop  }
0x3b: {  	_ = 	snop  }
0x3c: {  	p2 =	seq.s32 s10, $0x1;
	s10 =	sld [smem:$0x3F99]  }
0x3d: {  	_ =	shalt  }
0x3e: {  	_ =	shalt  }
0x3f: {  	_ =	shalt  }
0x40: {  	_ =	shalt  }
0x41: {  	_ =	shalt  }
0x42: {  	_ =	shalt  }
0x43: {  	_ =	shalt  }
0x44: {  	_ =	shalt  }
0x45: {  	_ =	shalt  }
0x46: {  	_ =	shalt  }
0x47: {  	_ =	shalt  }
0x48: {  	_ =	shalt  }
0x49: {  	_ =	shalt  }
0x4a: {  	_ =	shalt  }
0x4b: {  	_ =	shalt  }
0x4c: {  	_ =	shalt  }
0x4d: {  	_ =	shalt  }
0x4e: {  	_ =	shalt  }
0x4f: {  	_ =	shalt  }
0x50: {  	_ =	shalt  }
0x51: {  	_ =	shalt  }
0x52: {  	_ =	shalt  }
0x53: {  	_ =	shalt  }
0x54: {  	_ =	shalt  }
0x55: {  	_ =	shalt  }
0x56: {  	_ =	shalt  }
0x57: {  	_ =	shalt  }
0x58: {  	_ =	shalt  }
0x59: {  	_ =	shalt  }
0x5a: {  	_ =	shalt  }
0x5b: {  	_ =	shalt  }
0x5c: {  	_ =	shalt  }
0x5d: {  	_ =	shalt  }
0x5e: {  	_ =	shalt  }
0x5f: {  	_ =	shalt  }
0x60: {  	_ =	shalt  }
0x61: {  	_ =	shalt  }
0x62: {  	_ =	shalt  }
0x63: {  	_ =	shalt  }
0x64: {  	_ =	shalt  }
0x65: {  	_ =	shalt  }
0x66: {  	_ =	shalt  }
0x67: {  	_ =	shalt  }
0x68: {  	_ =	shalt  }
0x69: {  	_ =	shalt  }
0x6a: {  	_ =	shalt  }
0x6b: {  	_ =	shalt  }
0x6c: {  	_ =	shalt  }
0x6d: {  	_ =	shalt  }
0x6e: {  	_ =	shalt  }
0x6f: {  	_ =	shalt  }
0x70: {  	_ =	shalt  }
0x71: {  	_ =	shalt  }
0x72: {  	_ =	shalt  }
0x73: {  	_ =	shalt  }
0x74: {  	_ =	shalt  }
0x75: {  	_ =	shalt  }
0x76: {  	_ =	shalt  }
0x77: {  	_ =	shalt  }
0x78: {  	_ =	shalt  }
0x79: {  	_ =	shalt  }
0x7a: {  	_ =	shalt  }
0x7b: {  	_ =	shalt  }
0x7c: {  	_ =	shalt  }
0x7d: {  	_ =	shalt  }
0x7e: {  	_ =	shalt  }
0x7f: {  	_ =	shalt  }
0x80: {  	_ =	shalt  }
0x81: {  	_ =	shalt  }
0x82: {  	_ =	shalt  }
0x83: {  	_ =	shalt  }
0x84: {  	_ =	shalt  }
0x85: {  	_ =	shalt  }
0x86: {  	_ =	shalt  }
0x87: {  	_ =	shalt  }
.Lfunc_end0:
.L_simem_size_0:
called_computation.1_lowered:
.L_overlay_start_0:
0x88: {  	s2 =	sld [smem:$0x3FD9]  }
0x89: {  	s3 =	sld [smem:$0x3FFE];
	_ =	sdelay $0x1  }
0x8a: {  	s1 =	srdreg.scid  }
0x8b: {  	s0 =	sand.u32 $0x1, s1  }
0x8c: {  	s16 =	sshll.u32 s0, $0xA;
	s2 =	sadd.s32 s3, s2  }
0x8d: {  	s2 =	sadd.s32 s2, s16  }
0x8e: {  	[smem:$0x3FA5] =	sst s2  }
0x8f: {  	_ = 	snop  }
0x90: {  	(tm) =	ssettm $0x1  }
0x91: {  	s17 =	sld [smem:$0x3FFB];
	_ =	sdelay $0x3  }
0x92: {  	_ =	strace s17  }
0x93: {  	s2 =	sld [smem:$0x3FFC];
	_ =	sdelay $0x3  }
0x94: {  	_ =	strace s2  }
0x95: {  	s2 =	sld [smem:$0x3FFD];
	_ =	sdelay $0x3  }
0x96: {  	_ =	strace s2  }
0x97: {  	_ =	strace $0x8FFFFFFF  }
0x98: {  	s18 =	sld [smem:$0x3FDB];
	_ =	sdelay $0x1  }
0x99: {  	s19 =	simm.s32 $_scs_section_size  }
0x9a: {  	s4 =	simm.s32 $_size__tile_overlayer_lowered;
	s5 =	simm.s32 $_tile_overlayer_lowered  }
0x9b: {  	s22 =	simm.s32 $0x1BFF;
	s21 =	sshll.u32 s5, $0x1;
	s2 =	sadd.s32 s19, s18  }
0x9c: {  	s6 =	simm.s32 $0x0;
	s20 =	sshll.u32 s4, $0x1;
	s4 =	sadd.s32 s21, s2  }
0x9d: {  	[timem:s6], [sflag:s22] =	dma.local [hbm:s4], s20  }
0x9e: {  	_ =	swait.ge [sflag:s22], s20  }
0x9f: {  	s3 =	ssub.s32 $0x0, s20;
	[sflag:s22] =	ssyncset.done $0x0  }
0xa0: {  	[sflag:s22] =	ssyncadd.s32 s3;
	_ =	sdelay $0x1  }
0xa1: {  	s23 =	simm.s32 $0x1B8B  }
0xa2: {  	_ =	swait.ge [sflag:s23], $0x1  }
0xa3: {  	[sflag:s23] =	ssyncset.done $0x0  }
0xa4: {  	s25 =	simm.s32 $0x1B8E;
	s24 =	sld [smem:$0x3FFE];
	[sflag:s23] =	ssyncadd.s32 $0xFFFFFFFF  }
0xa5: {  	s26 =	simm.s32 $execute0_lowered;
	[smem:$0x3FD2] =	sst s25  }
0xa6: {  	s4 =	sshll.u32 s26, $0x1;
	_ =	strace $0x80000049;
	[dreg:$0x1] =	wrdreg $0xFFFFFFFF  }
0xa7: {  	s28 =	simm.s32 $_size_execute0_lowered;
	s2 =	sadd.s32 s2, s4;
	[dreg:$0x0] =	wrdreg $0x0  }
0xa8: {  	s4 =	sshll.u32 s28, $0x1;
	[dreg:$0x2] =	wrdreg s2  }
0xa9: {  	[dreg:$0x3] =	wrdreg s4  }
0xaa: {  	[dreg:$0x4] =	wrdreg $0xC0  }
0xab: {  	_ =	task [dreg:s6], $0x5FFFF  }
0xac: {  	[dreg:$0x1] =	wrdreg $0xFFFFFFFF  }
0xad: {  	[dreg:$0x0] =	wrdreg $0x60  }
0xae: {  	[dreg:$0x2] =	wrdreg s24  }
0xaf: {  	[dreg:$0x3] =	wrdreg $0x46000  }
0xb0: {  	[dreg:$0x4] =	wrdreg $0x9  }
0xb1: {  	_ =	task.clear_ibuf [dreg:s6], $0x5FFFF;
	_ =	strace $0x90000049  }
0xb2: {  	s29 =	simm.s32 $0x9;
	_ =	strace $0x8000004B  }
0xb3: {  	_ =	swait.ge [sflag:s29], $0x1  }
0xb4: {  	[sflag:s29] =	ssyncadd.s32 $0xFFFFFFFF  }
0xb5: {  	_ =	strace $0x9000004B  }
0xb6: {  	_ =	sfence  }
0xb7: {  	s30 =	sld [smem:$0x0];
	_ =	sdelay $0x2  }
0xb8: {  	s31 =	sshll.u32 s1, $0xD;
	s1 =	sshrl.u32 s1, $0x2  }
0xb9: {  	s3 =	sand.u32 $0x4000, s31;
	s1 =	sadd.s32 s1, s30  }
0xba: {  	s0 =	sor.u32 s3, s0;
	s1 =	sshll.u32 s1, $0x11  }
0xbb: {  	s0 =	sor.u32 s1, s0  }
0xbc: {  	s0 =	sadd.s32 $0x8F2B, s0  }
0xbd: {  	[sflag:s0] =	ssyncadd.remote.s32 $0x1  }
0xbe: {  	_ =	sfence.sel $0xFFFF  }
0xbf: {  	[dreg:$0x0] =	wrdreg $0xFFFFFFFF;
	(pc) =	sbr.abs _section_cstart, $3  }
0xc0: {  	[dreg:$0x1] =	wrdreg $0xFFFFFFFF  }
0xc1: {  	_ =	task.clear_ibuf [dreg:s6], $0x2FFFF;
	_ =	strace $0x9FFFFFFF  }
0xc2: {  	(tm) =	ssettm $0x7FFFFFFF  }
0xc3: {  	_ =	shalt  }
tec
execute0_lowered:
.L_overlay_start_1:
0x0: {  	(tag) =	ssettag $0x1  }
0x1: {  	s0 =	rddreg [dreg:$0x0]  }
0x2: {  	s2 =	rddreg [dreg:$0x1];
	s3 =	simm.s32 $0x0;
	s1 =	srdreg.scid  }
0x3: {  	s15 =	stileid.u32;
	s16 =	simm.s32 $0x400;
	s17 =	simm.s32 $0x80  }
0x4: {  	s18 =	simm.s32 $0x600;
	s19 =	simm.s32 $0x1600;
	s20 =	simm.s32 $0x100  }
0x5: {  	s21 =	simm.s32 $0x2600;
	s22 =	simm.s32 $0x180;
	s23 =	simm.s32 $0x3600  }
0x6: {  	s24 =	simm.s32 $0x1;
	s25 =	simm.s32 $0x280;
	s26 =	simm.s32 $0x300  }
0x7: {  	s28 =	simm.s32 $0x380;
	[smem:$0x7FF] =	sst s3;
	s1 =	sand.u32 $0x1, s1  }
0x8: {  	s9 =	smul.u32 $0x18800, s15;
	s4 =	sadd.s32 $0x112600, s0;
	s5 =	sadd.s32 $0x4E00, s0  }
0x9: {  	s6 =	sadd.s32 $0x1D600, s0;
	s7 =	sadd.s32 $0x35E00, s0;
	s30 =	sadd.s32 $0x97E00, s0  }
0xa: {  	s12 =	sshll.u32 s15, $0x6;
	s8 =	smul.u32 $0x188000, s1;
	s11 =	ssub.s32 $0x2, s1  }
0xb: {  	_ =	strace $0x8000004A;
	[dreg:$0x3] =	wrdreg s30;
	v0 =	vmov s1;
	s31 =	sshrl.u32 s11, $0x1  }
0xc: {  	s14 =	sadd.s32 s9, s2;
	v0 =	vmul.u32 $0xC400, v0;
	s10 =	sadd.s32 s9, s8;
	s13 =	ssub.s32 s11, s31  }
0xd: {  	s9 =	sor.u32 $0x1C02, s12;
	s10 =	sshrl.u32 s10, $0x3;
	s12 =	smax.u32 s13, $0x1  }
0xe: {  	v1 =	vlaneseq.u32;
	s13 =	sshrl.u32 s14, $0x3;
	s14 =	simm.s32 $0x2;
	v0 =	vbroadcast v0, $0x0;
	s0 =	sadd.s32 s10, s0  }
0xf: {  	v1 =	vmul.u32 $0x20, v1;
	s10 =	smul.u32 $0xC400, s15;
	s15 =	simm.s32 $0x200;
	s11 =	sadd.s32 $0x9B000, s0  }
.LBB2_1:
0x10: {  	s0 =	rddreg [dreg:$0x3]  }
0x11: {  	[spmem:s13], [sflag:s9] =	dma.local [hbm:s0], $0x3100  }
0x12: {  	_ =	swait.ge [sflag:s14], $0x3100  }
0x13: {  	[sflag:s14] =	ssyncset.done $0x0  }
0x14: {  	[sflag:s14] =	ssyncadd.s32 $0xFFFFCF00  }
0x15: {  	s29 =	simm.s32 $0x0;
	[bflag:$0x0] =	sbarrier.arrive $0xFFFF  }
.LBB2_2:
0x16: {  	s0 =	sshll.u32 s29, $0x9  }
0x17: {  	s0 =	sadd.s32 s10, s0  }
0x18: {  	s0 =	sshrl.u32 s0, $0x3  }
0x19: {  	s30 =	simm.s32 $0x0;
	s1 =	sadd.s32 s4, s0  }
0x1a: {  	[tilespmem:s30], [sflag:$0x2] =	stream.linear.gather [hbm4b:s1+s30], $0x200, $0x38;
	[tilespmem:$0x1CE00] =	vst v63  }
0x1b: {  	_ =	swait.ge [sflag:s14], $0x200  }
0x1c: {  	[sflag:s14] =	ssyncset.done $0x0  }
0x1d: {  	s8 =	sadd.s32 s5, s0;
	[sflag:s14] =	ssyncadd.s32 $0xFFFFFE00  }
0x1e: {  	[tilespmem:s15], [sflag:$0x2] =	stream.linear.gather [hbm4b:s8+s30], $0x200, $0x38;
	[tilespmem:$0x1CE00] =	vst v63  }
0x1f: {  	_ =	swait.ge [sflag:s14], $0x200  }
0x20: {  	[sflag:s14] =	ssyncset.done $0x0  }
0x21: {  	s0 =	sadd.s32 s6, s0;
	[sflag:s14] =	ssyncadd.s32 $0xFFFFFE00  }
0x22: {  	[tilespmem:s16], [sflag:$0x2] =	stream.linear.gather [hbm4b:s0+s30], $0x200, $0x38;
	[tilespmem:$0x1CE00] =	vst v63  }
0x23: {  	s1 =	sand.u32 $0x600, s30;
	_ =	swait.ge [sflag:s14], $0x200  }
0x24: {  	s8 =	sand.u32 $0x70, s30;
	s0 =	sshrl.u32 s1, $0x2;
	[sflag:s14] =	ssyncset.done $0x0  }
0x25: {  	s0 =	sor.u32 s8, s0;
	[sflag:s14] =	ssyncadd.s32 $0xFFFFFE00  }
0x26: {  	v2 =	vld [tilespmem:s0+$0x0];
	_ =	sdelay $0x2  }
0x27: {  	s30 =	simm.s32 $0x40  }
0x28: {  	s31 =	simm.s32 $0x80;
	s1 =	sand.u32 $0x600, s30;
	s30 =	simm.s32 $0x10  }
.LBB2_3:
0x29: {  	p0 =	sne.s32 s31, $0x7C0;
	s8 =	sand.u32 $0x70, s30;
	s1 =	sshrl.u32 s1, $0x2;
	v2 =	vadd.s32 v0, v2  }
0x2a: {  	[tilespmem:s0+$0x0] =	vst v2;
	s0 =	sor.u32 s8, s1  }
.Ltmp0:
0x2b: {  	v2 =	vld [tilespmem:s0+$0x0];
	(pc) =	sbr.rel @p0 .LBB2_3-.Ltmp0, $2  }
0x2c: {  	_ =	sdelay $0x2  }
0x2d: {  	s30 =	sadd.s32 $0x10, s30;
	s1 =	sand.u32 $0x600, s31;
	s31 =	sadd.s32 $0x40, s31  }
0x2e: {  	s8 =	sand.u32 $0x70, s30;
	s1 =	sshrl.u32 s1, $0x2;
	v2 =	vadd.s32 v0, v2  }
0x2f: {  	s1 =	sor.u32 s8, s1;
	[tilespmem:s0+$0x0] =	vst v2  }
0x30: {  	v2 =	vld [tilespmem:s1+$0x0];
	_ =	sdelay $0x4  }
0x31: {  	v2 =	vadd.s32 v0, v2  }
0x32: {  	[tilespmem:s1+$0x0] =	vst v2;
	s1 =	simm.s32 $0x0  }
0x33: {  	[tilespmem:s18], [sflag:$0x1] =	stream.indirect.gather [hbm4b:s7+s17], $0x20, s1, s17, $0xb8;
	[tilespmem:$0x1CE00] =	vst v63  }
0x34: {  	_ = 	snop  }
0x35: {  	[tilespmem:s19], [sflag:$0x1] =	stream.indirect.gather [hbm4b:s7+s17], $0x20, s17, s17, $0xb8;
	[tilespmem:$0x1CE00] =	vst v63  }
0x36: {  	_ = 	snop  }
0x37: {  	[tilespmem:s21], [sflag:$0x1] =	stream.indirect.gather [hbm4b:s7+s17], $0x20, s20, s17, $0xb8;
	[tilespmem:$0x1CE00] =	vst v63  }
0x38: {  	_ = 	snop  }
0x39: {  	[tilespmem:s23], [sflag:$0x1] =	stream.indirect.gather [hbm4b:s7+s17], $0x20, s22, s17, $0xb8;
	[tilespmem:$0x1CE00] =	vst v63  }
0x3a: {  	_ =	swait.ge [sflag:s24], $0x1000  }
0x3b: {  	[sflag:s24] =	ssyncset.done $0x0  }
0x3c: {  	[sflag:s24] =	ssyncadd.s32 $0xFFFFF000  }
0x3d: {  	_ =	swait.ge [sflag:s24], $0x1000  }
0x3e: {  	[sflag:s24] =	ssyncset.done $0x0  }
0x3f: {  	v2 =	vmov s1;
	[sflag:s24] =	ssyncadd.s32 $0xFFFFF000  }
0x40: {  	v2 =	vshll.u32 v2, $0x5;
	_ =	swait.ge [sflag:s24], $0x1000  }
0x41: {  	v2 =	vor.u32 v1, v2;
	[sflag:s24] =	ssyncset.done $0x0  }
0x42: {  	[sflag:s24] =	ssyncadd.s32 $0xFFFFF000  }
0x43: {  	_ =	swait.ge [sflag:s24], $0x1000  }
0x44: {  	[sflag:s24] =	ssyncset.done $0x0  }
0x45: {  	[sflag:s24] =	ssyncadd.s32 $0xFFFFF000  }
0x46: {  	s30 =	simm.s32 $0x400;
	v4 =	vld.idx.msk [tilespmem:v2+s18+$0x0], $0xffff  }
0x47: {  	v3 =	vld [tilespmem:s30+$0x0];
	_ =	sdelay $0x2  }
0x48: {  	v5 =	vor.u32 $0x1, v2;
	_ =	sdelay $0x1  }
0x49: {  	v4 =	vmul.f32 v4, v3;
	_ =	sdelay $0x1  }
0x4a: {  	[tilespmem:v2+s18+$0x0] =	vst.idx.msk $0xffff, v4  }
0x4b: {  	v4 =	vld.idx.msk [tilespmem:v5+s18+$0x0], $0xffff;
	_ =	sdelay $0x2  }
0x4c: {  	v6 =	vor.u32 $0x2, v2;
	_ =	sdelay $0x1  }
0x4d: {  	v4 =	vmul.f32 v4, v3;
	_ =	sdelay $0x1  }
0x4e: {  	[tilespmem:v5+s18+$0x0] =	vst.idx.msk $0xffff, v4  }
0x4f: {  	v4 =	vld.idx.msk [tilespmem:v6+s18+$0x0], $0xffff;
	_ =	sdelay $0x2  }
0x50: {  	v5 =	vor.u32 $0x3, v2;
	_ =	sdelay $0x1  }
0x51: {  	v4 =	vmul.f32 v4, v3;
	_ =	sdelay $0x1  }
0x52: {  	[tilespmem:v6+s18+$0x0] =	vst.idx.msk $0xffff, v4  }
0x53: {  	v4 =	vld.idx.msk [tilespmem:v5+s18+$0x0], $0xffff;
	_ =	sdelay $0x2  }
0x54: {  	v6 =	vor.u32 $0x4, v2;
	_ =	sdelay $0x1  }
0x55: {  	v4 =	vmul.f32 v4, v3;
	_ =	sdelay $0x1  }
0x56: {  	[tilespmem:v5+s18+$0x0] =	vst.idx.msk $0xffff, v4  }
0x57: {  	v4 =	vld.idx.msk [tilespmem:v6+s18+$0x0], $0xffff;
	_ =	sdelay $0x2  }
0x58: {  	v5 =	vor.u32 $0x5, v2;
	_ =	sdelay $0x1  }
0x59: {  	v4 =	vmul.f32 v4, v3;
	_ =	sdelay $0x1  }
0x5a: {  	[tilespmem:v6+s18+$0x0] =	vst.idx.msk $0xffff, v4  }
0x5b: {  	v4 =	vld.idx.msk [tilespmem:v5+s18+$0x0], $0xffff;
	_ =	sdelay $0x2  }
0x5c: {  	v6 =	vor.u32 $0x6, v2;
	_ =	sdelay $0x1  }
0x5d: {  	v4 =	vmul.f32 v4, v3;
	_ =	sdelay $0x1  }
0x5e: {  	[tilespmem:v5+s18+$0x0] =	vst.idx.msk $0xffff, v4  }
0x5f: {  	v4 =	vld.idx.msk [tilespmem:v6+s18+$0x0], $0xffff;
	_ =	sdelay $0x2  }
0x60: {  	v5 =	vor.u32 $0x7, v2;
	_ =	sdelay $0x1  }
0x61: {  	v4 =	vmul.f32 v4, v3;
	_ =	sdelay $0x1  }
0x62: {  	[tilespmem:v6+s18+$0x0] =	vst.idx.msk $0xffff, v4  }
0x63: {  	v4 =	vld.idx.msk [tilespmem:v5+s18+$0x0], $0xffff;
	_ =	sdelay $0x2  }
0x64: {  	v6 =	vor.u32 $0x8, v2;
	_ =	sdelay $0x1  }
0x65: {  	v4 =	vmul.f32 v4, v3;
	_ =	sdelay $0x1  }
0x66: {  	[tilespmem:v5+s18+$0x0] =	vst.idx.msk $0xffff, v4  }
0x67: {  	v4 =	vld.idx.msk [tilespmem:v6+s18+$0x0], $0xffff;
	_ =	sdelay $0x2  }
0x68: {  	v5 =	vor.u32 $0x9, v2;
	_ =	sdelay $0x1  }
0x69: {  	v4 =	vmul.f32 v4, v3;
	_ =	sdelay $0x1  }
0x6a: {  	[tilespmem:v6+s18+$0x0] =	vst.idx.msk $0xffff, v4  }
0x6b: {  	v4 =	vld.idx.msk [tilespmem:v5+s18+$0x0], $0xffff;
	_ =	sdelay $0x2  }
0x6c: {  	v6 =	vor.u32 $0xA, v2;
	_ =	sdelay $0x1  }
0x6d: {  	v4 =	vmul.f32 v4, v3;
	_ =	sdelay $0x1  }
0x6e: {  	[tilespmem:v5+s18+$0x0] =	vst.idx.msk $0xffff, v4  }
0x6f: {  	v4 =	vld.idx.msk [tilespmem:v6+s18+$0x0], $0xffff;
	_ =	sdelay $0x2  }
0x70: {  	v5 =	vor.u32 $0xB, v2;
	_ =	sdelay $0x1  }
0x71: {  	v4 =	vmul.f32 v4, v3;
	_ =	sdelay $0x1  }
0x72: {  	[tilespmem:v6+s18+$0x0] =	vst.idx.msk $0xffff, v4  }
0x73: {  	v4 =	vld.idx.msk [tilespmem:v5+s18+$0x0], $0xffff;
	_ =	sdelay $0x2  }
0x74: {  	v6 =	vor.u32 $0xC, v2;
	_ =	sdelay $0x1  }
0x75: {  	v4 =	vmul.f32 v4, v3;
	_ =	sdelay $0x1  }
0x76: {  	[tilespmem:v5+s18+$0x0] =	vst.idx.msk $0xffff, v4  }
0x77: {  	v4 =	vld.idx.msk [tilespmem:v6+s18+$0x0], $0xffff;
	_ =	sdelay $0x2  }
0x78: {  	v5 =	vor.u32 $0xD, v2;
	_ =	sdelay $0x1  }
0x79: {  	v4 =	vmul.f32 v4, v3;
	_ =	sdelay $0x1  }
0x7a: {  	[tilespmem:v6+s18+$0x0] =	vst.idx.msk $0xffff, v4  }
0x7b: {  	v4 =	vld.idx.msk [tilespmem:v5+s18+$0x0], $0xffff;
	_ =	sdelay $0x2  }
0x7c: {  	v6 =	vor.u32 $0xE, v2;
	_ =	sdelay $0x1  }
0x7d: {  	v4 =	vmul.f32 v4, v3;
	_ =	sdelay $0x1  }
0x7e: {  	[tilespmem:v5+s18+$0x0] =	vst.idx.msk $0xffff, v4  }
0x7f: {  	v4 =	vld.idx.msk [tilespmem:v6+s18+$0x0], $0xffff;
	_ =	sdelay $0x2  }
0x80: {  	v5 =	vor.u32 $0xF, v2;
	_ =	sdelay $0x1  }
0x81: {  	v4 =	vmul.f32 v4, v3;
	_ =	sdelay $0x1  }
0x82: {  	[tilespmem:v6+s18+$0x0] =	vst.idx.msk $0xffff, v4  }
0x83: {  	v4 =	vld.idx.msk [tilespmem:v5+s18+$0x0], $0xffff;
	_ =	sdelay $0x2  }
0x84: {  	v6 =	vor.u32 $0x10, v2;
	_ =	sdelay $0x1  }
0x85: {  	v4 =	vmul.f32 v4, v3;
	_ =	sdelay $0x1  }
0x86: {  	[tilespmem:v5+s18+$0x0] =	vst.idx.msk $0xffff, v4  }
0x87: {  	v4 =	vld.idx.msk [tilespmem:v6+s18+$0x0], $0xffff;
	_ =	sdelay $0x2  }
0x88: {  	v5 =	vor.u32 $0x11, v2;
	_ =	sdelay $0x1  }
0x89: {  	v4 =	vmul.f32 v4, v3;
	_ =	sdelay $0x1  }
0x8a: {  	[tilespmem:v6+s18+$0x0] =	vst.idx.msk $0xffff, v4  }
0x8b: {  	v4 =	vld.idx.msk [tilespmem:v5+s18+$0x0], $0xffff;
	_ =	sdelay $0x2  }
0x8c: {  	v6 =	vor.u32 $0x12, v2;
	_ =	sdelay $0x1  }
0x8d: {  	v4 =	vmul.f32 v4, v3;
	_ =	sdelay $0x1  }
0x8e: {  	[tilespmem:v5+s18+$0x0] =	vst.idx.msk $0xffff, v4  }
0x8f: {  	v4 =	vld.idx.msk [tilespmem:v6+s18+$0x0], $0xffff;
	_ =	sdelay $0x2  }
0x90: {  	v5 =	vor.u32 $0x13, v2;
	_ =	sdelay $0x1  }
0x91: {  	v4 =	vmul.f32 v4, v3;
	_ =	sdelay $0x1  }
0x92: {  	[tilespmem:v6+s18+$0x0] =	vst.idx.msk $0xffff, v4  }
0x93: {  	v4 =	vld.idx.msk [tilespmem:v5+s18+$0x0], $0xffff;
	_ =	sdelay $0x2  }
0x94: {  	v6 =	vor.u32 $0x14, v2;
	_ =	sdelay $0x1  }
0x95: {  	v4 =	vmul.f32 v4, v3;
	_ =	sdelay $0x1  }
0x96: {  	[tilespmem:v5+s18+$0x0] =	vst.idx.msk $0xffff, v4  }
0x97: {  	v4 =	vld.idx.msk [tilespmem:v6+s18+$0x0], $0xffff;
	_ =	sdelay $0x2  }
0x98: {  	v5 =	vor.u32 $0x15, v2;
	_ =	sdelay $0x1  }
0x99: {  	v4 =	vmul.f32 v4, v3;
	_ =	sdelay $0x1  }
0x9a: {  	[tilespmem:v6+s18+$0x0] =	vst.idx.msk $0xffff, v4  }
0x9b: {  	v4 =	vld.idx.msk [tilespmem:v5+s18+$0x0], $0xffff;
	_ =	sdelay $0x2  }
0x9c: {  	v6 =	vor.u32 $0x16, v2;
	_ =	sdelay $0x1  }
0x9d: {  	v4 =	vmul.f32 v4, v3;
	_ =	sdelay $0x1  }
0x9e: {  	[tilespmem:v5+s18+$0x0] =	vst.idx.msk $0xffff, v4  }
0x9f: {  	v4 =	vld.idx.msk [tilespmem:v6+s18+$0x0], $0xffff;
	_ =	sdelay $0x2  }
0xa0: {  	v5 =	vor.u32 $0x17, v2;
	_ =	sdelay $0x1  }
0xa1: {  	v4 =	vmul.f32 v4, v3;
	_ =	sdelay $0x1  }
0xa2: {  	[tilespmem:v6+s18+$0x0] =	vst.idx.msk $0xffff, v4  }
0xa3: {  	v4 =	vld.idx.msk [tilespmem:v5+s18+$0x0], $0xffff;
	_ =	sdelay $0x2  }
0xa4: {  	v6 =	vor.u32 $0x18, v2;
	_ =	sdelay $0x1  }
0xa5: {  	v4 =	vmul.f32 v4, v3;
	_ =	sdelay $0x1  }
0xa6: {  	[tilespmem:v5+s18+$0x0] =	vst.idx.msk $0xffff, v4  }
0xa7: {  	v4 =	vld.idx.msk [tilespmem:v6+s18+$0x0], $0xffff;
	_ =	sdelay $0x2  }
0xa8: {  	v5 =	vor.u32 $0x19, v2;
	_ =	sdelay $0x1  }
0xa9: {  	v4 =	vmul.f32 v4, v3;
	_ =	sdelay $0x1  }
0xaa: {  	[tilespmem:v6+s18+$0x0] =	vst.idx.msk $0xffff, v4  }
0xab: {  	v4 =	vld.idx.msk [tilespmem:v5+s18+$0x0], $0xffff;
	_ =	sdelay $0x2  }
0xac: {  	v6 =	vor.u32 $0x1A, v2;
	_ =	sdelay $0x1  }
0xad: {  	v4 =	vmul.f32 v4, v3;
	_ =	sdelay $0x1  }
0xae: {  	[tilespmem:v5+s18+$0x0] =	vst.idx.msk $0xffff, v4  }
0xaf: {  	v4 =	vld.idx.msk [tilespmem:v6+s18+$0x0], $0xffff;
	_ =	sdelay $0x2  }
0xb0: {  	v5 =	vor.u32 $0x1B, v2;
	_ =	sdelay $0x1  }
0xb1: {  	v4 =	vmul.f32 v4, v3;
	_ =	sdelay $0x1  }
0xb2: {  	[tilespmem:v6+s18+$0x0] =	vst.idx.msk $0xffff, v4  }
0xb3: {  	v4 =	vld.idx.msk [tilespmem:v5+s18+$0x0], $0xffff;
	_ =	sdelay $0x2  }
0xb4: {  	v6 =	vor.u32 $0x1C, v2;
	_ =	sdelay $0x1  }
0xb5: {  	v4 =	vmul.f32 v4, v3;
	_ =	sdelay $0x1  }
0xb6: {  	[tilespmem:v5+s18+$0x0] =	vst.idx.msk $0xffff, v4  }
0xb7: {  	v4 =	vld.idx.msk [tilespmem:v6+s18+$0x0], $0xffff;
	_ =	sdelay $0x2  }
0xb8: {  	v5 =	vor.u32 $0x1D, v2;
	_ =	sdelay $0x1  }
0xb9: {  	v4 =	vmul.f32 v4, v3;
	_ =	sdelay $0x1  }
0xba: {  	[tilespmem:v6+s18+$0x0] =	vst.idx.msk $0xffff, v4  }
0xbb: {  	v4 =	vld.idx.msk [tilespmem:v5+s18+$0x0], $0xffff;
	_ =	sdelay $0x2  }
0xbc: {  	v6 =	vor.u32 $0x1E, v2;
	_ =	sdelay $0x1  }
0xbd: {  	v4 =	vmul.f32 v4, v3;
	_ =	sdelay $0x1  }
0xbe: {  	[tilespmem:v5+s18+$0x0] =	vst.idx.msk $0xffff, v4  }
0xbf: {  	v5 =	vld.idx.msk [tilespmem:v6+s18+$0x0], $0xffff;
	_ =	sdelay $0x2  }
0xc0: {  	v4 =	vor.u32 $0x1F, v2;
	_ =	sdelay $0x1  }
0xc1: {  	v2 =	vmul.f32 v5, v3;
	_ =	sdelay $0x1  }
0xc2: {  	[tilespmem:v6+s18+$0x0] =	vst.idx.msk $0xffff, v2  }
0xc3: {  	s8 =	simm.s32 $0x10;
	v5 =	vld.idx.msk [tilespmem:v4+s18+$0x0], $0xffff  }
0xc4: {  	v2 =	vmov s8  }
0xc5: {  	v2 =	vshll.u32 v2, $0x5  }
0xc6: {  	v2 =	vor.u32 v1, v2;
	_ =	sdelay $0x1  }
0xc7: {  	s31 =	simm.s32 $0x20;
	v3 =	vmul.f32 v5, v3  }
.LBB2_5:
0xc8: {  	p0 =	sne.s32 s31, $0x1F0  }
0xc9: {  	s30 =	sadd.s32 $0x10, s30;
	s0 =	smov.u32 s31;
	s31 =	sadd.s32 $0x10, s31;
	[tilespmem:v4+s18+$0x0] =	vst.idx.msk $0xffff, v3  }
0xca: {  	v4 =	vld.idx.msk [tilespmem:v2+s18+$0x0], $0xffff  }
0xcb: {  	v3 =	vld [tilespmem:s30+$0x0];
	_ =	sdelay $0x2  }
0xcc: {  	v5 =	vor.u32 $0x1, v2;
	_ =	sdelay $0x1  }
0xcd: {  	v4 =	vmul.f32 v4, v3;
	_ =	sdelay $0x1  }
0xce: {  	[tilespmem:v2+s18+$0x0] =	vst.idx.msk $0xffff, v4  }
0xcf: {  	v4 =	vld.idx.msk [tilespmem:v5+s18+$0x0], $0xffff;
	_ =	sdelay $0x3  }
0xd0: {  	v6 =	vor.u32 $0x2, v2;
	_ =	sdelay $0x1  }
0xd1: {  	v4 =	vmul.f32 v4, v3;
	_ =	sdelay $0x1  }
0xd2: {  	[tilespmem:v5+s18+$0x0] =	vst.idx.msk $0xffff, v4  }
0xd3: {  	v4 =	vld.idx.msk [tilespmem:v6+s18+$0x0], $0xffff;
	_ =	sdelay $0x3  }
0xd4: {  	v5 =	vor.u32 $0x3, v2;
	_ =	sdelay $0x1  }
0xd5: {  	v4 =	vmul.f32 v4, v3;
	_ =	sdelay $0x1  }
0xd6: {  	[tilespmem:v6+s18+$0x0] =	vst.idx.msk $0xffff, v4  }
0xd7: {  	v4 =	vld.idx.msk [tilespmem:v5+s18+$0x0], $0xffff;
	_ =	sdelay $0x3  }
0xd8: {  	v6 =	vor.u32 $0x4, v2;
	_ =	sdelay $0x1  }
0xd9: {  	v4 =	vmul.f32 v4, v3;
	_ =	sdelay $0x1  }
0xda: {  	[tilespmem:v5+s18+$0x0] =	vst.idx.msk $0xffff, v4  }
0xdb: {  	v4 =	vld.idx.msk [tilespmem:v6+s18+$0x0], $0xffff;
	_ =	sdelay $0x3  }
0xdc: {  	v5 =	vor.u32 $0x5, v2;
	_ =	sdelay $0x1  }
0xdd: {  	v4 =	vmul.f32 v4, v3;
	_ =	sdelay $0x1  }
0xde: {  	[tilespmem:v6+s18+$0x0] =	vst.idx.msk $0xffff, v4  }
0xdf: {  	v4 =	vld.idx.msk [tilespmem:v5+s18+$0x0], $0xffff;
	_ =	sdelay $0x3  }
0xe0: {  	v6 =	vor.u32 $0x6, v2;
	_ =	sdelay $0x1  }
0xe1: {  	v4 =	vmul.f32 v4, v3;
	_ =	sdelay $0x1  }
0xe2: {  	[tilespmem:v5+s18+$0x0] =	vst.idx.msk $0xffff, v4  }
0xe3: {  	v4 =	vld.idx.msk [tilespmem:v6+s18+$0x0], $0xffff;
	_ =	sdelay $0x3  }
0xe4: {  	v5 =	vor.u32 $0x7, v2;
	_ =	sdelay $0x1  }
0xe5: {  	v4 =	vmul.f32 v4, v3;
	_ =	sdelay $0x1  }
0xe6: {  	[tilespmem:v6+s18+$0x0] =	vst.idx.msk $0xffff, v4  }
0xe7: {  	v4 =	vld.idx.msk [tilespmem:v5+s18+$0x0], $0xffff;
	_ =	sdelay $0x3  }
0xe8: {  	v6 =	vor.u32 $0x8, v2;
	_ =	sdelay $0x1  }
0xe9: {  	v4 =	vmul.f32 v4, v3;
	_ =	sdelay $0x1  }
0xea: {  	[tilespmem:v5+s18+$0x0] =	vst.idx.msk $0xffff, v4  }
0xeb: {  	v4 =	vld.idx.msk [tilespmem:v6+s18+$0x0], $0xffff;
	_ =	sdelay $0x3  }
0xec: {  	v5 =	vor.u32 $0x9, v2;
	_ =	sdelay $0x1  }
0xed: {  	v4 =	vmul.f32 v4, v3;
	_ =	sdelay $0x1  }
0xee: {  	[tilespmem:v6+s18+$0x0] =	vst.idx.msk $0xffff, v4  }
0xef: {  	v4 =	vld.idx.msk [tilespmem:v5+s18+$0x0], $0xffff;
	_ =	sdelay $0x3  }
0xf0: {  	v6 =	vor.u32 $0xA, v2;
	_ =	sdelay $0x1  }
0xf1: {  	v4 =	vmul.f32 v4, v3;
	_ =	sdelay $0x1  }
0xf2: {  	[tilespmem:v5+s18+$0x0] =	vst.idx.msk $0xffff, v4  }
0xf3: {  	v4 =	vld.idx.msk [tilespmem:v6+s18+$0x0], $0xffff;
	_ =	sdelay $0x3  }
0xf4: {  	v5 =	vor.u32 $0xB, v2;
	_ =	sdelay $0x1  }
0xf5: {  	v4 =	vmul.f32 v4, v3;
	_ =	sdelay $0x1  }
0xf6: {  	[tilespmem:v6+s18+$0x0] =	vst.idx.msk $0xffff, v4  }
0xf7: {  	v4 =	vld.idx.msk [tilespmem:v5+s18+$0x0], $0xffff;
	_ =	sdelay $0x3  }
0xf8: {  	v6 =	vor.u32 $0xC, v2;
	_ =	sdelay $0x1  }
0xf9: {  	v4 =	vmul.f32 v4, v3;
	_ =	sdelay $0x1  }
0xfa: {  	[tilespmem:v5+s18+$0x0] =	vst.idx.msk $0xffff, v4  }
0xfb: {  	v4 =	vld.idx.msk [tilespmem:v6+s18+$0x0], $0xffff;
	_ =	sdelay $0x3  }
0xfc: {  	v5 =	vor.u32 $0xD, v2;
	_ =	sdelay $0x1  }
0xfd: {  	v4 =	vmul.f32 v4, v3;
	_ =	sdelay $0x1  }
0xfe: {  	[tilespmem:v6+s18+$0x0] =	vst.idx.msk $0xffff, v4  }
0xff: {  	v4 =	vld.idx.msk [tilespmem:v5+s18+$0x0], $0xffff;
	_ =	sdelay $0x3  }
0x100: {  	v6 =	vor.u32 $0xE, v2;
	_ =	sdelay $0x1  }
0x101: {  	v4 =	vmul.f32 v4, v3;
	_ =	sdelay $0x1  }
0x102: {  	[tilespmem:v5+s18+$0x0] =	vst.idx.msk $0xffff, v4  }
0x103: {  	v4 =	vld.idx.msk [tilespmem:v6+s18+$0x0], $0xffff;
	_ =	sdelay $0x3  }
0x104: {  	v5 =	vor.u32 $0xF, v2;
	_ =	sdelay $0x1  }
0x105: {  	v4 =	vmul.f32 v4, v3;
	_ =	sdelay $0x1  }
0x106: {  	[tilespmem:v6+s18+$0x0] =	vst.idx.msk $0xffff, v4  }
0x107: {  	v4 =	vld.idx.msk [tilespmem:v5+s18+$0x0], $0xffff;
	_ =	sdelay $0x3  }
0x108: {  	v6 =	vor.u32 $0x10, v2;
	_ =	sdelay $0x1  }
0x109: {  	v4 =	vmul.f32 v4, v3;
	_ =	sdelay $0x1  }
0x10a: {  	[tilespmem:v5+s18+$0x0] =	vst.idx.msk $0xffff, v4  }
0x10b: {  	v4 =	vld.idx.msk [tilespmem:v6+s18+$0x0], $0xffff;
	_ =	sdelay $0x3  }
0x10c: {  	v5 =	vor.u32 $0x11, v2;
	_ =	sdelay $0x1  }
0x10d: {  	v4 =	vmul.f32 v4, v3;
	_ =	sdelay $0x1  }
0x10e: {  	[tilespmem:v6+s18+$0x0] =	vst.idx.msk $0xffff, v4  }
0x10f: {  	v4 =	vld.idx.msk [tilespmem:v5+s18+$0x0], $0xffff;
	_ =	sdelay $0x3  }
0x110: {  	v6 =	vor.u32 $0x12, v2;
	_ =	sdelay $0x1  }
0x111: {  	v4 =	vmul.f32 v4, v3;
	_ =	sdelay $0x1  }
0x112: {  	[tilespmem:v5+s18+$0x0] =	vst.idx.msk $0xffff, v4  }
0x113: {  	v4 =	vld.idx.msk [tilespmem:v6+s18+$0x0], $0xffff;
	_ =	sdelay $0x3  }
0x114: {  	v5 =	vor.u32 $0x13, v2;
	_ =	sdelay $0x1  }
0x115: {  	v4 =	vmul.f32 v4, v3;
	_ =	sdelay $0x1  }
0x116: {  	[tilespmem:v6+s18+$0x0] =	vst.idx.msk $0xffff, v4  }
0x117: {  	v4 =	vld.idx.msk [tilespmem:v5+s18+$0x0], $0xffff;
	_ =	sdelay $0x3  }
0x118: {  	v6 =	vor.u32 $0x14, v2;
	_ =	sdelay $0x1  }
0x119: {  	v4 =	vmul.f32 v4, v3;
	_ =	sdelay $0x1  }
0x11a: {  	[tilespmem:v5+s18+$0x0] =	vst.idx.msk $0xffff, v4  }
0x11b: {  	v4 =	vld.idx.msk [tilespmem:v6+s18+$0x0], $0xffff;
	_ =	sdelay $0x3  }
0x11c: {  	v5 =	vor.u32 $0x15, v2;
	_ =	sdelay $0x1  }
0x11d: {  	v4 =	vmul.f32 v4, v3;
	_ =	sdelay $0x1  }
0x11e: {  	[tilespmem:v6+s18+$0x0] =	vst.idx.msk $0xffff, v4  }
0x11f: {  	v4 =	vld.idx.msk [tilespmem:v5+s18+$0x0], $0xffff;
	_ =	sdelay $0x3  }
0x120: {  	v6 =	vor.u32 $0x16, v2;
	_ =	sdelay $0x1  }
0x121: {  	v4 =	vmul.f32 v4, v3;
	_ =	sdelay $0x1  }
0x122: {  	[tilespmem:v5+s18+$0x0] =	vst.idx.msk $0xffff, v4  }
0x123: {  	v4 =	vld.idx.msk [tilespmem:v6+s18+$0x0], $0xffff;
	_ =	sdelay $0x3  }
0x124: {  	v5 =	vor.u32 $0x17, v2;
	_ =	sdelay $0x1  }
0x125: {  	v4 =	vmul.f32 v4, v3;
	_ =	sdelay $0x1  }
0x126: {  	[tilespmem:v6+s18+$0x0] =	vst.idx.msk $0xffff, v4  }
0x127: {  	v4 =	vld.idx.msk [tilespmem:v5+s18+$0x0], $0xffff;
	_ =	sdelay $0x3  }
0x128: {  	v6 =	vor.u32 $0x18, v2;
	_ =	sdelay $0x1  }
0x129: {  	v4 =	vmul.f32 v4, v3;
	_ =	sdelay $0x1  }
0x12a: {  	[tilespmem:v5+s18+$0x0] =	vst.idx.msk $0xffff, v4  }
0x12b: {  	v4 =	vld.idx.msk [tilespmem:v6+s18+$0x0], $0xffff;
	_ =	sdelay $0x3  }
0x12c: {  	v5 =	vor.u32 $0x19, v2;
	_ =	sdelay $0x1  }
0x12d: {  	v4 =	vmul.f32 v4, v3;
	_ =	sdelay $0x1  }
0x12e: {  	[tilespmem:v6+s18+$0x0] =	vst.idx.msk $0xffff, v4  }
0x12f: {  	v4 =	vld.idx.msk [tilespmem:v5+s18+$0x0], $0xffff;
	_ =	sdelay $0x3  }
0x130: {  	v6 =	vor.u32 $0x1A, v2;
	_ =	sdelay $0x1  }
0x131: {  	v4 =	vmul.f32 v4, v3;
	_ =	sdelay $0x1  }
0x132: {  	[tilespmem:v5+s18+$0x0] =	vst.idx.msk $0xffff, v4  }
0x133: {  	v4 =	vld.idx.msk [tilespmem:v6+s18+$0x0], $0xffff;
	_ =	sdelay $0x3  }
0x134: {  	v5 =	vor.u32 $0x1B, v2;
	_ =	sdelay $0x1  }
0x135: {  	v4 =	vmul.f32 v4, v3;
	_ =	sdelay $0x1  }
0x136: {  	[tilespmem:v6+s18+$0x0] =	vst.idx.msk $0xffff, v4  }
0x137: {  	v4 =	vld.idx.msk [tilespmem:v5+s18+$0x0], $0xffff;
	_ =	sdelay $0x3  }
0x138: {  	v6 =	vor.u32 $0x1C, v2;
	_ =	sdelay $0x1  }
0x139: {  	v4 =	vmul.f32 v4, v3;
	_ =	sdelay $0x1  }
0x13a: {  	[tilespmem:v5+s18+$0x0] =	vst.idx.msk $0xffff, v4  }
0x13b: {  	v4 =	vld.idx.msk [tilespmem:v6+s18+$0x0], $0xffff;
	_ =	sdelay $0x3  }
0x13c: {  	v5 =	vor.u32 $0x1D, v2;
	_ =	sdelay $0x1  }
0x13d: {  	v4 =	vmul.f32 v4, v3;
	_ =	sdelay $0x1  }
0x13e: {  	[tilespmem:v6+s18+$0x0] =	vst.idx.msk $0xffff, v4  }
0x13f: {  	v4 =	vld.idx.msk [tilespmem:v5+s18+$0x0], $0xffff;
	_ =	sdelay $0x3  }
0x140: {  	v6 =	vor.u32 $0x1E, v2;
	_ =	sdelay $0x1  }
0x141: {  	v4 =	vmul.f32 v4, v3;
	_ =	sdelay $0x1  }
0x142: {  	[tilespmem:v5+s18+$0x0] =	vst.idx.msk $0xffff, v4  }
0x143: {  	v5 =	vld.idx.msk [tilespmem:v6+s18+$0x0], $0xffff;
	_ =	sdelay $0x3  }
0x144: {  	v4 =	vor.u32 $0x1F, v2;
	_ =	sdelay $0x1  }
0x145: {  	v2 =	vmul.f32 v5, v3;
	_ =	sdelay $0x1  }
0x146: {  	[tilespmem:v6+s18+$0x0] =	vst.idx.msk $0xffff, v2  }
0x147: {  	v5 =	vld.idx.msk [tilespmem:v4+s18+$0x0], $0xffff;
	_ =	sdelay $0x1  }
.Ltmp1:
0x148: {  	v2 =	vmov s0;
	(pc) =	sbr.rel @p0 .LBB2_5-.Ltmp1, $3  }
0x149: {  	v2 =	vshll.u32 v2, $0x5  }
0x14a: {  	v2 =	vor.u32 v1, v2;
	_ =	sdelay $0x1  }
0x14b: {  	v3 =	vmul.f32 v5, v3  }
0x14c: {  	_ =	sdelay $0x3  }
0x14d: {  	[tilespmem:v4+s18+$0x0] =	vst.idx.msk $0xffff, v3  }
0x14e: {  	s0 =	sadd.s32 $0x10, s30;
	v3 =	vld.idx.msk [tilespmem:v2+s18+$0x0], $0xffff  }
0x14f: {  	v4 =	vld [tilespmem:s0+$0x0];
	_ =	sdelay $0x2  }
0x150: {  	v5 =	vor.u32 $0x1, v2;
	_ =	sdelay $0x1  }
0x151: {  	v3 =	vmul.f32 v3, v4;
	_ =	sdelay $0x1  }
0x152: {  	[tilespmem:v2+s18+$0x0] =	vst.idx.msk $0xffff, v3  }
0x153: {  	v3 =	vld.idx.msk [tilespmem:v5+s18+$0x0], $0xffff;
	_ =	sdelay $0x2  }
0x154: {  	v6 =	vor.u32 $0x2, v2;
	_ =	sdelay $0x1  }
0x155: {  	v3 =	vmul.f32 v3, v4;
	_ =	sdelay $0x1  }
0x156: {  	[tilespmem:v5+s18+$0x0] =	vst.idx.msk $0xffff, v3  }
0x157: {  	v3 =	vld.idx.msk [tilespmem:v6+s18+$0x0], $0xffff;
	_ =	sdelay $0x2  }
0x158: {  	v36 =	vor.u32 $0x3, v2;
	_ =	sdelay $0x1  }
0x159: {  	v3 =	vmul.f32 v3, v4;
	_ =	sdelay $0x1  }
0x15a: {  	[tilespmem:v6+s18+$0x0] =	vst.idx.msk $0xffff, v3  }
0x15b: {  	v3 =	vld.idx.msk [tilespmem:v36+s18+$0x0], $0xffff;
	_ =	sdelay $0x2  }
0x15c: {  	v37 =	vor.u32 $0x4, v2;
	_ =	sdelay $0x1  }
0x15d: {  	v3 =	vmul.f32 v3, v4;
	_ =	sdelay $0x1  }
0x15e: {  	[tilespmem:v36+s18+$0x0] =	vst.idx.msk $0xffff, v3  }
0x15f: {  	v3 =	vld.idx.msk [tilespmem:v37+s18+$0x0], $0xffff;
	_ =	sdelay $0x2  }
0x160: {  	v38 =	vor.u32 $0x5, v2;
	_ =	sdelay $0x1  }
0x161: {  	v3 =	vmul.f32 v3, v4;
	_ =	sdelay $0x1  }
0x162: {  	[tilespmem:v37+s18+$0x0] =	vst.idx.msk $0xffff, v3  }
0x163: {  	v3 =	vld.idx.msk [tilespmem:v38+s18+$0x0], $0xffff;
	_ =	sdelay $0x2  }
0x164: {  	v39 =	vor.u32 $0x6, v2;
	_ =	sdelay $0x1  }
0x165: {  	v3 =	vmul.f32 v3, v4;
	_ =	sdelay $0x1  }
0x166: {  	[tilespmem:v38+s18+$0x0] =	vst.idx.msk $0xffff, v3  }
0x167: {  	v3 =	vld.idx.msk [tilespmem:v39+s18+$0x0], $0xffff;
	_ =	sdelay $0x2  }
0x168: {  	v40 =	vor.u32 $0x7, v2;
	_ =	sdelay $0x1  }
0x169: {  	v3 =	vmul.f32 v3, v4;
	_ =	sdelay $0x1  }
0x16a: {  	[tilespmem:v39+s18+$0x0] =	vst.idx.msk $0xffff, v3  }
0x16b: {  	v3 =	vld.idx.msk [tilespmem:v40+s18+$0x0], $0xffff;
	_ =	sdelay $0x2  }
0x16c: {  	v41 =	vor.u32 $0x8, v2;
	_ =	sdelay $0x1  }
0x16d: {  	v3 =	vmul.f32 v3, v4;
	_ =	sdelay $0x1  }
0x16e: {  	[tilespmem:v40+s18+$0x0] =	vst.idx.msk $0xffff, v3  }
0x16f: {  	v3 =	vld.idx.msk [tilespmem:v41+s18+$0x0], $0xffff;
	_ =	sdelay $0x2  }
0x170: {  	v42 =	vor.u32 $0x9, v2;
	_ =	sdelay $0x1  }
0x171: {  	v3 =	vmul.f32 v3, v4;
	_ =	sdelay $0x1  }
0x172: {  	[tilespmem:v41+s18+$0x0] =	vst.idx.msk $0xffff, v3  }
0x173: {  	v3 =	vld.idx.msk [tilespmem:v42+s18+$0x0], $0xffff;
	_ =	sdelay $0x2  }
0x174: {  	v43 =	vor.u32 $0xA, v2;
	_ =	sdelay $0x1  }
0x175: {  	v3 =	vmul.f32 v3, v4;
	_ =	sdelay $0x1  }
0x176: {  	[tilespmem:v42+s18+$0x0] =	vst.idx.msk $0xffff, v3  }
0x177: {  	v3 =	vld.idx.msk [tilespmem:v43+s18+$0x0], $0xffff;
	_ =	sdelay $0x2  }
0x178: {  	v44 =	vor.u32 $0xB, v2;
	_ =	sdelay $0x1  }
0x179: {  	v3 =	vmul.f32 v3, v4;
	_ =	sdelay $0x1  }
0x17a: {  	[tilespmem:v43+s18+$0x0] =	vst.idx.msk $0xffff, v3  }
0x17b: {  	v3 =	vld.idx.msk [tilespmem:v44+s18+$0x0], $0xffff;
	_ =	sdelay $0x2  }
0x17c: {  	v45 =	vor.u32 $0xC, v2;
	_ =	sdelay $0x1  }
0x17d: {  	v3 =	vmul.f32 v3, v4;
	_ =	sdelay $0x1  }
0x17e: {  	[tilespmem:v44+s18+$0x0] =	vst.idx.msk $0xffff, v3  }
0x17f: {  	v3 =	vld.idx.msk [tilespmem:v45+s18+$0x0], $0xffff;
	_ =	sdelay $0x2  }
0x180: {  	v46 =	vor.u32 $0xD, v2;
	_ =	sdelay $0x1  }
0x181: {  	v3 =	vmul.f32 v3, v4;
	_ =	sdelay $0x1  }
0x182: {  	[tilespmem:v45+s18+$0x0] =	vst.idx.msk $0xffff, v3  }
0x183: {  	v3 =	vld.idx.msk [tilespmem:v46+s18+$0x0], $0xffff;
	_ =	sdelay $0x2  }
0x184: {  	v47 =	vor.u32 $0xE, v2;
	_ =	sdelay $0x1  }
0x185: {  	v3 =	vmul.f32 v3, v4;
	_ =	sdelay $0x1  }
0x186: {  	[tilespmem:v46+s18+$0x0] =	vst.idx.msk $0xffff, v3  }
0x187: {  	v3 =	vld.idx.msk [tilespmem:v47+s18+$0x0], $0xffff;
	_ =	sdelay $0x2  }
0x188: {  	v48 =	vor.u32 $0xF, v2;
	_ =	sdelay $0x1  }
0x189: {  	v3 =	vmul.f32 v3, v4;
	_ =	sdelay $0x1  }
0x18a: {  	[tilespmem:v47+s18+$0x0] =	vst.idx.msk $0xffff, v3  }
0x18b: {  	v3 =	vld.idx.msk [tilespmem:v48+s18+$0x0], $0xffff;
	_ =	sdelay $0x2  }
0x18c: {  	v49 =	vor.u32 $0x10, v2;
	_ =	sdelay $0x1  }
0x18d: {  	v3 =	vmul.f32 v3, v4;
	_ =	sdelay $0x1  }
0x18e: {  	[tilespmem:v48+s18+$0x0] =	vst.idx.msk $0xffff, v3  }
0x18f: {  	v3 =	vld.idx.msk [tilespmem:v49+s18+$0x0], $0xffff;
	_ =	sdelay $0x2  }
0x190: {  	v50 =	vor.u32 $0x11, v2;
	_ =	sdelay $0x1  }
0x191: {  	v3 =	vmul.f32 v3, v4;
	_ =	sdelay $0x1  }
0x192: {  	[tilespmem:v49+s18+$0x0] =	vst.idx.msk $0xffff, v3  }
0x193: {  	v3 =	vld.idx.msk [tilespmem:v50+s18+$0x0], $0xffff;
	_ =	sdelay $0x2  }
0x194: {  	v51 =	vor.u32 $0x12, v2;
	_ =	sdelay $0x1  }
0x195: {  	v3 =	vmul.f32 v3, v4;
	_ =	sdelay $0x1  }
0x196: {  	[tilespmem:v50+s18+$0x0] =	vst.idx.msk $0xffff, v3  }
0x197: {  	v3 =	vld.idx.msk [tilespmem:v51+s18+$0x0], $0xffff;
	_ =	sdelay $0x2  }
0x198: {  	v52 =	vor.u32 $0x13, v2;
	_ =	sdelay $0x1  }
0x199: {  	v3 =	vmul.f32 v3, v4;
	_ =	sdelay $0x1  }
0x19a: {  	[tilespmem:v51+s18+$0x0] =	vst.idx.msk $0xffff, v3  }
0x19b: {  	v3 =	vld.idx.msk [tilespmem:v52+s18+$0x0], $0xffff;
	_ =	sdelay $0x2  }
0x19c: {  	v53 =	vor.u32 $0x14, v2;
	_ =	sdelay $0x1  }
0x19d: {  	v3 =	vmul.f32 v3, v4;
	_ =	sdelay $0x1  }
0x19e: {  	[tilespmem:v52+s18+$0x0] =	vst.idx.msk $0xffff, v3  }
0x19f: {  	v3 =	vld.idx.msk [tilespmem:v53+s18+$0x0], $0xffff;
	_ =	sdelay $0x2  }
0x1a0: {  	v54 =	vor.u32 $0x15, v2;
	_ =	sdelay $0x1  }
0x1a1: {  	v3 =	vmul.f32 v3, v4;
	_ =	sdelay $0x1  }
0x1a2: {  	[tilespmem:v53+s18+$0x0] =	vst.idx.msk $0xffff, v3  }
0x1a3: {  	v3 =	vld.idx.msk [tilespmem:v54+s18+$0x0], $0xffff;
	_ =	sdelay $0x2  }
0x1a4: {  	v55 =	vor.u32 $0x16, v2;
	_ =	sdelay $0x1  }
0x1a5: {  	v3 =	vmul.f32 v3, v4;
	_ =	sdelay $0x1  }
0x1a6: {  	[tilespmem:v54+s18+$0x0] =	vst.idx.msk $0xffff, v3  }
0x1a7: {  	v3 =	vld.idx.msk [tilespmem:v55+s18+$0x0], $0xffff;
	_ =	sdelay $0x2  }
0x1a8: {  	v56 =	vor.u32 $0x17, v2;
	_ =	sdelay $0x1  }
0x1a9: {  	v3 =	vmul.f32 v3, v4;
	_ =	sdelay $0x1  }
0x1aa: {  	[tilespmem:v55+s18+$0x0] =	vst.idx.msk $0xffff, v3  }
0x1ab: {  	v3 =	vld.idx.msk [tilespmem:v56+s18+$0x0], $0xffff;
	_ =	sdelay $0x2  }
0x1ac: {  	v57 =	vor.u32 $0x18, v2;
	_ =	sdelay $0x1  }
0x1ad: {  	v3 =	vmul.f32 v3, v4;
	_ =	sdelay $0x1  }
0x1ae: {  	[tilespmem:v56+s18+$0x0] =	vst.idx.msk $0xffff, v3  }
0x1af: {  	v3 =	vld.idx.msk [tilespmem:v57+s18+$0x0], $0xffff;
	_ =	sdelay $0x2  }
0x1b0: {  	v58 =	vor.u32 $0x19, v2;
	_ =	sdelay $0x1  }
0x1b1: {  	v3 =	vmul.f32 v3, v4;
	_ =	sdelay $0x1  }
0x1b2: {  	[tilespmem:v57+s18+$0x0] =	vst.idx.msk $0xffff, v3  }
0x1b3: {  	v3 =	vld.idx.msk [tilespmem:v58+s18+$0x0], $0xffff;
	_ =	sdelay $0x2  }
0x1b4: {  	v59 =	vor.u32 $0x1A, v2;
	_ =	sdelay $0x1  }
0x1b5: {  	v3 =	vmul.f32 v3, v4;
	_ =	sdelay $0x1  }
0x1b6: {  	[tilespmem:v58+s18+$0x0] =	vst.idx.msk $0xffff, v3  }
0x1b7: {  	v3 =	vld.idx.msk [tilespmem:v59+s18+$0x0], $0xffff;
	_ =	sdelay $0x2  }
0x1b8: {  	v60 =	vor.u32 $0x1B, v2;
	_ =	sdelay $0x1  }
0x1b9: {  	v3 =	vmul.f32 v3, v4;
	_ =	sdelay $0x1  }
0x1ba: {  	[tilespmem:v59+s18+$0x0] =	vst.idx.msk $0xffff, v3  }
0x1bb: {  	v3 =	vld.idx.msk [tilespmem:v60+s18+$0x0], $0xffff;
	_ =	sdelay $0x2  }
0x1bc: {  	v61 =	vor.u32 $0x1C, v2;
	_ =	sdelay $0x1  }
0x1bd: {  	v3 =	vmul.f32 v3, v4;
	_ =	sdelay $0x1  }
0x1be: {  	[tilespmem:v60+s18+$0x0] =	vst.idx.msk $0xffff, v3  }
0x1bf: {  	v3 =	vld.idx.msk [tilespmem:v61+s18+$0x0], $0xffff;
	_ =	sdelay $0x2  }
0x1c0: {  	v62 =	vor.u32 $0x1D, v2;
	_ =	sdelay $0x1  }
0x1c1: {  	v3 =	vmul.f32 v3, v4;
	_ =	sdelay $0x1  }
0x1c2: {  	[tilespmem:v61+s18+$0x0] =	vst.idx.msk $0xffff, v3  }
0x1c3: {  	v3 =	vld.idx.msk [tilespmem:v62+s18+$0x0], $0xffff;
	_ =	sdelay $0x2  }
0x1c4: {  	v63 =	vor.u32 $0x1E, v2;
	_ =	sdelay $0x1  }
0x1c5: {  	v3 =	vmul.f32 v3, v4;
	_ =	sdelay $0x1  }
0x1c6: {  	[tilespmem:v62+s18+$0x0] =	vst.idx.msk $0xffff, v3  }
0x1c7: {  	v3 =	vld.idx.msk [tilespmem:v63+s18+$0x0], $0xffff;
	_ =	sdelay $0x2  }
0x1c8: {  	v2 =	vor.u32 $0x1F, v2;
	_ =	sdelay $0x1  }
0x1c9: {  	v3 =	vmul.f32 v3, v4;
	_ =	sdelay $0x1  }
0x1ca: {  	[tilespmem:v63+s18+$0x0] =	vst.idx.msk $0xffff, v3  }
0x1cb: {  	v3 =	vld.idx.msk [tilespmem:v2+s18+$0x0], $0xffff;
	_ =	sdelay $0x4  }
0x1cc: {  	v3 =	vmul.f32 v3, v4;
	_ =	sdelay $0x1  }
0x1cd: {  	[tilespmem:v2+s18+$0x0] =	vst.idx.msk $0xffff, v3  }
0x1ce: {  	[spmem:s2] =	stream.indirect.scatter.add.f32 [tilespmem:s18], [sflag:$0x2], $0x20, s15, s17, $0xb8;
	[tilespmem:$0x1CE00] =	vst v63  }
0x1cf: {  	_ =	swait.ge [sflag:s14], $0x1000  }
0x1d0: {  	[sflag:s14] =	ssyncset.done $0x0  }
0x1d1: {  	[sflag:s14] =	ssyncadd.s32 $0xFFFFF000  }
0x1d2: {  	[spmem:s2] =	stream.indirect.scatter.add.f32 [tilespmem:s19], [sflag:$0x2], $0x20, s25, s17, $0xb8;
	[tilespmem:$0x1CE00] =	vst v63  }
0x1d3: {  	_ =	swait.ge [sflag:s14], $0x1000  }
0x1d4: {  	[sflag:s14] =	ssyncset.done $0x0  }
0x1d5: {  	[sflag:s14] =	ssyncadd.s32 $0xFFFFF000  }
0x1d6: {  	[spmem:s2] =	stream.indirect.scatter.add.f32 [tilespmem:s21], [sflag:$0x2], $0x20, s26, s17, $0xb8;
	[tilespmem:$0x1CE00] =	vst v63  }
0x1d7: {  	s29 =	sadd.s32 $0x1, s29;
	_ =	swait.ge [sflag:s14], $0x1000  }
0x1d8: {  	p0 =	sne.s32 s29, $0x62;
	[sflag:s14] =	ssyncset.done $0x0  }
.Ltmp2:
0x1d9: {  	[sflag:s14] =	ssyncadd.s32 $0xFFFFF000;
	(pc) =	sbr.rel @p0 .LBB2_2-.Ltmp2, $4  }
0x1da: {  	[spmem:s2] =	stream.indirect.scatter.add.f32 [tilespmem:s23], [sflag:$0x2], $0x20, s28, s17, $0xb8;
	[tilespmem:$0x1CE00] =	vst v63  }
0x1db: {  	_ =	swait.ge [sflag:s14], $0x1000  }
0x1dc: {  	[sflag:s14] =	ssyncset.done $0x0  }
0x1dd: {  	[sflag:s14] =	ssyncadd.s32 $0xFFFFF000  }
0x1de: {  	s3 =	sadd.s32 $0x1, s3  }
0x1df: {  	p0 =	sne.s32 s3, s12  }
.Ltmp3:
0x1e0: {  	[bflag:$0x0] =	sbarrier.arrive $0xFFFF;
	(pc) =	sbr.rel @p0 .LBB2_1-.Ltmp3, $4  }
0x1e1: {  	[hbm:s11], [sflag:s9] =	dma.local [spmem:s13], $0x3100  }
0x1e2: {  	_ =	swait.ge [sflag:s14], $0x3100  }
0x1e3: {  	[sflag:s14] =	ssyncset.done $0x0  }
0x1e4: {  	[sflag:s14] =	ssyncadd.s32 $0xFFFFCF00  }
0x1e5: {  	_ =	sfence.sel $0x180000  }
0x1e6: {  	[bflag:$0x0] =	sbarrier.arrive $0xFFFF  }
0x1e7: {  	_ =	strace $0x9000004A  }
0x1e8: {  	s0 =	stileid.u32;
	[bflag:$0x2] =	sbarrier.arrive $0xFFFF  }
0x1e9: {  	p0 =	sne.s32 s0, $0x0;
	s0 =	rddreg [dreg:$0x2]  }
0x1ea: {  	s0 =	sadd.s32 @!p0 $0x100000, s0  }
0x1eb: {  	[sflag:s0] =	ssyncadd.tile.s32 @!p0 $0x1;
	_ =	shalt  }
.Lfunc_end2:
_tile_overlayer_lowered:
.L_overlay_start_2:
0x1ec: {  	(tag) =	ssettag $0x2  }
0x1ed: {  	s0 =	rddreg [dreg:$0x0];
	s2 =	stileid.u32  }
0x1ee: {  	s1 =	rddreg [dreg:$0x1];
	p0 =	sne.s32 s2, $0x0  }
0x1ef: {  	s3 =	rddreg [dreg:$0x2];
	[bflag:$0x3] =	sbarrier.arrive $0xFFFF;
	s2 =	simm.s32 @!p0 $0x1C02  }
0x1f0: {  	[timem:s3], [sflag:s2] =	dma.local @!p0 [hbm:s0], s1  }
0x1f1: {  	s0 =	simm.s32 @!p0 $0x2  }
0x1f2: {  	_ =	swait.ge @!p0 [sflag:s0], s1  }
0x1f3: {  	s1 =	ssub.s32 @!p0 $0x0, s1;
	[sflag:s0] =	ssyncset.done @!p0 $0x0  }
0x1f4: {  	[sflag:s0] =	ssyncadd.s32 @!p0 s1  }
0x1f5: {  	[bflag:$0x3] =	sbarrier.arrive $0xFFFF  }
0x1f6: {  	_ =	shalt  }

// kernel: kernel.15.cloned.1.call-start
scs
__scs_entry_jumppad:
0x0: {  	(pc) =	sbr.rel $0x88, $3  }
0x1: {  	(tag) =	ssettag $0x0;
	lr =	simm.s32 $0x1  }
0x2: {  	[smem:$0x3F7E] =	sst lr;
	_ =	strace $0xD0000000  }
0x3: {  	_ = 	snop  }
0x4: {  	_ = 	snop  }
0x5: {  	_ = 	snop  }
0x6: {  	_ = 	snop  }
0x7: {  	_ = 	snop  }
__scs_overlays_trampoline_lowered:
0x8: {  	[smem:$0x3F8D] =	sst s0  }
0x9: {  	[smem:$0x3F8E] =	sst s1  }
0xa: {  	[smem:$0x3F8F] =	sst s2  }
0xb: {  	[smem:$0x3F90] =	sst s3  }
0xc: {  	[smem:$0x3F91] =	sst s4  }
0xd: {  	[smem:$0x3F92] =	sst s5  }
0xe: {  	[smem:$0x3F93] =	sst s6  }
0xf: {  	[smem:$0x3F94] =	sst s7  }
0x10: {  	[smem:$0x3F95] =	sst s8  }
0x11: {  	[smem:$0x3F96] =	sst s9;
	s0 =	simm.s32 @!p0 $0x0  }
0x12: {  	s1 =	sld [smem:$0x3F7C];
	s0 =	simm.s32 @p0 $0x1  }
0x13: {  	[smem:$0x3F97] =	sst s0;
	s0 =	simm.s32 @!p1 $0x0  }
0x14: {  	s2 =	sld [smem:$0x3F7B];
	s0 =	simm.s32 @p1 $0x1  }
0x15: {  	[smem:$0x3F98] =	sst s0;
	s0 =	simm.s32 @!p2 $0x0  }
0x16: {  	s3 =	sld [smem:$0x3FDB];
	s0 =	simm.s32 @p2 $0x1  }
0x17: {  	s4 =	simm.s32 $0x1BF5;
	[smem:$0x3F9A] =	sst s0  }
0x18: {  	s0 =	sld [smem:$0x3F7D];
	_ =	swait.ge [sflag:s4], $0x0  }
0x19: {  	s7 =	sld [smem:$0x3F7E]  }
0x1a: {  	s8 =	sadd.s32 $0xFFFFE003, lr  }
0x1b: {  	s9 =	sadd.s32 $0xFFFFFEF7, lr;
	s5 =	simm.s32 $0xFFFFFFFF;
	p2 =	slt.u32 s8, $0xFFFFF086  }
0x1c: {  	p1 =	slt.u32 s9, $0xF7A;
	s5 =	simm.s32 @!p2 $0x0  }
0x1d: {  	s5 =	simm.s32 @p1 $0x1;
	p0 =	seq.s32 s7, s2  }
0x1e: {  	s7 =	smul.u32 @!p0 $0xF7A, s2;
	p2 =	seq.s32 @!p0 s5, $0x0  }
0x1f: {  	s9 =	smul.u32 $0xF7A, s1;
	s8 =	simm.s32 @!p0 $0x1BF5;
	p2 =	por !p2, p0  }
0x20: {  	[sflag:s8] =	ssyncset.s32 @!p0 $0xFFFFF086;
	s6 =	sadd.s32 @!p0 s3, s7;
	s7 =	simm.s32 @!p0 $0x108  }
0x21: {  	s3 =	sadd.s32 s3, s9;
	s6 =	sadd.s32 @!p0 $0x88, s6;
	s7 =	simm.s32 @p2 $0x1082  }
0x22: {  	[simem:s7], [sflag:s8] =	dma.local @!p0 [hbm:s6], $0xF7A  }
0x23: {  	s9 =	sor.u32 $0xD0000000, s2;
	s6 =	simm.s32 $0x108;
	_ =	swait.ge @!p0 [sflag:s8], $0x0  }
0x24: {  	s3 =	sadd.s32 $0x88, s3;
	s6 =	simm.s32 @!p1 $0x1082;
	[sflag:s4] =	ssyncset.s32 $0xFFFFF086  }
0x25: {  	[simem:s6], [sflag:s4] =	dma.local [hbm:s3], $0xF7A  }
0x26: {  	[smem:$0x3F7E] =	sst s1;
	(tag) =	ssettag s2;
	_ =	strace s9  }
0x27: {  	s1 =	sld [smem:$0x3F8E]  }
0x28: {  	s2 =	sld [smem:$0x3F8F]  }
0x29: {  	s4 =	sld [smem:$0x3F91]  }
0x2a: {  	p0 =	seq.s32 s5, $0x0;
	s5 =	sld [smem:$0x3F92]  }
0x2b: {  	s6 =	sld [smem:$0x3F93]  }
0x2c: {  	s7 =	sld [smem:$0x3F94]  }
0x2d: {  	s3 =	simm.s32 $0x108;
	s8 =	sld [smem:$0x3F95]  }
0x2e: {  	s3 =	simm.s32 @!p0 $0x1082;
	s9 =	sld [smem:$0x3F96]  }
0x2f: {  	lr =	sadd.s32 s0, s3;
	s0 =	sld [smem:$0x3F8D]  }
0x30: {  	s3 =	sld [smem:$0x3F90]  }
0x31: {  	[smem:$0x3F99] =	sst s10  }
0x32: {  	s10 =	sld [smem:$0x3F97];
	_ =	sdelay $0x3  }
0x33: {  	p0 =	seq.s32 s10, $0x1;
	s10 =	sld [smem:$0x3F99];
	_ =	sdelay $0x3  }
0x34: {  	[smem:$0x3F99] =	sst s10  }
0x35: {  	s10 =	sld [smem:$0x3F98];
	_ =	sdelay $0x3  }
0x36: {  	p1 =	seq.s32 s10, $0x1;
	s10 =	sld [smem:$0x3F99];
	_ =	sdelay $0x3  }
0x37: {  	[smem:$0x3F99] =	sst s10  }
0x38: {  	s10 =	sld [smem:$0x3F9A]  }
0x39: {  	_ = 	snop;
	(pc) =	sbr.ind lr, $3  }
0x3a: {  	_ = 	snop  }
0x3b: {  	_ = 	snop  }
0x3c: {  	p2 =	seq.s32 s10, $0x1;
	s10 =	sld [smem:$0x3F99]  }
0x3d: {  	_ =	shalt  }
0x3e: {  	_ =	shalt  }
0x3f: {  	_ =	shalt  }
0x40: {  	_ =	shalt  }
0x41: {  	_ =	shalt  }
0x42: {  	_ =	shalt  }
0x43: {  	_ =	shalt  }
0x44: {  	_ =	shalt  }
0x45: {  	_ =	shalt  }
0x46: {  	_ =	shalt  }
0x47: {  	_ =	shalt  }
0x48: {  	_ =	shalt  }
0x49: {  	_ =	shalt  }
0x4a: {  	_ =	shalt  }
0x4b: {  	_ =	shalt  }
0x4c: {  	_ =	shalt  }
0x4d: {  	_ =	shalt  }
0x4e: {  	_ =	shalt  }
0x4f: {  	_ =	shalt  }
0x50: {  	_ =	shalt  }
0x51: {  	_ =	shalt  }
0x52: {  	_ =	shalt  }
0x53: {  	_ =	shalt  }
0x54: {  	_ =	shalt  }
0x55: {  	_ =	shalt  }
0x56: {  	_ =	shalt  }
0x57: {  	_ =	shalt  }
0x58: {  	_ =	shalt  }
0x59: {  	_ =	shalt  }
0x5a: {  	_ =	shalt  }
0x5b: {  	_ =	shalt  }
0x5c: {  	_ =	shalt  }
0x5d: {  	_ =	shalt  }
0x5e: {  	_ =	shalt  }
0x5f: {  	_ =	shalt  }
0x60: {  	_ =	shalt  }
0x61: {  	_ =	shalt  }
0x62: {  	_ =	shalt  }
0x63: {  	_ =	shalt  }
0x64: {  	_ =	shalt  }
0x65: {  	_ =	shalt  }
0x66: {  	_ =	shalt  }
0x67: {  	_ =	shalt  }
0x68: {  	_ =	shalt  }
0x69: {  	_ =	shalt  }
0x6a: {  	_ =	shalt  }
0x6b: {  	_ =	shalt  }
0x6c: {  	_ =	shalt  }
0x6d: {  	_ =	shalt  }
0x6e: {  	_ =	shalt  }
0x6f: {  	_ =	shalt  }
0x70: {  	_ =	shalt  }
0x71: {  	_ =	shalt  }
0x72: {  	_ =	shalt  }
0x73: {  	_ =	shalt  }
0x74: {  	_ =	shalt  }
0x75: {  	_ =	shalt  }
0x76: {  	_ =	shalt  }
0x77: {  	_ =	shalt  }
0x78: {  	_ =	shalt  }
0x79: {  	_ =	shalt  }
0x7a: {  	_ =	shalt  }
0x7b: {  	_ =	shalt  }
0x7c: {  	_ =	shalt  }
0x7d: {  	_ =	shalt  }
0x7e: {  	_ =	shalt  }
0x7f: {  	_ =	shalt  }
0x80: {  	_ =	shalt  }
0x81: {  	_ =	shalt  }
0x82: {  	_ =	shalt  }
0x83: {  	_ =	shalt  }
0x84: {  	_ =	shalt  }
0x85: {  	_ =	shalt  }
0x86: {  	_ =	shalt  }
0x87: {  	_ =	shalt  }
.Lfunc_end0:
.L_simem_size_0:
called_computation.2_lowered:
.L_overlay_start_0:
0x88: {  	s2 =	sld [smem:$0x3FD9]  }
0x89: {  	s3 =	sld [smem:$0x3FFE];
	_ =	sdelay $0x1  }
0x8a: {  	s1 =	srdreg.scid  }
0x8b: {  	s0 =	sand.u32 $0x1, s1  }
0x8c: {  	s16 =	sshll.u32 s0, $0xA;
	s2 =	sadd.s32 s3, s2  }
0x8d: {  	s2 =	sadd.s32 s2, s16  }
0x8e: {  	[smem:$0x3FA5] =	sst s2  }
0x8f: {  	_ = 	snop  }
0x90: {  	(tm) =	ssettm $0x1  }
0x91: {  	s17 =	sld [smem:$0x3FFB];
	_ =	sdelay $0x3  }
0x92: {  	_ =	strace s17  }
0x93: {  	s2 =	sld [smem:$0x3FFC];
	_ =	sdelay $0x3  }
0x94: {  	_ =	strace s2  }
0x95: {  	s2 =	sld [smem:$0x3FFD];
	_ =	sdelay $0x3  }
0x96: {  	_ =	strace s2  }
0x97: {  	_ =	strace $0x8FFFFFFF  }
0x98: {  	s18 =	sld [smem:$0x3FDB];
	_ =	sdelay $0x1  }
0x99: {  	s19 =	simm.s32 $_scs_section_size  }
0x9a: {  	s4 =	simm.s32 $_size__tile_overlayer_lowered;
	s5 =	simm.s32 $_tile_overlayer_lowered  }
0x9b: {  	s22 =	simm.s32 $0x1BFF;
	s21 =	sshll.u32 s5, $0x1;
	s2 =	sadd.s32 s19, s18  }
0x9c: {  	s6 =	simm.s32 $0x0;
	s20 =	sshll.u32 s4, $0x1;
	s4 =	sadd.s32 s21, s2  }
0x9d: {  	[timem:s6], [sflag:s22] =	dma.local [hbm:s4], s20  }
0x9e: {  	_ =	swait.ge [sflag:s22], s20  }
0x9f: {  	s3 =	ssub.s32 $0x0, s20;
	[sflag:s22] =	ssyncset.done $0x0  }
0xa0: {  	[sflag:s22] =	ssyncadd.s32 s3;
	_ =	sdelay $0x1  }
0xa1: {  	s23 =	simm.s32 $0x1B8B  }
0xa2: {  	_ =	swait.ge [sflag:s23], $0x1  }
0xa3: {  	[sflag:s23] =	ssyncset.done $0x0  }
0xa4: {  	s25 =	simm.s32 $0x1B8E;
	s24 =	sld [smem:$0x3FFE];
	[sflag:s23] =	ssyncadd.s32 $0xFFFFFFFF  }
0xa5: {  	s26 =	simm.s32 $execute0_lowered;
	[smem:$0x3FD2] =	sst s25  }
0xa6: {  	s4 =	sshll.u32 s26, $0x1;
	_ =	strace $0x8000004C;
	[dreg:$0x1] =	wrdreg $0xFFFFFFFF  }
0xa7: {  	s28 =	simm.s32 $_size_execute0_lowered;
	s2 =	sadd.s32 s2, s4;
	[dreg:$0x0] =	wrdreg $0x0  }
0xa8: {  	s4 =	sshll.u32 s28, $0x1;
	[dreg:$0x2] =	wrdreg s2  }
0xa9: {  	[dreg:$0x3] =	wrdreg s4  }
0xaa: {  	[dreg:$0x4] =	wrdreg $0xC0  }
0xab: {  	_ =	task [dreg:s6], $0x5FFFF  }
0xac: {  	[dreg:$0x1] =	wrdreg $0xFFFFFFFF  }
0xad: {  	[dreg:$0x0] =	wrdreg $0x60  }
0xae: {  	[dreg:$0x2] =	wrdreg s24  }
0xaf: {  	[dreg:$0x3] =	wrdreg $0x46000  }
0xb0: {  	[dreg:$0x4] =	wrdreg $0x9  }
0xb1: {  	_ =	task.clear_ibuf [dreg:s6], $0x5FFFF;
	_ =	strace $0x9000004C  }
0xb2: {  	s29 =	simm.s32 $0x9;
	_ =	strace $0x8000004E  }
0xb3: {  	_ =	swait.ge [sflag:s29], $0x1  }
0xb4: {  	[sflag:s29] =	ssyncadd.s32 $0xFFFFFFFF  }
0xb5: {  	_ =	strace $0x9000004E  }
0xb6: {  	_ =	sfence  }
0xb7: {  	s30 =	sld [smem:$0x0];
	_ =	sdelay $0x2  }
0xb8: {  	s31 =	sshll.u32 s1, $0xD;
	s1 =	sshrl.u32 s1, $0x2  }
0xb9: {  	s3 =	sand.u32 $0x4000, s31;
	s1 =	sadd.s32 s1, s30  }
0xba: {  	s0 =	sor.u32 s3, s0;
	s1 =	sshll.u32 s1, $0x11  }
0xbb: {  	s0 =	sor.u32 s1, s0  }
0xbc: {  	s0 =	sadd.s32 $0x8F2B, s0  }
0xbd: {  	[sflag:s0] =	ssyncadd.remote.s32 $0x1  }
0xbe: {  	_ =	sfence.sel $0xFFFF  }
0xbf: {  	[dreg:$0x0] =	wrdreg $0xFFFFFFFF;
	(pc) =	sbr.abs _section_cstart, $3  }
0xc0: {  	[dreg:$0x1] =	wrdreg $0xFFFFFFFF  }
0xc1: {  	_ =	task.clear_ibuf [dreg:s6], $0x2FFFF;
	_ =	strace $0x9FFFFFFF  }
0xc2: {  	(tm) =	ssettm $0x7FFFFFFF  }
0xc3: {  	_ =	shalt  }
tec
execute0_lowered:
.L_overlay_start_1:
0x0: {  	(tag) =	ssettag $0x1  }
0x1: {  	s0 =	rddreg [dreg:$0x0]  }
0x2: {  	s2 =	rddreg [dreg:$0x1];
	s3 =	simm.s32 $0x0;
	s1 =	srdreg.scid  }
0x3: {  	s15 =	stileid.u32;
	s16 =	simm.s32 $0x400;
	s17 =	simm.s32 $0x80  }
0x4: {  	s18 =	simm.s32 $0x600;
	s19 =	simm.s32 $0x1600;
	s20 =	simm.s32 $0x100  }
0x5: {  	s21 =	simm.s32 $0x2600;
	s22 =	simm.s32 $0x180;
	s23 =	simm.s32 $0x3600  }
0x6: {  	s24 =	simm.s32 $0x1;
	s25 =	simm.s32 $0x280;
	s26 =	simm.s32 $0x300  }
0x7: {  	s28 =	simm.s32 $0x380;
	[smem:$0x7FF] =	sst s3;
	s1 =	sand.u32 $0x1, s1  }
0x8: {  	s9 =	smul.u32 $0x18800, s15;
	s4 =	sadd.s32 $0x112600, s0;
	s5 =	sadd.s32 $0x4E00, s0  }
0x9: {  	s6 =	sadd.s32 $0x1D600, s0;
	s7 =	sadd.s32 $0x35E00, s0;
	s30 =	sadd.s32 $0x97E00, s0  }
0xa: {  	s12 =	sshll.u32 s15, $0x6;
	s8 =	smul.u32 $0x188000, s1;
	s11 =	ssub.s32 $0x2, s1  }
0xb: {  	_ =	strace $0x8000004D;
	[dreg:$0x3] =	wrdreg s30;
	v0 =	vmov s1;
	s31 =	sshrl.u32 s11, $0x1  }
0xc: {  	s14 =	sadd.s32 s9, s2;
	v0 =	vmul.u32 $0xC400, v0;
	s10 =	sadd.s32 s9, s8;
	s13 =	ssub.s32 s11, s31  }
0xd: {  	s9 =	sor.u32 $0x1C02, s12;
	s10 =	sshrl.u32 s10, $0x3;
	s12 =	smax.u32 s13, $0x1  }
0xe: {  	v1 =	vlaneseq.u32;
	s13 =	sshrl.u32 s14, $0x3;
	s14 =	simm.s32 $0x2;
	v0 =	vbroadcast v0, $0x0;
	s0 =	sadd.s32 s10, s0  }
0xf: {  	v1 =	vmul.u32 $0x20, v1;
	s10 =	smul.u32 $0xC400, s15;
	s15 =	simm.s32 $0x200;
	s11 =	sadd.s32 $0x9B000, s0  }
.LBB2_1:
0x10: {  	s0 =	rddreg [dreg:$0x3]  }
0x11: {  	[spmem:s13], [sflag:s9] =	dma.local [hbm:s0], $0x3100  }
0x12: {  	_ =	swait.ge [sflag:s14], $0x3100  }
0x13: {  	[sflag:s14] =	ssyncset.done $0x0  }
0x14: {  	[sflag:s14] =	ssyncadd.s32 $0xFFFFCF00  }
0x15: {  	s29 =	simm.s32 $0x0;
	[bflag:$0x0] =	sbarrier.arrive $0xFFFF  }
.LBB2_2:
0x16: {  	s0 =	sshll.u32 s29, $0x9  }
0x17: {  	s0 =	sadd.s32 s10, s0  }
0x18: {  	s0 =	sshrl.u32 s0, $0x3  }
0x19: {  	s30 =	simm.s32 $0x0;
	s1 =	sadd.s32 s4, s0  }
0x1a: {  	[tilespmem:s30], [sflag:$0x2] =	stream.linear.gather [hbm4b:s1+s30], $0x200, $0x38;
	[tilespmem:$0x1CE00] =	vst v63  }
0x1b: {  	_ =	swait.ge [sflag:s14], $0x200  }
0x1c: {  	[sflag:s14] =	ssyncset.done $0x0  }
0x1d: {  	s8 =	sadd.s32 s5, s0;
	[sflag:s14] =	ssyncadd.s32 $0xFFFFFE00  }
0x1e: {  	[tilespmem:s15], [sflag:$0x2] =	stream.linear.gather [hbm4b:s8+s30], $0x200, $0x38;
	[tilespmem:$0x1CE00] =	vst v63  }
0x1f: {  	_ =	swait.ge [sflag:s14], $0x200  }
0x20: {  	[sflag:s14] =	ssyncset.done $0x0  }
0x21: {  	s0 =	sadd.s32 s6, s0;
	[sflag:s14] =	ssyncadd.s32 $0xFFFFFE00  }
0x22: {  	[tilespmem:s16], [sflag:$0x2] =	stream.linear.gather [hbm4b:s0+s30], $0x200, $0x38;
	[tilespmem:$0x1CE00] =	vst v63  }
0x23: {  	s1 =	sand.u32 $0x600, s30;
	_ =	swait.ge [sflag:s14], $0x200  }
0x24: {  	s8 =	sand.u32 $0x70, s30;
	s0 =	sshrl.u32 s1, $0x2;
	[sflag:s14] =	ssyncset.done $0x0  }
0x25: {  	s0 =	sor.u32 s8, s0;
	[sflag:s14] =	ssyncadd.s32 $0xFFFFFE00  }
0x26: {  	v2 =	vld [tilespmem:s0+$0x0];
	_ =	sdelay $0x2  }
0x27: {  	s30 =	simm.s32 $0x40  }
0x28: {  	s31 =	simm.s32 $0x80;
	s1 =	sand.u32 $0x600, s30;
	s30 =	simm.s32 $0x10  }
.LBB2_3:
0x29: {  	p0 =	sne.s32 s31, $0x7C0;
	s8 =	sand.u32 $0x70, s30;
	s1 =	sshrl.u32 s1, $0x2;
	v2 =	vadd.s32 v0, v2  }
0x2a: {  	[tilespmem:s0+$0x0] =	vst v2;
	s0 =	sor.u32 s8, s1  }
.Ltmp0:
0x2b: {  	v2 =	vld [tilespmem:s0+$0x0];
	(pc) =	sbr.rel @p0 .LBB2_3-.Ltmp0, $2  }
0x2c: {  	_ =	sdelay $0x2  }
0x2d: {  	s30 =	sadd.s32 $0x10, s30;
	s1 =	sand.u32 $0x600, s31;
	s31 =	sadd.s32 $0x40, s31  }
0x2e: {  	s8 =	sand.u32 $0x70, s30;
	s1 =	sshrl.u32 s1, $0x2;
	v2 =	vadd.s32 v0, v2  }
0x2f: {  	s1 =	sor.u32 s8, s1;
	[tilespmem:s0+$0x0] =	vst v2  }
0x30: {  	v2 =	vld [tilespmem:s1+$0x0];
	_ =	sdelay $0x4  }
0x31: {  	v2 =	vadd.s32 v0, v2  }
0x32: {  	[tilespmem:s1+$0x0] =	vst v2;
	s1 =	simm.s32 $0x0  }
0x33: {  	[tilespmem:s18], [sflag:$0x1] =	stream.indirect.gather [hbm4b:s7+s17], $0x20, s1, s17, $0xb8;
	[tilespmem:$0x1CE00] =	vst v63  }
0x34: {  	_ = 	snop  }
0x35: {  	[tilespmem:s19], [sflag:$0x1] =	stream.indirect.gather [hbm4b:s7+s17], $0x20, s17, s17, $0xb8;
	[tilespmem:$0x1CE00] =	vst v63  }
0x36: {  	_ = 	snop  }
0x37: {  	[tilespmem:s21], [sflag:$0x1] =	stream.indirect.gather [hbm4b:s7+s17], $0x20, s20, s17, $0xb8;
	[tilespmem:$0x1CE00] =	vst v63  }
0x38: {  	_ = 	snop  }
0x39: {  	[tilespmem:s23], [sflag:$0x1] =	stream.indirect.gather [hbm4b:s7+s17], $0x20, s22, s17, $0xb8;
	[tilespmem:$0x1CE00] =	vst v63  }
0x3a: {  	_ =	swait.ge [sflag:s24], $0x1000  }
0x3b: {  	[sflag:s24] =	ssyncset.done $0x0  }
0x3c: {  	[sflag:s24] =	ssyncadd.s32 $0xFFFFF000  }
0x3d: {  	_ =	swait.ge [sflag:s24], $0x1000  }
0x3e: {  	[sflag:s24] =	ssyncset.done $0x0  }
0x3f: {  	v2 =	vmov s1;
	[sflag:s24] =	ssyncadd.s32 $0xFFFFF000  }
0x40: {  	v2 =	vshll.u32 v2, $0x5;
	_ =	swait.ge [sflag:s24], $0x1000  }
0x41: {  	v2 =	vor.u32 v1, v2;
	[sflag:s24] =	ssyncset.done $0x0  }
0x42: {  	[sflag:s24] =	ssyncadd.s32 $0xFFFFF000  }
0x43: {  	_ =	swait.ge [sflag:s24], $0x1000  }
0x44: {  	[sflag:s24] =	ssyncset.done $0x0  }
0x45: {  	[sflag:s24] =	ssyncadd.s32 $0xFFFFF000  }
0x46: {  	s30 =	simm.s32 $0x400;
	v4 =	vld.idx.msk [tilespmem:v2+s18+$0x0], $0xffff  }
0x47: {  	v3 =	vld [tilespmem:s30+$0x0];
	_ =	sdelay $0x2  }
0x48: {  	v5 =	vor.u32 $0x1, v2;
	_ =	sdelay $0x1  }
0x49: {  	v4 =	vmul.f32 v4, v3;
	_ =	sdelay $0x1  }
0x4a: {  	[tilespmem:v2+s18+$0x0] =	vst.idx.msk $0xffff, v4  }
0x4b: {  	v4 =	vld.idx.msk [tilespmem:v5+s18+$0x0], $0xffff;
	_ =	sdelay $0x2  }
0x4c: {  	v6 =	vor.u32 $0x2, v2;
	_ =	sdelay $0x1  }
0x4d: {  	v4 =	vmul.f32 v4, v3;
	_ =	sdelay $0x1  }
0x4e: {  	[tilespmem:v5+s18+$0x0] =	vst.idx.msk $0xffff, v4  }
0x4f: {  	v4 =	vld.idx.msk [tilespmem:v6+s18+$0x0], $0xffff;
	_ =	sdelay $0x2  }
0x50: {  	v5 =	vor.u32 $0x3, v2;
	_ =	sdelay $0x1  }
0x51: {  	v4 =	vmul.f32 v4, v3;
	_ =	sdelay $0x1  }
0x52: {  	[tilespmem:v6+s18+$0x0] =	vst.idx.msk $0xffff, v4  }
0x53: {  	v4 =	vld.idx.msk [tilespmem:v5+s18+$0x0], $0xffff;
	_ =	sdelay $0x2  }
0x54: {  	v6 =	vor.u32 $0x4, v2;
	_ =	sdelay $0x1  }
0x55: {  	v4 =	vmul.f32 v4, v3;
	_ =	sdelay $0x1  }
0x56: {  	[tilespmem:v5+s18+$0x0] =	vst.idx.msk $0xffff, v4  }
0x57: {  	v4 =	vld.idx.msk [tilespmem:v6+s18+$0x0], $0xffff;
	_ =	sdelay $0x2  }
0x58: {  	v5 =	vor.u32 $0x5, v2;
	_ =	sdelay $0x1  }
0x59: {  	v4 =	vmul.f32 v4, v3;
	_ =	sdelay $0x1  }
0x5a: {  	[tilespmem:v6+s18+$0x0] =	vst.idx.msk $0xffff, v4  }
0x5b: {  	v4 =	vld.idx.msk [tilespmem:v5+s18+$0x0], $0xffff;
	_ =	sdelay $0x2  }
0x5c: {  	v6 =	vor.u32 $0x6, v2;
	_ =	sdelay $0x1  }
0x5d: {  	v4 =	vmul.f32 v4, v3;
	_ =	sdelay $0x1  }
0x5e: {  	[tilespmem:v5+s18+$0x0] =	vst.idx.msk $0xffff, v4  }
0x5f: {  	v4 =	vld.idx.msk [tilespmem:v6+s18+$0x0], $0xffff;
	_ =	sdelay $0x2  }
0x60: {  	v5 =	vor.u32 $0x7, v2;
	_ =	sdelay $0x1  }
0x61: {  	v4 =	vmul.f32 v4, v3;
	_ =	sdelay $0x1  }
0x62: {  	[tilespmem:v6+s18+$0x0] =	vst.idx.msk $0xffff, v4  }
0x63: {  	v4 =	vld.idx.msk [tilespmem:v5+s18+$0x0], $0xffff;
	_ =	sdelay $0x2  }
0x64: {  	v6 =	vor.u32 $0x8, v2;
	_ =	sdelay $0x1  }
0x65: {  	v4 =	vmul.f32 v4, v3;
	_ =	sdelay $0x1  }
0x66: {  	[tilespmem:v5+s18+$0x0] =	vst.idx.msk $0xffff, v4  }
0x67: {  	v4 =	vld.idx.msk [tilespmem:v6+s18+$0x0], $0xffff;
	_ =	sdelay $0x2  }
0x68: {  	v5 =	vor.u32 $0x9, v2;
	_ =	sdelay $0x1  }
0x69: {  	v4 =	vmul.f32 v4, v3;
	_ =	sdelay $0x1  }
0x6a: {  	[tilespmem:v6+s18+$0x0] =	vst.idx.msk $0xffff, v4  }
0x6b: {  	v4 =	vld.idx.msk [tilespmem:v5+s18+$0x0], $0xffff;
	_ =	sdelay $0x2  }
0x6c: {  	v6 =	vor.u32 $0xA, v2;
	_ =	sdelay $0x1  }
0x6d: {  	v4 =	vmul.f32 v4, v3;
	_ =	sdelay $0x1  }
0x6e: {  	[tilespmem:v5+s18+$0x0] =	vst.idx.msk $0xffff, v4  }
0x6f: {  	v4 =	vld.idx.msk [tilespmem:v6+s18+$0x0], $0xffff;
	_ =	sdelay $0x2  }
0x70: {  	v5 =	vor.u32 $0xB, v2;
	_ =	sdelay $0x1  }
0x71: {  	v4 =	vmul.f32 v4, v3;
	_ =	sdelay $0x1  }
0x72: {  	[tilespmem:v6+s18+$0x0] =	vst.idx.msk $0xffff, v4  }
0x73: {  	v4 =	vld.idx.msk [tilespmem:v5+s18+$0x0], $0xffff;
	_ =	sdelay $0x2  }
0x74: {  	v6 =	vor.u32 $0xC, v2;
	_ =	sdelay $0x1  }
0x75: {  	v4 =	vmul.f32 v4, v3;
	_ =	sdelay $0x1  }
0x76: {  	[tilespmem:v5+s18+$0x0] =	vst.idx.msk $0xffff, v4  }
0x77: {  	v4 =	vld.idx.msk [tilespmem:v6+s18+$0x0], $0xffff;
	_ =	sdelay $0x2  }
0x78: {  	v5 =	vor.u32 $0xD, v2;
	_ =	sdelay $0x1  }
0x79: {  	v4 =	vmul.f32 v4, v3;
	_ =	sdelay $0x1  }
0x7a: {  	[tilespmem:v6+s18+$0x0] =	vst.idx.msk $0xffff, v4  }
0x7b: {  	v4 =	vld.idx.msk [tilespmem:v5+s18+$0x0], $0xffff;
	_ =	sdelay $0x2  }
0x7c: {  	v6 =	vor.u32 $0xE, v2;
	_ =	sdelay $0x1  }
0x7d: {  	v4 =	vmul.f32 v4, v3;
	_ =	sdelay $0x1  }
0x7e: {  	[tilespmem:v5+s18+$0x0] =	vst.idx.msk $0xffff, v4  }
0x7f: {  	v4 =	vld.idx.msk [tilespmem:v6+s18+$0x0], $0xffff;
	_ =	sdelay $0x2  }
0x80: {  	v5 =	vor.u32 $0xF, v2;
	_ =	sdelay $0x1  }
0x81: {  	v4 =	vmul.f32 v4, v3;
	_ =	sdelay $0x1  }
0x82: {  	[tilespmem:v6+s18+$0x0] =	vst.idx.msk $0xffff, v4  }
0x83: {  	v4 =	vld.idx.msk [tilespmem:v5+s18+$0x0], $0xffff;
	_ =	sdelay $0x2  }
0x84: {  	v6 =	vor.u32 $0x10, v2;
	_ =	sdelay $0x1  }
0x85: {  	v4 =	vmul.f32 v4, v3;
	_ =	sdelay $0x1  }
0x86: {  	[tilespmem:v5+s18+$0x0] =	vst.idx.msk $0xffff, v4  }
0x87: {  	v4 =	vld.idx.msk [tilespmem:v6+s18+$0x0], $0xffff;
	_ =	sdelay $0x2  }
0x88: {  	v5 =	vor.u32 $0x11, v2;
	_ =	sdelay $0x1  }
0x89: {  	v4 =	vmul.f32 v4, v3;
	_ =	sdelay $0x1  }
0x8a: {  	[tilespmem:v6+s18+$0x0] =	vst.idx.msk $0xffff, v4  }
0x8b: {  	v4 =	vld.idx.msk [tilespmem:v5+s18+$0x0], $0xffff;
	_ =	sdelay $0x2  }
0x8c: {  	v6 =	vor.u32 $0x12, v2;
	_ =	sdelay $0x1  }
0x8d: {  	v4 =	vmul.f32 v4, v3;
	_ =	sdelay $0x1  }
0x8e: {  	[tilespmem:v5+s18+$0x0] =	vst.idx.msk $0xffff, v4  }
0x8f: {  	v4 =	vld.idx.msk [tilespmem:v6+s18+$0x0], $0xffff;
	_ =	sdelay $0x2  }
0x90: {  	v5 =	vor.u32 $0x13, v2;
	_ =	sdelay $0x1  }
0x91: {  	v4 =	vmul.f32 v4, v3;
	_ =	sdelay $0x1  }
0x92: {  	[tilespmem:v6+s18+$0x0] =	vst.idx.msk $0xffff, v4  }
0x93: {  	v4 =	vld.idx.msk [tilespmem:v5+s18+$0x0], $0xffff;
	_ =	sdelay $0x2  }
0x94: {  	v6 =	vor.u32 $0x14, v2;
	_ =	sdelay $0x1  }
0x95: {  	v4 =	vmul.f32 v4, v3;
	_ =	sdelay $0x1  }
0x96: {  	[tilespmem:v5+s18+$0x0] =	vst.idx.msk $0xffff, v4  }
0x97: {  	v4 =	vld.idx.msk [tilespmem:v6+s18+$0x0], $0xffff;
	_ =	sdelay $0x2  }
0x98: {  	v5 =	vor.u32 $0x15, v2;
	_ =	sdelay $0x1  }
0x99: {  	v4 =	vmul.f32 v4, v3;
	_ =	sdelay $0x1  }
0x9a: {  	[tilespmem:v6+s18+$0x0] =	vst.idx.msk $0xffff, v4  }
0x9b: {  	v4 =	vld.idx.msk [tilespmem:v5+s18+$0x0], $0xffff;
	_ =	sdelay $0x2  }
0x9c: {  	v6 =	vor.u32 $0x16, v2;
	_ =	sdelay $0x1  }
0x9d: {  	v4 =	vmul.f32 v4, v3;
	_ =	sdelay $0x1  }
0x9e: {  	[tilespmem:v5+s18+$0x0] =	vst.idx.msk $0xffff, v4  }
0x9f: {  	v4 =	vld.idx.msk [tilespmem:v6+s18+$0x0], $0xffff;
	_ =	sdelay $0x2  }
0xa0: {  	v5 =	vor.u32 $0x17, v2;
	_ =	sdelay $0x1  }
0xa1: {  	v4 =	vmul.f32 v4, v3;
	_ =	sdelay $0x1  }
0xa2: {  	[tilespmem:v6+s18+$0x0] =	vst.idx.msk $0xffff, v4  }
0xa3: {  	v4 =	vld.idx.msk [tilespmem:v5+s18+$0x0], $0xffff;
	_ =	sdelay $0x2  }
0xa4: {  	v6 =	vor.u32 $0x18, v2;
	_ =	sdelay $0x1  }
0xa5: {  	v4 =	vmul.f32 v4, v3;
	_ =	sdelay $0x1  }
0xa6: {  	[tilespmem:v5+s18+$0x0] =	vst.idx.msk $0xffff, v4  }
0xa7: {  	v4 =	vld.idx.msk [tilespmem:v6+s18+$0x0], $0xffff;
	_ =	sdelay $0x2  }
0xa8: {  	v5 =	vor.u32 $0x19, v2;
	_ =	sdelay $0x1  }
0xa9: {  	v4 =	vmul.f32 v4, v3;
	_ =	sdelay $0x1  }
0xaa: {  	[tilespmem:v6+s18+$0x0] =	vst.idx.msk $0xffff, v4  }
0xab: {  	v4 =	vld.idx.msk [tilespmem:v5+s18+$0x0], $0xffff;
	_ =	sdelay $0x2  }
0xac: {  	v6 =	vor.u32 $0x1A, v2;
	_ =	sdelay $0x1  }
0xad: {  	v4 =	vmul.f32 v4, v3;
	_ =	sdelay $0x1  }
0xae: {  	[tilespmem:v5+s18+$0x0] =	vst.idx.msk $0xffff, v4  }
0xaf: {  	v4 =	vld.idx.msk [tilespmem:v6+s18+$0x0], $0xffff;
	_ =	sdelay $0x2  }
0xb0: {  	v5 =	vor.u32 $0x1B, v2;
	_ =	sdelay $0x1  }
0xb1: {  	v4 =	vmul.f32 v4, v3;
	_ =	sdelay $0x1  }
0xb2: {  	[tilespmem:v6+s18+$0x0] =	vst.idx.msk $0xffff, v4  }
0xb3: {  	v4 =	vld.idx.msk [tilespmem:v5+s18+$0x0], $0xffff;
	_ =	sdelay $0x2  }
0xb4: {  	v6 =	vor.u32 $0x1C, v2;
	_ =	sdelay $0x1  }
0xb5: {  	v4 =	vmul.f32 v4, v3;
	_ =	sdelay $0x1  }
0xb6: {  	[tilespmem:v5+s18+$0x0] =	vst.idx.msk $0xffff, v4  }
0xb7: {  	v4 =	vld.idx.msk [tilespmem:v6+s18+$0x0], $0xffff;
	_ =	sdelay $0x2  }
0xb8: {  	v5 =	vor.u32 $0x1D, v2;
	_ =	sdelay $0x1  }
0xb9: {  	v4 =	vmul.f32 v4, v3;
	_ =	sdelay $0x1  }
0xba: {  	[tilespmem:v6+s18+$0x0] =	vst.idx.msk $0xffff, v4  }
0xbb: {  	v4 =	vld.idx.msk [tilespmem:v5+s18+$0x0], $0xffff;
	_ =	sdelay $0x2  }
0xbc: {  	v6 =	vor.u32 $0x1E, v2;
	_ =	sdelay $0x1  }
0xbd: {  	v4 =	vmul.f32 v4, v3;
	_ =	sdelay $0x1  }
0xbe: {  	[tilespmem:v5+s18+$0x0] =	vst.idx.msk $0xffff, v4  }
0xbf: {  	v5 =	vld.idx.msk [tilespmem:v6+s18+$0x0], $0xffff;
	_ =	sdelay $0x2  }
0xc0: {  	v4 =	vor.u32 $0x1F, v2;
	_ =	sdelay $0x1  }
0xc1: {  	v2 =	vmul.f32 v5, v3;
	_ =	sdelay $0x1  }
0xc2: {  	[tilespmem:v6+s18+$0x0] =	vst.idx.msk $0xffff, v2  }
0xc3: {  	s8 =	simm.s32 $0x10;
	v5 =	vld.idx.msk [tilespmem:v4+s18+$0x0], $0xffff  }
0xc4: {  	v2 =	vmov s8  }
0xc5: {  	v2 =	vshll.u32 v2, $0x5  }
0xc6: {  	v2 =	vor.u32 v1, v2;
	_ =	sdelay $0x1  }
0xc7: {  	s31 =	simm.s32 $0x20;
	v3 =	vmul.f32 v5, v3  }
.LBB2_5:
0xc8: {  	p0 =	sne.s32 s31, $0x1F0  }
0xc9: {  	s30 =	sadd.s32 $0x10, s30;
	s0 =	smov.u32 s31;
	s31 =	sadd.s32 $0x10, s31;
	[tilespmem:v4+s18+$0x0] =	vst.idx.msk $0xffff, v3  }
0xca: {  	v4 =	vld.idx.msk [tilespmem:v2+s18+$0x0], $0xffff  }
0xcb: {  	v3 =	vld [tilespmem:s30+$0x0];
	_ =	sdelay $0x2  }
0xcc: {  	v5 =	vor.u32 $0x1, v2;
	_ =	sdelay $0x1  }
0xcd: {  	v4 =	vmul.f32 v4, v3;
	_ =	sdelay $0x1  }
0xce: {  	[tilespmem:v2+s18+$0x0] =	vst.idx.msk $0xffff, v4  }
0xcf: {  	v4 =	vld.idx.msk [tilespmem:v5+s18+$0x0], $0xffff;
	_ =	sdelay $0x3  }
0xd0: {  	v6 =	vor.u32 $0x2, v2;
	_ =	sdelay $0x1  }
0xd1: {  	v4 =	vmul.f32 v4, v3;
	_ =	sdelay $0x1  }
0xd2: {  	[tilespmem:v5+s18+$0x0] =	vst.idx.msk $0xffff, v4  }
0xd3: {  	v4 =	vld.idx.msk [tilespmem:v6+s18+$0x0], $0xffff;
	_ =	sdelay $0x3  }
0xd4: {  	v5 =	vor.u32 $0x3, v2;
	_ =	sdelay $0x1  }
0xd5: {  	v4 =	vmul.f32 v4, v3;
	_ =	sdelay $0x1  }
0xd6: {  	[tilespmem:v6+s18+$0x0] =	vst.idx.msk $0xffff, v4  }
0xd7: {  	v4 =	vld.idx.msk [tilespmem:v5+s18+$0x0], $0xffff;
	_ =	sdelay $0x3  }
0xd8: {  	v6 =	vor.u32 $0x4, v2;
	_ =	sdelay $0x1  }
0xd9: {  	v4 =	vmul.f32 v4, v3;
	_ =	sdelay $0x1  }
0xda: {  	[tilespmem:v5+s18+$0x0] =	vst.idx.msk $0xffff, v4  }
0xdb: {  	v4 =	vld.idx.msk [tilespmem:v6+s18+$0x0], $0xffff;
	_ =	sdelay $0x3  }
0xdc: {  	v5 =	vor.u32 $0x5, v2;
	_ =	sdelay $0x1  }
0xdd: {  	v4 =	vmul.f32 v4, v3;
	_ =	sdelay $0x1  }
0xde: {  	[tilespmem:v6+s18+$0x0] =	vst.idx.msk $0xffff, v4  }
0xdf: {  	v4 =	vld.idx.msk [tilespmem:v5+s18+$0x0], $0xffff;
	_ =	sdelay $0x3  }
0xe0: {  	v6 =	vor.u32 $0x6, v2;
	_ =	sdelay $0x1  }
0xe1: {  	v4 =	vmul.f32 v4, v3;
	_ =	sdelay $0x1  }
0xe2: {  	[tilespmem:v5+s18+$0x0] =	vst.idx.msk $0xffff, v4  }
0xe3: {  	v4 =	vld.idx.msk [tilespmem:v6+s18+$0x0], $0xffff;
	_ =	sdelay $0x3  }
0xe4: {  	v5 =	vor.u32 $0x7, v2;
	_ =	sdelay $0x1  }
0xe5: {  	v4 =	vmul.f32 v4, v3;
	_ =	sdelay $0x1  }
0xe6: {  	[tilespmem:v6+s18+$0x0] =	vst.idx.msk $0xffff, v4  }
0xe7: {  	v4 =	vld.idx.msk [tilespmem:v5+s18+$0x0], $0xffff;
	_ =	sdelay $0x3  }
0xe8: {  	v6 =	vor.u32 $0x8, v2;
	_ =	sdelay $0x1  }
0xe9: {  	v4 =	vmul.f32 v4, v3;
	_ =	sdelay $0x1  }
0xea: {  	[tilespmem:v5+s18+$0x0] =	vst.idx.msk $0xffff, v4  }
0xeb: {  	v4 =	vld.idx.msk [tilespmem:v6+s18+$0x0], $0xffff;
	_ =	sdelay $0x3  }
0xec: {  	v5 =	vor.u32 $0x9, v2;
	_ =	sdelay $0x1  }
0xed: {  	v4 =	vmul.f32 v4, v3;
	_ =	sdelay $0x1  }
0xee: {  	[tilespmem:v6+s18+$0x0] =	vst.idx.msk $0xffff, v4  }
0xef: {  	v4 =	vld.idx.msk [tilespmem:v5+s18+$0x0], $0xffff;
	_ =	sdelay $0x3  }
0xf0: {  	v6 =	vor.u32 $0xA, v2;
	_ =	sdelay $0x1  }
0xf1: {  	v4 =	vmul.f32 v4, v3;
	_ =	sdelay $0x1  }
0xf2: {  	[tilespmem:v5+s18+$0x0] =	vst.idx.msk $0xffff, v4  }
0xf3: {  	v4 =	vld.idx.msk [tilespmem:v6+s18+$0x0], $0xffff;
	_ =	sdelay $0x3  }
0xf4: {  	v5 =	vor.u32 $0xB, v2;
	_ =	sdelay $0x1  }
0xf5: {  	v4 =	vmul.f32 v4, v3;
	_ =	sdelay $0x1  }
0xf6: {  	[tilespmem:v6+s18+$0x0] =	vst.idx.msk $0xffff, v4  }
0xf7: {  	v4 =	vld.idx.msk [tilespmem:v5+s18+$0x0], $0xffff;
	_ =	sdelay $0x3  }
0xf8: {  	v6 =	vor.u32 $0xC, v2;
	_ =	sdelay $0x1  }
0xf9: {  	v4 =	vmul.f32 v4, v3;
	_ =	sdelay $0x1  }
0xfa: {  	[tilespmem:v5+s18+$0x0] =	vst.idx.msk $0xffff, v4  }
0xfb: {  	v4 =	vld.idx.msk [tilespmem:v6+s18+$0x0], $0xffff;
	_ =	sdelay $0x3  }
0xfc: {  	v5 =	vor.u32 $0xD, v2;
	_ =	sdelay $0x1  }
0xfd: {  	v4 =	vmul.f32 v4, v3;
	_ =	sdelay $0x1  }
0xfe: {  	[tilespmem:v6+s18+$0x0] =	vst.idx.msk $0xffff, v4  }
0xff: {  	v4 =	vld.idx.msk [tilespmem:v5+s18+$0x0], $0xffff;
	_ =	sdelay $0x3  }
0x100: {  	v6 =	vor.u32 $0xE, v2;
	_ =	sdelay $0x1  }
0x101: {  	v4 =	vmul.f32 v4, v3;
	_ =	sdelay $0x1  }
0x102: {  	[tilespmem:v5+s18+$0x0] =	vst.idx.msk $0xffff, v4  }
0x103: {  	v4 =	vld.idx.msk [tilespmem:v6+s18+$0x0], $0xffff;
	_ =	sdelay $0x3  }
0x104: {  	v5 =	vor.u32 $0xF, v2;
	_ =	sdelay $0x1  }
0x105: {  	v4 =	vmul.f32 v4, v3;
	_ =	sdelay $0x1  }
0x106: {  	[tilespmem:v6+s18+$0x0] =	vst.idx.msk $0xffff, v4  }
0x107: {  	v4 =	vld.idx.msk [tilespmem:v5+s18+$0x0], $0xffff;
	_ =	sdelay $0x3  }
0x108: {  	v6 =	vor.u32 $0x10, v2;
	_ =	sdelay $0x1  }
0x109: {  	v4 =	vmul.f32 v4, v3;
	_ =	sdelay $0x1  }
0x10a: {  	[tilespmem:v5+s18+$0x0] =	vst.idx.msk $0xffff, v4  }
0x10b: {  	v4 =	vld.idx.msk [tilespmem:v6+s18+$0x0], $0xffff;
	_ =	sdelay $0x3  }
0x10c: {  	v5 =	vor.u32 $0x11, v2;
	_ =	sdelay $0x1  }
0x10d: {  	v4 =	vmul.f32 v4, v3;
	_ =	sdelay $0x1  }
0x10e: {  	[tilespmem:v6+s18+$0x0] =	vst.idx.msk $0xffff, v4  }
0x10f: {  	v4 =	vld.idx.msk [tilespmem:v5+s18+$0x0], $0xffff;
	_ =	sdelay $0x3  }
0x110: {  	v6 =	vor.u32 $0x12, v2;
	_ =	sdelay $0x1  }
0x111: {  	v4 =	vmul.f32 v4, v3;
	_ =	sdelay $0x1  }
0x112: {  	[tilespmem:v5+s18+$0x0] =	vst.idx.msk $0xffff, v4  }
0x113: {  	v4 =	vld.idx.msk [tilespmem:v6+s18+$0x0], $0xffff;
	_ =	sdelay $0x3  }
0x114: {  	v5 =	vor.u32 $0x13, v2;
	_ =	sdelay $0x1  }
0x115: {  	v4 =	vmul.f32 v4, v3;
	_ =	sdelay $0x1  }
0x116: {  	[tilespmem:v6+s18+$0x0] =	vst.idx.msk $0xffff, v4  }
0x117: {  	v4 =	vld.idx.msk [tilespmem:v5+s18+$0x0], $0xffff;
	_ =	sdelay $0x3  }
0x118: {  	v6 =	vor.u32 $0x14, v2;
	_ =	sdelay $0x1  }
0x119: {  	v4 =	vmul.f32 v4, v3;
	_ =	sdelay $0x1  }
0x11a: {  	[tilespmem:v5+s18+$0x0] =	vst.idx.msk $0xffff, v4  }
0x11b: {  	v4 =	vld.idx.msk [tilespmem:v6+s18+$0x0], $0xffff;
	_ =	sdelay $0x3  }
0x11c: {  	v5 =	vor.u32 $0x15, v2;
	_ =	sdelay $0x1  }
0x11d: {  	v4 =	vmul.f32 v4, v3;
	_ =	sdelay $0x1  }
0x11e: {  	[tilespmem:v6+s18+$0x0] =	vst.idx.msk $0xffff, v4  }
0x11f: {  	v4 =	vld.idx.msk [tilespmem:v5+s18+$0x0], $0xffff;
	_ =	sdelay $0x3  }
0x120: {  	v6 =	vor.u32 $0x16, v2;
	_ =	sdelay $0x1  }
0x121: {  	v4 =	vmul.f32 v4, v3;
	_ =	sdelay $0x1  }
0x122: {  	[tilespmem:v5+s18+$0x0] =	vst.idx.msk $0xffff, v4  }
0x123: {  	v4 =	vld.idx.msk [tilespmem:v6+s18+$0x0], $0xffff;
	_ =	sdelay $0x3  }
0x124: {  	v5 =	vor.u32 $0x17, v2;
	_ =	sdelay $0x1  }
0x125: {  	v4 =	vmul.f32 v4, v3;
	_ =	sdelay $0x1  }
0x126: {  	[tilespmem:v6+s18+$0x0] =	vst.idx.msk $0xffff, v4  }
0x127: {  	v4 =	vld.idx.msk [tilespmem:v5+s18+$0x0], $0xffff;
	_ =	sdelay $0x3  }
0x128: {  	v6 =	vor.u32 $0x18, v2;
	_ =	sdelay $0x1  }
0x129: {  	v4 =	vmul.f32 v4, v3;
	_ =	sdelay $0x1  }
0x12a: {  	[tilespmem:v5+s18+$0x0] =	vst.idx.msk $0xffff, v4  }
0x12b: {  	v4 =	vld.idx.msk [tilespmem:v6+s18+$0x0], $0xffff;
	_ =	sdelay $0x3  }
0x12c: {  	v5 =	vor.u32 $0x19, v2;
	_ =	sdelay $0x1  }
0x12d: {  	v4 =	vmul.f32 v4, v3;
	_ =	sdelay $0x1  }
0x12e: {  	[tilespmem:v6+s18+$0x0] =	vst.idx.msk $0xffff, v4  }
0x12f: {  	v4 =	vld.idx.msk [tilespmem:v5+s18+$0x0], $0xffff;
	_ =	sdelay $0x3  }
0x130: {  	v6 =	vor.u32 $0x1A, v2;
	_ =	sdelay $0x1  }
0x131: {  	v4 =	vmul.f32 v4, v3;
	_ =	sdelay $0x1  }
0x132: {  	[tilespmem:v5+s18+$0x0] =	vst.idx.msk $0xffff, v4  }
0x133: {  	v4 =	vld.idx.msk [tilespmem:v6+s18+$0x0], $0xffff;
	_ =	sdelay $0x3  }
0x134: {  	v5 =	vor.u32 $0x1B, v2;
	_ =	sdelay $0x1  }
0x135: {  	v4 =	vmul.f32 v4, v3;
	_ =	sdelay $0x1  }
0x136: {  	[tilespmem:v6+s18+$0x0] =	vst.idx.msk $0xffff, v4  }
0x137: {  	v4 =	vld.idx.msk [tilespmem:v5+s18+$0x0], $0xffff;
	_ =	sdelay $0x3  }
0x138: {  	v6 =	vor.u32 $0x1C, v2;
	_ =	sdelay $0x1  }
0x139: {  	v4 =	vmul.f32 v4, v3;
	_ =	sdelay $0x1  }
0x13a: {  	[tilespmem:v5+s18+$0x0] =	vst.idx.msk $0xffff, v4  }
0x13b: {  	v4 =	vld.idx.msk [tilespmem:v6+s18+$0x0], $0xffff;
	_ =	sdelay $0x3  }
0x13c: {  	v5 =	vor.u32 $0x1D, v2;
	_ =	sdelay $0x1  }
0x13d: {  	v4 =	vmul.f32 v4, v3;
	_ =	sdelay $0x1  }
0x13e: {  	[tilespmem:v6+s18+$0x0] =	vst.idx.msk $0xffff, v4  }
0x13f: {  	v4 =	vld.idx.msk [tilespmem:v5+s18+$0x0], $0xffff;
	_ =	sdelay $0x3  }
0x140: {  	v6 =	vor.u32 $0x1E, v2;
	_ =	sdelay $0x1  }
0x141: {  	v4 =	vmul.f32 v4, v3;
	_ =	sdelay $0x1  }
0x142: {  	[tilespmem:v5+s18+$0x0] =	vst.idx.msk $0xffff, v4  }
0x143: {  	v5 =	vld.idx.msk [tilespmem:v6+s18+$0x0], $0xffff;
	_ =	sdelay $0x3  }
0x144: {  	v4 =	vor.u32 $0x1F, v2;
	_ =	sdelay $0x1  }
0x145: {  	v2 =	vmul.f32 v5, v3;
	_ =	sdelay $0x1  }
0x146: {  	[tilespmem:v6+s18+$0x0] =	vst.idx.msk $0xffff, v2  }
0x147: {  	v5 =	vld.idx.msk [tilespmem:v4+s18+$0x0], $0xffff;
	_ =	sdelay $0x1  }
.Ltmp1:
0x148: {  	v2 =	vmov s0;
	(pc) =	sbr.rel @p0 .LBB2_5-.Ltmp1, $3  }
0x149: {  	v2 =	vshll.u32 v2, $0x5  }
0x14a: {  	v2 =	vor.u32 v1, v2;
	_ =	sdelay $0x1  }
0x14b: {  	v3 =	vmul.f32 v5, v3  }
0x14c: {  	_ =	sdelay $0x3  }
0x14d: {  	[tilespmem:v4+s18+$0x0] =	vst.idx.msk $0xffff, v3  }
0x14e: {  	s0 =	sadd.s32 $0x10, s30;
	v3 =	vld.idx.msk [tilespmem:v2+s18+$0x0], $0xffff  }
0x14f: {  	v4 =	vld [tilespmem:s0+$0x0];
	_ =	sdelay $0x2  }
0x150: {  	v5 =	vor.u32 $0x1, v2;
	_ =	sdelay $0x1  }
0x151: {  	v3 =	vmul.f32 v3, v4;
	_ =	sdelay $0x1  }
0x152: {  	[tilespmem:v2+s18+$0x0] =	vst.idx.msk $0xffff, v3  }
0x153: {  	v3 =	vld.idx.msk [tilespmem:v5+s18+$0x0], $0xffff;
	_ =	sdelay $0x2  }
0x154: {  	v6 =	vor.u32 $0x2, v2;
	_ =	sdelay $0x1  }
0x155: {  	v3 =	vmul.f32 v3, v4;
	_ =	sdelay $0x1  }
0x156: {  	[tilespmem:v5+s18+$0x0] =	vst.idx.msk $0xffff, v3  }
0x157: {  	v3 =	vld.idx.msk [tilespmem:v6+s18+$0x0], $0xffff;
	_ =	sdelay $0x2  }
0x158: {  	v36 =	vor.u32 $0x3, v2;
	_ =	sdelay $0x1  }
0x159: {  	v3 =	vmul.f32 v3, v4;
	_ =	sdelay $0x1  }
0x15a: {  	[tilespmem:v6+s18+$0x0] =	vst.idx.msk $0xffff, v3  }
0x15b: {  	v3 =	vld.idx.msk [tilespmem:v36+s18+$0x0], $0xffff;
	_ =	sdelay $0x2  }
0x15c: {  	v37 =	vor.u32 $0x4, v2;
	_ =	sdelay $0x1  }
0x15d: {  	v3 =	vmul.f32 v3, v4;
	_ =	sdelay $0x1  }
0x15e: {  	[tilespmem:v36+s18+$0x0] =	vst.idx.msk $0xffff, v3  }
0x15f: {  	v3 =	vld.idx.msk [tilespmem:v37+s18+$0x0], $0xffff;
	_ =	sdelay $0x2  }
0x160: {  	v38 =	vor.u32 $0x5, v2;
	_ =	sdelay $0x1  }
0x161: {  	v3 =	vmul.f32 v3, v4;
	_ =	sdelay $0x1  }
0x162: {  	[tilespmem:v37+s18+$0x0] =	vst.idx.msk $0xffff, v3  }
0x163: {  	v3 =	vld.idx.msk [tilespmem:v38+s18+$0x0], $0xffff;
	_ =	sdelay $0x2  }
0x164: {  	v39 =	vor.u32 $0x6, v2;
	_ =	sdelay $0x1  }
0x165: {  	v3 =	vmul.f32 v3, v4;
	_ =	sdelay $0x1  }
0x166: {  	[tilespmem:v38+s18+$0x0] =	vst.idx.msk $0xffff, v3  }
0x167: {  	v3 =	vld.idx.msk [tilespmem:v39+s18+$0x0], $0xffff;
	_ =	sdelay $0x2  }
0x168: {  	v40 =	vor.u32 $0x7, v2;
	_ =	sdelay $0x1  }
0x169: {  	v3 =	vmul.f32 v3, v4;
	_ =	sdelay $0x1  }
0x16a: {  	[tilespmem:v39+s18+$0x0] =	vst.idx.msk $0xffff, v3  }
0x16b: {  	v3 =	vld.idx.msk [tilespmem:v40+s18+$0x0], $0xffff;
	_ =	sdelay $0x2  }
0x16c: {  	v41 =	vor.u32 $0x8, v2;
	_ =	sdelay $0x1  }
0x16d: {  	v3 =	vmul.f32 v3, v4;
	_ =	sdelay $0x1  }
0x16e: {  	[tilespmem:v40+s18+$0x0] =	vst.idx.msk $0xffff, v3  }
0x16f: {  	v3 =	vld.idx.msk [tilespmem:v41+s18+$0x0], $0xffff;
	_ =	sdelay $0x2  }
0x170: {  	v42 =	vor.u32 $0x9, v2;
	_ =	sdelay $0x1  }
0x171: {  	v3 =	vmul.f32 v3, v4;
	_ =	sdelay $0x1  }
0x172: {  	[tilespmem:v41+s18+$0x0] =	vst.idx.msk $0xffff, v3  }
0x173: {  	v3 =	vld.idx.msk [tilespmem:v42+s18+$0x0], $0xffff;
	_ =	sdelay $0x2  }
0x174: {  	v43 =	vor.u32 $0xA, v2;
	_ =	sdelay $0x1  }
0x175: {  	v3 =	vmul.f32 v3, v4;
	_ =	sdelay $0x1  }
0x176: {  	[tilespmem:v42+s18+$0x0] =	vst.idx.msk $0xffff, v3  }
0x177: {  	v3 =	vld.idx.msk [tilespmem:v43+s18+$0x0], $0xffff;
	_ =	sdelay $0x2  }
0x178: {  	v44 =	vor.u32 $0xB, v2;
	_ =	sdelay $0x1  }
0x179: {  	v3 =	vmul.f32 v3, v4;
	_ =	sdelay $0x1  }
0x17a: {  	[tilespmem:v43+s18+$0x0] =	vst.idx.msk $0xffff, v3  }
0x17b: {  	v3 =	vld.idx.msk [tilespmem:v44+s18+$0x0], $0xffff;
	_ =	sdelay $0x2  }
0x17c: {  	v45 =	vor.u32 $0xC, v2;
	_ =	sdelay $0x1  }
0x17d: {  	v3 =	vmul.f32 v3, v4;
	_ =	sdelay $0x1  }
0x17e: {  	[tilespmem:v44+s18+$0x0] =	vst.idx.msk $0xffff, v3  }
0x17f: {  	v3 =	vld.idx.msk [tilespmem:v45+s18+$0x0], $0xffff;
	_ =	sdelay $0x2  }
0x180: {  	v46 =	vor.u32 $0xD, v2;
	_ =	sdelay $0x1  }
0x181: {  	v3 =	vmul.f32 v3, v4;
	_ =	sdelay $0x1  }
0x182: {  	[tilespmem:v45+s18+$0x0] =	vst.idx.msk $0xffff, v3  }
0x183: {  	v3 =	vld.idx.msk [tilespmem:v46+s18+$0x0], $0xffff;
	_ =	sdelay $0x2  }
0x184: {  	v47 =	vor.u32 $0xE, v2;
	_ =	sdelay $0x1  }
0x185: {  	v3 =	vmul.f32 v3, v4;
	_ =	sdelay $0x1  }
0x186: {  	[tilespmem:v46+s18+$0x0] =	vst.idx.msk $0xffff, v3  }
0x187: {  	v3 =	vld.idx.msk [tilespmem:v47+s18+$0x0], $0xffff;
	_ =	sdelay $0x2  }
0x188: {  	v48 =	vor.u32 $0xF, v2;
	_ =	sdelay $0x1  }
0x189: {  	v3 =	vmul.f32 v3, v4;
	_ =	sdelay $0x1  }
0x18a: {  	[tilespmem:v47+s18+$0x0] =	vst.idx.msk $0xffff, v3  }
0x18b: {  	v3 =	vld.idx.msk [tilespmem:v48+s18+$0x0], $0xffff;
	_ =	sdelay $0x2  }
0x18c: {  	v49 =	vor.u32 $0x10, v2;
	_ =	sdelay $0x1  }
0x18d: {  	v3 =	vmul.f32 v3, v4;
	_ =	sdelay $0x1  }
0x18e: {  	[tilespmem:v48+s18+$0x0] =	vst.idx.msk $0xffff, v3  }
0x18f: {  	v3 =	vld.idx.msk [tilespmem:v49+s18+$0x0], $0xffff;
	_ =	sdelay $0x2  }
0x190: {  	v50 =	vor.u32 $0x11, v2;
	_ =	sdelay $0x1  }
0x191: {  	v3 =	vmul.f32 v3, v4;
	_ =	sdelay $0x1  }
0x192: {  	[tilespmem:v49+s18+$0x0] =	vst.idx.msk $0xffff, v3  }
0x193: {  	v3 =	vld.idx.msk [tilespmem:v50+s18+$0x0], $0xffff;
	_ =	sdelay $0x2  }
0x194: {  	v51 =	vor.u32 $0x12, v2;
	_ =	sdelay $0x1  }
0x195: {  	v3 =	vmul.f32 v3, v4;
	_ =	sdelay $0x1  }
0x196: {  	[tilespmem:v50+s18+$0x0] =	vst.idx.msk $0xffff, v3  }
0x197: {  	v3 =	vld.idx.msk [tilespmem:v51+s18+$0x0], $0xffff;
	_ =	sdelay $0x2  }
0x198: {  	v52 =	vor.u32 $0x13, v2;
	_ =	sdelay $0x1  }
0x199: {  	v3 =	vmul.f32 v3, v4;
	_ =	sdelay $0x1  }
0x19a: {  	[tilespmem:v51+s18+$0x0] =	vst.idx.msk $0xffff, v3  }
0x19b: {  	v3 =	vld.idx.msk [tilespmem:v52+s18+$0x0], $0xffff;
	_ =	sdelay $0x2  }
0x19c: {  	v53 =	vor.u32 $0x14, v2;
	_ =	sdelay $0x1  }
0x19d: {  	v3 =	vmul.f32 v3, v4;
	_ =	sdelay $0x1  }
0x19e: {  	[tilespmem:v52+s18+$0x0] =	vst.idx.msk $0xffff, v3  }
0x19f: {  	v3 =	vld.idx.msk [tilespmem:v53+s18+$0x0], $0xffff;
	_ =	sdelay $0x2  }
0x1a0: {  	v54 =	vor.u32 $0x15, v2;
	_ =	sdelay $0x1  }
0x1a1: {  	v3 =	vmul.f32 v3, v4;
	_ =	sdelay $0x1  }
0x1a2: {  	[tilespmem:v53+s18+$0x0] =	vst.idx.msk $0xffff, v3  }
0x1a3: {  	v3 =	vld.idx.msk [tilespmem:v54+s18+$0x0], $0xffff;
	_ =	sdelay $0x2  }
0x1a4: {  	v55 =	vor.u32 $0x16, v2;
	_ =	sdelay $0x1  }
0x1a5: {  	v3 =	vmul.f32 v3, v4;
	_ =	sdelay $0x1  }
0x1a6: {  	[tilespmem:v54+s18+$0x0] =	vst.idx.msk $0xffff, v3  }
0x1a7: {  	v3 =	vld.idx.msk [tilespmem:v55+s18+$0x0], $0xffff;
	_ =	sdelay $0x2  }
0x1a8: {  	v56 =	vor.u32 $0x17, v2;
	_ =	sdelay $0x1  }
0x1a9: {  	v3 =	vmul.f32 v3, v4;
	_ =	sdelay $0x1  }
0x1aa: {  	[tilespmem:v55+s18+$0x0] =	vst.idx.msk $0xffff, v3  }
0x1ab: {  	v3 =	vld.idx.msk [tilespmem:v56+s18+$0x0], $0xffff;
	_ =	sdelay $0x2  }
0x1ac: {  	v57 =	vor.u32 $0x18, v2;
	_ =	sdelay $0x1  }
0x1ad: {  	v3 =	vmul.f32 v3, v4;
	_ =	sdelay $0x1  }
0x1ae: {  	[tilespmem:v56+s18+$0x0] =	vst.idx.msk $0xffff, v3  }
0x1af: {  	v3 =	vld.idx.msk [tilespmem:v57+s18+$0x0], $0xffff;
	_ =	sdelay $0x2  }
0x1b0: {  	v58 =	vor.u32 $0x19, v2;
	_ =	sdelay $0x1  }
0x1b1: {  	v3 =	vmul.f32 v3, v4;
	_ =	sdelay $0x1  }
0x1b2: {  	[tilespmem:v57+s18+$0x0] =	vst.idx.msk $0xffff, v3  }
0x1b3: {  	v3 =	vld.idx.msk [tilespmem:v58+s18+$0x0], $0xffff;
	_ =	sdelay $0x2  }
0x1b4: {  	v59 =	vor.u32 $0x1A, v2;
	_ =	sdelay $0x1  }
0x1b5: {  	v3 =	vmul.f32 v3, v4;
	_ =	sdelay $0x1  }
0x1b6: {  	[tilespmem:v58+s18+$0x0] =	vst.idx.msk $0xffff, v3  }
0x1b7: {  	v3 =	vld.idx.msk [tilespmem:v59+s18+$0x0], $0xffff;
	_ =	sdelay $0x2  }
0x1b8: {  	v60 =	vor.u32 $0x1B, v2;
	_ =	sdelay $0x1  }
0x1b9: {  	v3 =	vmul.f32 v3, v4;
	_ =	sdelay $0x1  }
0x1ba: {  	[tilespmem:v59+s18+$0x0] =	vst.idx.msk $0xffff, v3  }
0x1bb: {  	v3 =	vld.idx.msk [tilespmem:v60+s18+$0x0], $0xffff;
	_ =	sdelay $0x2  }
0x1bc: {  	v61 =	vor.u32 $0x1C, v2;
	_ =	sdelay $0x1  }
0x1bd: {  	v3 =	vmul.f32 v3, v4;
	_ =	sdelay $0x1  }
0x1be: {  	[tilespmem:v60+s18+$0x0] =	vst.idx.msk $0xffff, v3  }
0x1bf: {  	v3 =	vld.idx.msk [tilespmem:v61+s18+$0x0], $0xffff;
	_ =	sdelay $0x2  }
0x1c0: {  	v62 =	vor.u32 $0x1D, v2;
	_ =	sdelay $0x1  }
0x1c1: {  	v3 =	vmul.f32 v3, v4;
	_ =	sdelay $0x1  }
0x1c2: {  	[tilespmem:v61+s18+$0x0] =	vst.idx.msk $0xffff, v3  }
0x1c3: {  	v3 =	vld.idx.msk [tilespmem:v62+s18+$0x0], $0xffff;
	_ =	sdelay $0x2  }
0x1c4: {  	v63 =	vor.u32 $0x1E, v2;
	_ =	sdelay $0x1  }
0x1c5: {  	v3 =	vmul.f32 v3, v4;
	_ =	sdelay $0x1  }
0x1c6: {  	[tilespmem:v62+s18+$0x0] =	vst.idx.msk $0xffff, v3  }
0x1c7: {  	v3 =	vld.idx.msk [tilespmem:v63+s18+$0x0], $0xffff;
	_ =	sdelay $0x2  }
0x1c8: {  	v2 =	vor.u32 $0x1F, v2;
	_ =	sdelay $0x1  }
0x1c9: {  	v3 =	vmul.f32 v3, v4;
	_ =	sdelay $0x1  }
0x1ca: {  	[tilespmem:v63+s18+$0x0] =	vst.idx.msk $0xffff, v3  }
0x1cb: {  	v3 =	vld.idx.msk [tilespmem:v2+s18+$0x0], $0xffff;
	_ =	sdelay $0x4  }
0x1cc: {  	v3 =	vmul.f32 v3, v4;
	_ =	sdelay $0x1  }
0x1cd: {  	[tilespmem:v2+s18+$0x0] =	vst.idx.msk $0xffff, v3  }
0x1ce: {  	[spmem:s2] =	stream.indirect.scatter.add.f32 [tilespmem:s18], [sflag:$0x2], $0x20, s15, s17, $0xb8;
	[tilespmem:$0x1CE00] =	vst v63  }
0x1cf: {  	_ =	swait.ge [sflag:s14], $0x1000  }
0x1d0: {  	[sflag:s14] =	ssyncset.done $0x0  }
0x1d1: {  	[sflag:s14] =	ssyncadd.s32 $0xFFFFF000  }
0x1d2: {  	[spmem:s2] =	stream.indirect.scatter.add.f32 [tilespmem:s19], [sflag:$0x2], $0x20, s25, s17, $0xb8;
	[tilespmem:$0x1CE00] =	vst v63  }
0x1d3: {  	_ =	swait.ge [sflag:s14], $0x1000  }
0x1d4: {  	[sflag:s14] =	ssyncset.done $0x0  }
0x1d5: {  	[sflag:s14] =	ssyncadd.s32 $0xFFFFF000  }
0x1d6: {  	[spmem:s2] =	stream.indirect.scatter.add.f32 [tilespmem:s21], [sflag:$0x2], $0x20, s26, s17, $0xb8;
	[tilespmem:$0x1CE00] =	vst v63  }
0x1d7: {  	s29 =	sadd.s32 $0x1, s29;
	_ =	swait.ge [sflag:s14], $0x1000  }
0x1d8: {  	p0 =	sne.s32 s29, $0x62;
	[sflag:s14] =	ssyncset.done $0x0  }
.Ltmp2:
0x1d9: {  	[sflag:s14] =	ssyncadd.s32 $0xFFFFF000;
	(pc) =	sbr.rel @p0 .LBB2_2-.Ltmp2, $4  }
0x1da: {  	[spmem:s2] =	stream.indirect.scatter.add.f32 [tilespmem:s23], [sflag:$0x2], $0x20, s28, s17, $0xb8;
	[tilespmem:$0x1CE00] =	vst v63  }
0x1db: {  	_ =	swait.ge [sflag:s14], $0x1000  }
0x1dc: {  	[sflag:s14] =	ssyncset.done $0x0  }
0x1dd: {  	[sflag:s14] =	ssyncadd.s32 $0xFFFFF000  }
0x1de: {  	s3 =	sadd.s32 $0x1, s3  }
0x1df: {  	p0 =	sne.s32 s3, s12  }
.Ltmp3:
0x1e0: {  	[bflag:$0x0] =	sbarrier.arrive $0xFFFF;
	(pc) =	sbr.rel @p0 .LBB2_1-.Ltmp3, $4  }
0x1e1: {  	[hbm:s11], [sflag:s9] =	dma.local [spmem:s13], $0x3100  }
0x1e2: {  	_ =	swait.ge [sflag:s14], $0x3100  }
0x1e3: {  	[sflag:s14] =	ssyncset.done $0x0  }
0x1e4: {  	[sflag:s14] =	ssyncadd.s32 $0xFFFFCF00  }
0x1e5: {  	_ =	sfence.sel $0x180000  }
0x1e6: {  	[bflag:$0x0] =	sbarrier.arrive $0xFFFF  }
0x1e7: {  	_ =	strace $0x9000004D  }
0x1e8: {  	s0 =	stileid.u32;
	[bflag:$0x2] =	sbarrier.arrive $0xFFFF  }
0x1e9: {  	p0 =	sne.s32 s0, $0x0;
	s0 =	rddreg [dreg:$0x2]  }
0x1ea: {  	s0 =	sadd.s32 @!p0 $0x100000, s0  }
0x1eb: {  	[sflag:s0] =	ssyncadd.tile.s32 @!p0 $0x1;
	_ =	shalt  }
.Lfunc_end2:
_tile_overlayer_lowered:
.L_overlay_start_2:
0x1ec: {  	(tag) =	ssettag $0x2  }
0x1ed: {  	s0 =	rddreg [dreg:$0x0];
	s2 =	stileid.u32  }
0x1ee: {  	s1 =	rddreg [dreg:$0x1];
	p0 =	sne.s32 s2, $0x0  }
0x1ef: {  	s3 =	rddreg [dreg:$0x2];
	[bflag:$0x3] =	sbarrier.arrive $0xFFFF;
	s2 =	simm.s32 @!p0 $0x1C02  }
0x1f0: {  	[timem:s3], [sflag:s2] =	dma.local @!p0 [hbm:s0], s1  }
0x1f1: {  	s0 =	simm.s32 @!p0 $0x2  }
0x1f2: {  	_ =	swait.ge @!p0 [sflag:s0], s1  }
0x1f3: {  	s1 =	ssub.s32 @!p0 $0x0, s1;
	[sflag:s0] =	ssyncset.done @!p0 $0x0  }
0x1f4: {  	[sflag:s0] =	ssyncadd.s32 @!p0 s1  }
0x1f5: {  	[bflag:$0x3] =	sbarrier.arrive $0xFFFF  }
0x1f6: {  	_ =	shalt  }

// kernel: kernel.9.cloned.1.call-start
scs
__scs_entry_jumppad:
0x0: {  	(pc) =	sbr.rel $0x88, $3  }
0x1: {  	(tag) =	ssettag $0x0;
	lr =	simm.s32 $0x1  }
0x2: {  	[smem:$0x3F7E] =	sst lr;
	_ =	strace $0xD0000000  }
0x3: {  	_ = 	snop  }
0x4: {  	_ = 	snop  }
0x5: {  	_ = 	snop  }
0x6: {  	_ = 	snop  }
0x7: {  	_ = 	snop  }
__scs_overlays_trampoline_lowered:
0x8: {  	[smem:$0x3F8D] =	sst s0  }
0x9: {  	[smem:$0x3F8E] =	sst s1  }
0xa: {  	[smem:$0x3F8F] =	sst s2  }
0xb: {  	[smem:$0x3F90] =	sst s3  }
0xc: {  	[smem:$0x3F91] =	sst s4  }
0xd: {  	[smem:$0x3F92] =	sst s5  }
0xe: {  	[smem:$0x3F93] =	sst s6  }
0xf: {  	[smem:$0x3F94] =	sst s7  }
0x10: {  	[smem:$0x3F95] =	sst s8  }
0x11: {  	[smem:$0x3F96] =	sst s9;
	s0 =	simm.s32 @!p0 $0x0  }
0x12: {  	s1 =	sld [smem:$0x3F7C];
	s0 =	simm.s32 @p0 $0x1  }
0x13: {  	[smem:$0x3F97] =	sst s0;
	s0 =	simm.s32 @!p1 $0x0  }
0x14: {  	s2 =	sld [smem:$0x3F7B];
	s0 =	simm.s32 @p1 $0x1  }
0x15: {  	[smem:$0x3F98] =	sst s0;
	s0 =	simm.s32 @!p2 $0x0  }
0x16: {  	s3 =	sld [smem:$0x3FDB];
	s0 =	simm.s32 @p2 $0x1  }
0x17: {  	s4 =	simm.s32 $0x1BF5;
	[smem:$0x3F9A] =	sst s0  }
0x18: {  	s0 =	sld [smem:$0x3F7D];
	_ =	swait.ge [sflag:s4], $0x0  }
0x19: {  	s7 =	sld [smem:$0x3F7E]  }
0x1a: {  	s8 =	sadd.s32 $0xFFFFE003, lr  }
0x1b: {  	s9 =	sadd.s32 $0xFFFFFEF7, lr;
	s5 =	simm.s32 $0xFFFFFFFF;
	p2 =	slt.u32 s8, $0xFFFFF086  }
0x1c: {  	p1 =	slt.u32 s9, $0xF7A;
	s5 =	simm.s32 @!p2 $0x0  }
0x1d: {  	s5 =	simm.s32 @p1 $0x1;
	p0 =	seq.s32 s7, s2  }
0x1e: {  	s7 =	smul.u32 @!p0 $0xF7A, s2;
	p2 =	seq.s32 @!p0 s5, $0x0  }
0x1f: {  	s9 =	smul.u32 $0xF7A, s1;
	s8 =	simm.s32 @!p0 $0x1BF5;
	p2 =	por !p2, p0  }
0x20: {  	[sflag:s8] =	ssyncset.s32 @!p0 $0xFFFFF086;
	s6 =	sadd.s32 @!p0 s3, s7;
	s7 =	simm.s32 @!p0 $0x108  }
0x21: {  	s3 =	sadd.s32 s3, s9;
	s6 =	sadd.s32 @!p0 $0x88, s6;
	s7 =	simm.s32 @p2 $0x1082  }
0x22: {  	[simem:s7], [sflag:s8] =	dma.local @!p0 [hbm:s6], $0xF7A  }
0x23: {  	s9 =	sor.u32 $0xD0000000, s2;
	s6 =	simm.s32 $0x108;
	_ =	swait.ge @!p0 [sflag:s8], $0x0  }
0x24: {  	s3 =	sadd.s32 $0x88, s3;
	s6 =	simm.s32 @!p1 $0x1082;
	[sflag:s4] =	ssyncset.s32 $0xFFFFF086  }
0x25: {  	[simem:s6], [sflag:s4] =	dma.local [hbm:s3], $0xF7A  }
0x26: {  	[smem:$0x3F7E] =	sst s1;
	(tag) =	ssettag s2;
	_ =	strace s9  }
0x27: {  	s1 =	sld [smem:$0x3F8E]  }
0x28: {  	s2 =	sld [smem:$0x3F8F]  }
0x29: {  	s4 =	sld [smem:$0x3F91]  }
0x2a: {  	p0 =	seq.s32 s5, $0x0;
	s5 =	sld [smem:$0x3F92]  }
0x2b: {  	s6 =	sld [smem:$0x3F93]  }
0x2c: {  	s7 =	sld [smem:$0x3F94]  }
0x2d: {  	s3 =	simm.s32 $0x108;
	s8 =	sld [smem:$0x3F95]  }
0x2e: {  	s3 =	simm.s32 @!p0 $0x1082;
	s9 =	sld [smem:$0x3F96]  }
0x2f: {  	lr =	sadd.s32 s0, s3;
	s0 =	sld [smem:$0x3F8D]  }
0x30: {  	s3 =	sld [smem:$0x3F90]  }
0x31: {  	[smem:$0x3F99] =	sst s10  }
0x32: {  	s10 =	sld [smem:$0x3F97];
	_ =	sdelay $0x3  }
0x33: {  	p0 =	seq.s32 s10, $0x1;
	s10 =	sld [smem:$0x3F99];
	_ =	sdelay $0x3  }
0x34: {  	[smem:$0x3F99] =	sst s10  }
0x35: {  	s10 =	sld [smem:$0x3F98];
	_ =	sdelay $0x3  }
0x36: {  	p1 =	seq.s32 s10, $0x1;
	s10 =	sld [smem:$0x3F99];
	_ =	sdelay $0x3  }
0x37: {  	[smem:$0x3F99] =	sst s10  }
0x38: {  	s10 =	sld [smem:$0x3F9A]  }
0x39: {  	_ = 	snop;
	(pc) =	sbr.ind lr, $3  }
0x3a: {  	_ = 	snop  }
0x3b: {  	_ = 	snop  }
0x3c: {  	p2 =	seq.s32 s10, $0x1;
	s10 =	sld [smem:$0x3F99]  }
0x3d: {  	_ =	shalt  }
0x3e: {  	_ =	shalt  }
0x3f: {  	_ =	shalt  }
0x40: {  	_ =	shalt  }
0x41: {  	_ =	shalt  }
0x42: {  	_ =	shalt  }
0x43: {  	_ =	shalt  }
0x44: {  	_ =	shalt  }
0x45: {  	_ =	shalt  }
0x46: {  	_ =	shalt  }
0x47: {  	_ =	shalt  }
0x48: {  	_ =	shalt  }
0x49: {  	_ =	shalt  }
0x4a: {  	_ =	shalt  }
0x4b: {  	_ =	shalt  }
0x4c: {  	_ =	shalt  }
0x4d: {  	_ =	shalt  }
0x4e: {  	_ =	shalt  }
0x4f: {  	_ =	shalt  }
0x50: {  	_ =	shalt  }
0x51: {  	_ =	shalt  }
0x52: {  	_ =	shalt  }
0x53: {  	_ =	shalt  }
0x54: {  	_ =	shalt  }
0x55: {  	_ =	shalt  }
0x56: {  	_ =	shalt  }
0x57: {  	_ =	shalt  }
0x58: {  	_ =	shalt  }
0x59: {  	_ =	shalt  }
0x5a: {  	_ =	shalt  }
0x5b: {  	_ =	shalt  }
0x5c: {  	_ =	shalt  }
0x5d: {  	_ =	shalt  }
0x5e: {  	_ =	shalt  }
0x5f: {  	_ =	shalt  }
0x60: {  	_ =	shalt  }
0x61: {  	_ =	shalt  }
0x62: {  	_ =	shalt  }
0x63: {  	_ =	shalt  }
0x64: {  	_ =	shalt  }
0x65: {  	_ =	shalt  }
0x66: {  	_ =	shalt  }
0x67: {  	_ =	shalt  }
0x68: {  	_ =	shalt  }
0x69: {  	_ =	shalt  }
0x6a: {  	_ =	shalt  }
0x6b: {  	_ =	shalt  }
0x6c: {  	_ =	shalt  }
0x6d: {  	_ =	shalt  }
0x6e: {  	_ =	shalt  }
0x6f: {  	_ =	shalt  }
0x70: {  	_ =	shalt  }
0x71: {  	_ =	shalt  }
0x72: {  	_ =	shalt  }
0x73: {  	_ =	shalt  }
0x74: {  	_ =	shalt  }
0x75: {  	_ =	shalt  }
0x76: {  	_ =	shalt  }
0x77: {  	_ =	shalt  }
0x78: {  	_ =	shalt  }
0x79: {  	_ =	shalt  }
0x7a: {  	_ =	shalt  }
0x7b: {  	_ =	shalt  }
0x7c: {  	_ =	shalt  }
0x7d: {  	_ =	shalt  }
0x7e: {  	_ =	shalt  }
0x7f: {  	_ =	shalt  }
0x80: {  	_ =	shalt  }
0x81: {  	_ =	shalt  }
0x82: {  	_ =	shalt  }
0x83: {  	_ =	shalt  }
0x84: {  	_ =	shalt  }
0x85: {  	_ =	shalt  }
0x86: {  	_ =	shalt  }
0x87: {  	_ =	shalt  }
.Lfunc_end0:
.L_simem_size_0:
called_computation_lowered:
.L_overlay_start_0:
0x88: {  	s2 =	sld [smem:$0x3FD9]  }
0x89: {  	s3 =	sld [smem:$0x3FFE];
	_ =	sdelay $0x1  }
0x8a: {  	s1 =	srdreg.scid  }
0x8b: {  	s0 =	sand.u32 $0x1, s1  }
0x8c: {  	s17 =	sshll.u32 s0, $0xA;
	s2 =	sadd.s32 s3, s2  }
0x8d: {  	s2 =	sadd.s32 s2, s17  }
0x8e: {  	[smem:$0x3FA5] =	sst s2  }
0x8f: {  	_ = 	snop  }
0x90: {  	s2 =	sld [smem:$0x3FD0];
	(tm) =	ssettm $0x1  }
0x91: {  	s18 =	sld [smem:$0x3FFB];
	_ =	sdelay $0x3  }
0x92: {  	_ =	strace s18  }
0x93: {  	s3 =	sld [smem:$0x3FFC];
	_ =	sdelay $0x3  }
0x94: {  	_ =	strace s3  }
0x95: {  	s3 =	sld [smem:$0x3FFD];
	_ =	sdelay $0x3  }
0x96: {  	_ =	strace s3  }
0x97: {  	_ =	strace $0x8FFFFFFF  }
0x98: {  	s19 =	sld [smem:$0x3FDB];
	_ =	sdelay $0x1  }
0x99: {  	s4 =	simm.s32 $_scs_section_size  }
0x9a: {  	s5 =	simm.s32 $_size__tile_overlayer_lowered;
	s6 =	simm.s32 $_tile_overlayer_lowered  }
0x9b: {  	s22 =	simm.s32 $0x1BFF;
	s21 =	sshll.u32 s6, $0x1;
	s3 =	sadd.s32 s4, s19  }
0x9c: {  	s7 =	simm.s32 $0x0;
	s20 =	sshll.u32 s5, $0x1;
	s5 =	sadd.s32 s21, s3  }
0x9d: {  	[timem:s7], [sflag:s22] =	dma.local [hbm:s5], s20  }
0x9e: {  	_ =	swait.ge [sflag:s22], s20  }
0x9f: {  	s4 =	ssub.s32 $0x0, s20;
	[sflag:s22] =	ssyncset.done $0x0  }
0xa0: {  	[sflag:s22] =	ssyncadd.s32 s4;
	_ =	sdelay $0x1  }
0xa1: {  	s23 =	simm.s32 $0x1B8B  }
0xa2: {  	_ =	swait.ge [sflag:s23], $0x1  }
0xa3: {  	[sflag:s23] =	ssyncset.done $0x0  }
0xa4: {  	s25 =	simm.s32 $0x1B8E;
	s24 =	sld [smem:$0x3FFE];
	[sflag:s23] =	ssyncadd.s32 $0xFFFFFFFF  }
0xa5: {  	s26 =	simm.s32 $execute0_lowered;
	[smem:$0x3FD2] =	sst s25  }
0xa6: {  	s5 =	sshll.u32 s26, $0x1;
	_ =	strace $0x80000046;
	[dreg:$0x1] =	wrdreg $0xFFFFFFFF  }
0xa7: {  	s28 =	simm.s32 $_size_execute0_lowered;
	s3 =	sadd.s32 s3, s5;
	[dreg:$0x0] =	wrdreg $0x0  }
0xa8: {  	s5 =	sshll.u32 s28, $0x1;
	[dreg:$0x2] =	wrdreg s3  }
0xa9: {  	[dreg:$0x3] =	wrdreg s5  }
0xaa: {  	[dreg:$0x4] =	wrdreg $0xC0  }
0xab: {  	_ =	task [dreg:s7], $0x5FFFF  }
0xac: {  	[dreg:$0x1] =	wrdreg $0xFFFFFFFF  }
0xad: {  	[dreg:$0x0] =	wrdreg $0x60  }
0xae: {  	[dreg:$0x2] =	wrdreg s24  }
0xaf: {  	[dreg:$0x3] =	wrdreg s2  }
0xb0: {  	[dreg:$0x4] =	wrdreg $0x8800  }
0xb1: {  	[dreg:$0x5] =	wrdreg $0x9  }
0xb2: {  	_ =	task.clear_ibuf [dreg:s7], $0x6FFFF;
	_ =	strace $0x90000046  }
0xb3: {  	s29 =	simm.s32 $0x9;
	_ =	strace $0x80000048  }
0xb4: {  	_ =	swait.ge [sflag:s29], $0x1  }
0xb5: {  	[sflag:s29] =	ssyncadd.s32 $0xFFFFFFFF  }
0xb6: {  	_ =	strace $0x90000048  }
0xb7: {  	_ =	sfence  }
0xb8: {  	s30 =	sld [smem:$0x0];
	_ =	sdelay $0x2  }
0xb9: {  	s31 =	sshll.u32 s1, $0xD;
	s1 =	sshrl.u32 s1, $0x2  }
0xba: {  	s3 =	sand.u32 $0x4000, s31;
	s1 =	sadd.s32 s1, s30  }
0xbb: {  	s0 =	sor.u32 s3, s0;
	s1 =	sshll.u32 s1, $0x11  }
0xbc: {  	s0 =	sor.u32 s1, s0  }
0xbd: {  	s0 =	sadd.s32 $0x8F2B, s0  }
0xbe: {  	[sflag:s0] =	ssyncadd.remote.s32 $0x1  }
0xbf: {  	_ =	sfence.sel $0xFFFF  }
0xc0: {  	[dreg:$0x0] =	wrdreg $0xFFFFFFFF;
	(pc) =	sbr.abs _section_cstart, $3  }
0xc1: {  	[dreg:$0x1] =	wrdreg $0xFFFFFFFF  }
0xc2: {  	_ =	task.clear_ibuf [dreg:s7], $0x2FFFF;
	_ =	strace $0x9FFFFFFF  }
0xc3: {  	(tm) =	ssettm $0x7FFFFFFF  }
tec
execute0_lowered:
.L_overlay_start_1:
0x0: {  	(tag) =	ssettag $0x1  }
0x1: {  	vm0 =	vcmask $0x300;
	v0 =	vimm.f32 $0.0e+00;
	vm1 =	vcmask $0x704  }
0x2: {  	vm13 =	vcmask $0xB08;
	vm14 =	vcmask $0xF0C;
	v4 =	vlaneseq.u32  }
0x3: {  	vm15 =	vcmask $0x1310;
	vm2 =	vcmask $0x1714;
	v40 =	vimm.f32 $1.000000000e+00  }
0x4: {  	s8 =	rddreg [dreg:$0x0];
	v1 =	vsel vm0, $0x3F800000, v0;
	v2 =	vsel vm1, $0x3F800000, v0;
	v4 =	vmul.u32 $0x8, v4  }
0x5: {  	s0 =	rddreg [dreg:$0x1];
	s2 =	srdreg.scid;
	v3 =	vsel vm13, $0x3F800000, v0;
	v5 =	vsel vm14, $0x3F800000, v0;
	v6 =	vsel vm15, $0x3F800000, v0  }
0x6: {  	s1 =	stileid.u32;
	s3 =	rddreg [dreg:$0x2];
	v7 =	vsel vm2, $0x3F800000, v0;
	v8 =	vor.u32 $0x4, v4;
	v9 =	vor.u32 $0x5, v4  }
0x7: {  	s4 =	simm.s32 $0x0;
	s15 =	simm.s32 $0x400;
	s16 =	simm.s32 $0x80;
	v10 =	vor.u32 $0x6, v4;
	v11 =	vor.u32 $0x7, v4;
	v12 =	vor.u32 $0x84, v4  }
0x8: {  	s17 =	simm.s32 $0x0;
	s9 =	sand.u32 $0x1, s2;
	s2 =	rddreg [dreg:$0x3];
	v13 =	vor.u32 $0x85, v4;
	v14 =	vor.u32 $0x86, v4;
	v15 =	vor.u32 $0x87, v4  }
0x9: {  	s10 =	smul.u32 $0x6200, s1;
	[smem:$0x7FF] =	sst s4;
	s5 =	sadd.s32 $0x4E00, s8;
	v16 =	vor.u32 $0x104, v4;
	v17 =	vor.u32 $0x105, v4;
	v18 =	vor.u32 $0x106, v4  }
0xa: {  	s31 =	sshll.u32 s1, $0x6;
	s6 =	smul.u32 $0x62000, s9;
	s12 =	ssub.s32 $0x2, s9;
	v19 =	vor.u32 $0x107, v4;
	v20 =	vor.u32 $0x184, v4;
	v21 =	vor.u32 $0x185, v4  }
0xb: {  	_ =	strace $0x80000047;
	s30 =	sshll.u32 s9, $0x4;
	v22 =	vor.u32 $0x186, v4;
	s29 =	sshrl.u32 s12, $0x1;
	v23 =	vor.u32 $0x187, v4;
	v24 =	vor.u32 $0x204, v4  }
0xc: {  	v25 =	vor.u32 $0x205, v4;
	v26 =	vor.u32 $0x206, v4;
	v27 =	vor.u32 $0x207, v4;
	s13 =	sor.u32 s1, s30;
	s14 =	sadd.s32 s10, s3;
	s7 =	sadd.s32 s10, s6  }
0xd: {  	v28 =	vor.u32 $0x284, v4;
	v29 =	vor.u32 $0x285, v4;
	v30 =	vor.u32 $0x286, v4;
	s6 =	sadd.s32 $0x1D600, s8;
	s12 =	ssub.s32 s12, s29;
	s11 =	sshrl.u32 s7, $0x3  }
0xe: {  	v31 =	vor.u32 $0x287, v4;
	v32 =	vor.u32 $0x304, v4;
	v33 =	vor.u32 $0x305, v4;
	s9 =	smul.u32 $0x6200, s13;
	s13 =	simm.s32 $0x1;
	s11 =	sadd.s32 s11, s8  }
0xf: {  	v34 =	vor.u32 $0x306, v4;
	v35 =	vor.u32 $0x307, v4;
	v36 =	vor.u32 $0x384, v4;
	s7 =	sadd.s32 $0x4A00, s8;
	s8 =	sor.u32 $0x1C01, s31;
	s10 =	sadd.s32 $0x35E00, s11  }
0x10: {  	v37 =	vor.u32 $0x385, v4;
	v38 =	vor.u32 $0x386, v4;
	v39 =	vor.u32 $0x387, v4;
	s11 =	smax.u32 s12, $0x1;
	s12 =	sshrl.u32 s14, $0x3;
	s14 =	simm.s32 $0x800  }
.LBB2_1:
0x11: {  	[spmem:s12], [sflag:s8] =	dma.local [hbm:s0], $0xC40  }
0x12: {  	_ =	swait.ge [sflag:s13], $0xC40  }
0x13: {  	[sflag:s13] =	ssyncset.done $0x0  }
0x14: {  	[sflag:s13] =	ssyncadd.s32 $0xFFFFF3C0  }
0x15: {  	[tilespmem:s14], [sflag:$0x1] =	stream.linear.gather [hbm4b:s7+s4], $0x80, $0x38;
	[tilespmem:$0x6A80] =	vst v63  }
0x16: {  	_ =	swait.ge [sflag:s13], $0x80  }
0x17: {  	[sflag:s13] =	ssyncset.done $0x0  }
0x18: {  	[sflag:s13] =	ssyncadd.s32 $0xFFFFFF80  }
0x19: {  	v41 =	vld [tilespmem:$0x800];
	[tilespmem:v8+s15+$0x0] =	vst.idx.msk $0xffff, v0  }
0x1a: {  	[tilespmem:v9+s15+$0x0] =	vst.idx.msk $0xffff, v0  }
0x1b: {  	[tilespmem:v10+s15+$0x0] =	vst.idx.msk $0xffff, v0  }
0x1c: {  	[tilespmem:v11+s15+$0x0] =	vst.idx.msk $0xffff, v0  }
0x1d: {  	[tilespmem:v12+s15+$0x0] =	vst.idx.msk $0xffff, v0  }
0x1e: {  	[tilespmem:v13+s15+$0x0] =	vst.idx.msk $0xffff, v0  }
0x1f: {  	[tilespmem:v14+s15+$0x0] =	vst.idx.msk $0xffff, v0  }
0x20: {  	[tilespmem:v15+s15+$0x0] =	vst.idx.msk $0xffff, v0  }
0x21: {  	[tilespmem:v16+s15+$0x0] =	vst.idx.msk $0xffff, v0  }
0x22: {  	[tilespmem:v17+s15+$0x0] =	vst.idx.msk $0xffff, v0  }
0x23: {  	[tilespmem:v18+s15+$0x0] =	vst.idx.msk $0xffff, v0  }
0x24: {  	[tilespmem:v19+s15+$0x0] =	vst.idx.msk $0xffff, v0  }
0x25: {  	[tilespmem:v20+s15+$0x0] =	vst.idx.msk $0xffff, v0  }
0x26: {  	[tilespmem:v21+s15+$0x0] =	vst.idx.msk $0xffff, v0  }
0x27: {  	v42 =	vmul.f32 v1, v41;
	[tilespmem:v22+s15+$0x0] =	vst.idx.msk $0xffff, v0  }
0x28: {  	v43 =	vmul.f32 v2, v41;
	[tilespmem:v23+s15+$0x0] =	vst.idx.msk $0xffff, v0  }
0x29: {  	v58 =	vmul.f32 v3, v41;
	(xrf2) =	vadd.scan.msk.f32 $0xffff, v42;
	[tilespmem:v24+s15+$0x0] =	vst.idx.msk $0xffff, v0  }
0x2a: {  	v59 =	vmul.f32 v5, v41;
	(xrf2) =	vadd.scan.msk.f32 $0xffff, v43;
	[tilespmem:v25+s15+$0x0] =	vst.idx.msk $0xffff, v0  }
0x2b: {  	v60 =	vmul.f32 v6, v41;
	(xrf2) =	vadd.scan.msk.f32 $0xffff, v58;
	[tilespmem:v26+s15+$0x0] =	vst.idx.msk $0xffff, v0  }
0x2c: {  	v41 =	vmul.f32 v7, v41;
	(xrf2) =	vadd.scan.msk.f32 $0xffff, v59;
	[tilespmem:v27+s15+$0x0] =	vst.idx.msk $0xffff, v0  }
0x2d: {  	(xrf2) =	vadd.scan.msk.f32 $0xffff, v60;
	[tilespmem:v28+s15+$0x0] =	vst.idx.msk $0xffff, v0  }
0x2e: {  	(xrf2) =	vadd.scan.msk.f32 $0xffff, v41;
	[tilespmem:v29+s15+$0x0] =	vst.idx.msk $0xffff, v0  }
0x2f: {  	[tilespmem:v30+s15+$0x0] =	vst.idx.msk $0xffff, v0  }
0x30: {  	[tilespmem:v31+s15+$0x0] =	vst.idx.msk $0xffff, v0  }
0x31: {  	[tilespmem:v32+s15+$0x0] =	vst.idx.msk $0xffff, v0  }
0x32: {  	[tilespmem:v33+s15+$0x0] =	vst.idx.msk $0xffff, v0  }
0x33: {  	v61, _, _ =	vpop (xrf2);
	[tilespmem:v34+s15+$0x0] =	vst.idx.msk $0xffff, v0  }
0x34: {  	v62, _, _ =	vpop (xrf2);
	[tilespmem:v35+s15+$0x0] =	vst.idx.msk $0xffff, v0  }
0x35: {  	v63, _, _ =	vpop (xrf2);
	[tilespmem:v36+s15+$0x0] =	vst.idx.msk $0xffff, v0  }
0x36: {  	v44, _, _ =	vpop (xrf2);
	[tilespmem:v37+s15+$0x0] =	vst.idx.msk $0xffff, v0  }
0x37: {  	v41 =	vbroadcast v61, $0xF;
	v42 =	vbroadcast v62, $0xF;
	v45, _, _ =	vpop (xrf2);
	[tilespmem:v38+s15+$0x0] =	vst.idx.msk $0xffff, v0  }
0x38: {  	v43 =	vbroadcast v63, $0xF;
	v44 =	vbroadcast v44, $0xF;
	v46, _, _ =	vpop (xrf2);
	[tilespmem:v39+s15+$0x0] =	vst.idx.msk $0xffff, v0  }
0x39: {  	s18 =	simm.s32 $0x0;
	v45 =	vbroadcast v45, $0xF;
	v46 =	vbroadcast v46, $0xF;
	[bflag:$0x0] =	sbarrier.arrive $0xFFFF  }
.LBB2_2:
0x3a: {  	s19 =	sshll.u32 s18, $0x9  }
0x3b: {  	s19 =	sadd.s32 s9, s19  }
0x3c: {  	s20 =	sshrl.u32 s19, $0x3  }
0x3d: {  	s19 =	simm.s32 $0x0;
	s21 =	sadd.s32 s5, s20  }
0x3e: {  	[tilespmem:s19], [sflag:$0x1] =	stream.linear.gather [hbm4b:s21+s19], $0x200, $0x38;
	[tilespmem:$0x6A80] =	vst v63  }
0x3f: {  	_ =	swait.ge [sflag:s13], $0x200  }
0x40: {  	[sflag:s13] =	ssyncset.done $0x0  }
0x41: {  	s31 =	sadd.s32 s6, s20;
	s20 =	simm.s32 $0x200;
	[sflag:s13] =	ssyncadd.s32 $0xFFFFFE00  }
0x42: {  	[tilespmem:s20], [sflag:$0x1] =	stream.linear.gather [hbm4b:s31+s19], $0x200, $0x38;
	[tilespmem:$0x6A80] =	vst v63  }
0x43: {  	_ =	swait.ge [sflag:s13], $0x200  }
0x44: {  	[sflag:s13] =	ssyncset.done $0x0  }
0x45: {  	s21 =	simm.s32 $0x0;
	[sflag:s13] =	ssyncadd.s32 $0xFFFFFE00  }
.LBB2_3:
0x46: {  	v47 =	vld [tilespmem:s20+$0x0];
	_ =	sdelay $0x1  }
0x47: {  	s22 =	sshll.u32 s21, $0x9;
	v48 =	vmov s19;
	s23 =	simm.s32 $0x10;
	s24 =	smov.u32 s20  }
.LBB2_4:
0x48: {  	p0 =	sne.s32 s23, $0x70;
	v48 =	vshll.u32 v48, $0x3  }
0x49: {  	v48 =	vor.u32 v4, v48  }
0x4a: {  	v49 =	vmul.f32 v47, v41;
	v50 =	vor.u32 $0x1, v48  }
0x4b: {  	v51 =	vmul.f32 v47, v42;
	v52 =	vor.u32 $0x2, v48  }
0x4c: {  	v47 =	vmul.f32 v47, v43;
	v53 =	vor.u32 $0x3, v48;
	v49 =	vadd.f32 v49, v44  }
0x4d: {  	v51 =	vadd.f32 v51, v45  }
0x4e: {  	v47 =	vadd.f32 v47, v46;
	[tilespmem:v48+s15+$0x0] =	vst.idx.msk $0xffff, v40;
	v48 =	vmax.f32 v49, $0.0e+00  }
0x4f: {  	[tilespmem:v50+s15+$0x0] =	vst.idx.msk $0xffff, v48;
	v48 =	vmax.f32 v51, $0.0e+00  }
.Ltmp0:
0x50: {  	v47 =	vmax.f32 v47, $0.0e+00;
	[tilespmem:v52+s15+$0x0] =	vst.idx.msk $0xffff, v48;
	(pc) =	sbr.rel @p0 .LBB2_4-.Ltmp0, $3  }
0x51: {  	s24 =	sadd.s32 $0x10, s24;
	[tilespmem:v53+s15+$0x0] =	vst.idx.msk $0xffff, v47  }
0x52: {  	v47 =	vld [tilespmem:s24+$0x0];
	_ =	sdelay $0x1  }
0x53: {  	v48 =	vmov s23;
	s23 =	sadd.s32 $0x10, s23  }
0x54: {  	v48 =	vshll.u32 v48, $0x3  }
0x55: {  	v48 =	vor.u32 v4, v48  }
0x56: {  	v49 =	vmul.f32 v47, v41;
	v50 =	vor.u32 $0x1, v48  }
0x57: {  	v51 =	vmul.f32 v47, v42;
	v52 =	vor.u32 $0x2, v48  }
0x58: {  	v61 =	vmul.f32 v47, v43;
	v53 =	vor.u32 $0x3, v48;
	v49 =	vadd.f32 v49, v44  }
0x59: {  	v51 =	vadd.f32 v51, v45  }
0x5a: {  	v47 =	vadd.f32 v61, v46;
	[tilespmem:v48+s15+$0x0] =	vst.idx.msk $0xffff, v40;
	v62 =	vmax.f32 v49, $0.0e+00  }
0x5b: {  	s21 =	sadd.s32 $0x1, s21;
	v63 =	vmax.f32 v51, $0.0e+00;
	[tilespmem:v50+s15+$0x0] =	vst.idx.msk $0xffff, v62  }
0x5c: {  	p0 =	sne.s32 s21, $0x4;
	v47 =	vmax.f32 v47, $0.0e+00;
	[tilespmem:v52+s15+$0x0] =	vst.idx.msk $0xffff, v63  }
.Ltmp1:
0x5d: {  	s22 =	sshrl.u32 s22, $0x2;
	[tilespmem:v53+s15+$0x0] =	vst.idx.msk $0xffff, v47;
	(pc) =	sbr.rel @p0 .LBB2_3-.Ltmp1, $4  }
0x5e: {  	[spmem:s3] =	stream.indirect.scatter.add.f32 [tilespmem:s15], [sflag:$0x1], $0x8, s22, s16, $0xb8;
	[tilespmem:$0x6A80] =	vst v63  }
0x5f: {  	_ =	swait.ge [sflag:s13], $0x400  }
0x60: {  	[sflag:s13] =	ssyncset.done $0x0  }
0x61: {  	s20 =	sadd.s32 $0x80, s20;
	[sflag:s13] =	ssyncadd.s32 $0xFFFFFC00  }
0x62: {  	s18 =	sadd.s32 $0x1, s18  }
0x63: {  	p0 =	sne.s32 s18, $0x31  }
.Ltmp2:
0x64: {  	_ = 	snop;
	(pc) =	sbr.rel @p0 .LBB2_2-.Ltmp2, $1  }
0x65: {  	_ =	sdelay $0x3  }
0x66: {  	s17 =	sadd.s32 $0x1, s17  }
0x67: {  	p0 =	sne.s32 s17, s11  }
.Ltmp3:
0x68: {  	[bflag:$0x0] =	sbarrier.arrive $0xFFFF;
	(pc) =	sbr.rel @p0 .LBB2_1-.Ltmp3, $4  }
0x69: {  	[hbm:s10], [sflag:s8] =	dma.local [spmem:s12], $0xC40  }
0x6a: {  	_ =	swait.ge [sflag:s13], $0xC40  }
0x6b: {  	[sflag:s13] =	ssyncset.done $0x0  }
0x6c: {  	[sflag:s13] =	ssyncadd.s32 $0xFFFFF3C0  }
0x6d: {  	_ =	sfence.sel $0x180000  }
0x6e: {  	[bflag:$0x0] =	sbarrier.arrive $0xFFFF  }
0x6f: {  	p0 =	sne.s32 s1, $0x0;
	_ =	strace $0x90000047  }
0x70: {  	s0 =	sadd.s32 @!p0 $0x100000, s2;
	[bflag:$0x2] =	sbarrier.arrive $0xFFFF  }
0x71: {  	[sflag:s0] =	ssyncadd.tile.s32 @!p0 $0x1;
	_ =	shalt  }
.Lfunc_end2:
_tile_overlayer_lowered:
.L_overlay_start_2:
0x72: {  	(tag) =	ssettag $0x2  }
0x73: {  	s0 =	rddreg [dreg:$0x0];
	s2 =	stileid.u32  }
0x74: {  	s1 =	rddreg [dreg:$0x1];
	p0 =	sne.s32 s2, $0x0  }
0x75: {  	s3 =	rddreg [dreg:$0x2];
	[bflag:$0x3] =	sbarrier.arrive $0xFFFF;
	s2 =	simm.s32 @!p0 $0x1C01  }
0x76: {  	[timem:s3], [sflag:s2] =	dma.local @!p0 [hbm:s0], s1  }
0x77: {  	s0 =	simm.s32 @!p0 $0x1  }
0x78: {  	_ =	swait.ge @!p0 [sflag:s0], s1  }
0x79: {  	s1 =	ssub.s32 @!p0 $0x0, s1;
	[sflag:s0] =	ssyncset.done @!p0 $0x0  }
0x7a: {  	[sflag:s0] =	ssyncadd.s32 @!p0 s1  }
0x7b: {  	[bflag:$0x3] =	sbarrier.arrive $0xFFFF  }
0x7c: {  	_ =	shalt  }

</sc_bundles>
